<compile_context>
chip_gen: v7x
topology: tpu7x:2x2x1
jax: 0.10.2.dev20260603
libtpu: 0.0.44.dev20260713+nightly
codegen_flags: <defaults>
</compile_context>

<pallas_src>
import functools

import jax
import jax.numpy as jnp
from jax import lax
from jax.experimental import pallas as pl
from jax.experimental.pallas import tpu as pltpu
from jax.experimental.pallas import tpu_sc as plsc

_NC = 2
_NS = 16
_NBG = 4
_NSR = 8

_CPS = 3
_NSLOT = 4
_CHUNK_ROWS = 24
_ROWS_PER_SR = _CHUNK_ROWS * _CPS
_BLK = _CPS * _NSLOT


def _sc_add(nbatch, seq, dim, x_hbm, pos_hbm, out_hbm,
            xb0, xb1, xb2, xb3, pb,
            si0, si1, si2, si3, so0, so1, so2, so3):
    xb = (xb0, xb1, xb2, xb3)
    si = (si0, si1, si2, si3)
    so = (so0, so1, so2, so3)
    wid = lax.axis_index("c") * _NS + lax.axis_index("s")
    bg = wid % _NBG
    sr = wid // _NBG
    bpg = nbatch // _NBG
    nb = bpg * _CPS
    r0 = sr * _ROWS_PER_SR

    def x_at(ref, m, c):
        return ref.at[bg * bpg + m, pl.ds(r0 + c * _CHUNK_ROWS, _CHUNK_ROWS), :]

    def wait_in(k):
        pltpu.make_async_copy(x_at(x_hbm, 0, 0), xb[k], si[k]).wait()

    def start_in(m, c, k):
        pltpu.async_copy(x_at(x_hbm, m, c), xb[k], si[k])

    def wait_out(k):
        pltpu.make_async_copy(xb[k], x_at(out_hbm, 0, 0), so[k]).wait()

    def start_out(m, c, k):
        pltpu.async_copy(xb[k], x_at(out_hbm, m, c), so[k])

    def compute(c, k):
        buf = xb[k]

        @pl.loop(0, _CHUNK_ROWS)
        def _(r):
            @plsc.parallel_loop(0, dim, step=16, unroll=8)
            def _(j):
                s = pl.ds(j, 16)
                buf[r, s] = buf[r, s] + pb[c * _CHUNK_ROWS + r, s]

    def body(blk, u, tail, skip_wait=False):
        m, c, k = u // _CPS, u % _CPS, u % _NSLOT
        m = _NSLOT * blk + m
        wait_in(k)
        if tail:
            u2 = u + 2
            m2, c2, k2 = u2 // _CPS, u2 % _CPS, u2 % _NSLOT
            if u2 >= _BLK:
                m2, c2, k2 = (u2 - _BLK) // _CPS, (u2 - _BLK) % _CPS, (u2 - _BLK) % _NSLOT
                m2 += _NSLOT
            m2 = _NSLOT * blk + m2
            if not skip_wait:
                wait_out(k2)
            start_in(m2, c2, k2)
        compute(c, k)
        start_out(m, c, k)

    n_blk = nb // _BLK

    start_in(0, 0, 0)
    start_in(0, 1, 1)
    pltpu.sync_copy(pos_hbm.at[pl.ds(r0, _ROWS_PER_SR), :], pb)

    for u in range(_BLK):
        body(0, u, tail=True, skip_wait=(u < 2))

    @pl.loop(1, n_blk - 1)
    def _(blk):
        for u in range(_BLK):
            body(blk, u, tail=True)

    for u in range(_BLK):
        body(n_blk - 1, u, tail=(u < _BLK - 2))

    for k in range(_NSLOT):
        wait_out(k)


def kernel(patch_embeddings, pos_table):
    batch, seq, dim = patch_embeddings.shape
    pos = pos_table[:seq]

    mesh = plsc.VectorSubcoreMesh(core_axis_name="c", subcore_axis_name="s")
    out = pl.kernel(
        functools.partial(_sc_add, batch, seq, dim),
        out_type=jax.ShapeDtypeStruct((batch, seq, dim), patch_embeddings.dtype),
        mesh=mesh,
        scratch_types=[
            pltpu.VMEM((_CHUNK_ROWS, dim), jnp.float32),
            pltpu.VMEM((_CHUNK_ROWS, dim), jnp.float32),
            pltpu.VMEM((_CHUNK_ROWS, dim), jnp.float32),
            pltpu.VMEM((_CHUNK_ROWS, dim), jnp.float32),
            pltpu.VMEM((_ROWS_PER_SR, dim), jnp.float32),
            pltpu.SemaphoreType.DMA,
            pltpu.SemaphoreType.DMA,
            pltpu.SemaphoreType.DMA,
            pltpu.SemaphoreType.DMA,
            pltpu.SemaphoreType.DMA,
            pltpu.SemaphoreType.DMA,
            pltpu.SemaphoreType.DMA,
            pltpu.SemaphoreType.DMA,
        ],
    )(patch_embeddings, pos)
    return out

# --- scband reference (transcript-rebuilt; emitter-appended) ---
"""Pipeline reference for scband-positional-encoding-73787538145614 (READ-ONLY COPY).

The authoritative reference and input builder live on the scoring server;
editing this copy changes nothing except your own understanding.
"""

import jax, jax.numpy as jnp
import numpy as np

NUM_PATCHES = 576
EMBED_DIM = 768
BATCH = 64

def setup_inputs(seed: int = 0) -> dict:
    key = jax.random.key(seed)
    k1, k2 = jax.random.split(key)
    patch_embeddings = jax.random.normal(k1, (BATCH, NUM_PATCHES, EMBED_DIM), dtype=jnp.float32)
    # Keras Embedding(input_dim=num_patches+1, output_dim=embed_dim) default init: uniform(-0.05, 0.05)
    pos_table = jax.random.uniform(k2, (NUM_PATCHES + 1, EMBED_DIM), dtype=jnp.float32, minval=-0.05, maxval=0.05)
    return {"patch_embeddings": patch_embeddings, "pos_table": pos_table}

def reference(patch_embeddings, pos_table):
    seq_length = patch_embeddings.shape[1]
    positions = jnp.arange(0, seq_length, dtype=jnp.int32)
    position_embeddings = jnp.take(pos_table, positions, axis=0)  # embedding lookup
    return patch_embeddings + position_embeddings[None, :, :]

if __name__ == "__main__":
    import jax
    _d = setup_inputs()
    print(jax.jit(kernel)(*tuple(_d.values())))

</pallas_src>

<mosaic_0001>
#map = affine_map<(d0, d1) -> (0, 0, 0)>
#map1 = affine_map<(d0, d1) -> (0, 0)>
module attributes {stable_mosaic.version = 14 : i64} {
  func.func @_sc_add(%arg0: i32, %arg1: i32, %arg2: memref<64x576x768xf32, #tpu.memory_space<hbm>>, %arg3: memref<576x768xf32, #tpu.memory_space<hbm>>, %arg4: memref<64x576x768xf32, #tpu.memory_space<hbm>>, %arg5: memref<24x768xf32, #tpu.memory_space<vmem>>, %arg6: memref<24x768xf32, #tpu.memory_space<vmem>>, %arg7: memref<24x768xf32, #tpu.memory_space<vmem>>, %arg8: memref<24x768xf32, #tpu.memory_space<vmem>>, %arg9: memref<72x768xf32, #tpu.memory_space<vmem>>, %arg10: memref<!tpu.dma_semaphore, #tpu.memory_space<semaphore_mem>>, %arg11: memref<!tpu.dma_semaphore, #tpu.memory_space<semaphore_mem>>, %arg12: memref<!tpu.dma_semaphore, #tpu.memory_space<semaphore_mem>>, %arg13: memref<!tpu.dma_semaphore, #tpu.memory_space<semaphore_mem>>, %arg14: memref<!tpu.dma_semaphore, #tpu.memory_space<semaphore_mem>>, %arg15: memref<!tpu.dma_semaphore, #tpu.memory_space<semaphore_mem>>, %arg16: memref<!tpu.dma_semaphore, #tpu.memory_space<semaphore_mem>>, %arg17: memref<!tpu.dma_semaphore, #tpu.memory_space<semaphore_mem>>) attributes {dimension_semantics = [#tpu.dimension_semantics<core_parallel>, #tpu.dimension_semantics<subcore_parallel>], iteration_bounds = array<i64: 2, 16>, scalar_prefetch = 0 : i64, scratch_operands = 13 : i64, tpu.core_type = #tpu.core_type<sc_vector_subcore>, window_params = [{transform_indices = #map}, {transform_indices = #map1}, {transform_indices = #map}]} {
    %mul3A = arith.constant 16 : i32
    %mul3A_0 = arith.muli %arg0, %mul3A : i32
    %add3A = arith.addi %mul3A_0, %arg1 : i32
    %jit3A = arith.constant 4 : i32
    %eq3A = arith.constant 0 : i32
    %eq3A_1 = arith.cmpi eq, %jit3A, %eq3A : i32
    %jit3A_2 = arith.constant 1 : i32
    %select_n3A = arith.select %eq3A_1, %jit3A_2, %jit3A : i32
    %rem3A = arith.remsi %add3A, %select_n3A : i32
    %ne3A = arith.constant 0 : i32
    %ne3A_3 = arith.cmpi ne, %rem3A, %ne3A : i32
    %lt3A = arith.constant 0 : i32
    %lt3A_4 = arith.cmpi slt, %rem3A, %lt3A : i32
    %lt3A_5 = arith.constant 0 : i32
    %lt3A_6 = arith.cmpi slt, %select_n3A, %lt3A_5 : i32
    %ne3A_7 = arith.xori %lt3A_4, %lt3A_6 : i1
    %and3A = arith.andi %ne3A_7, %ne3A_3 : i1
    %add3A_8 = arith.addi %rem3A, %select_n3A : i32
    %select_n3A_9 = arith.select %and3A, %add3A_8, %rem3A : i32
    %jit3A_10 = arith.constant 4 : i32
    %div3A = arith.divsi %add3A, %jit3A_10 : i32
    %sign3A = arith.constant 0 : i32
    %sign3A_11 = arith.cmpi sgt, %add3A, %sign3A : i32
    %sign3A_12 = arith.extui %sign3A_11 : i1 to i32
    %sign3A_13 = arith.constant 0 : i32
    %sign3A_14 = arith.cmpi slt, %add3A, %sign3A_13 : i32
    %sign3A_15 = arith.extui %sign3A_14 : i1 to i32
    %sign3A_16 = arith.subi %sign3A_12, %sign3A_15 : i32
    %sign3A_17 = arith.constant 0 : i32
    %sign3A_18 = arith.cmpi sgt, %jit3A_10, %sign3A_17 : i32
    %sign3A_19 = arith.extui %sign3A_18 : i1 to i32
    %sign3A_20 = arith.constant 0 : i32
    %sign3A_21 = arith.cmpi slt, %jit3A_10, %sign3A_20 : i32
    %sign3A_22 = arith.extui %sign3A_21 : i1 to i32
    %sign3A_23 = arith.subi %sign3A_19, %sign3A_22 : i32
    %ne3A_24 = arith.cmpi ne, %sign3A_16, %sign3A_23 : i32
    %rem3A_25 = arith.remsi %add3A, %jit3A_10 : i32
    %ne3A_26 = arith.constant 0 : i32
    %ne3A_27 = arith.cmpi ne, %rem3A_25, %ne3A_26 : i32
    %and3A_28 = arith.andi %ne3A_24, %ne3A_27 : i1
    %sub3A = arith.constant 1 : i32
    %sub3A_29 = arith.subi %div3A, %sub3A : i32
    %select_n3A_30 = arith.select %and3A_28, %sub3A_29, %div3A : i32
    %mul3A_31 = arith.constant 72 : i32
    %mul3A_32 = arith.muli %select_n3A_30, %mul3A_31 : i32
    %mul3A_33 = arith.constant 16 : i32
    %mul3A_34 = arith.muli %select_n3A_9, %mul3A_33 : i32
    %add3A_35 = arith.constant 0 : i32
    %add3A_36 = arith.addi %mul3A_34, %add3A_35 : i32
    %add3A_37 = arith.constant 0 : i32
    %add3A_38 = arith.addi %mul3A_32, %add3A_37 : i32
    %dma_start3A = arith.constant 0 : i32
    %dma_start3A_39 = tpu.memref_slice %arg2[%add3A_36, %add3A_38, %dma_start3A] : memref<64x576x768xf32, #tpu.memory_space<hbm>> -> memref<1x24x768xf32, #tpu.memory_space<hbm>>
    %dma_start3A_40 = tpu.memref_squeeze %dma_start3A_39 : memref<1x24x768xf32, #tpu.memory_space<hbm>> -> memref<24x768xf32, #tpu.memory_space<hbm>>
    %dma_start3A_41 = arith.constant 0 : i32
    %dma_start3A_42 = tpu.memref_slice %arg2[%add3A_36, %add3A_38, %dma_start3A_41] : memref<64x576x768xf32, #tpu.memory_space<hbm>> -> memref<1x24x768xf32, #tpu.memory_space<hbm>>
    %dma_start3A_43 = tpu.memref_squeeze %dma_start3A_42 : memref<1x24x768xf32, #tpu.memory_space<hbm>> -> memref<24x768xf32, #tpu.memory_space<hbm>>
    tpu.enqueue_dma source(%dma_start3A_43 : memref<24x768xf32, #tpu.memory_space<hbm>>) target(%arg5 : memref<24x768xf32, #tpu.memory_space<vmem>>) target_semaphore(%arg10 : memref<!tpu.dma_semaphore, #tpu.memory_space<semaphore_mem>>)
    %mul3A_44 = arith.constant 16 : i32
    %mul3A_45 = arith.muli %select_n3A_9, %mul3A_44 : i32
    %add3A_46 = arith.constant 0 : i32
    %add3A_47 = arith.addi %mul3A_45, %add3A_46 : i32
    %add3A_48 = arith.constant 24 : i32
    %add3A_49 = arith.addi %mul3A_32, %add3A_48 : i32
    %dma_start3A_50 = arith.constant 0 : i32
    %dma_start3A_51 = tpu.memref_slice %arg2[%add3A_47, %add3A_49, %dma_start3A_50] : memref<64x576x768xf32, #tpu.memory_space<hbm>> -> memref<1x24x768xf32, #tpu.memory_space<hbm>>
    %dma_start3A_52 = tpu.memref_squeeze %dma_start3A_51 : memref<1x24x768xf32, #tpu.memory_space<hbm>> -> memref<24x768xf32, #tpu.memory_space<hbm>>
    %dma_start3A_53 = arith.constant 0 : i32
    %dma_start3A_54 = tpu.memref_slice %arg2[%add3A_47, %add3A_49, %dma_start3A_53] : memref<64x576x768xf32, #tpu.memory_space<hbm>> -> memref<1x24x768xf32, #tpu.memory_space<hbm>>
    %dma_start3A_55 = tpu.memref_squeeze %dma_start3A_54 : memref<1x24x768xf32, #tpu.memory_space<hbm>> -> memref<24x768xf32, #tpu.memory_space<hbm>>
    tpu.enqueue_dma source(%dma_start3A_55 : memref<24x768xf32, #tpu.memory_space<hbm>>) target(%arg6 : memref<24x768xf32, #tpu.memory_space<vmem>>) target_semaphore(%arg11 : memref<!tpu.dma_semaphore, #tpu.memory_space<semaphore_mem>>)
    "tpu.region"() ({
      %run_scoped3A = tpu.sem_alloc : memref<!tpu.dma_semaphore, #tpu.memory_space<semaphore_mem>>
      %dma_start3A_1307 = arith.constant 0 : i32
      %dma_start3A_1308 = tpu.memref_slice %arg3[%mul3A_32, %dma_start3A_1307] : memref<576x768xf32, #tpu.memory_space<hbm>> -> memref<72x768xf32, #tpu.memory_space<hbm>>
      %dma_start3A_1309 = arith.constant 0 : i32
      %dma_start3A_1310 = tpu.memref_slice %arg3[%mul3A_32, %dma_start3A_1309] : memref<576x768xf32, #tpu.memory_space<hbm>> -> memref<72x768xf32, #tpu.memory_space<hbm>>
      tpu.enqueue_dma source(%dma_start3A_1310 : memref<72x768xf32, #tpu.memory_space<hbm>>) target(%arg9 : memref<72x768xf32, #tpu.memory_space<vmem>>) target_semaphore(%run_scoped3A : memref<!tpu.dma_semaphore, #tpu.memory_space<semaphore_mem>>)
      %dma_wait3A_1311 = arith.constant 0 : i32
      %dma_wait3A_1312 = tpu.memref_slice %arg3[%mul3A_32, %dma_wait3A_1311] : memref<576x768xf32, #tpu.memory_space<hbm>> -> memref<72x768xf32, #tpu.memory_space<hbm>>
      %dma_wait3A_1313 = arith.constant 0 : i32
      %dma_wait3A_1314 = tpu.memref_slice %arg3[%mul3A_32, %dma_wait3A_1313] : memref<576x768xf32, #tpu.memory_space<hbm>> -> memref<72x768xf32, #tpu.memory_space<hbm>>
      tpu.wait_dma2 semaphore(%run_scoped3A : memref<!tpu.dma_semaphore, #tpu.memory_space<semaphore_mem>>) src(%dma_wait3A_1314 : memref<72x768xf32, #tpu.memory_space<hbm>>) dst(%arg9 : memref<72x768xf32, #tpu.memory_space<vmem>>)
      tpu.yield
    }) : () -> ()
    %mul3A_56 = arith.constant 16 : i32
    %mul3A_57 = arith.muli %select_n3A_9, %mul3A_56 : i32
    %add3A_58 = arith.constant 0 : i32
    %add3A_59 = arith.addi %mul3A_57, %add3A_58 : i32
    %add3A_60 = arith.constant 0 : i32
    %add3A_61 = arith.addi %mul3A_32, %add3A_60 : i32
    %dma_wait3A = arith.constant 0 : i32
    %dma_wait3A_62 = tpu.memref_slice %arg2[%add3A_59, %add3A_61, %dma_wait3A] : memref<64x576x768xf32, #tpu.memory_space<hbm>> -> memref<1x24x768xf32, #tpu.memory_space<hbm>>
    %dma_wait3A_63 = tpu.memref_squeeze %dma_wait3A_62 : memref<1x24x768xf32, #tpu.memory_space<hbm>> -> memref<24x768xf32, #tpu.memory_space<hbm>>
    %dma_wait3A_64 = arith.constant 0 : i32
    %dma_wait3A_65 = tpu.memref_slice %arg2[%add3A_59, %add3A_61, %dma_wait3A_64] : memref<64x576x768xf32, #tpu.memory_space<hbm>> -> memref<1x24x768xf32, #tpu.memory_space<hbm>>
    %dma_wait3A_66 = tpu.memref_squeeze %dma_wait3A_65 : memref<1x24x768xf32, #tpu.memory_space<hbm>> -> memref<24x768xf32, #tpu.memory_space<hbm>>
    tpu.wait_dma2 semaphore(%arg10 : memref<!tpu.dma_semaphore, #tpu.memory_space<semaphore_mem>>) src(%dma_wait3A_66 : memref<24x768xf32, #tpu.memory_space<hbm>>) dst(%arg5 : memref<24x768xf32, #tpu.memory_space<vmem>>)
    %mul3A_67 = arith.constant 16 : i32
    %mul3A_68 = arith.muli %select_n3A_9, %mul3A_67 : i32
    %add3A_69 = arith.constant 0 : i32
    %add3A_70 = arith.addi %mul3A_68, %add3A_69 : i32
    %add3A_71 = arith.constant 48 : i32
    %add3A_72 = arith.addi %mul3A_32, %add3A_71 : i32
    %dma_start3A_73 = arith.constant 0 : i32
    %dma_start3A_74 = tpu.memref_slice %arg2[%add3A_70, %add3A_72, %dma_start3A_73] : memref<64x576x768xf32, #tpu.memory_space<hbm>> -> memref<1x24x768xf32, #tpu.memory_space<hbm>>
    %dma_start3A_75 = tpu.memref_squeeze %dma_start3A_74 : memref<1x24x768xf32, #tpu.memory_space<hbm>> -> memref<24x768xf32, #tpu.memory_space<hbm>>
    %dma_start3A_76 = arith.constant 0 : i32
    %dma_start3A_77 = tpu.memref_slice %arg2[%add3A_70, %add3A_72, %dma_start3A_76] : memref<64x576x768xf32, #tpu.memory_space<hbm>> -> memref<1x24x768xf32, #tpu.memory_space<hbm>>
    %dma_start3A_78 = tpu.memref_squeeze %dma_start3A_77 : memref<1x24x768xf32, #tpu.memory_space<hbm>> -> memref<24x768xf32, #tpu.memory_space<hbm>>
    tpu.enqueue_dma source(%dma_start3A_78 : memref<24x768xf32, #tpu.memory_space<hbm>>) target(%arg7 : memref<24x768xf32, #tpu.memory_space<vmem>>) target_semaphore(%arg12 : memref<!tpu.dma_semaphore, #tpu.memory_space<semaphore_mem>>)
    %scan3A = arith.constant 0 : i32
    %scan3A_79 = arith.constant 24 : i32
    %scan3A_80 = arith.addi %scan3A, %scan3A_79 : i32
    %scan3A_81 = arith.constant 1 : i32
    scf.for %scan3A_1307 = %scan3A to %scan3A_80 step %scan3A_81  : i32 {
      %mul3A_1308 = arith.constant 1 : i32
      %mul3A_1309 = arith.muli %scan3A_1307, %mul3A_1308 : i32
      %add3A_1310 = arith.constant 0 : i32
      %add3A_1311 = arith.addi %add3A_1310, %mul3A_1309 : i32
      %parallel_loop3A = arith.constant 0 : i32
      %parallel_loop3A_1312 = arith.constant 768 : i32
      %parallel_loop3A_1313 = arith.constant 16 : i32
      scf.for %parallel_loop3A_1314 = %parallel_loop3A to %parallel_loop3A_1312 step %parallel_loop3A_1313  : i32 {
        %parallel_loop3A_1315 = arith.index_cast %add3A_1311 : i32 to index
        %parallel_loop3A_1316 = arith.index_cast %parallel_loop3A_1314 : i32 to index
        %parallel_loop3A_1317 = tpu.vector_load %arg5[%parallel_loop3A_1315, %parallel_loop3A_1316] {strides = array<i32>} : memref<24x768xf32, #tpu.memory_space<vmem>>, vector<1x16xf32>,
        %parallel_loop3A_1318 = vector.shape_cast %parallel_loop3A_1317 : vector<1x16xf32> to vector<16xf32>
        %parallel_loop3A_1319 = arith.constant 0 : i32
        %parallel_loop3A_1320 = arith.addi %parallel_loop3A_1319, %add3A_1311 : i32
        %parallel_loop3A_1321 = arith.index_cast %parallel_loop3A_1320 : i32 to index
        %parallel_loop3A_1322 = arith.index_cast %parallel_loop3A_1314 : i32 to index
        %parallel_loop3A_1323 = tpu.vector_load %arg9[%parallel_loop3A_1321, %parallel_loop3A_1322] {strides = array<i32>} : memref<72x768xf32, #tpu.memory_space<vmem>>, vector<1x16xf32>,
        %parallel_loop3A_1324 = vector.shape_cast %parallel_loop3A_1323 : vector<1x16xf32> to vector<16xf32>
        %parallel_loop3A_1325 = arith.addf %parallel_loop3A_1318, %parallel_loop3A_1324 : vector<16xf32>
        %parallel_loop3A_1326 = arith.index_cast %add3A_1311 : i32 to index
        %parallel_loop3A_1327 = arith.index_cast %parallel_loop3A_1314 : i32 to index
        %parallel_loop3A_1328 = tpu.vector_load %arg5[%parallel_loop3A_1326, %parallel_loop3A_1327] {strides = array<i32>} : memref<24x768xf32, #tpu.memory_space<vmem>>, vector<1x16xf32>,
        %parallel_loop3A_1329 = vector.shape_cast %parallel_loop3A_1328 : vector<1x16xf32> to vector<16xf32>
        %parallel_loop3A_1330 = vector.shape_cast %parallel_loop3A_1325 : vector<16xf32> to vector<1x16xf32>
        tpu.vector_store %arg5[%parallel_loop3A_1326, %parallel_loop3A_1327], %parallel_loop3A_1330 {strides = array<i32>} : memref<24x768xf32, #tpu.memory_space<vmem>>, vector<1x16xf32>,
      } {sc.loop_unroll_factor = 8 : i64, sc.parallel_access}
    }
    %scan3A_82 = arith.constant 24 : i32
    %mul3A_83 = arith.constant 16 : i32
    %mul3A_84 = arith.muli %select_n3A_9, %mul3A_83 : i32
    %add3A_85 = arith.constant 0 : i32
    %add3A_86 = arith.addi %mul3A_84, %add3A_85 : i32
    %add3A_87 = arith.constant 0 : i32
    %add3A_88 = arith.addi %mul3A_32, %add3A_87 : i32
    %dma_start3A_89 = arith.constant 0 : i32
    %dma_start3A_90 = tpu.memref_slice %arg4[%add3A_86, %add3A_88, %dma_start3A_89] : memref<64x576x768xf32, #tpu.memory_space<hbm>> -> memref<1x24x768xf32, #tpu.memory_space<hbm>>
    %dma_start3A_91 = tpu.memref_squeeze %dma_start3A_90 : memref<1x24x768xf32, #tpu.memory_space<hbm>> -> memref<24x768xf32, #tpu.memory_space<hbm>>
    %dma_start3A_92 = arith.constant 0 : i32
    %dma_start3A_93 = tpu.memref_slice %arg4[%add3A_86, %add3A_88, %dma_start3A_92] : memref<64x576x768xf32, #tpu.memory_space<hbm>> -> memref<1x24x768xf32, #tpu.memory_space<hbm>>
    %dma_start3A_94 = tpu.memref_squeeze %dma_start3A_93 : memref<1x24x768xf32, #tpu.memory_space<hbm>> -> memref<24x768xf32, #tpu.memory_space<hbm>>
    tpu.enqueue_dma source(%arg5 : memref<24x768xf32, #tpu.memory_space<vmem>>) target(%dma_start3A_94 : memref<24x768xf32, #tpu.memory_space<hbm>>) target_semaphore(%arg14 : memref<!tpu.dma_semaphore, #tpu.memory_space<semaphore_mem>>)
    %mul3A_95 = arith.constant 16 : i32
    %mul3A_96 = arith.muli %select_n3A_9, %mul3A_95 : i32
    %add3A_97 = arith.constant 0 : i32
    %add3A_98 = arith.addi %mul3A_96, %add3A_97 : i32
    %add3A_99 = arith.constant 0 : i32
    %add3A_100 = arith.addi %mul3A_32, %add3A_99 : i32
    %dma_wait3A_101 = arith.constant 0 : i32
    %dma_wait3A_102 = tpu.memref_slice %arg2[%add3A_98, %add3A_100, %dma_wait3A_101] : memref<64x576x768xf32, #tpu.memory_space<hbm>> -> memref<1x24x768xf32, #tpu.memory_space<hbm>>
    %dma_wait3A_103 = tpu.memref_squeeze %dma_wait3A_102 : memref<1x24x768xf32, #tpu.memory_space<hbm>> -> memref<24x768xf32, #tpu.memory_space<hbm>>
    %dma_wait3A_104 = arith.constant 0 : i32
    %dma_wait3A_105 = tpu.memref_slice %arg2[%add3A_98, %add3A_100, %dma_wait3A_104] : memref<64x576x768xf32, #tpu.memory_space<hbm>> -> memref<1x24x768xf32, #tpu.memory_space<hbm>>
    %dma_wait3A_106 = tpu.memref_squeeze %dma_wait3A_105 : memref<1x24x768xf32, #tpu.memory_space<hbm>> -> memref<24x768xf32, #tpu.memory_space<hbm>>
    tpu.wait_dma2 semaphore(%arg11 : memref<!tpu.dma_semaphore, #tpu.memory_space<semaphore_mem>>) src(%dma_wait3A_106 : memref<24x768xf32, #tpu.memory_space<hbm>>) dst(%arg6 : memref<24x768xf32, #tpu.memory_space<vmem>>)
    %mul3A_107 = arith.constant 16 : i32
    %mul3A_108 = arith.muli %select_n3A_9, %mul3A_107 : i32
    %add3A_109 = arith.constant 1 : i32
    %add3A_110 = arith.addi %mul3A_108, %add3A_109 : i32
    %add3A_111 = arith.constant 0 : i32
    %add3A_112 = arith.addi %mul3A_32, %add3A_111 : i32
    %dma_start3A_113 = arith.constant 0 : i32
    %dma_start3A_114 = tpu.memref_slice %arg2[%add3A_110, %add3A_112, %dma_start3A_113] : memref<64x576x768xf32, #tpu.memory_space<hbm>> -> memref<1x24x768xf32, #tpu.memory_space<hbm>>
    %dma_start3A_115 = tpu.memref_squeeze %dma_start3A_114 : memref<1x24x768xf32, #tpu.memory_space<hbm>> -> memref<24x768xf32, #tpu.memory_space<hbm>>
    %dma_start3A_116 = arith.constant 0 : i32
    %dma_start3A_117 = tpu.memref_slice %arg2[%add3A_110, %add3A_112, %dma_start3A_116] : memref<64x576x768xf32, #tpu.memory_space<hbm>> -> memref<1x24x768xf32, #tpu.memory_space<hbm>>
    %dma_start3A_118 = tpu.memref_squeeze %dma_start3A_117 : memref<1x24x768xf32, #tpu.memory_space<hbm>> -> memref<24x768xf32, #tpu.memory_space<hbm>>
    tpu.enqueue_dma source(%dma_start3A_118 : memref<24x768xf32, #tpu.memory_space<hbm>>) target(%arg8 : memref<24x768xf32, #tpu.memory_space<vmem>>) target_semaphore(%arg13 : memref<!tpu.dma_semaphore, #tpu.memory_space<semaphore_mem>>)
    %scan3A_119 = arith.constant 0 : i32
    %scan3A_120 = arith.constant 24 : i32
    %scan3A_121 = arith.addi %scan3A_119, %scan3A_120 : i32
    %scan3A_122 = arith.constant 1 : i32
    scf.for %scan3A_1307 = %scan3A_119 to %scan3A_121 step %scan3A_122  : i32 {
      %mul3A_1308 = arith.constant 1 : i32
      %mul3A_1309 = arith.muli %scan3A_1307, %mul3A_1308 : i32
      %add3A_1310 = arith.constant 0 : i32
      %add3A_1311 = arith.addi %add3A_1310, %mul3A_1309 : i32
      %parallel_loop3A = arith.constant 0 : i32
      %parallel_loop3A_1312 = arith.constant 768 : i32
      %parallel_loop3A_1313 = arith.constant 16 : i32
      scf.for %parallel_loop3A_1314 = %parallel_loop3A to %parallel_loop3A_1312 step %parallel_loop3A_1313  : i32 {
        %parallel_loop3A_1315 = arith.index_cast %add3A_1311 : i32 to index
        %parallel_loop3A_1316 = arith.index_cast %parallel_loop3A_1314 : i32 to index
        %parallel_loop3A_1317 = tpu.vector_load %arg6[%parallel_loop3A_1315, %parallel_loop3A_1316] {strides = array<i32>} : memref<24x768xf32, #tpu.memory_space<vmem>>, vector<1x16xf32>,
        %parallel_loop3A_1318 = vector.shape_cast %parallel_loop3A_1317 : vector<1x16xf32> to vector<16xf32>
        %parallel_loop3A_1319 = arith.constant 24 : i32
        %parallel_loop3A_1320 = arith.addi %parallel_loop3A_1319, %add3A_1311 : i32
        %parallel_loop3A_1321 = arith.index_cast %parallel_loop3A_1320 : i32 to index
        %parallel_loop3A_1322 = arith.index_cast %parallel_loop3A_1314 : i32 to index
        %parallel_loop3A_1323 = tpu.vector_load %arg9[%parallel_loop3A_1321, %parallel_loop3A_1322] {strides = array<i32>} : memref<72x768xf32, #tpu.memory_space<vmem>>, vector<1x16xf32>,
        %parallel_loop3A_1324 = vector.shape_cast %parallel_loop3A_1323 : vector<1x16xf32> to vector<16xf32>
        %parallel_loop3A_1325 = arith.addf %parallel_loop3A_1318, %parallel_loop3A_1324 : vector<16xf32>
        %parallel_loop3A_1326 = arith.index_cast %add3A_1311 : i32 to index
        %parallel_loop3A_1327 = arith.index_cast %parallel_loop3A_1314 : i32 to index
        %parallel_loop3A_1328 = tpu.vector_load %arg6[%parallel_loop3A_1326, %parallel_loop3A_1327] {strides = array<i32>} : memref<24x768xf32, #tpu.memory_space<vmem>>, vector<1x16xf32>,
        %parallel_loop3A_1329 = vector.shape_cast %parallel_loop3A_1328 : vector<1x16xf32> to vector<16xf32>
        %parallel_loop3A_1330 = vector.shape_cast %parallel_loop3A_1325 : vector<16xf32> to vector<1x16xf32>
        tpu.vector_store %arg6[%parallel_loop3A_1326, %parallel_loop3A_1327], %parallel_loop3A_1330 {strides = array<i32>} : memref<24x768xf32, #tpu.memory_space<vmem>>, vector<1x16xf32>,
      } {sc.loop_unroll_factor = 8 : i64, sc.parallel_access}
    }
    %scan3A_123 = arith.constant 24 : i32
    %mul3A_124 = arith.constant 16 : i32
    %mul3A_125 = arith.muli %select_n3A_9, %mul3A_124 : i32
    %add3A_126 = arith.constant 0 : i32
    %add3A_127 = arith.addi %mul3A_125, %add3A_126 : i32
    %add3A_128 = arith.constant 24 : i32
    %add3A_129 = arith.addi %mul3A_32, %add3A_128 : i32
    %dma_start3A_130 = arith.constant 0 : i32
    %dma_start3A_131 = tpu.memref_slice %arg4[%add3A_127, %add3A_129, %dma_start3A_130] : memref<64x576x768xf32, #tpu.memory_space<hbm>> -> memref<1x24x768xf32, #tpu.memory_space<hbm>>
    %dma_start3A_132 = tpu.memref_squeeze %dma_start3A_131 : memref<1x24x768xf32, #tpu.memory_space<hbm>> -> memref<24x768xf32, #tpu.memory_space<hbm>>
    %dma_start3A_133 = arith.constant 0 : i32
    %dma_start3A_134 = tpu.memref_slice %arg4[%add3A_127, %add3A_129, %dma_start3A_133] : memref<64x576x768xf32, #tpu.memory_space<hbm>> -> memref<1x24x768xf32, #tpu.memory_space<hbm>>
    %dma_start3A_135 = tpu.memref_squeeze %dma_start3A_134 : memref<1x24x768xf32, #tpu.memory_space<hbm>> -> memref<24x768xf32, #tpu.memory_space<hbm>>
    tpu.enqueue_dma source(%arg6 : memref<24x768xf32, #tpu.memory_space<vmem>>) target(%dma_start3A_135 : memref<24x768xf32, #tpu.memory_space<hbm>>) target_semaphore(%arg15 : memref<!tpu.dma_semaphore, #tpu.memory_space<semaphore_mem>>)
    %mul3A_136 = arith.constant 16 : i32
    %mul3A_137 = arith.muli %select_n3A_9, %mul3A_136 : i32
    %add3A_138 = arith.constant 0 : i32
    %add3A_139 = arith.addi %mul3A_137, %add3A_138 : i32
    %add3A_140 = arith.constant 0 : i32
    %add3A_141 = arith.addi %mul3A_32, %add3A_140 : i32
    %dma_wait3A_142 = arith.constant 0 : i32
    %dma_wait3A_143 = tpu.memref_slice %arg2[%add3A_139, %add3A_141, %dma_wait3A_142] : memref<64x576x768xf32, #tpu.memory_space<hbm>> -> memref<1x24x768xf32, #tpu.memory_space<hbm>>
    %dma_wait3A_144 = tpu.memref_squeeze %dma_wait3A_143 : memref<1x24x768xf32, #tpu.memory_space<hbm>> -> memref<24x768xf32, #tpu.memory_space<hbm>>
    %dma_wait3A_145 = arith.constant 0 : i32
    %dma_wait3A_146 = tpu.memref_slice %arg2[%add3A_139, %add3A_141, %dma_wait3A_145] : memref<64x576x768xf32, #tpu.memory_space<hbm>> -> memref<1x24x768xf32, #tpu.memory_space<hbm>>
    %dma_wait3A_147 = tpu.memref_squeeze %dma_wait3A_146 : memref<1x24x768xf32, #tpu.memory_space<hbm>> -> memref<24x768xf32, #tpu.memory_space<hbm>>
    tpu.wait_dma2 semaphore(%arg12 : memref<!tpu.dma_semaphore, #tpu.memory_space<semaphore_mem>>) src(%dma_wait3A_147 : memref<24x768xf32, #tpu.memory_space<hbm>>) dst(%arg7 : memref<24x768xf32, #tpu.memory_space<vmem>>)
    %mul3A_148 = arith.constant 16 : i32
    %mul3A_149 = arith.muli %select_n3A_9, %mul3A_148 : i32
    %add3A_150 = arith.constant 0 : i32
    %add3A_151 = arith.addi %mul3A_149, %add3A_150 : i32
    %add3A_152 = arith.constant 0 : i32
    %add3A_153 = arith.addi %mul3A_32, %add3A_152 : i32
    %dma_wait3A_154 = arith.constant 0 : i32
    %dma_wait3A_155 = tpu.memref_slice %arg4[%add3A_151, %add3A_153, %dma_wait3A_154] : memref<64x576x768xf32, #tpu.memory_space<hbm>> -> memref<1x24x768xf32, #tpu.memory_space<hbm>>
    %dma_wait3A_156 = tpu.memref_squeeze %dma_wait3A_155 : memref<1x24x768xf32, #tpu.memory_space<hbm>> -> memref<24x768xf32, #tpu.memory_space<hbm>>
    %dma_wait3A_157 = arith.constant 0 : i32
    %dma_wait3A_158 = tpu.memref_slice %arg4[%add3A_151, %add3A_153, %dma_wait3A_157] : memref<64x576x768xf32, #tpu.memory_space<hbm>> -> memref<1x24x768xf32, #tpu.memory_space<hbm>>
    %dma_wait3A_159 = tpu.memref_squeeze %dma_wait3A_158 : memref<1x24x768xf32, #tpu.memory_space<hbm>> -> memref<24x768xf32, #tpu.memory_space<hbm>>
    tpu.wait_dma2 semaphore(%arg14 : memref<!tpu.dma_semaphore, #tpu.memory_space<semaphore_mem>>) src(%arg5 : memref<24x768xf32, #tpu.memory_space<vmem>>) dst(%dma_wait3A_159 : memref<24x768xf32, #tpu.memory_space<hbm>>)
    %mul3A_160 = arith.constant 16 : i32
    %mul3A_161 = arith.muli %select_n3A_9, %mul3A_160 : i32
    %add3A_162 = arith.constant 1 : i32
    %add3A_163 = arith.addi %mul3A_161, %add3A_162 : i32
    %add3A_164 = arith.constant 24 : i32
    %add3A_165 = arith.addi %mul3A_32, %add3A_164 : i32
    %dma_start3A_166 = arith.constant 0 : i32
    %dma_start3A_167 = tpu.memref_slice %arg2[%add3A_163, %add3A_165, %dma_start3A_166] : memref<64x576x768xf32, #tpu.memory_space<hbm>> -> memref<1x24x768xf32, #tpu.memory_space<hbm>>
    %dma_start3A_168 = tpu.memref_squeeze %dma_start3A_167 : memref<1x24x768xf32, #tpu.memory_space<hbm>> -> memref<24x768xf32, #tpu.memory_space<hbm>>
    %dma_start3A_169 = arith.constant 0 : i32
    %dma_start3A_170 = tpu.memref_slice %arg2[%add3A_163, %add3A_165, %dma_start3A_169] : memref<64x576x768xf32, #tpu.memory_space<hbm>> -> memref<1x24x768xf32, #tpu.memory_space<hbm>>
    %dma_start3A_171 = tpu.memref_squeeze %dma_start3A_170 : memref<1x24x768xf32, #tpu.memory_space<hbm>> -> memref<24x768xf32, #tpu.memory_space<hbm>>
    tpu.enqueue_dma source(%dma_start3A_171 : memref<24x768xf32, #tpu.memory_space<hbm>>) target(%arg5 : memref<24x768xf32, #tpu.memory_space<vmem>>) target_semaphore(%arg10 : memref<!tpu.dma_semaphore, #tpu.memory_space<semaphore_mem>>)
    %scan3A_172 = arith.constant 0 : i32
    %scan3A_173 = arith.constant 24 : i32
    %scan3A_174 = arith.addi %scan3A_172, %scan3A_173 : i32
    %scan3A_175 = arith.constant 1 : i32
    scf.for %scan3A_1307 = %scan3A_172 to %scan3A_174 step %scan3A_175  : i32 {
      %mul3A_1308 = arith.constant 1 : i32
      %mul3A_1309 = arith.muli %scan3A_1307, %mul3A_1308 : i32
      %add3A_1310 = arith.constant 0 : i32
      %add3A_1311 = arith.addi %add3A_1310, %mul3A_1309 : i32
      %parallel_loop3A = arith.constant 0 : i32
      %parallel_loop3A_1312 = arith.constant 768 : i32
      %parallel_loop3A_1313 = arith.constant 16 : i32
      scf.for %parallel_loop3A_1314 = %parallel_loop3A to %parallel_loop3A_1312 step %parallel_loop3A_1313  : i32 {
        %parallel_loop3A_1315 = arith.index_cast %add3A_1311 : i32 to index
        %parallel_loop3A_1316 = arith.index_cast %parallel_loop3A_1314 : i32 to index
        %parallel_loop3A_1317 = tpu.vector_load %arg7[%parallel_loop3A_1315, %parallel_loop3A_1316] {strides = array<i32>} : memref<24x768xf32, #tpu.memory_space<vmem>>, vector<1x16xf32>,
        %parallel_loop3A_1318 = vector.shape_cast %parallel_loop3A_1317 : vector<1x16xf32> to vector<16xf32>
        %parallel_loop3A_1319 = arith.constant 48 : i32
        %parallel_loop3A_1320 = arith.addi %parallel_loop3A_1319, %add3A_1311 : i32
        %parallel_loop3A_1321 = arith.index_cast %parallel_loop3A_1320 : i32 to index
        %parallel_loop3A_1322 = arith.index_cast %parallel_loop3A_1314 : i32 to index
        %parallel_loop3A_1323 = tpu.vector_load %arg9[%parallel_loop3A_1321, %parallel_loop3A_1322] {strides = array<i32>} : memref<72x768xf32, #tpu.memory_space<vmem>>, vector<1x16xf32>,
        %parallel_loop3A_1324 = vector.shape_cast %parallel_loop3A_1323 : vector<1x16xf32> to vector<16xf32>
        %parallel_loop3A_1325 = arith.addf %parallel_loop3A_1318, %parallel_loop3A_1324 : vector<16xf32>
        %parallel_loop3A_1326 = arith.index_cast %add3A_1311 : i32 to index
        %parallel_loop3A_1327 = arith.index_cast %parallel_loop3A_1314 : i32 to index
        %parallel_loop3A_1328 = tpu.vector_load %arg7[%parallel_loop3A_1326, %parallel_loop3A_1327] {strides = array<i32>} : memref<24x768xf32, #tpu.memory_space<vmem>>, vector<1x16xf32>,
        %parallel_loop3A_1329 = vector.shape_cast %parallel_loop3A_1328 : vector<1x16xf32> to vector<16xf32>
        %parallel_loop3A_1330 = vector.shape_cast %parallel_loop3A_1325 : vector<16xf32> to vector<1x16xf32>
        tpu.vector_store %arg7[%parallel_loop3A_1326, %parallel_loop3A_1327], %parallel_loop3A_1330 {strides = array<i32>} : memref<24x768xf32, #tpu.memory_space<vmem>>, vector<1x16xf32>,
      } {sc.loop_unroll_factor = 8 : i64, sc.parallel_access}
    }
    %scan3A_176 = arith.constant 24 : i32
    %mul3A_177 = arith.constant 16 : i32
    %mul3A_178 = arith.muli %select_n3A_9, %mul3A_177 : i32
    %add3A_179 = arith.constant 0 : i32
    %add3A_180 = arith.addi %mul3A_178, %add3A_179 : i32
    %add3A_181 = arith.constant 48 : i32
    %add3A_182 = arith.addi %mul3A_32, %add3A_181 : i32
    %dma_start3A_183 = arith.constant 0 : i32
    %dma_start3A_184 = tpu.memref_slice %arg4[%add3A_180, %add3A_182, %dma_start3A_183] : memref<64x576x768xf32, #tpu.memory_space<hbm>> -> memref<1x24x768xf32, #tpu.memory_space<hbm>>
    %dma_start3A_185 = tpu.memref_squeeze %dma_start3A_184 : memref<1x24x768xf32, #tpu.memory_space<hbm>> -> memref<24x768xf32, #tpu.memory_space<hbm>>
    %dma_start3A_186 = arith.constant 0 : i32
    %dma_start3A_187 = tpu.memref_slice %arg4[%add3A_180, %add3A_182, %dma_start3A_186] : memref<64x576x768xf32, #tpu.memory_space<hbm>> -> memref<1x24x768xf32, #tpu.memory_space<hbm>>
    %dma_start3A_188 = tpu.memref_squeeze %dma_start3A_187 : memref<1x24x768xf32, #tpu.memory_space<hbm>> -> memref<24x768xf32, #tpu.memory_space<hbm>>
    tpu.enqueue_dma source(%arg7 : memref<24x768xf32, #tpu.memory_space<vmem>>) target(%dma_start3A_188 : memref<24x768xf32, #tpu.memory_space<hbm>>) target_semaphore(%arg16 : memref<!tpu.dma_semaphore, #tpu.memory_space<semaphore_mem>>)
    %mul3A_189 = arith.constant 16 : i32
    %mul3A_190 = arith.muli %select_n3A_9, %mul3A_189 : i32
    %add3A_191 = arith.constant 0 : i32
    %add3A_192 = arith.addi %mul3A_190, %add3A_191 : i32
    %add3A_193 = arith.constant 0 : i32
    %add3A_194 = arith.addi %mul3A_32, %add3A_193 : i32
    %dma_wait3A_195 = arith.constant 0 : i32
    %dma_wait3A_196 = tpu.memref_slice %arg2[%add3A_192, %add3A_194, %dma_wait3A_195] : memref<64x576x768xf32, #tpu.memory_space<hbm>> -> memref<1x24x768xf32, #tpu.memory_space<hbm>>
    %dma_wait3A_197 = tpu.memref_squeeze %dma_wait3A_196 : memref<1x24x768xf32, #tpu.memory_space<hbm>> -> memref<24x768xf32, #tpu.memory_space<hbm>>
    %dma_wait3A_198 = arith.constant 0 : i32
    %dma_wait3A_199 = tpu.memref_slice %arg2[%add3A_192, %add3A_194, %dma_wait3A_198] : memref<64x576x768xf32, #tpu.memory_space<hbm>> -> memref<1x24x768xf32, #tpu.memory_space<hbm>>
    %dma_wait3A_200 = tpu.memref_squeeze %dma_wait3A_199 : memref<1x24x768xf32, #tpu.memory_space<hbm>> -> memref<24x768xf32, #tpu.memory_space<hbm>>
    tpu.wait_dma2 semaphore(%arg13 : memref<!tpu.dma_semaphore, #tpu.memory_space<semaphore_mem>>) src(%dma_wait3A_200 : memref<24x768xf32, #tpu.memory_space<hbm>>) dst(%arg8 : memref<24x768xf32, #tpu.memory_space<vmem>>)
    %mul3A_201 = arith.constant 16 : i32
    %mul3A_202 = arith.muli %select_n3A_9, %mul3A_201 : i32
    %add3A_203 = arith.constant 0 : i32
    %add3A_204 = arith.addi %mul3A_202, %add3A_203 : i32
    %add3A_205 = arith.constant 0 : i32
    %add3A_206 = arith.addi %mul3A_32, %add3A_205 : i32
    %dma_wait3A_207 = arith.constant 0 : i32
    %dma_wait3A_208 = tpu.memref_slice %arg4[%add3A_204, %add3A_206, %dma_wait3A_207] : memref<64x576x768xf32, #tpu.memory_space<hbm>> -> memref<1x24x768xf32, #tpu.memory_space<hbm>>
    %dma_wait3A_209 = tpu.memref_squeeze %dma_wait3A_208 : memref<1x24x768xf32, #tpu.memory_space<hbm>> -> memref<24x768xf32, #tpu.memory_space<hbm>>
    %dma_wait3A_210 = arith.constant 0 : i32
    %dma_wait3A_211 = tpu.memref_slice %arg4[%add3A_204, %add3A_206, %dma_wait3A_210] : memref<64x576x768xf32, #tpu.memory_space<hbm>> -> memref<1x24x768xf32, #tpu.memory_space<hbm>>
    %dma_wait3A_212 = tpu.memref_squeeze %dma_wait3A_211 : memref<1x24x768xf32, #tpu.memory_space<hbm>> -> memref<24x768xf32, #tpu.memory_space<hbm>>
    tpu.wait_dma2 semaphore(%arg15 : memref<!tpu.dma_semaphore, #tpu.memory_space<semaphore_mem>>) src(%arg6 : memref<24x768xf32, #tpu.memory_space<vmem>>) dst(%dma_wait3A_212 : memref<24x768xf32, #tpu.memory_space<hbm>>)
    %mul3A_213 = arith.constant 16 : i32
    %mul3A_214 = arith.muli %select_n3A_9, %mul3A_213 : i32
    %add3A_215 = arith.constant 1 : i32
    %add3A_216 = arith.addi %mul3A_214, %add3A_215 : i32
    %add3A_217 = arith.constant 48 : i32
    %add3A_218 = arith.addi %mul3A_32, %add3A_217 : i32
    %dma_start3A_219 = arith.constant 0 : i32
    %dma_start3A_220 = tpu.memref_slice %arg2[%add3A_216, %add3A_218, %dma_start3A_219] : memref<64x576x768xf32, #tpu.memory_space<hbm>> -> memref<1x24x768xf32, #tpu.memory_space<hbm>>
    %dma_start3A_221 = tpu.memref_squeeze %dma_start3A_220 : memref<1x24x768xf32, #tpu.memory_space<hbm>> -> memref<24x768xf32, #tpu.memory_space<hbm>>
    %dma_start3A_222 = arith.constant 0 : i32
    %dma_start3A_223 = tpu.memref_slice %arg2[%add3A_216, %add3A_218, %dma_start3A_222] : memref<64x576x768xf32, #tpu.memory_space<hbm>> -> memref<1x24x768xf32, #tpu.memory_space<hbm>>
    %dma_start3A_224 = tpu.memref_squeeze %dma_start3A_223 : memref<1x24x768xf32, #tpu.memory_space<hbm>> -> memref<24x768xf32, #tpu.memory_space<hbm>>
    tpu.enqueue_dma source(%dma_start3A_224 : memref<24x768xf32, #tpu.memory_space<hbm>>) target(%arg6 : memref<24x768xf32, #tpu.memory_space<vmem>>) target_semaphore(%arg11 : memref<!tpu.dma_semaphore, #tpu.memory_space<semaphore_mem>>)
    %scan3A_225 = arith.constant 0 : i32
    %scan3A_226 = arith.constant 24 : i32
    %scan3A_227 = arith.addi %scan3A_225, %scan3A_226 : i32
    %scan3A_228 = arith.constant 1 : i32
    scf.for %scan3A_1307 = %scan3A_225 to %scan3A_227 step %scan3A_228  : i32 {
      %mul3A_1308 = arith.constant 1 : i32
      %mul3A_1309 = arith.muli %scan3A_1307, %mul3A_1308 : i32
      %add3A_1310 = arith.constant 0 : i32
      %add3A_1311 = arith.addi %add3A_1310, %mul3A_1309 : i32
      %parallel_loop3A = arith.constant 0 : i32
      %parallel_loop3A_1312 = arith.constant 768 : i32
      %parallel_loop3A_1313 = arith.constant 16 : i32
      scf.for %parallel_loop3A_1314 = %parallel_loop3A to %parallel_loop3A_1312 step %parallel_loop3A_1313  : i32 {
        %parallel_loop3A_1315 = arith.index_cast %add3A_1311 : i32 to index
        %parallel_loop3A_1316 = arith.index_cast %parallel_loop3A_1314 : i32 to index
        %parallel_loop3A_1317 = tpu.vector_load %arg8[%parallel_loop3A_1315, %parallel_loop3A_1316] {strides = array<i32>} : memref<24x768xf32, #tpu.memory_space<vmem>>, vector<1x16xf32>,
        %parallel_loop3A_1318 = vector.shape_cast %parallel_loop3A_1317 : vector<1x16xf32> to vector<16xf32>
        %parallel_loop3A_1319 = arith.constant 0 : i32
        %parallel_loop3A_1320 = arith.addi %parallel_loop3A_1319, %add3A_1311 : i32
        %parallel_loop3A_1321 = arith.index_cast %parallel_loop3A_1320 : i32 to index
        %parallel_loop3A_1322 = arith.index_cast %parallel_loop3A_1314 : i32 to index
        %parallel_loop3A_1323 = tpu.vector_load %arg9[%parallel_loop3A_1321, %parallel_loop3A_1322] {strides = array<i32>} : memref<72x768xf32, #tpu.memory_space<vmem>>, vector<1x16xf32>,
        %parallel_loop3A_1324 = vector.shape_cast %parallel_loop3A_1323 : vector<1x16xf32> to vector<16xf32>
        %parallel_loop3A_1325 = arith.addf %parallel_loop3A_1318, %parallel_loop3A_1324 : vector<16xf32>
        %parallel_loop3A_1326 = arith.index_cast %add3A_1311 : i32 to index
        %parallel_loop3A_1327 = arith.index_cast %parallel_loop3A_1314 : i32 to index
        %parallel_loop3A_1328 = tpu.vector_load %arg8[%parallel_loop3A_1326, %parallel_loop3A_1327] {strides = array<i32>} : memref<24x768xf32, #tpu.memory_space<vmem>>, vector<1x16xf32>,
        %parallel_loop3A_1329 = vector.shape_cast %parallel_loop3A_1328 : vector<1x16xf32> to vector<16xf32>
        %parallel_loop3A_1330 = vector.shape_cast %parallel_loop3A_1325 : vector<16xf32> to vector<1x16xf32>
        tpu.vector_store %arg8[%parallel_loop3A_1326, %parallel_loop3A_1327], %parallel_loop3A_1330 {strides = array<i32>} : memref<24x768xf32, #tpu.memory_space<vmem>>, vector<1x16xf32>,
      } {sc.loop_unroll_factor = 8 : i64, sc.parallel_access}
    }
    %scan3A_229 = arith.constant 24 : i32
    %mul3A_230 = arith.constant 16 : i32
    %mul3A_231 = arith.muli %select_n3A_9, %mul3A_230 : i32
    %add3A_232 = arith.constant 1 : i32
    %add3A_233 = arith.addi %mul3A_231, %add3A_232 : i32
    %add3A_234 = arith.constant 0 : i32
    %add3A_235 = arith.addi %mul3A_32, %add3A_234 : i32
    %dma_start3A_236 = arith.constant 0 : i32
    %dma_start3A_237 = tpu.memref_slice %arg4[%add3A_233, %add3A_235, %dma_start3A_236] : memref<64x576x768xf32, #tpu.memory_space<hbm>> -> memref<1x24x768xf32, #tpu.memory_space<hbm>>
    %dma_start3A_238 = tpu.memref_squeeze %dma_start3A_237 : memref<1x24x768xf32, #tpu.memory_space<hbm>> -> memref<24x768xf32, #tpu.memory_space<hbm>>
    %dma_start3A_239 = arith.constant 0 : i32
    %dma_start3A_240 = tpu.memref_slice %arg4[%add3A_233, %add3A_235, %dma_start3A_239] : memref<64x576x768xf32, #tpu.memory_space<hbm>> -> memref<1x24x768xf32, #tpu.memory_space<hbm>>
    %dma_start3A_241 = tpu.memref_squeeze %dma_start3A_240 : memref<1x24x768xf32, #tpu.memory_space<hbm>> -> memref<24x768xf32, #tpu.memory_space<hbm>>
    tpu.enqueue_dma source(%arg8 : memref<24x768xf32, #tpu.memory_space<vmem>>) target(%dma_start3A_241 : memref<24x768xf32, #tpu.memory_space<hbm>>) target_semaphore(%arg17 : memref<!tpu.dma_semaphore, #tpu.memory_space<semaphore_mem>>)
    %mul3A_242 = arith.constant 16 : i32
    %mul3A_243 = arith.muli %select_n3A_9, %mul3A_242 : i32
    %add3A_244 = arith.constant 0 : i32
    %add3A_245 = arith.addi %mul3A_243, %add3A_244 : i32
    %add3A_246 = arith.constant 0 : i32
    %add3A_247 = arith.addi %mul3A_32, %add3A_246 : i32
    %dma_wait3A_248 = arith.constant 0 : i32
    %dma_wait3A_249 = tpu.memref_slice %arg2[%add3A_245, %add3A_247, %dma_wait3A_248] : memref<64x576x768xf32, #tpu.memory_space<hbm>> -> memref<1x24x768xf32, #tpu.memory_space<hbm>>
    %dma_wait3A_250 = tpu.memref_squeeze %dma_wait3A_249 : memref<1x24x768xf32, #tpu.memory_space<hbm>> -> memref<24x768xf32, #tpu.memory_space<hbm>>
    %dma_wait3A_251 = arith.constant 0 : i32
    %dma_wait3A_252 = tpu.memref_slice %arg2[%add3A_245, %add3A_247, %dma_wait3A_251] : memref<64x576x768xf32, #tpu.memory_space<hbm>> -> memref<1x24x768xf32, #tpu.memory_space<hbm>>
    %dma_wait3A_253 = tpu.memref_squeeze %dma_wait3A_252 : memref<1x24x768xf32, #tpu.memory_space<hbm>> -> memref<24x768xf32, #tpu.memory_space<hbm>>
    tpu.wait_dma2 semaphore(%arg10 : memref<!tpu.dma_semaphore, #tpu.memory_space<semaphore_mem>>) src(%dma_wait3A_253 : memref<24x768xf32, #tpu.memory_space<hbm>>) dst(%arg5 : memref<24x768xf32, #tpu.memory_space<vmem>>)
    %mul3A_254 = arith.constant 16 : i32
    %mul3A_255 = arith.muli %select_n3A_9, %mul3A_254 : i32
    %add3A_256 = arith.constant 0 : i32
    %add3A_257 = arith.addi %mul3A_255, %add3A_256 : i32
    %add3A_258 = arith.constant 0 : i32
    %add3A_259 = arith.addi %mul3A_32, %add3A_258 : i32
    %dma_wait3A_260 = arith.constant 0 : i32
    %dma_wait3A_261 = tpu.memref_slice %arg4[%add3A_257, %add3A_259, %dma_wait3A_260] : memref<64x576x768xf32, #tpu.memory_space<hbm>> -> memref<1x24x768xf32, #tpu.memory_space<hbm>>
    %dma_wait3A_262 = tpu.memref_squeeze %dma_wait3A_261 : memref<1x24x768xf32, #tpu.memory_space<hbm>> -> memref<24x768xf32, #tpu.memory_space<hbm>>
    %dma_wait3A_263 = arith.constant 0 : i32
    %dma_wait3A_264 = tpu.memref_slice %arg4[%add3A_257, %add3A_259, %dma_wait3A_263] : memref<64x576x768xf32, #tpu.memory_space<hbm>> -> memref<1x24x768xf32, #tpu.memory_space<hbm>>
    %dma_wait3A_265 = tpu.memref_squeeze %dma_wait3A_264 : memref<1x24x768xf32, #tpu.memory_space<hbm>> -> memref<24x768xf32, #tpu.memory_space<hbm>>
    tpu.wait_dma2 semaphore(%arg16 : memref<!tpu.dma_semaphore, #tpu.memory_space<semaphore_mem>>) src(%arg7 : memref<24x768xf32, #tpu.memory_space<vmem>>) dst(%dma_wait3A_265 : memref<24x768xf32, #tpu.memory_space<hbm>>)
    %mul3A_266 = arith.constant 16 : i32
    %mul3A_267 = arith.muli %select_n3A_9, %mul3A_266 : i32
    %add3A_268 = arith.constant 2 : i32
    %add3A_269 = arith.addi %mul3A_267, %add3A_268 : i32
    %add3A_270 = arith.constant 0 : i32
    %add3A_271 = arith.addi %mul3A_32, %add3A_270 : i32
    %dma_start3A_272 = arith.constant 0 : i32
    %dma_start3A_273 = tpu.memref_slice %arg2[%add3A_269, %add3A_271, %dma_start3A_272] : memref<64x576x768xf32, #tpu.memory_space<hbm>> -> memref<1x24x768xf32, #tpu.memory_space<hbm>>
    %dma_start3A_274 = tpu.memref_squeeze %dma_start3A_273 : memref<1x24x768xf32, #tpu.memory_space<hbm>> -> memref<24x768xf32, #tpu.memory_space<hbm>>
    %dma_start3A_275 = arith.constant 0 : i32
    %dma_start3A_276 = tpu.memref_slice %arg2[%add3A_269, %add3A_271, %dma_start3A_275] : memref<64x576x768xf32, #tpu.memory_space<hbm>> -> memref<1x24x768xf32, #tpu.memory_space<hbm>>
    %dma_start3A_277 = tpu.memref_squeeze %dma_start3A_276 : memref<1x24x768xf32, #tpu.memory_space<hbm>> -> memref<24x768xf32, #tpu.memory_space<hbm>>
    tpu.enqueue_dma source(%dma_start3A_277 : memref<24x768xf32, #tpu.memory_space<hbm>>) target(%arg7 : memref<24x768xf32, #tpu.memory_space<vmem>>) target_semaphore(%arg12 : memref<!tpu.dma_semaphore, #tpu.memory_space<semaphore_mem>>)
    %scan3A_278 = arith.constant 0 : i32
    %scan3A_279 = arith.constant 24 : i32
    %scan3A_280 = arith.addi %scan3A_278, %scan3A_279 : i32
    %scan3A_281 = arith.constant 1 : i32
    scf.for %scan3A_1307 = %scan3A_278 to %scan3A_280 step %scan3A_281  : i32 {
      %mul3A_1308 = arith.constant 1 : i32
      %mul3A_1309 = arith.muli %scan3A_1307, %mul3A_1308 : i32
      %add3A_1310 = arith.constant 0 : i32
      %add3A_1311 = arith.addi %add3A_1310, %mul3A_1309 : i32
      %parallel_loop3A = arith.constant 0 : i32
      %parallel_loop3A_1312 = arith.constant 768 : i32
      %parallel_loop3A_1313 = arith.constant 16 : i32
      scf.for %parallel_loop3A_1314 = %parallel_loop3A to %parallel_loop3A_1312 step %parallel_loop3A_1313  : i32 {
        %parallel_loop3A_1315 = arith.index_cast %add3A_1311 : i32 to index
        %parallel_loop3A_1316 = arith.index_cast %parallel_loop3A_1314 : i32 to index
        %parallel_loop3A_1317 = tpu.vector_load %arg5[%parallel_loop3A_1315, %parallel_loop3A_1316] {strides = array<i32>} : memref<24x768xf32, #tpu.memory_space<vmem>>, vector<1x16xf32>,
        %parallel_loop3A_1318 = vector.shape_cast %parallel_loop3A_1317 : vector<1x16xf32> to vector<16xf32>
        %parallel_loop3A_1319 = arith.constant 24 : i32
        %parallel_loop3A_1320 = arith.addi %parallel_loop3A_1319, %add3A_1311 : i32
        %parallel_loop3A_1321 = arith.index_cast %parallel_loop3A_1320 : i32 to index
        %parallel_loop3A_1322 = arith.index_cast %parallel_loop3A_1314 : i32 to index
        %parallel_loop3A_1323 = tpu.vector_load %arg9[%parallel_loop3A_1321, %parallel_loop3A_1322] {strides = array<i32>} : memref<72x768xf32, #tpu.memory_space<vmem>>, vector<1x16xf32>,
        %parallel_loop3A_1324 = vector.shape_cast %parallel_loop3A_1323 : vector<1x16xf32> to vector<16xf32>
        %parallel_loop3A_1325 = arith.addf %parallel_loop3A_1318, %parallel_loop3A_1324 : vector<16xf32>
        %parallel_loop3A_1326 = arith.index_cast %add3A_1311 : i32 to index
        %parallel_loop3A_1327 = arith.index_cast %parallel_loop3A_1314 : i32 to index
        %parallel_loop3A_1328 = tpu.vector_load %arg5[%parallel_loop3A_1326, %parallel_loop3A_1327] {strides = array<i32>} : memref<24x768xf32, #tpu.memory_space<vmem>>, vector<1x16xf32>,
        %parallel_loop3A_1329 = vector.shape_cast %parallel_loop3A_1328 : vector<1x16xf32> to vector<16xf32>
        %parallel_loop3A_1330 = vector.shape_cast %parallel_loop3A_1325 : vector<16xf32> to vector<1x16xf32>
        tpu.vector_store %arg5[%parallel_loop3A_1326, %parallel_loop3A_1327], %parallel_loop3A_1330 {strides = array<i32>} : memref<24x768xf32, #tpu.memory_space<vmem>>, vector<1x16xf32>,
      } {sc.loop_unroll_factor = 8 : i64, sc.parallel_access}
    }
    %scan3A_282 = arith.constant 24 : i32
    %mul3A_283 = arith.constant 16 : i32
    %mul3A_284 = arith.muli %select_n3A_9, %mul3A_283 : i32
    %add3A_285 = arith.constant 1 : i32
    %add3A_286 = arith.addi %mul3A_284, %add3A_285 : i32
    %add3A_287 = arith.constant 24 : i32
    %add3A_288 = arith.addi %mul3A_32, %add3A_287 : i32
    %dma_start3A_289 = arith.constant 0 : i32
    %dma_start3A_290 = tpu.memref_slice %arg4[%add3A_286, %add3A_288, %dma_start3A_289] : memref<64x576x768xf32, #tpu.memory_space<hbm>> -> memref<1x24x768xf32, #tpu.memory_space<hbm>>
    %dma_start3A_291 = tpu.memref_squeeze %dma_start3A_290 : memref<1x24x768xf32, #tpu.memory_space<hbm>> -> memref<24x768xf32, #tpu.memory_space<hbm>>
    %dma_start3A_292 = arith.constant 0 : i32
    %dma_start3A_293 = tpu.memref_slice %arg4[%add3A_286, %add3A_288, %dma_start3A_292] : memref<64x576x768xf32, #tpu.memory_space<hbm>> -> memref<1x24x768xf32, #tpu.memory_space<hbm>>
    %dma_start3A_294 = tpu.memref_squeeze %dma_start3A_293 : memref<1x24x768xf32, #tpu.memory_space<hbm>> -> memref<24x768xf32, #tpu.memory_space<hbm>>
    tpu.enqueue_dma source(%arg5 : memref<24x768xf32, #tpu.memory_space<vmem>>) target(%dma_start3A_294 : memref<24x768xf32, #tpu.memory_space<hbm>>) target_semaphore(%arg14 : memref<!tpu.dma_semaphore, #tpu.memory_space<semaphore_mem>>)
    %mul3A_295 = arith.constant 16 : i32
    %mul3A_296 = arith.muli %select_n3A_9, %mul3A_295 : i32
    %add3A_297 = arith.constant 0 : i32
    %add3A_298 = arith.addi %mul3A_296, %add3A_297 : i32
    %add3A_299 = arith.constant 0 : i32
    %add3A_300 = arith.addi %mul3A_32, %add3A_299 : i32
    %dma_wait3A_301 = arith.constant 0 : i32
    %dma_wait3A_302 = tpu.memref_slice %arg2[%add3A_298, %add3A_300, %dma_wait3A_301] : memref<64x576x768xf32, #tpu.memory_space<hbm>> -> memref<1x24x768xf32, #tpu.memory_space<hbm>>
    %dma_wait3A_303 = tpu.memref_squeeze %dma_wait3A_302 : memref<1x24x768xf32, #tpu.memory_space<hbm>> -> memref<24x768xf32, #tpu.memory_space<hbm>>
    %dma_wait3A_304 = arith.constant 0 : i32
    %dma_wait3A_305 = tpu.memref_slice %arg2[%add3A_298, %add3A_300, %dma_wait3A_304] : memref<64x576x768xf32, #tpu.memory_space<hbm>> -> memref<1x24x768xf32, #tpu.memory_space<hbm>>
    %dma_wait3A_306 = tpu.memref_squeeze %dma_wait3A_305 : memref<1x24x768xf32, #tpu.memory_space<hbm>> -> memref<24x768xf32, #tpu.memory_space<hbm>>
    tpu.wait_dma2 semaphore(%arg11 : memref<!tpu.dma_semaphore, #tpu.memory_space<semaphore_mem>>) src(%dma_wait3A_306 : memref<24x768xf32, #tpu.memory_space<hbm>>) dst(%arg6 : memref<24x768xf32, #tpu.memory_space<vmem>>)
    %mul3A_307 = arith.constant 16 : i32
    %mul3A_308 = arith.muli %select_n3A_9, %mul3A_307 : i32
    %add3A_309 = arith.constant 0 : i32
    %add3A_310 = arith.addi %mul3A_308, %add3A_309 : i32
    %add3A_311 = arith.constant 0 : i32
    %add3A_312 = arith.addi %mul3A_32, %add3A_311 : i32
    %dma_wait3A_313 = arith.constant 0 : i32
    %dma_wait3A_314 = tpu.memref_slice %arg4[%add3A_310, %add3A_312, %dma_wait3A_313] : memref<64x576x768xf32, #tpu.memory_space<hbm>> -> memref<1x24x768xf32, #tpu.memory_space<hbm>>
    %dma_wait3A_315 = tpu.memref_squeeze %dma_wait3A_314 : memref<1x24x768xf32, #tpu.memory_space<hbm>> -> memref<24x768xf32, #tpu.memory_space<hbm>>
    %dma_wait3A_316 = arith.constant 0 : i32
    %dma_wait3A_317 = tpu.memref_slice %arg4[%add3A_310, %add3A_312, %dma_wait3A_316] : memref<64x576x768xf32, #tpu.memory_space<hbm>> -> memref<1x24x768xf32, #tpu.memory_space<hbm>>
    %dma_wait3A_318 = tpu.memref_squeeze %dma_wait3A_317 : memref<1x24x768xf32, #tpu.memory_space<hbm>> -> memref<24x768xf32, #tpu.memory_space<hbm>>
    tpu.wait_dma2 semaphore(%arg17 : memref<!tpu.dma_semaphore, #tpu.memory_space<semaphore_mem>>) src(%arg8 : memref<24x768xf32, #tpu.memory_space<vmem>>) dst(%dma_wait3A_318 : memref<24x768xf32, #tpu.memory_space<hbm>>)
    %mul3A_319 = arith.constant 16 : i32
    %mul3A_320 = arith.muli %select_n3A_9, %mul3A_319 : i32
    %add3A_321 = arith.constant 2 : i32
    %add3A_322 = arith.addi %mul3A_320, %add3A_321 : i32
    %add3A_323 = arith.constant 24 : i32
    %add3A_324 = arith.addi %mul3A_32, %add3A_323 : i32
    %dma_start3A_325 = arith.constant 0 : i32
    %dma_start3A_326 = tpu.memref_slice %arg2[%add3A_322, %add3A_324, %dma_start3A_325] : memref<64x576x768xf32, #tpu.memory_space<hbm>> -> memref<1x24x768xf32, #tpu.memory_space<hbm>>
    %dma_start3A_327 = tpu.memref_squeeze %dma_start3A_326 : memref<1x24x768xf32, #tpu.memory_space<hbm>> -> memref<24x768xf32, #tpu.memory_space<hbm>>
    %dma_start3A_328 = arith.constant 0 : i32
    %dma_start3A_329 = tpu.memref_slice %arg2[%add3A_322, %add3A_324, %dma_start3A_328] : memref<64x576x768xf32, #tpu.memory_space<hbm>> -> memref<1x24x768xf32, #tpu.memory_space<hbm>>
    %dma_start3A_330 = tpu.memref_squeeze %dma_start3A_329 : memref<1x24x768xf32, #tpu.memory_space<hbm>> -> memref<24x768xf32, #tpu.memory_space<hbm>>
    tpu.enqueue_dma source(%dma_start3A_330 : memref<24x768xf32, #tpu.memory_space<hbm>>) target(%arg8 : memref<24x768xf32, #tpu.memory_space<vmem>>) target_semaphore(%arg13 : memref<!tpu.dma_semaphore, #tpu.memory_space<semaphore_mem>>)
    %scan3A_331 = arith.constant 0 : i32
    %scan3A_332 = arith.constant 24 : i32
    %scan3A_333 = arith.addi %scan3A_331, %scan3A_332 : i32
    %scan3A_334 = arith.constant 1 : i32
    scf.for %scan3A_1307 = %scan3A_331 to %scan3A_333 step %scan3A_334  : i32 {
      %mul3A_1308 = arith.constant 1 : i32
      %mul3A_1309 = arith.muli %scan3A_1307, %mul3A_1308 : i32
      %add3A_1310 = arith.constant 0 : i32
      %add3A_1311 = arith.addi %add3A_1310, %mul3A_1309 : i32
      %parallel_loop3A = arith.constant 0 : i32
      %parallel_loop3A_1312 = arith.constant 768 : i32
      %parallel_loop3A_1313 = arith.constant 16 : i32
      scf.for %parallel_loop3A_1314 = %parallel_loop3A to %parallel_loop3A_1312 step %parallel_loop3A_1313  : i32 {
        %parallel_loop3A_1315 = arith.index_cast %add3A_1311 : i32 to index
        %parallel_loop3A_1316 = arith.index_cast %parallel_loop3A_1314 : i32 to index
        %parallel_loop3A_1317 = tpu.vector_load %arg6[%parallel_loop3A_1315, %parallel_loop3A_1316] {strides = array<i32>} : memref<24x768xf32, #tpu.memory_space<vmem>>, vector<1x16xf32>,
        %parallel_loop3A_1318 = vector.shape_cast %parallel_loop3A_1317 : vector<1x16xf32> to vector<16xf32>
        %parallel_loop3A_1319 = arith.constant 48 : i32
        %parallel_loop3A_1320 = arith.addi %parallel_loop3A_1319, %add3A_1311 : i32
        %parallel_loop3A_1321 = arith.index_cast %parallel_loop3A_1320 : i32 to index
        %parallel_loop3A_1322 = arith.index_cast %parallel_loop3A_1314 : i32 to index
        %parallel_loop3A_1323 = tpu.vector_load %arg9[%parallel_loop3A_1321, %parallel_loop3A_1322] {strides = array<i32>} : memref<72x768xf32, #tpu.memory_space<vmem>>, vector<1x16xf32>,
        %parallel_loop3A_1324 = vector.shape_cast %parallel_loop3A_1323 : vector<1x16xf32> to vector<16xf32>
        %parallel_loop3A_1325 = arith.addf %parallel_loop3A_1318, %parallel_loop3A_1324 : vector<16xf32>
        %parallel_loop3A_1326 = arith.index_cast %add3A_1311 : i32 to index
        %parallel_loop3A_1327 = arith.index_cast %parallel_loop3A_1314 : i32 to index
        %parallel_loop3A_1328 = tpu.vector_load %arg6[%parallel_loop3A_1326, %parallel_loop3A_1327] {strides = array<i32>} : memref<24x768xf32, #tpu.memory_space<vmem>>, vector<1x16xf32>,
        %parallel_loop3A_1329 = vector.shape_cast %parallel_loop3A_1328 : vector<1x16xf32> to vector<16xf32>
        %parallel_loop3A_1330 = vector.shape_cast %parallel_loop3A_1325 : vector<16xf32> to vector<1x16xf32>
        tpu.vector_store %arg6[%parallel_loop3A_1326, %parallel_loop3A_1327], %parallel_loop3A_1330 {strides = array<i32>} : memref<24x768xf32, #tpu.memory_space<vmem>>, vector<1x16xf32>,
      } {sc.loop_unroll_factor = 8 : i64, sc.parallel_access}
    }
    %scan3A_335 = arith.constant 24 : i32
    %mul3A_336 = arith.constant 16 : i32
    %mul3A_337 = arith.muli %select_n3A_9, %mul3A_336 : i32
    %add3A_338 = arith.constant 1 : i32
    %add3A_339 = arith.addi %mul3A_337, %add3A_338 : i32
    %add3A_340 = arith.constant 48 : i32
    %add3A_341 = arith.addi %mul3A_32, %add3A_340 : i32
    %dma_start3A_342 = arith.constant 0 : i32
    %dma_start3A_343 = tpu.memref_slice %arg4[%add3A_339, %add3A_341, %dma_start3A_342] : memref<64x576x768xf32, #tpu.memory_space<hbm>> -> memref<1x24x768xf32, #tpu.memory_space<hbm>>
    %dma_start3A_344 = tpu.memref_squeeze %dma_start3A_343 : memref<1x24x768xf32, #tpu.memory_space<hbm>> -> memref<24x768xf32, #tpu.memory_space<hbm>>
    %dma_start3A_345 = arith.constant 0 : i32
    %dma_start3A_346 = tpu.memref_slice %arg4[%add3A_339, %add3A_341, %dma_start3A_345] : memref<64x576x768xf32, #tpu.memory_space<hbm>> -> memref<1x24x768xf32, #tpu.memory_space<hbm>>
    %dma_start3A_347 = tpu.memref_squeeze %dma_start3A_346 : memref<1x24x768xf32, #tpu.memory_space<hbm>> -> memref<24x768xf32, #tpu.memory_space<hbm>>
    tpu.enqueue_dma source(%arg6 : memref<24x768xf32, #tpu.memory_space<vmem>>) target(%dma_start3A_347 : memref<24x768xf32, #tpu.memory_space<hbm>>) target_semaphore(%arg15 : memref<!tpu.dma_semaphore, #tpu.memory_space<semaphore_mem>>)
    %mul3A_348 = arith.constant 16 : i32
    %mul3A_349 = arith.muli %select_n3A_9, %mul3A_348 : i32
    %add3A_350 = arith.constant 0 : i32
    %add3A_351 = arith.addi %mul3A_349, %add3A_350 : i32
    %add3A_352 = arith.constant 0 : i32
    %add3A_353 = arith.addi %mul3A_32, %add3A_352 : i32
    %dma_wait3A_354 = arith.constant 0 : i32
    %dma_wait3A_355 = tpu.memref_slice %arg2[%add3A_351, %add3A_353, %dma_wait3A_354] : memref<64x576x768xf32, #tpu.memory_space<hbm>> -> memref<1x24x768xf32, #tpu.memory_space<hbm>>
    %dma_wait3A_356 = tpu.memref_squeeze %dma_wait3A_355 : memref<1x24x768xf32, #tpu.memory_space<hbm>> -> memref<24x768xf32, #tpu.memory_space<hbm>>
    %dma_wait3A_357 = arith.constant 0 : i32
    %dma_wait3A_358 = tpu.memref_slice %arg2[%add3A_351, %add3A_353, %dma_wait3A_357] : memref<64x576x768xf32, #tpu.memory_space<hbm>> -> memref<1x24x768xf32, #tpu.memory_space<hbm>>
    %dma_wait3A_359 = tpu.memref_squeeze %dma_wait3A_358 : memref<1x24x768xf32, #tpu.memory_space<hbm>> -> memref<24x768xf32, #tpu.memory_space<hbm>>
    tpu.wait_dma2 semaphore(%arg12 : memref<!tpu.dma_semaphore, #tpu.memory_space<semaphore_mem>>) src(%dma_wait3A_359 : memref<24x768xf32, #tpu.memory_space<hbm>>) dst(%arg7 : memref<24x768xf32, #tpu.memory_space<vmem>>)
    %mul3A_360 = arith.constant 16 : i32
    %mul3A_361 = arith.muli %select_n3A_9, %mul3A_360 : i32
    %add3A_362 = arith.constant 0 : i32
    %add3A_363 = arith.addi %mul3A_361, %add3A_362 : i32
    %add3A_364 = arith.constant 0 : i32
    %add3A_365 = arith.addi %mul3A_32, %add3A_364 : i32
    %dma_wait3A_366 = arith.constant 0 : i32
    %dma_wait3A_367 = tpu.memref_slice %arg4[%add3A_363, %add3A_365, %dma_wait3A_366] : memref<64x576x768xf32, #tpu.memory_space<hbm>> -> memref<1x24x768xf32, #tpu.memory_space<hbm>>
    %dma_wait3A_368 = tpu.memref_squeeze %dma_wait3A_367 : memref<1x24x768xf32, #tpu.memory_space<hbm>> -> memref<24x768xf32, #tpu.memory_space<hbm>>
    %dma_wait3A_369 = arith.constant 0 : i32
    %dma_wait3A_370 = tpu.memref_slice %arg4[%add3A_363, %add3A_365, %dma_wait3A_369] : memref<64x576x768xf32, #tpu.memory_space<hbm>> -> memref<1x24x768xf32, #tpu.memory_space<hbm>>
    %dma_wait3A_371 = tpu.memref_squeeze %dma_wait3A_370 : memref<1x24x768xf32, #tpu.memory_space<hbm>> -> memref<24x768xf32, #tpu.memory_space<hbm>>
    tpu.wait_dma2 semaphore(%arg14 : memref<!tpu.dma_semaphore, #tpu.memory_space<semaphore_mem>>) src(%arg5 : memref<24x768xf32, #tpu.memory_space<vmem>>) dst(%dma_wait3A_371 : memref<24x768xf32, #tpu.memory_space<hbm>>)
    %mul3A_372 = arith.constant 16 : i32
    %mul3A_373 = arith.muli %select_n3A_9, %mul3A_372 : i32
    %add3A_374 = arith.constant 2 : i32
    %add3A_375 = arith.addi %mul3A_373, %add3A_374 : i32
    %add3A_376 = arith.constant 48 : i32
    %add3A_377 = arith.addi %mul3A_32, %add3A_376 : i32
    %dma_start3A_378 = arith.constant 0 : i32
    %dma_start3A_379 = tpu.memref_slice %arg2[%add3A_375, %add3A_377, %dma_start3A_378] : memref<64x576x768xf32, #tpu.memory_space<hbm>> -> memref<1x24x768xf32, #tpu.memory_space<hbm>>
    %dma_start3A_380 = tpu.memref_squeeze %dma_start3A_379 : memref<1x24x768xf32, #tpu.memory_space<hbm>> -> memref<24x768xf32, #tpu.memory_space<hbm>>
    %dma_start3A_381 = arith.constant 0 : i32
    %dma_start3A_382 = tpu.memref_slice %arg2[%add3A_375, %add3A_377, %dma_start3A_381] : memref<64x576x768xf32, #tpu.memory_space<hbm>> -> memref<1x24x768xf32, #tpu.memory_space<hbm>>
    %dma_start3A_383 = tpu.memref_squeeze %dma_start3A_382 : memref<1x24x768xf32, #tpu.memory_space<hbm>> -> memref<24x768xf32, #tpu.memory_space<hbm>>
    tpu.enqueue_dma source(%dma_start3A_383 : memref<24x768xf32, #tpu.memory_space<hbm>>) target(%arg5 : memref<24x768xf32, #tpu.memory_space<vmem>>) target_semaphore(%arg10 : memref<!tpu.dma_semaphore, #tpu.memory_space<semaphore_mem>>)
    %scan3A_384 = arith.constant 0 : i32
    %scan3A_385 = arith.constant 24 : i32
    %scan3A_386 = arith.addi %scan3A_384, %scan3A_385 : i32
    %scan3A_387 = arith.constant 1 : i32
    scf.for %scan3A_1307 = %scan3A_384 to %scan3A_386 step %scan3A_387  : i32 {
      %mul3A_1308 = arith.constant 1 : i32
      %mul3A_1309 = arith.muli %scan3A_1307, %mul3A_1308 : i32
      %add3A_1310 = arith.constant 0 : i32
      %add3A_1311 = arith.addi %add3A_1310, %mul3A_1309 : i32
      %parallel_loop3A = arith.constant 0 : i32
      %parallel_loop3A_1312 = arith.constant 768 : i32
      %parallel_loop3A_1313 = arith.constant 16 : i32
      scf.for %parallel_loop3A_1314 = %parallel_loop3A to %parallel_loop3A_1312 step %parallel_loop3A_1313  : i32 {
        %parallel_loop3A_1315 = arith.index_cast %add3A_1311 : i32 to index
        %parallel_loop3A_1316 = arith.index_cast %parallel_loop3A_1314 : i32 to index
        %parallel_loop3A_1317 = tpu.vector_load %arg7[%parallel_loop3A_1315, %parallel_loop3A_1316] {strides = array<i32>} : memref<24x768xf32, #tpu.memory_space<vmem>>, vector<1x16xf32>,
        %parallel_loop3A_1318 = vector.shape_cast %parallel_loop3A_1317 : vector<1x16xf32> to vector<16xf32>
        %parallel_loop3A_1319 = arith.constant 0 : i32
        %parallel_loop3A_1320 = arith.addi %parallel_loop3A_1319, %add3A_1311 : i32
        %parallel_loop3A_1321 = arith.index_cast %parallel_loop3A_1320 : i32 to index
        %parallel_loop3A_1322 = arith.index_cast %parallel_loop3A_1314 : i32 to index
        %parallel_loop3A_1323 = tpu.vector_load %arg9[%parallel_loop3A_1321, %parallel_loop3A_1322] {strides = array<i32>} : memref<72x768xf32, #tpu.memory_space<vmem>>, vector<1x16xf32>,
        %parallel_loop3A_1324 = vector.shape_cast %parallel_loop3A_1323 : vector<1x16xf32> to vector<16xf32>
        %parallel_loop3A_1325 = arith.addf %parallel_loop3A_1318, %parallel_loop3A_1324 : vector<16xf32>
        %parallel_loop3A_1326 = arith.index_cast %add3A_1311 : i32 to index
        %parallel_loop3A_1327 = arith.index_cast %parallel_loop3A_1314 : i32 to index
        %parallel_loop3A_1328 = tpu.vector_load %arg7[%parallel_loop3A_1326, %parallel_loop3A_1327] {strides = array<i32>} : memref<24x768xf32, #tpu.memory_space<vmem>>, vector<1x16xf32>,
        %parallel_loop3A_1329 = vector.shape_cast %parallel_loop3A_1328 : vector<1x16xf32> to vector<16xf32>
        %parallel_loop3A_1330 = vector.shape_cast %parallel_loop3A_1325 : vector<16xf32> to vector<1x16xf32>
        tpu.vector_store %arg7[%parallel_loop3A_1326, %parallel_loop3A_1327], %parallel_loop3A_1330 {strides = array<i32>} : memref<24x768xf32, #tpu.memory_space<vmem>>, vector<1x16xf32>,
      } {sc.loop_unroll_factor = 8 : i64, sc.parallel_access}
    }
    %scan3A_388 = arith.constant 24 : i32
    %mul3A_389 = arith.constant 16 : i32
    %mul3A_390 = arith.muli %select_n3A_9, %mul3A_389 : i32
    %add3A_391 = arith.constant 2 : i32
    %add3A_392 = arith.addi %mul3A_390, %add3A_391 : i32
    %add3A_393 = arith.constant 0 : i32
    %add3A_394 = arith.addi %mul3A_32, %add3A_393 : i32
    %dma_start3A_395 = arith.constant 0 : i32
    %dma_start3A_396 = tpu.memref_slice %arg4[%add3A_392, %add3A_394, %dma_start3A_395] : memref<64x576x768xf32, #tpu.memory_space<hbm>> -> memref<1x24x768xf32, #tpu.memory_space<hbm>>
    %dma_start3A_397 = tpu.memref_squeeze %dma_start3A_396 : memref<1x24x768xf32, #tpu.memory_space<hbm>> -> memref<24x768xf32, #tpu.memory_space<hbm>>
    %dma_start3A_398 = arith.constant 0 : i32
    %dma_start3A_399 = tpu.memref_slice %arg4[%add3A_392, %add3A_394, %dma_start3A_398] : memref<64x576x768xf32, #tpu.memory_space<hbm>> -> memref<1x24x768xf32, #tpu.memory_space<hbm>>
    %dma_start3A_400 = tpu.memref_squeeze %dma_start3A_399 : memref<1x24x768xf32, #tpu.memory_space<hbm>> -> memref<24x768xf32, #tpu.memory_space<hbm>>
    tpu.enqueue_dma source(%arg7 : memref<24x768xf32, #tpu.memory_space<vmem>>) target(%dma_start3A_400 : memref<24x768xf32, #tpu.memory_space<hbm>>) target_semaphore(%arg16 : memref<!tpu.dma_semaphore, #tpu.memory_space<semaphore_mem>>)
    %mul3A_401 = arith.constant 16 : i32
    %mul3A_402 = arith.muli %select_n3A_9, %mul3A_401 : i32
    %add3A_403 = arith.constant 0 : i32
    %add3A_404 = arith.addi %mul3A_402, %add3A_403 : i32
    %add3A_405 = arith.constant 0 : i32
    %add3A_406 = arith.addi %mul3A_32, %add3A_405 : i32
    %dma_wait3A_407 = arith.constant 0 : i32
    %dma_wait3A_408 = tpu.memref_slice %arg2[%add3A_404, %add3A_406, %dma_wait3A_407] : memref<64x576x768xf32, #tpu.memory_space<hbm>> -> memref<1x24x768xf32, #tpu.memory_space<hbm>>
    %dma_wait3A_409 = tpu.memref_squeeze %dma_wait3A_408 : memref<1x24x768xf32, #tpu.memory_space<hbm>> -> memref<24x768xf32, #tpu.memory_space<hbm>>
    %dma_wait3A_410 = arith.constant 0 : i32
    %dma_wait3A_411 = tpu.memref_slice %arg2[%add3A_404, %add3A_406, %dma_wait3A_410] : memref<64x576x768xf32, #tpu.memory_space<hbm>> -> memref<1x24x768xf32, #tpu.memory_space<hbm>>
    %dma_wait3A_412 = tpu.memref_squeeze %dma_wait3A_411 : memref<1x24x768xf32, #tpu.memory_space<hbm>> -> memref<24x768xf32, #tpu.memory_space<hbm>>
    tpu.wait_dma2 semaphore(%arg13 : memref<!tpu.dma_semaphore, #tpu.memory_space<semaphore_mem>>) src(%dma_wait3A_412 : memref<24x768xf32, #tpu.memory_space<hbm>>) dst(%arg8 : memref<24x768xf32, #tpu.memory_space<vmem>>)
    %mul3A_413 = arith.constant 16 : i32
    %mul3A_414 = arith.muli %select_n3A_9, %mul3A_413 : i32
    %add3A_415 = arith.constant 0 : i32
    %add3A_416 = arith.addi %mul3A_414, %add3A_415 : i32
    %add3A_417 = arith.constant 0 : i32
    %add3A_418 = arith.addi %mul3A_32, %add3A_417 : i32
    %dma_wait3A_419 = arith.constant 0 : i32
    %dma_wait3A_420 = tpu.memref_slice %arg4[%add3A_416, %add3A_418, %dma_wait3A_419] : memref<64x576x768xf32, #tpu.memory_space<hbm>> -> memref<1x24x768xf32, #tpu.memory_space<hbm>>
    %dma_wait3A_421 = tpu.memref_squeeze %dma_wait3A_420 : memref<1x24x768xf32, #tpu.memory_space<hbm>> -> memref<24x768xf32, #tpu.memory_space<hbm>>
    %dma_wait3A_422 = arith.constant 0 : i32
    %dma_wait3A_423 = tpu.memref_slice %arg4[%add3A_416, %add3A_418, %dma_wait3A_422] : memref<64x576x768xf32, #tpu.memory_space<hbm>> -> memref<1x24x768xf32, #tpu.memory_space<hbm>>
    %dma_wait3A_424 = tpu.memref_squeeze %dma_wait3A_423 : memref<1x24x768xf32, #tpu.memory_space<hbm>> -> memref<24x768xf32, #tpu.memory_space<hbm>>
    tpu.wait_dma2 semaphore(%arg15 : memref<!tpu.dma_semaphore, #tpu.memory_space<semaphore_mem>>) src(%arg6 : memref<24x768xf32, #tpu.memory_space<vmem>>) dst(%dma_wait3A_424 : memref<24x768xf32, #tpu.memory_space<hbm>>)
    %mul3A_425 = arith.constant 16 : i32
    %mul3A_426 = arith.muli %select_n3A_9, %mul3A_425 : i32
    %add3A_427 = arith.constant 3 : i32
    %add3A_428 = arith.addi %mul3A_426, %add3A_427 : i32
    %add3A_429 = arith.constant 0 : i32
    %add3A_430 = arith.addi %mul3A_32, %add3A_429 : i32
    %dma_start3A_431 = arith.constant 0 : i32
    %dma_start3A_432 = tpu.memref_slice %arg2[%add3A_428, %add3A_430, %dma_start3A_431] : memref<64x576x768xf32, #tpu.memory_space<hbm>> -> memref<1x24x768xf32, #tpu.memory_space<hbm>>
    %dma_start3A_433 = tpu.memref_squeeze %dma_start3A_432 : memref<1x24x768xf32, #tpu.memory_space<hbm>> -> memref<24x768xf32, #tpu.memory_space<hbm>>
    %dma_start3A_434 = arith.constant 0 : i32
    %dma_start3A_435 = tpu.memref_slice %arg2[%add3A_428, %add3A_430, %dma_start3A_434] : memref<64x576x768xf32, #tpu.memory_space<hbm>> -> memref<1x24x768xf32, #tpu.memory_space<hbm>>
    %dma_start3A_436 = tpu.memref_squeeze %dma_start3A_435 : memref<1x24x768xf32, #tpu.memory_space<hbm>> -> memref<24x768xf32, #tpu.memory_space<hbm>>
    tpu.enqueue_dma source(%dma_start3A_436 : memref<24x768xf32, #tpu.memory_space<hbm>>) target(%arg6 : memref<24x768xf32, #tpu.memory_space<vmem>>) target_semaphore(%arg11 : memref<!tpu.dma_semaphore, #tpu.memory_space<semaphore_mem>>)
    %scan3A_437 = arith.constant 0 : i32
    %scan3A_438 = arith.constant 24 : i32
    %scan3A_439 = arith.addi %scan3A_437, %scan3A_438 : i32
    %scan3A_440 = arith.constant 1 : i32
    scf.for %scan3A_1307 = %scan3A_437 to %scan3A_439 step %scan3A_440  : i32 {
      %mul3A_1308 = arith.constant 1 : i32
      %mul3A_1309 = arith.muli %scan3A_1307, %mul3A_1308 : i32
      %add3A_1310 = arith.constant 0 : i32
      %add3A_1311 = arith.addi %add3A_1310, %mul3A_1309 : i32
      %parallel_loop3A = arith.constant 0 : i32
      %parallel_loop3A_1312 = arith.constant 768 : i32
      %parallel_loop3A_1313 = arith.constant 16 : i32
      scf.for %parallel_loop3A_1314 = %parallel_loop3A to %parallel_loop3A_1312 step %parallel_loop3A_1313  : i32 {
        %parallel_loop3A_1315 = arith.index_cast %add3A_1311 : i32 to index
        %parallel_loop3A_1316 = arith.index_cast %parallel_loop3A_1314 : i32 to index
        %parallel_loop3A_1317 = tpu.vector_load %arg8[%parallel_loop3A_1315, %parallel_loop3A_1316] {strides = array<i32>} : memref<24x768xf32, #tpu.memory_space<vmem>>, vector<1x16xf32>,
        %parallel_loop3A_1318 = vector.shape_cast %parallel_loop3A_1317 : vector<1x16xf32> to vector<16xf32>
        %parallel_loop3A_1319 = arith.constant 24 : i32
        %parallel_loop3A_1320 = arith.addi %parallel_loop3A_1319, %add3A_1311 : i32
        %parallel_loop3A_1321 = arith.index_cast %parallel_loop3A_1320 : i32 to index
        %parallel_loop3A_1322 = arith.index_cast %parallel_loop3A_1314 : i32 to index
        %parallel_loop3A_1323 = tpu.vector_load %arg9[%parallel_loop3A_1321, %parallel_loop3A_1322] {strides = array<i32>} : memref<72x768xf32, #tpu.memory_space<vmem>>, vector<1x16xf32>,
        %parallel_loop3A_1324 = vector.shape_cast %parallel_loop3A_1323 : vector<1x16xf32> to vector<16xf32>
        %parallel_loop3A_1325 = arith.addf %parallel_loop3A_1318, %parallel_loop3A_1324 : vector<16xf32>
        %parallel_loop3A_1326 = arith.index_cast %add3A_1311 : i32 to index
        %parallel_loop3A_1327 = arith.index_cast %parallel_loop3A_1314 : i32 to index
        %parallel_loop3A_1328 = tpu.vector_load %arg8[%parallel_loop3A_1326, %parallel_loop3A_1327] {strides = array<i32>} : memref<24x768xf32, #tpu.memory_space<vmem>>, vector<1x16xf32>,
        %parallel_loop3A_1329 = vector.shape_cast %parallel_loop3A_1328 : vector<1x16xf32> to vector<16xf32>
        %parallel_loop3A_1330 = vector.shape_cast %parallel_loop3A_1325 : vector<16xf32> to vector<1x16xf32>
        tpu.vector_store %arg8[%parallel_loop3A_1326, %parallel_loop3A_1327], %parallel_loop3A_1330 {strides = array<i32>} : memref<24x768xf32, #tpu.memory_space<vmem>>, vector<1x16xf32>,
      } {sc.loop_unroll_factor = 8 : i64, sc.parallel_access}
    }
    %scan3A_441 = arith.constant 24 : i32
    %mul3A_442 = arith.constant 16 : i32
    %mul3A_443 = arith.muli %select_n3A_9, %mul3A_442 : i32
    %add3A_444 = arith.constant 2 : i32
    %add3A_445 = arith.addi %mul3A_443, %add3A_444 : i32
    %add3A_446 = arith.constant 24 : i32
    %add3A_447 = arith.addi %mul3A_32, %add3A_446 : i32
    %dma_start3A_448 = arith.constant 0 : i32
    %dma_start3A_449 = tpu.memref_slice %arg4[%add3A_445, %add3A_447, %dma_start3A_448] : memref<64x576x768xf32, #tpu.memory_space<hbm>> -> memref<1x24x768xf32, #tpu.memory_space<hbm>>
    %dma_start3A_450 = tpu.memref_squeeze %dma_start3A_449 : memref<1x24x768xf32, #tpu.memory_space<hbm>> -> memref<24x768xf32, #tpu.memory_space<hbm>>
    %dma_start3A_451 = arith.constant 0 : i32
    %dma_start3A_452 = tpu.memref_slice %arg4[%add3A_445, %add3A_447, %dma_start3A_451] : memref<64x576x768xf32, #tpu.memory_space<hbm>> -> memref<1x24x768xf32, #tpu.memory_space<hbm>>
    %dma_start3A_453 = tpu.memref_squeeze %dma_start3A_452 : memref<1x24x768xf32, #tpu.memory_space<hbm>> -> memref<24x768xf32, #tpu.memory_space<hbm>>
    tpu.enqueue_dma source(%arg8 : memref<24x768xf32, #tpu.memory_space<vmem>>) target(%dma_start3A_453 : memref<24x768xf32, #tpu.memory_space<hbm>>) target_semaphore(%arg17 : memref<!tpu.dma_semaphore, #tpu.memory_space<semaphore_mem>>)
    %mul3A_454 = arith.constant 16 : i32
    %mul3A_455 = arith.muli %select_n3A_9, %mul3A_454 : i32
    %add3A_456 = arith.constant 0 : i32
    %add3A_457 = arith.addi %mul3A_455, %add3A_456 : i32
    %add3A_458 = arith.constant 0 : i32
    %add3A_459 = arith.addi %mul3A_32, %add3A_458 : i32
    %dma_wait3A_460 = arith.constant 0 : i32
    %dma_wait3A_461 = tpu.memref_slice %arg2[%add3A_457, %add3A_459, %dma_wait3A_460] : memref<64x576x768xf32, #tpu.memory_space<hbm>> -> memref<1x24x768xf32, #tpu.memory_space<hbm>>
    %dma_wait3A_462 = tpu.memref_squeeze %dma_wait3A_461 : memref<1x24x768xf32, #tpu.memory_space<hbm>> -> memref<24x768xf32, #tpu.memory_space<hbm>>
    %dma_wait3A_463 = arith.constant 0 : i32
    %dma_wait3A_464 = tpu.memref_slice %arg2[%add3A_457, %add3A_459, %dma_wait3A_463] : memref<64x576x768xf32, #tpu.memory_space<hbm>> -> memref<1x24x768xf32, #tpu.memory_space<hbm>>
    %dma_wait3A_465 = tpu.memref_squeeze %dma_wait3A_464 : memref<1x24x768xf32, #tpu.memory_space<hbm>> -> memref<24x768xf32, #tpu.memory_space<hbm>>
    tpu.wait_dma2 semaphore(%arg10 : memref<!tpu.dma_semaphore, #tpu.memory_space<semaphore_mem>>) src(%dma_wait3A_465 : memref<24x768xf32, #tpu.memory_space<hbm>>) dst(%arg5 : memref<24x768xf32, #tpu.memory_space<vmem>>)
    %mul3A_466 = arith.constant 16 : i32
    %mul3A_467 = arith.muli %select_n3A_9, %mul3A_466 : i32
    %add3A_468 = arith.constant 0 : i32
    %add3A_469 = arith.addi %mul3A_467, %add3A_468 : i32
    %add3A_470 = arith.constant 0 : i32
    %add3A_471 = arith.addi %mul3A_32, %add3A_470 : i32
    %dma_wait3A_472 = arith.constant 0 : i32
    %dma_wait3A_473 = tpu.memref_slice %arg4[%add3A_469, %add3A_471, %dma_wait3A_472] : memref<64x576x768xf32, #tpu.memory_space<hbm>> -> memref<1x24x768xf32, #tpu.memory_space<hbm>>
    %dma_wait3A_474 = tpu.memref_squeeze %dma_wait3A_473 : memref<1x24x768xf32, #tpu.memory_space<hbm>> -> memref<24x768xf32, #tpu.memory_space<hbm>>
    %dma_wait3A_475 = arith.constant 0 : i32
    %dma_wait3A_476 = tpu.memref_slice %arg4[%add3A_469, %add3A_471, %dma_wait3A_475] : memref<64x576x768xf32, #tpu.memory_space<hbm>> -> memref<1x24x768xf32, #tpu.memory_space<hbm>>
    %dma_wait3A_477 = tpu.memref_squeeze %dma_wait3A_476 : memref<1x24x768xf32, #tpu.memory_space<hbm>> -> memref<24x768xf32, #tpu.memory_space<hbm>>
    tpu.wait_dma2 semaphore(%arg16 : memref<!tpu.dma_semaphore, #tpu.memory_space<semaphore_mem>>) src(%arg7 : memref<24x768xf32, #tpu.memory_space<vmem>>) dst(%dma_wait3A_477 : memref<24x768xf32, #tpu.memory_space<hbm>>)
    %mul3A_478 = arith.constant 16 : i32
    %mul3A_479 = arith.muli %select_n3A_9, %mul3A_478 : i32
    %add3A_480 = arith.constant 3 : i32
    %add3A_481 = arith.addi %mul3A_479, %add3A_480 : i32
    %add3A_482 = arith.constant 24 : i32
    %add3A_483 = arith.addi %mul3A_32, %add3A_482 : i32
    %dma_start3A_484 = arith.constant 0 : i32
    %dma_start3A_485 = tpu.memref_slice %arg2[%add3A_481, %add3A_483, %dma_start3A_484] : memref<64x576x768xf32, #tpu.memory_space<hbm>> -> memref<1x24x768xf32, #tpu.memory_space<hbm>>
    %dma_start3A_486 = tpu.memref_squeeze %dma_start3A_485 : memref<1x24x768xf32, #tpu.memory_space<hbm>> -> memref<24x768xf32, #tpu.memory_space<hbm>>
    %dma_start3A_487 = arith.constant 0 : i32
    %dma_start3A_488 = tpu.memref_slice %arg2[%add3A_481, %add3A_483, %dma_start3A_487] : memref<64x576x768xf32, #tpu.memory_space<hbm>> -> memref<1x24x768xf32, #tpu.memory_space<hbm>>
    %dma_start3A_489 = tpu.memref_squeeze %dma_start3A_488 : memref<1x24x768xf32, #tpu.memory_space<hbm>> -> memref<24x768xf32, #tpu.memory_space<hbm>>
    tpu.enqueue_dma source(%dma_start3A_489 : memref<24x768xf32, #tpu.memory_space<hbm>>) target(%arg7 : memref<24x768xf32, #tpu.memory_space<vmem>>) target_semaphore(%arg12 : memref<!tpu.dma_semaphore, #tpu.memory_space<semaphore_mem>>)
    %scan3A_490 = arith.constant 0 : i32
    %scan3A_491 = arith.constant 24 : i32
    %scan3A_492 = arith.addi %scan3A_490, %scan3A_491 : i32
    %scan3A_493 = arith.constant 1 : i32
    scf.for %scan3A_1307 = %scan3A_490 to %scan3A_492 step %scan3A_493  : i32 {
      %mul3A_1308 = arith.constant 1 : i32
      %mul3A_1309 = arith.muli %scan3A_1307, %mul3A_1308 : i32
      %add3A_1310 = arith.constant 0 : i32
      %add3A_1311 = arith.addi %add3A_1310, %mul3A_1309 : i32
      %parallel_loop3A = arith.constant 0 : i32
      %parallel_loop3A_1312 = arith.constant 768 : i32
      %parallel_loop3A_1313 = arith.constant 16 : i32
      scf.for %parallel_loop3A_1314 = %parallel_loop3A to %parallel_loop3A_1312 step %parallel_loop3A_1313  : i32 {
        %parallel_loop3A_1315 = arith.index_cast %add3A_1311 : i32 to index
        %parallel_loop3A_1316 = arith.index_cast %parallel_loop3A_1314 : i32 to index
        %parallel_loop3A_1317 = tpu.vector_load %arg5[%parallel_loop3A_1315, %parallel_loop3A_1316] {strides = array<i32>} : memref<24x768xf32, #tpu.memory_space<vmem>>, vector<1x16xf32>,
        %parallel_loop3A_1318 = vector.shape_cast %parallel_loop3A_1317 : vector<1x16xf32> to vector<16xf32>
        %parallel_loop3A_1319 = arith.constant 48 : i32
        %parallel_loop3A_1320 = arith.addi %parallel_loop3A_1319, %add3A_1311 : i32
        %parallel_loop3A_1321 = arith.index_cast %parallel_loop3A_1320 : i32 to index
        %parallel_loop3A_1322 = arith.index_cast %parallel_loop3A_1314 : i32 to index
        %parallel_loop3A_1323 = tpu.vector_load %arg9[%parallel_loop3A_1321, %parallel_loop3A_1322] {strides = array<i32>} : memref<72x768xf32, #tpu.memory_space<vmem>>, vector<1x16xf32>,
        %parallel_loop3A_1324 = vector.shape_cast %parallel_loop3A_1323 : vector<1x16xf32> to vector<16xf32>
        %parallel_loop3A_1325 = arith.addf %parallel_loop3A_1318, %parallel_loop3A_1324 : vector<16xf32>
        %parallel_loop3A_1326 = arith.index_cast %add3A_1311 : i32 to index
        %parallel_loop3A_1327 = arith.index_cast %parallel_loop3A_1314 : i32 to index
        %parallel_loop3A_1328 = tpu.vector_load %arg5[%parallel_loop3A_1326, %parallel_loop3A_1327] {strides = array<i32>} : memref<24x768xf32, #tpu.memory_space<vmem>>, vector<1x16xf32>,
        %parallel_loop3A_1329 = vector.shape_cast %parallel_loop3A_1328 : vector<1x16xf32> to vector<16xf32>
        %parallel_loop3A_1330 = vector.shape_cast %parallel_loop3A_1325 : vector<16xf32> to vector<1x16xf32>
        tpu.vector_store %arg5[%parallel_loop3A_1326, %parallel_loop3A_1327], %parallel_loop3A_1330 {strides = array<i32>} : memref<24x768xf32, #tpu.memory_space<vmem>>, vector<1x16xf32>,
      } {sc.loop_unroll_factor = 8 : i64, sc.parallel_access}
    }
    %scan3A_494 = arith.constant 24 : i32
    %mul3A_495 = arith.constant 16 : i32
    %mul3A_496 = arith.muli %select_n3A_9, %mul3A_495 : i32
    %add3A_497 = arith.constant 2 : i32
    %add3A_498 = arith.addi %mul3A_496, %add3A_497 : i32
    %add3A_499 = arith.constant 48 : i32
    %add3A_500 = arith.addi %mul3A_32, %add3A_499 : i32
    %dma_start3A_501 = arith.constant 0 : i32
    %dma_start3A_502 = tpu.memref_slice %arg4[%add3A_498, %add3A_500, %dma_start3A_501] : memref<64x576x768xf32, #tpu.memory_space<hbm>> -> memref<1x24x768xf32, #tpu.memory_space<hbm>>
    %dma_start3A_503 = tpu.memref_squeeze %dma_start3A_502 : memref<1x24x768xf32, #tpu.memory_space<hbm>> -> memref<24x768xf32, #tpu.memory_space<hbm>>
    %dma_start3A_504 = arith.constant 0 : i32
    %dma_start3A_505 = tpu.memref_slice %arg4[%add3A_498, %add3A_500, %dma_start3A_504] : memref<64x576x768xf32, #tpu.memory_space<hbm>> -> memref<1x24x768xf32, #tpu.memory_space<hbm>>
    %dma_start3A_506 = tpu.memref_squeeze %dma_start3A_505 : memref<1x24x768xf32, #tpu.memory_space<hbm>> -> memref<24x768xf32, #tpu.memory_space<hbm>>
    tpu.enqueue_dma source(%arg5 : memref<24x768xf32, #tpu.memory_space<vmem>>) target(%dma_start3A_506 : memref<24x768xf32, #tpu.memory_space<hbm>>) target_semaphore(%arg14 : memref<!tpu.dma_semaphore, #tpu.memory_space<semaphore_mem>>)
    %mul3A_507 = arith.constant 16 : i32
    %mul3A_508 = arith.muli %select_n3A_9, %mul3A_507 : i32
    %add3A_509 = arith.constant 0 : i32
    %add3A_510 = arith.addi %mul3A_508, %add3A_509 : i32
    %add3A_511 = arith.constant 0 : i32
    %add3A_512 = arith.addi %mul3A_32, %add3A_511 : i32
    %dma_wait3A_513 = arith.constant 0 : i32
    %dma_wait3A_514 = tpu.memref_slice %arg2[%add3A_510, %add3A_512, %dma_wait3A_513] : memref<64x576x768xf32, #tpu.memory_space<hbm>> -> memref<1x24x768xf32, #tpu.memory_space<hbm>>
    %dma_wait3A_515 = tpu.memref_squeeze %dma_wait3A_514 : memref<1x24x768xf32, #tpu.memory_space<hbm>> -> memref<24x768xf32, #tpu.memory_space<hbm>>
    %dma_wait3A_516 = arith.constant 0 : i32
    %dma_wait3A_517 = tpu.memref_slice %arg2[%add3A_510, %add3A_512, %dma_wait3A_516] : memref<64x576x768xf32, #tpu.memory_space<hbm>> -> memref<1x24x768xf32, #tpu.memory_space<hbm>>
    %dma_wait3A_518 = tpu.memref_squeeze %dma_wait3A_517 : memref<1x24x768xf32, #tpu.memory_space<hbm>> -> memref<24x768xf32, #tpu.memory_space<hbm>>
    tpu.wait_dma2 semaphore(%arg11 : memref<!tpu.dma_semaphore, #tpu.memory_space<semaphore_mem>>) src(%dma_wait3A_518 : memref<24x768xf32, #tpu.memory_space<hbm>>) dst(%arg6 : memref<24x768xf32, #tpu.memory_space<vmem>>)
    %mul3A_519 = arith.constant 16 : i32
    %mul3A_520 = arith.muli %select_n3A_9, %mul3A_519 : i32
    %add3A_521 = arith.constant 0 : i32
    %add3A_522 = arith.addi %mul3A_520, %add3A_521 : i32
    %add3A_523 = arith.constant 0 : i32
    %add3A_524 = arith.addi %mul3A_32, %add3A_523 : i32
    %dma_wait3A_525 = arith.constant 0 : i32
    %dma_wait3A_526 = tpu.memref_slice %arg4[%add3A_522, %add3A_524, %dma_wait3A_525] : memref<64x576x768xf32, #tpu.memory_space<hbm>> -> memref<1x24x768xf32, #tpu.memory_space<hbm>>
    %dma_wait3A_527 = tpu.memref_squeeze %dma_wait3A_526 : memref<1x24x768xf32, #tpu.memory_space<hbm>> -> memref<24x768xf32, #tpu.memory_space<hbm>>
    %dma_wait3A_528 = arith.constant 0 : i32
    %dma_wait3A_529 = tpu.memref_slice %arg4[%add3A_522, %add3A_524, %dma_wait3A_528] : memref<64x576x768xf32, #tpu.memory_space<hbm>> -> memref<1x24x768xf32, #tpu.memory_space<hbm>>
    %dma_wait3A_530 = tpu.memref_squeeze %dma_wait3A_529 : memref<1x24x768xf32, #tpu.memory_space<hbm>> -> memref<24x768xf32, #tpu.memory_space<hbm>>
    tpu.wait_dma2 semaphore(%arg17 : memref<!tpu.dma_semaphore, #tpu.memory_space<semaphore_mem>>) src(%arg8 : memref<24x768xf32, #tpu.memory_space<vmem>>) dst(%dma_wait3A_530 : memref<24x768xf32, #tpu.memory_space<hbm>>)
    %mul3A_531 = arith.constant 16 : i32
    %mul3A_532 = arith.muli %select_n3A_9, %mul3A_531 : i32
    %add3A_533 = arith.constant 3 : i32
    %add3A_534 = arith.addi %mul3A_532, %add3A_533 : i32
    %add3A_535 = arith.constant 48 : i32
    %add3A_536 = arith.addi %mul3A_32, %add3A_535 : i32
    %dma_start3A_537 = arith.constant 0 : i32
    %dma_start3A_538 = tpu.memref_slice %arg2[%add3A_534, %add3A_536, %dma_start3A_537] : memref<64x576x768xf32, #tpu.memory_space<hbm>> -> memref<1x24x768xf32, #tpu.memory_space<hbm>>
    %dma_start3A_539 = tpu.memref_squeeze %dma_start3A_538 : memref<1x24x768xf32, #tpu.memory_space<hbm>> -> memref<24x768xf32, #tpu.memory_space<hbm>>
    %dma_start3A_540 = arith.constant 0 : i32
    %dma_start3A_541 = tpu.memref_slice %arg2[%add3A_534, %add3A_536, %dma_start3A_540] : memref<64x576x768xf32, #tpu.memory_space<hbm>> -> memref<1x24x768xf32, #tpu.memory_space<hbm>>
    %dma_start3A_542 = tpu.memref_squeeze %dma_start3A_541 : memref<1x24x768xf32, #tpu.memory_space<hbm>> -> memref<24x768xf32, #tpu.memory_space<hbm>>
    tpu.enqueue_dma source(%dma_start3A_542 : memref<24x768xf32, #tpu.memory_space<hbm>>) target(%arg8 : memref<24x768xf32, #tpu.memory_space<vmem>>) target_semaphore(%arg13 : memref<!tpu.dma_semaphore, #tpu.memory_space<semaphore_mem>>)
    %scan3A_543 = arith.constant 0 : i32
    %scan3A_544 = arith.constant 24 : i32
    %scan3A_545 = arith.addi %scan3A_543, %scan3A_544 : i32
    %scan3A_546 = arith.constant 1 : i32
    scf.for %scan3A_1307 = %scan3A_543 to %scan3A_545 step %scan3A_546  : i32 {
      %mul3A_1308 = arith.constant 1 : i32
      %mul3A_1309 = arith.muli %scan3A_1307, %mul3A_1308 : i32
      %add3A_1310 = arith.constant 0 : i32
      %add3A_1311 = arith.addi %add3A_1310, %mul3A_1309 : i32
      %parallel_loop3A = arith.constant 0 : i32
      %parallel_loop3A_1312 = arith.constant 768 : i32
      %parallel_loop3A_1313 = arith.constant 16 : i32
      scf.for %parallel_loop3A_1314 = %parallel_loop3A to %parallel_loop3A_1312 step %parallel_loop3A_1313  : i32 {
        %parallel_loop3A_1315 = arith.index_cast %add3A_1311 : i32 to index
        %parallel_loop3A_1316 = arith.index_cast %parallel_loop3A_1314 : i32 to index
        %parallel_loop3A_1317 = tpu.vector_load %arg6[%parallel_loop3A_1315, %parallel_loop3A_1316] {strides = array<i32>} : memref<24x768xf32, #tpu.memory_space<vmem>>, vector<1x16xf32>,
        %parallel_loop3A_1318 = vector.shape_cast %parallel_loop3A_1317 : vector<1x16xf32> to vector<16xf32>
        %parallel_loop3A_1319 = arith.constant 0 : i32
        %parallel_loop3A_1320 = arith.addi %parallel_loop3A_1319, %add3A_1311 : i32
        %parallel_loop3A_1321 = arith.index_cast %parallel_loop3A_1320 : i32 to index
        %parallel_loop3A_1322 = arith.index_cast %parallel_loop3A_1314 : i32 to index
        %parallel_loop3A_1323 = tpu.vector_load %arg9[%parallel_loop3A_1321, %parallel_loop3A_1322] {strides = array<i32>} : memref<72x768xf32, #tpu.memory_space<vmem>>, vector<1x16xf32>,
        %parallel_loop3A_1324 = vector.shape_cast %parallel_loop3A_1323 : vector<1x16xf32> to vector<16xf32>
        %parallel_loop3A_1325 = arith.addf %parallel_loop3A_1318, %parallel_loop3A_1324 : vector<16xf32>
        %parallel_loop3A_1326 = arith.index_cast %add3A_1311 : i32 to index
        %parallel_loop3A_1327 = arith.index_cast %parallel_loop3A_1314 : i32 to index
        %parallel_loop3A_1328 = tpu.vector_load %arg6[%parallel_loop3A_1326, %parallel_loop3A_1327] {strides = array<i32>} : memref<24x768xf32, #tpu.memory_space<vmem>>, vector<1x16xf32>,
        %parallel_loop3A_1329 = vector.shape_cast %parallel_loop3A_1328 : vector<1x16xf32> to vector<16xf32>
        %parallel_loop3A_1330 = vector.shape_cast %parallel_loop3A_1325 : vector<16xf32> to vector<1x16xf32>
        tpu.vector_store %arg6[%parallel_loop3A_1326, %parallel_loop3A_1327], %parallel_loop3A_1330 {strides = array<i32>} : memref<24x768xf32, #tpu.memory_space<vmem>>, vector<1x16xf32>,
      } {sc.loop_unroll_factor = 8 : i64, sc.parallel_access}
    }
    %scan3A_547 = arith.constant 24 : i32
    %mul3A_548 = arith.constant 16 : i32
    %mul3A_549 = arith.muli %select_n3A_9, %mul3A_548 : i32
    %add3A_550 = arith.constant 3 : i32
    %add3A_551 = arith.addi %mul3A_549, %add3A_550 : i32
    %add3A_552 = arith.constant 0 : i32
    %add3A_553 = arith.addi %mul3A_32, %add3A_552 : i32
    %dma_start3A_554 = arith.constant 0 : i32
    %dma_start3A_555 = tpu.memref_slice %arg4[%add3A_551, %add3A_553, %dma_start3A_554] : memref<64x576x768xf32, #tpu.memory_space<hbm>> -> memref<1x24x768xf32, #tpu.memory_space<hbm>>
    %dma_start3A_556 = tpu.memref_squeeze %dma_start3A_555 : memref<1x24x768xf32, #tpu.memory_space<hbm>> -> memref<24x768xf32, #tpu.memory_space<hbm>>
    %dma_start3A_557 = arith.constant 0 : i32
    %dma_start3A_558 = tpu.memref_slice %arg4[%add3A_551, %add3A_553, %dma_start3A_557] : memref<64x576x768xf32, #tpu.memory_space<hbm>> -> memref<1x24x768xf32, #tpu.memory_space<hbm>>
    %dma_start3A_559 = tpu.memref_squeeze %dma_start3A_558 : memref<1x24x768xf32, #tpu.memory_space<hbm>> -> memref<24x768xf32, #tpu.memory_space<hbm>>
    tpu.enqueue_dma source(%arg6 : memref<24x768xf32, #tpu.memory_space<vmem>>) target(%dma_start3A_559 : memref<24x768xf32, #tpu.memory_space<hbm>>) target_semaphore(%arg15 : memref<!tpu.dma_semaphore, #tpu.memory_space<semaphore_mem>>)
    %mul3A_560 = arith.constant 16 : i32
    %mul3A_561 = arith.muli %select_n3A_9, %mul3A_560 : i32
    %add3A_562 = arith.constant 0 : i32
    %add3A_563 = arith.addi %mul3A_561, %add3A_562 : i32
    %add3A_564 = arith.constant 0 : i32
    %add3A_565 = arith.addi %mul3A_32, %add3A_564 : i32
    %dma_wait3A_566 = arith.constant 0 : i32
    %dma_wait3A_567 = tpu.memref_slice %arg2[%add3A_563, %add3A_565, %dma_wait3A_566] : memref<64x576x768xf32, #tpu.memory_space<hbm>> -> memref<1x24x768xf32, #tpu.memory_space<hbm>>
    %dma_wait3A_568 = tpu.memref_squeeze %dma_wait3A_567 : memref<1x24x768xf32, #tpu.memory_space<hbm>> -> memref<24x768xf32, #tpu.memory_space<hbm>>
    %dma_wait3A_569 = arith.constant 0 : i32
    %dma_wait3A_570 = tpu.memref_slice %arg2[%add3A_563, %add3A_565, %dma_wait3A_569] : memref<64x576x768xf32, #tpu.memory_space<hbm>> -> memref<1x24x768xf32, #tpu.memory_space<hbm>>
    %dma_wait3A_571 = tpu.memref_squeeze %dma_wait3A_570 : memref<1x24x768xf32, #tpu.memory_space<hbm>> -> memref<24x768xf32, #tpu.memory_space<hbm>>
    tpu.wait_dma2 semaphore(%arg12 : memref<!tpu.dma_semaphore, #tpu.memory_space<semaphore_mem>>) src(%dma_wait3A_571 : memref<24x768xf32, #tpu.memory_space<hbm>>) dst(%arg7 : memref<24x768xf32, #tpu.memory_space<vmem>>)
    %mul3A_572 = arith.constant 16 : i32
    %mul3A_573 = arith.muli %select_n3A_9, %mul3A_572 : i32
    %add3A_574 = arith.constant 0 : i32
    %add3A_575 = arith.addi %mul3A_573, %add3A_574 : i32
    %add3A_576 = arith.constant 0 : i32
    %add3A_577 = arith.addi %mul3A_32, %add3A_576 : i32
    %dma_wait3A_578 = arith.constant 0 : i32
    %dma_wait3A_579 = tpu.memref_slice %arg4[%add3A_575, %add3A_577, %dma_wait3A_578] : memref<64x576x768xf32, #tpu.memory_space<hbm>> -> memref<1x24x768xf32, #tpu.memory_space<hbm>>
    %dma_wait3A_580 = tpu.memref_squeeze %dma_wait3A_579 : memref<1x24x768xf32, #tpu.memory_space<hbm>> -> memref<24x768xf32, #tpu.memory_space<hbm>>
    %dma_wait3A_581 = arith.constant 0 : i32
    %dma_wait3A_582 = tpu.memref_slice %arg4[%add3A_575, %add3A_577, %dma_wait3A_581] : memref<64x576x768xf32, #tpu.memory_space<hbm>> -> memref<1x24x768xf32, #tpu.memory_space<hbm>>
    %dma_wait3A_583 = tpu.memref_squeeze %dma_wait3A_582 : memref<1x24x768xf32, #tpu.memory_space<hbm>> -> memref<24x768xf32, #tpu.memory_space<hbm>>
    tpu.wait_dma2 semaphore(%arg14 : memref<!tpu.dma_semaphore, #tpu.memory_space<semaphore_mem>>) src(%arg5 : memref<24x768xf32, #tpu.memory_space<vmem>>) dst(%dma_wait3A_583 : memref<24x768xf32, #tpu.memory_space<hbm>>)
    %mul3A_584 = arith.constant 16 : i32
    %mul3A_585 = arith.muli %select_n3A_9, %mul3A_584 : i32
    %add3A_586 = arith.constant 4 : i32
    %add3A_587 = arith.addi %mul3A_585, %add3A_586 : i32
    %add3A_588 = arith.constant 0 : i32
    %add3A_589 = arith.addi %mul3A_32, %add3A_588 : i32
    %dma_start3A_590 = arith.constant 0 : i32
    %dma_start3A_591 = tpu.memref_slice %arg2[%add3A_587, %add3A_589, %dma_start3A_590] : memref<64x576x768xf32, #tpu.memory_space<hbm>> -> memref<1x24x768xf32, #tpu.memory_space<hbm>>
    %dma_start3A_592 = tpu.memref_squeeze %dma_start3A_591 : memref<1x24x768xf32, #tpu.memory_space<hbm>> -> memref<24x768xf32, #tpu.memory_space<hbm>>
    %dma_start3A_593 = arith.constant 0 : i32
    %dma_start3A_594 = tpu.memref_slice %arg2[%add3A_587, %add3A_589, %dma_start3A_593] : memref<64x576x768xf32, #tpu.memory_space<hbm>> -> memref<1x24x768xf32, #tpu.memory_space<hbm>>
    %dma_start3A_595 = tpu.memref_squeeze %dma_start3A_594 : memref<1x24x768xf32, #tpu.memory_space<hbm>> -> memref<24x768xf32, #tpu.memory_space<hbm>>
    tpu.enqueue_dma source(%dma_start3A_595 : memref<24x768xf32, #tpu.memory_space<hbm>>) target(%arg5 : memref<24x768xf32, #tpu.memory_space<vmem>>) target_semaphore(%arg10 : memref<!tpu.dma_semaphore, #tpu.memory_space<semaphore_mem>>)
    %scan3A_596 = arith.constant 0 : i32
    %scan3A_597 = arith.constant 24 : i32
    %scan3A_598 = arith.addi %scan3A_596, %scan3A_597 : i32
    %scan3A_599 = arith.constant 1 : i32
    scf.for %scan3A_1307 = %scan3A_596 to %scan3A_598 step %scan3A_599  : i32 {
      %mul3A_1308 = arith.constant 1 : i32
      %mul3A_1309 = arith.muli %scan3A_1307, %mul3A_1308 : i32
      %add3A_1310 = arith.constant 0 : i32
      %add3A_1311 = arith.addi %add3A_1310, %mul3A_1309 : i32
      %parallel_loop3A = arith.constant 0 : i32
      %parallel_loop3A_1312 = arith.constant 768 : i32
      %parallel_loop3A_1313 = arith.constant 16 : i32
      scf.for %parallel_loop3A_1314 = %parallel_loop3A to %parallel_loop3A_1312 step %parallel_loop3A_1313  : i32 {
        %parallel_loop3A_1315 = arith.index_cast %add3A_1311 : i32 to index
        %parallel_loop3A_1316 = arith.index_cast %parallel_loop3A_1314 : i32 to index
        %parallel_loop3A_1317 = tpu.vector_load %arg7[%parallel_loop3A_1315, %parallel_loop3A_1316] {strides = array<i32>} : memref<24x768xf32, #tpu.memory_space<vmem>>, vector<1x16xf32>,
        %parallel_loop3A_1318 = vector.shape_cast %parallel_loop3A_1317 : vector<1x16xf32> to vector<16xf32>
        %parallel_loop3A_1319 = arith.constant 24 : i32
        %parallel_loop3A_1320 = arith.addi %parallel_loop3A_1319, %add3A_1311 : i32
        %parallel_loop3A_1321 = arith.index_cast %parallel_loop3A_1320 : i32 to index
        %parallel_loop3A_1322 = arith.index_cast %parallel_loop3A_1314 : i32 to index
        %parallel_loop3A_1323 = tpu.vector_load %arg9[%parallel_loop3A_1321, %parallel_loop3A_1322] {strides = array<i32>} : memref<72x768xf32, #tpu.memory_space<vmem>>, vector<1x16xf32>,
        %parallel_loop3A_1324 = vector.shape_cast %parallel_loop3A_1323 : vector<1x16xf32> to vector<16xf32>
        %parallel_loop3A_1325 = arith.addf %parallel_loop3A_1318, %parallel_loop3A_1324 : vector<16xf32>
        %parallel_loop3A_1326 = arith.index_cast %add3A_1311 : i32 to index
        %parallel_loop3A_1327 = arith.index_cast %parallel_loop3A_1314 : i32 to index
        %parallel_loop3A_1328 = tpu.vector_load %arg7[%parallel_loop3A_1326, %parallel_loop3A_1327] {strides = array<i32>} : memref<24x768xf32, #tpu.memory_space<vmem>>, vector<1x16xf32>,
        %parallel_loop3A_1329 = vector.shape_cast %parallel_loop3A_1328 : vector<1x16xf32> to vector<16xf32>
        %parallel_loop3A_1330 = vector.shape_cast %parallel_loop3A_1325 : vector<16xf32> to vector<1x16xf32>
        tpu.vector_store %arg7[%parallel_loop3A_1326, %parallel_loop3A_1327], %parallel_loop3A_1330 {strides = array<i32>} : memref<24x768xf32, #tpu.memory_space<vmem>>, vector<1x16xf32>,
      } {sc.loop_unroll_factor = 8 : i64, sc.parallel_access}
    }
    %scan3A_600 = arith.constant 24 : i32
    %mul3A_601 = arith.constant 16 : i32
    %mul3A_602 = arith.muli %select_n3A_9, %mul3A_601 : i32
    %add3A_603 = arith.constant 3 : i32
    %add3A_604 = arith.addi %mul3A_602, %add3A_603 : i32
    %add3A_605 = arith.constant 24 : i32
    %add3A_606 = arith.addi %mul3A_32, %add3A_605 : i32
    %dma_start3A_607 = arith.constant 0 : i32
    %dma_start3A_608 = tpu.memref_slice %arg4[%add3A_604, %add3A_606, %dma_start3A_607] : memref<64x576x768xf32, #tpu.memory_space<hbm>> -> memref<1x24x768xf32, #tpu.memory_space<hbm>>
    %dma_start3A_609 = tpu.memref_squeeze %dma_start3A_608 : memref<1x24x768xf32, #tpu.memory_space<hbm>> -> memref<24x768xf32, #tpu.memory_space<hbm>>
    %dma_start3A_610 = arith.constant 0 : i32
    %dma_start3A_611 = tpu.memref_slice %arg4[%add3A_604, %add3A_606, %dma_start3A_610] : memref<64x576x768xf32, #tpu.memory_space<hbm>> -> memref<1x24x768xf32, #tpu.memory_space<hbm>>
    %dma_start3A_612 = tpu.memref_squeeze %dma_start3A_611 : memref<1x24x768xf32, #tpu.memory_space<hbm>> -> memref<24x768xf32, #tpu.memory_space<hbm>>
    tpu.enqueue_dma source(%arg7 : memref<24x768xf32, #tpu.memory_space<vmem>>) target(%dma_start3A_612 : memref<24x768xf32, #tpu.memory_space<hbm>>) target_semaphore(%arg16 : memref<!tpu.dma_semaphore, #tpu.memory_space<semaphore_mem>>)
    %mul3A_613 = arith.constant 16 : i32
    %mul3A_614 = arith.muli %select_n3A_9, %mul3A_613 : i32
    %add3A_615 = arith.constant 0 : i32
    %add3A_616 = arith.addi %mul3A_614, %add3A_615 : i32
    %add3A_617 = arith.constant 0 : i32
    %add3A_618 = arith.addi %mul3A_32, %add3A_617 : i32
    %dma_wait3A_619 = arith.constant 0 : i32
    %dma_wait3A_620 = tpu.memref_slice %arg2[%add3A_616, %add3A_618, %dma_wait3A_619] : memref<64x576x768xf32, #tpu.memory_space<hbm>> -> memref<1x24x768xf32, #tpu.memory_space<hbm>>
    %dma_wait3A_621 = tpu.memref_squeeze %dma_wait3A_620 : memref<1x24x768xf32, #tpu.memory_space<hbm>> -> memref<24x768xf32, #tpu.memory_space<hbm>>
    %dma_wait3A_622 = arith.constant 0 : i32
    %dma_wait3A_623 = tpu.memref_slice %arg2[%add3A_616, %add3A_618, %dma_wait3A_622] : memref<64x576x768xf32, #tpu.memory_space<hbm>> -> memref<1x24x768xf32, #tpu.memory_space<hbm>>
    %dma_wait3A_624 = tpu.memref_squeeze %dma_wait3A_623 : memref<1x24x768xf32, #tpu.memory_space<hbm>> -> memref<24x768xf32, #tpu.memory_space<hbm>>
    tpu.wait_dma2 semaphore(%arg13 : memref<!tpu.dma_semaphore, #tpu.memory_space<semaphore_mem>>) src(%dma_wait3A_624 : memref<24x768xf32, #tpu.memory_space<hbm>>) dst(%arg8 : memref<24x768xf32, #tpu.memory_space<vmem>>)
    %mul3A_625 = arith.constant 16 : i32
    %mul3A_626 = arith.muli %select_n3A_9, %mul3A_625 : i32
    %add3A_627 = arith.constant 0 : i32
    %add3A_628 = arith.addi %mul3A_626, %add3A_627 : i32
    %add3A_629 = arith.constant 0 : i32
    %add3A_630 = arith.addi %mul3A_32, %add3A_629 : i32
    %dma_wait3A_631 = arith.constant 0 : i32
    %dma_wait3A_632 = tpu.memref_slice %arg4[%add3A_628, %add3A_630, %dma_wait3A_631] : memref<64x576x768xf32, #tpu.memory_space<hbm>> -> memref<1x24x768xf32, #tpu.memory_space<hbm>>
    %dma_wait3A_633 = tpu.memref_squeeze %dma_wait3A_632 : memref<1x24x768xf32, #tpu.memory_space<hbm>> -> memref<24x768xf32, #tpu.memory_space<hbm>>
    %dma_wait3A_634 = arith.constant 0 : i32
    %dma_wait3A_635 = tpu.memref_slice %arg4[%add3A_628, %add3A_630, %dma_wait3A_634] : memref<64x576x768xf32, #tpu.memory_space<hbm>> -> memref<1x24x768xf32, #tpu.memory_space<hbm>>
    %dma_wait3A_636 = tpu.memref_squeeze %dma_wait3A_635 : memref<1x24x768xf32, #tpu.memory_space<hbm>> -> memref<24x768xf32, #tpu.memory_space<hbm>>
    tpu.wait_dma2 semaphore(%arg15 : memref<!tpu.dma_semaphore, #tpu.memory_space<semaphore_mem>>) src(%arg6 : memref<24x768xf32, #tpu.memory_space<vmem>>) dst(%dma_wait3A_636 : memref<24x768xf32, #tpu.memory_space<hbm>>)
    %mul3A_637 = arith.constant 16 : i32
    %mul3A_638 = arith.muli %select_n3A_9, %mul3A_637 : i32
    %add3A_639 = arith.constant 4 : i32
    %add3A_640 = arith.addi %mul3A_638, %add3A_639 : i32
    %add3A_641 = arith.constant 24 : i32
    %add3A_642 = arith.addi %mul3A_32, %add3A_641 : i32
    %dma_start3A_643 = arith.constant 0 : i32
    %dma_start3A_644 = tpu.memref_slice %arg2[%add3A_640, %add3A_642, %dma_start3A_643] : memref<64x576x768xf32, #tpu.memory_space<hbm>> -> memref<1x24x768xf32, #tpu.memory_space<hbm>>
    %dma_start3A_645 = tpu.memref_squeeze %dma_start3A_644 : memref<1x24x768xf32, #tpu.memory_space<hbm>> -> memref<24x768xf32, #tpu.memory_space<hbm>>
    %dma_start3A_646 = arith.constant 0 : i32
    %dma_start3A_647 = tpu.memref_slice %arg2[%add3A_640, %add3A_642, %dma_start3A_646] : memref<64x576x768xf32, #tpu.memory_space<hbm>> -> memref<1x24x768xf32, #tpu.memory_space<hbm>>
    %dma_start3A_648 = tpu.memref_squeeze %dma_start3A_647 : memref<1x24x768xf32, #tpu.memory_space<hbm>> -> memref<24x768xf32, #tpu.memory_space<hbm>>
    tpu.enqueue_dma source(%dma_start3A_648 : memref<24x768xf32, #tpu.memory_space<hbm>>) target(%arg6 : memref<24x768xf32, #tpu.memory_space<vmem>>) target_semaphore(%arg11 : memref<!tpu.dma_semaphore, #tpu.memory_space<semaphore_mem>>)
    %scan3A_649 = arith.constant 0 : i32
    %scan3A_650 = arith.constant 24 : i32
    %scan3A_651 = arith.addi %scan3A_649, %scan3A_650 : i32
    %scan3A_652 = arith.constant 1 : i32
    scf.for %scan3A_1307 = %scan3A_649 to %scan3A_651 step %scan3A_652  : i32 {
      %mul3A_1308 = arith.constant 1 : i32
      %mul3A_1309 = arith.muli %scan3A_1307, %mul3A_1308 : i32
      %add3A_1310 = arith.constant 0 : i32
      %add3A_1311 = arith.addi %add3A_1310, %mul3A_1309 : i32
      %parallel_loop3A = arith.constant 0 : i32
      %parallel_loop3A_1312 = arith.constant 768 : i32
      %parallel_loop3A_1313 = arith.constant 16 : i32
      scf.for %parallel_loop3A_1314 = %parallel_loop3A to %parallel_loop3A_1312 step %parallel_loop3A_1313  : i32 {
        %parallel_loop3A_1315 = arith.index_cast %add3A_1311 : i32 to index
        %parallel_loop3A_1316 = arith.index_cast %parallel_loop3A_1314 : i32 to index
        %parallel_loop3A_1317 = tpu.vector_load %arg8[%parallel_loop3A_1315, %parallel_loop3A_1316] {strides = array<i32>} : memref<24x768xf32, #tpu.memory_space<vmem>>, vector<1x16xf32>,
        %parallel_loop3A_1318 = vector.shape_cast %parallel_loop3A_1317 : vector<1x16xf32> to vector<16xf32>
        %parallel_loop3A_1319 = arith.constant 48 : i32
        %parallel_loop3A_1320 = arith.addi %parallel_loop3A_1319, %add3A_1311 : i32
        %parallel_loop3A_1321 = arith.index_cast %parallel_loop3A_1320 : i32 to index
        %parallel_loop3A_1322 = arith.index_cast %parallel_loop3A_1314 : i32 to index
        %parallel_loop3A_1323 = tpu.vector_load %arg9[%parallel_loop3A_1321, %parallel_loop3A_1322] {strides = array<i32>} : memref<72x768xf32, #tpu.memory_space<vmem>>, vector<1x16xf32>,
        %parallel_loop3A_1324 = vector.shape_cast %parallel_loop3A_1323 : vector<1x16xf32> to vector<16xf32>
        %parallel_loop3A_1325 = arith.addf %parallel_loop3A_1318, %parallel_loop3A_1324 : vector<16xf32>
        %parallel_loop3A_1326 = arith.index_cast %add3A_1311 : i32 to index
        %parallel_loop3A_1327 = arith.index_cast %parallel_loop3A_1314 : i32 to index
        %parallel_loop3A_1328 = tpu.vector_load %arg8[%parallel_loop3A_1326, %parallel_loop3A_1327] {strides = array<i32>} : memref<24x768xf32, #tpu.memory_space<vmem>>, vector<1x16xf32>,
        %parallel_loop3A_1329 = vector.shape_cast %parallel_loop3A_1328 : vector<1x16xf32> to vector<16xf32>
        %parallel_loop3A_1330 = vector.shape_cast %parallel_loop3A_1325 : vector<16xf32> to vector<1x16xf32>
        tpu.vector_store %arg8[%parallel_loop3A_1326, %parallel_loop3A_1327], %parallel_loop3A_1330 {strides = array<i32>} : memref<24x768xf32, #tpu.memory_space<vmem>>, vector<1x16xf32>,
      } {sc.loop_unroll_factor = 8 : i64, sc.parallel_access}
    }
    %scan3A_653 = arith.constant 24 : i32
    %mul3A_654 = arith.constant 16 : i32
    %mul3A_655 = arith.muli %select_n3A_9, %mul3A_654 : i32
    %add3A_656 = arith.constant 3 : i32
    %add3A_657 = arith.addi %mul3A_655, %add3A_656 : i32
    %add3A_658 = arith.constant 48 : i32
    %add3A_659 = arith.addi %mul3A_32, %add3A_658 : i32
    %dma_start3A_660 = arith.constant 0 : i32
    %dma_start3A_661 = tpu.memref_slice %arg4[%add3A_657, %add3A_659, %dma_start3A_660] : memref<64x576x768xf32, #tpu.memory_space<hbm>> -> memref<1x24x768xf32, #tpu.memory_space<hbm>>
    %dma_start3A_662 = tpu.memref_squeeze %dma_start3A_661 : memref<1x24x768xf32, #tpu.memory_space<hbm>> -> memref<24x768xf32, #tpu.memory_space<hbm>>
    %dma_start3A_663 = arith.constant 0 : i32
    %dma_start3A_664 = tpu.memref_slice %arg4[%add3A_657, %add3A_659, %dma_start3A_663] : memref<64x576x768xf32, #tpu.memory_space<hbm>> -> memref<1x24x768xf32, #tpu.memory_space<hbm>>
    %dma_start3A_665 = tpu.memref_squeeze %dma_start3A_664 : memref<1x24x768xf32, #tpu.memory_space<hbm>> -> memref<24x768xf32, #tpu.memory_space<hbm>>
    tpu.enqueue_dma source(%arg8 : memref<24x768xf32, #tpu.memory_space<vmem>>) target(%dma_start3A_665 : memref<24x768xf32, #tpu.memory_space<hbm>>) target_semaphore(%arg17 : memref<!tpu.dma_semaphore, #tpu.memory_space<semaphore_mem>>)
    %scan3A_666 = arith.constant 0 : i32
    %scan3A_667 = arith.constant 2 : i32
    %scan3A_668 = arith.addi %scan3A_666, %scan3A_667 : i32
    %scan3A_669 = arith.constant 1 : i32
    scf.for %scan3A_1307 = %scan3A_666 to %scan3A_668 step %scan3A_669  : i32 {
      %mul3A_1308 = arith.constant 1 : i32
      %mul3A_1309 = arith.muli %scan3A_1307, %mul3A_1308 : i32
      %add3A_1310 = arith.constant 1 : i32
      %add3A_1311 = arith.addi %add3A_1310, %mul3A_1309 : i32
      %mul3A_1312 = arith.constant 4 : i32
      %mul3A_1313 = arith.muli %mul3A_1312, %add3A_1311 : i32
      %add3A_1314 = arith.constant 0 : i32
      %add3A_1315 = arith.addi %mul3A_1313, %add3A_1314 : i32
      %mul3A_1316 = arith.constant 16 : i32
      %mul3A_1317 = arith.muli %select_n3A_9, %mul3A_1316 : i32
      %add3A_1318 = arith.constant 0 : i32
      %add3A_1319 = arith.addi %mul3A_1317, %add3A_1318 : i32
      %add3A_1320 = arith.constant 0 : i32
      %add3A_1321 = arith.addi %mul3A_32, %add3A_1320 : i32
      %dma_wait3A_1322 = arith.constant 0 : i32
      %dma_wait3A_1323 = tpu.memref_slice %arg2[%add3A_1319, %add3A_1321, %dma_wait3A_1322] : memref<64x576x768xf32, #tpu.memory_space<hbm>> -> memref<1x24x768xf32, #tpu.memory_space<hbm>>
      %dma_wait3A_1324 = tpu.memref_squeeze %dma_wait3A_1323 : memref<1x24x768xf32, #tpu.memory_space<hbm>> -> memref<24x768xf32, #tpu.memory_space<hbm>>
      %dma_wait3A_1325 = arith.constant 0 : i32
      %dma_wait3A_1326 = tpu.memref_slice %arg2[%add3A_1319, %add3A_1321, %dma_wait3A_1325] : memref<64x576x768xf32, #tpu.memory_space<hbm>> -> memref<1x24x768xf32, #tpu.memory_space<hbm>>
      %dma_wait3A_1327 = tpu.memref_squeeze %dma_wait3A_1326 : memref<1x24x768xf32, #tpu.memory_space<hbm>> -> memref<24x768xf32, #tpu.memory_space<hbm>>
      tpu.wait_dma2 semaphore(%arg10 : memref<!tpu.dma_semaphore, #tpu.memory_space<semaphore_mem>>) src(%dma_wait3A_1327 : memref<24x768xf32, #tpu.memory_space<hbm>>) dst(%arg5 : memref<24x768xf32, #tpu.memory_space<vmem>>)
      %mul3A_1328 = arith.constant 4 : i32
      %mul3A_1329 = arith.muli %mul3A_1328, %add3A_1311 : i32
      %add3A_1330 = arith.constant 0 : i32
      %add3A_1331 = arith.addi %mul3A_1329, %add3A_1330 : i32
      %mul3A_1332 = arith.constant 16 : i32
      %mul3A_1333 = arith.muli %select_n3A_9, %mul3A_1332 : i32
      %add3A_1334 = arith.constant 0 : i32
      %add3A_1335 = arith.addi %mul3A_1333, %add3A_1334 : i32
      %add3A_1336 = arith.constant 0 : i32
      %add3A_1337 = arith.addi %mul3A_32, %add3A_1336 : i32
      %dma_wait3A_1338 = arith.constant 0 : i32
      %dma_wait3A_1339 = tpu.memref_slice %arg4[%add3A_1335, %add3A_1337, %dma_wait3A_1338] : memref<64x576x768xf32, #tpu.memory_space<hbm>> -> memref<1x24x768xf32, #tpu.memory_space<hbm>>
      %dma_wait3A_1340 = tpu.memref_squeeze %dma_wait3A_1339 : memref<1x24x768xf32, #tpu.memory_space<hbm>> -> memref<24x768xf32, #tpu.memory_space<hbm>>
      %dma_wait3A_1341 = arith.constant 0 : i32
      %dma_wait3A_1342 = tpu.memref_slice %arg4[%add3A_1335, %add3A_1337, %dma_wait3A_1341] : memref<64x576x768xf32, #tpu.memory_space<hbm>> -> memref<1x24x768xf32, #tpu.memory_space<hbm>>
      %dma_wait3A_1343 = tpu.memref_squeeze %dma_wait3A_1342 : memref<1x24x768xf32, #tpu.memory_space<hbm>> -> memref<24x768xf32, #tpu.memory_space<hbm>>
      tpu.wait_dma2 semaphore(%arg16 : memref<!tpu.dma_semaphore, #tpu.memory_space<semaphore_mem>>) src(%arg7 : memref<24x768xf32, #tpu.memory_space<vmem>>) dst(%dma_wait3A_1343 : memref<24x768xf32, #tpu.memory_space<hbm>>)
      %mul3A_1344 = arith.constant 16 : i32
      %mul3A_1345 = arith.muli %select_n3A_9, %mul3A_1344 : i32
      %add3A_1346 = arith.addi %mul3A_1345, %add3A_1331 : i32
      %add3A_1347 = arith.constant 48 : i32
      %add3A_1348 = arith.addi %mul3A_32, %add3A_1347 : i32
      %dma_start3A_1349 = arith.constant 0 : i32
      %dma_start3A_1350 = tpu.memref_slice %arg2[%add3A_1346, %add3A_1348, %dma_start3A_1349] : memref<64x576x768xf32, #tpu.memory_space<hbm>> -> memref<1x24x768xf32, #tpu.memory_space<hbm>>
      %dma_start3A_1351 = tpu.memref_squeeze %dma_start3A_1350 : memref<1x24x768xf32, #tpu.memory_space<hbm>> -> memref<24x768xf32, #tpu.memory_space<hbm>>
      %dma_start3A_1352 = arith.constant 0 : i32
      %dma_start3A_1353 = tpu.memref_slice %arg2[%add3A_1346, %add3A_1348, %dma_start3A_1352] : memref<64x576x768xf32, #tpu.memory_space<hbm>> -> memref<1x24x768xf32, #tpu.memory_space<hbm>>
      %dma_start3A_1354 = tpu.memref_squeeze %dma_start3A_1353 : memref<1x24x768xf32, #tpu.memory_space<hbm>> -> memref<24x768xf32, #tpu.memory_space<hbm>>
      tpu.enqueue_dma source(%dma_start3A_1354 : memref<24x768xf32, #tpu.memory_space<hbm>>) target(%arg7 : memref<24x768xf32, #tpu.memory_space<vmem>>) target_semaphore(%arg12 : memref<!tpu.dma_semaphore, #tpu.memory_space<semaphore_mem>>)
      %scan3A_1355 = arith.constant 0 : i32
      %scan3A_1356 = arith.constant 24 : i32
      %scan3A_1357 = arith.addi %scan3A_1355, %scan3A_1356 : i32
      %scan3A_1358 = arith.constant 1 : i32
      scf.for %scan3A_2020 = %scan3A_1355 to %scan3A_1357 step %scan3A_1358  : i32 {
        %mul3A_2021 = arith.constant 1 : i32
        %mul3A_2022 = arith.muli %scan3A_2020, %mul3A_2021 : i32
        %add3A_2023 = arith.constant 0 : i32
        %add3A_2024 = arith.addi %add3A_2023, %mul3A_2022 : i32
        %parallel_loop3A = arith.constant 0 : i32
        %parallel_loop3A_2025 = arith.constant 768 : i32
        %parallel_loop3A_2026 = arith.constant 16 : i32
        scf.for %parallel_loop3A_2027 = %parallel_loop3A to %parallel_loop3A_2025 step %parallel_loop3A_2026  : i32 {
          %parallel_loop3A_2028 = arith.index_cast %add3A_2024 : i32 to index
          %parallel_loop3A_2029 = arith.index_cast %parallel_loop3A_2027 : i32 to index
          %parallel_loop3A_2030 = tpu.vector_load %arg5[%parallel_loop3A_2028, %parallel_loop3A_2029] {strides = array<i32>} : memref<24x768xf32, #tpu.memory_space<vmem>>, vector<1x16xf32>,
          %parallel_loop3A_2031 = vector.shape_cast %parallel_loop3A_2030 : vector<1x16xf32> to vector<16xf32>
          %parallel_loop3A_2032 = arith.constant 0 : i32
          %parallel_loop3A_2033 = arith.addi %parallel_loop3A_2032, %add3A_2024 : i32
          %parallel_loop3A_2034 = arith.index_cast %parallel_loop3A_2033 : i32 to index
          %parallel_loop3A_2035 = arith.index_cast %parallel_loop3A_2027 : i32 to index
          %parallel_loop3A_2036 = tpu.vector_load %arg9[%parallel_loop3A_2034, %parallel_loop3A_2035] {strides = array<i32>} : memref<72x768xf32, #tpu.memory_space<vmem>>, vector<1x16xf32>,
          %parallel_loop3A_2037 = vector.shape_cast %parallel_loop3A_2036 : vector<1x16xf32> to vector<16xf32>
          %parallel_loop3A_2038 = arith.addf %parallel_loop3A_2031, %parallel_loop3A_2037 : vector<16xf32>
          %parallel_loop3A_2039 = arith.index_cast %add3A_2024 : i32 to index
          %parallel_loop3A_2040 = arith.index_cast %parallel_loop3A_2027 : i32 to index
          %parallel_loop3A_2041 = tpu.vector_load %arg5[%parallel_loop3A_2039, %parallel_loop3A_2040] {strides = array<i32>} : memref<24x768xf32, #tpu.memory_space<vmem>>, vector<1x16xf32>,
          %parallel_loop3A_2042 = vector.shape_cast %parallel_loop3A_2041 : vector<1x16xf32> to vector<16xf32>
          %parallel_loop3A_2043 = vector.shape_cast %parallel_loop3A_2038 : vector<16xf32> to vector<1x16xf32>
          tpu.vector_store %arg5[%parallel_loop3A_2039, %parallel_loop3A_2040], %parallel_loop3A_2043 {strides = array<i32>} : memref<24x768xf32, #tpu.memory_space<vmem>>, vector<1x16xf32>,
        } {sc.loop_unroll_factor = 8 : i64, sc.parallel_access}
      }
      %scan3A_1359 = arith.constant 24 : i32
      %mul3A_1360 = arith.constant 16 : i32
      %mul3A_1361 = arith.muli %select_n3A_9, %mul3A_1360 : i32
      %add3A_1362 = arith.addi %mul3A_1361, %add3A_1315 : i32
      %add3A_1363 = arith.constant 0 : i32
      %add3A_1364 = arith.addi %mul3A_32, %add3A_1363 : i32
      %dma_start3A_1365 = arith.constant 0 : i32
      %dma_start3A_1366 = tpu.memref_slice %arg4[%add3A_1362, %add3A_1364, %dma_start3A_1365] : memref<64x576x768xf32, #tpu.memory_space<hbm>> -> memref<1x24x768xf32, #tpu.memory_space<hbm>>
      %dma_start3A_1367 = tpu.memref_squeeze %dma_start3A_1366 : memref<1x24x768xf32, #tpu.memory_space<hbm>> -> memref<24x768xf32, #tpu.memory_space<hbm>>
      %dma_start3A_1368 = arith.constant 0 : i32
      %dma_start3A_1369 = tpu.memref_slice %arg4[%add3A_1362, %add3A_1364, %dma_start3A_1368] : memref<64x576x768xf32, #tpu.memory_space<hbm>> -> memref<1x24x768xf32, #tpu.memory_space<hbm>>
      %dma_start3A_1370 = tpu.memref_squeeze %dma_start3A_1369 : memref<1x24x768xf32, #tpu.memory_space<hbm>> -> memref<24x768xf32, #tpu.memory_space<hbm>>
      tpu.enqueue_dma source(%arg5 : memref<24x768xf32, #tpu.memory_space<vmem>>) target(%dma_start3A_1370 : memref<24x768xf32, #tpu.memory_space<hbm>>) target_semaphore(%arg14 : memref<!tpu.dma_semaphore, #tpu.memory_space<semaphore_mem>>)
      %mul3A_1371 = arith.constant 4 : i32
      %mul3A_1372 = arith.muli %mul3A_1371, %add3A_1311 : i32
      %add3A_1373 = arith.constant 0 : i32
      %add3A_1374 = arith.addi %mul3A_1372, %add3A_1373 : i32
      %mul3A_1375 = arith.constant 16 : i32
      %mul3A_1376 = arith.muli %select_n3A_9, %mul3A_1375 : i32
      %add3A_1377 = arith.constant 0 : i32
      %add3A_1378 = arith.addi %mul3A_1376, %add3A_1377 : i32
      %add3A_1379 = arith.constant 0 : i32
      %add3A_1380 = arith.addi %mul3A_32, %add3A_1379 : i32
      %dma_wait3A_1381 = arith.constant 0 : i32
      %dma_wait3A_1382 = tpu.memref_slice %arg2[%add3A_1378, %add3A_1380, %dma_wait3A_1381] : memref<64x576x768xf32, #tpu.memory_space<hbm>> -> memref<1x24x768xf32, #tpu.memory_space<hbm>>
      %dma_wait3A_1383 = tpu.memref_squeeze %dma_wait3A_1382 : memref<1x24x768xf32, #tpu.memory_space<hbm>> -> memref<24x768xf32, #tpu.memory_space<hbm>>
      %dma_wait3A_1384 = arith.constant 0 : i32
      %dma_wait3A_1385 = tpu.memref_slice %arg2[%add3A_1378, %add3A_1380, %dma_wait3A_1384] : memref<64x576x768xf32, #tpu.memory_space<hbm>> -> memref<1x24x768xf32, #tpu.memory_space<hbm>>
      %dma_wait3A_1386 = tpu.memref_squeeze %dma_wait3A_1385 : memref<1x24x768xf32, #tpu.memory_space<hbm>> -> memref<24x768xf32, #tpu.memory_space<hbm>>
      tpu.wait_dma2 semaphore(%arg11 : memref<!tpu.dma_semaphore, #tpu.memory_space<semaphore_mem>>) src(%dma_wait3A_1386 : memref<24x768xf32, #tpu.memory_space<hbm>>) dst(%arg6 : memref<24x768xf32, #tpu.memory_space<vmem>>)
      %mul3A_1387 = arith.constant 4 : i32
      %mul3A_1388 = arith.muli %mul3A_1387, %add3A_1311 : i32
      %add3A_1389 = arith.constant 1 : i32
      %add3A_1390 = arith.addi %mul3A_1388, %add3A_1389 : i32
      %mul3A_1391 = arith.constant 16 : i32
      %mul3A_1392 = arith.muli %select_n3A_9, %mul3A_1391 : i32
      %add3A_1393 = arith.constant 0 : i32
      %add3A_1394 = arith.addi %mul3A_1392, %add3A_1393 : i32
      %add3A_1395 = arith.constant 0 : i32
      %add3A_1396 = arith.addi %mul3A_32, %add3A_1395 : i32
      %dma_wait3A_1397 = arith.constant 0 : i32
      %dma_wait3A_1398 = tpu.memref_slice %arg4[%add3A_1394, %add3A_1396, %dma_wait3A_1397] : memref<64x576x768xf32, #tpu.memory_space<hbm>> -> memref<1x24x768xf32, #tpu.memory_space<hbm>>
      %dma_wait3A_1399 = tpu.memref_squeeze %dma_wait3A_1398 : memref<1x24x768xf32, #tpu.memory_space<hbm>> -> memref<24x768xf32, #tpu.memory_space<hbm>>
      %dma_wait3A_1400 = arith.constant 0 : i32
      %dma_wait3A_1401 = tpu.memref_slice %arg4[%add3A_1394, %add3A_1396, %dma_wait3A_1400] : memref<64x576x768xf32, #tpu.memory_space<hbm>> -> memref<1x24x768xf32, #tpu.memory_space<hbm>>
      %dma_wait3A_1402 = tpu.memref_squeeze %dma_wait3A_1401 : memref<1x24x768xf32, #tpu.memory_space<hbm>> -> memref<24x768xf32, #tpu.memory_space<hbm>>
      tpu.wait_dma2 semaphore(%arg17 : memref<!tpu.dma_semaphore, #tpu.memory_space<semaphore_mem>>) src(%arg8 : memref<24x768xf32, #tpu.memory_space<vmem>>) dst(%dma_wait3A_1402 : memref<24x768xf32, #tpu.memory_space<hbm>>)
      %mul3A_1403 = arith.constant 16 : i32
      %mul3A_1404 = arith.muli %select_n3A_9, %mul3A_1403 : i32
      %add3A_1405 = arith.addi %mul3A_1404, %add3A_1390 : i32
      %add3A_1406 = arith.constant 0 : i32
      %add3A_1407 = arith.addi %mul3A_32, %add3A_1406 : i32
      %dma_start3A_1408 = arith.constant 0 : i32
      %dma_start3A_1409 = tpu.memref_slice %arg2[%add3A_1405, %add3A_1407, %dma_start3A_1408] : memref<64x576x768xf32, #tpu.memory_space<hbm>> -> memref<1x24x768xf32, #tpu.memory_space<hbm>>
      %dma_start3A_1410 = tpu.memref_squeeze %dma_start3A_1409 : memref<1x24x768xf32, #tpu.memory_space<hbm>> -> memref<24x768xf32, #tpu.memory_space<hbm>>
      %dma_start3A_1411 = arith.constant 0 : i32
      %dma_start3A_1412 = tpu.memref_slice %arg2[%add3A_1405, %add3A_1407, %dma_start3A_1411] : memref<64x576x768xf32, #tpu.memory_space<hbm>> -> memref<1x24x768xf32, #tpu.memory_space<hbm>>
      %dma_start3A_1413 = tpu.memref_squeeze %dma_start3A_1412 : memref<1x24x768xf32, #tpu.memory_space<hbm>> -> memref<24x768xf32, #tpu.memory_space<hbm>>
      tpu.enqueue_dma source(%dma_start3A_1413 : memref<24x768xf32, #tpu.memory_space<hbm>>) target(%arg8 : memref<24x768xf32, #tpu.memory_space<vmem>>) target_semaphore(%arg13 : memref<!tpu.dma_semaphore, #tpu.memory_space<semaphore_mem>>)
      %scan3A_1414 = arith.constant 0 : i32
      %scan3A_1415 = arith.constant 24 : i32
      %scan3A_1416 = arith.addi %scan3A_1414, %scan3A_1415 : i32
      %scan3A_1417 = arith.constant 1 : i32
      scf.for %scan3A_2020 = %scan3A_1414 to %scan3A_1416 step %scan3A_1417  : i32 {
        %mul3A_2021 = arith.constant 1 : i32
        %mul3A_2022 = arith.muli %scan3A_2020, %mul3A_2021 : i32
        %add3A_2023 = arith.constant 0 : i32
        %add3A_2024 = arith.addi %add3A_2023, %mul3A_2022 : i32
        %parallel_loop3A = arith.constant 0 : i32
        %parallel_loop3A_2025 = arith.constant 768 : i32
        %parallel_loop3A_2026 = arith.constant 16 : i32
        scf.for %parallel_loop3A_2027 = %parallel_loop3A to %parallel_loop3A_2025 step %parallel_loop3A_2026  : i32 {
          %parallel_loop3A_2028 = arith.index_cast %add3A_2024 : i32 to index
          %parallel_loop3A_2029 = arith.index_cast %parallel_loop3A_2027 : i32 to index
          %parallel_loop3A_2030 = tpu.vector_load %arg6[%parallel_loop3A_2028, %parallel_loop3A_2029] {strides = array<i32>} : memref<24x768xf32, #tpu.memory_space<vmem>>, vector<1x16xf32>,
          %parallel_loop3A_2031 = vector.shape_cast %parallel_loop3A_2030 : vector<1x16xf32> to vector<16xf32>
          %parallel_loop3A_2032 = arith.constant 24 : i32
          %parallel_loop3A_2033 = arith.addi %parallel_loop3A_2032, %add3A_2024 : i32
          %parallel_loop3A_2034 = arith.index_cast %parallel_loop3A_2033 : i32 to index
          %parallel_loop3A_2035 = arith.index_cast %parallel_loop3A_2027 : i32 to index
          %parallel_loop3A_2036 = tpu.vector_load %arg9[%parallel_loop3A_2034, %parallel_loop3A_2035] {strides = array<i32>} : memref<72x768xf32, #tpu.memory_space<vmem>>, vector<1x16xf32>,
          %parallel_loop3A_2037 = vector.shape_cast %parallel_loop3A_2036 : vector<1x16xf32> to vector<16xf32>
          %parallel_loop3A_2038 = arith.addf %parallel_loop3A_2031, %parallel_loop3A_2037 : vector<16xf32>
          %parallel_loop3A_2039 = arith.index_cast %add3A_2024 : i32 to index
          %parallel_loop3A_2040 = arith.index_cast %parallel_loop3A_2027 : i32 to index
          %parallel_loop3A_2041 = tpu.vector_load %arg6[%parallel_loop3A_2039, %parallel_loop3A_2040] {strides = array<i32>} : memref<24x768xf32, #tpu.memory_space<vmem>>, vector<1x16xf32>,
          %parallel_loop3A_2042 = vector.shape_cast %parallel_loop3A_2041 : vector<1x16xf32> to vector<16xf32>
          %parallel_loop3A_2043 = vector.shape_cast %parallel_loop3A_2038 : vector<16xf32> to vector<1x16xf32>
          tpu.vector_store %arg6[%parallel_loop3A_2039, %parallel_loop3A_2040], %parallel_loop3A_2043 {strides = array<i32>} : memref<24x768xf32, #tpu.memory_space<vmem>>, vector<1x16xf32>,
        } {sc.loop_unroll_factor = 8 : i64, sc.parallel_access}
      }
      %scan3A_1418 = arith.constant 24 : i32
      %mul3A_1419 = arith.constant 16 : i32
      %mul3A_1420 = arith.muli %select_n3A_9, %mul3A_1419 : i32
      %add3A_1421 = arith.addi %mul3A_1420, %add3A_1374 : i32
      %add3A_1422 = arith.constant 24 : i32
      %add3A_1423 = arith.addi %mul3A_32, %add3A_1422 : i32
      %dma_start3A_1424 = arith.constant 0 : i32
      %dma_start3A_1425 = tpu.memref_slice %arg4[%add3A_1421, %add3A_1423, %dma_start3A_1424] : memref<64x576x768xf32, #tpu.memory_space<hbm>> -> memref<1x24x768xf32, #tpu.memory_space<hbm>>
      %dma_start3A_1426 = tpu.memref_squeeze %dma_start3A_1425 : memref<1x24x768xf32, #tpu.memory_space<hbm>> -> memref<24x768xf32, #tpu.memory_space<hbm>>
      %dma_start3A_1427 = arith.constant 0 : i32
      %dma_start3A_1428 = tpu.memref_slice %arg4[%add3A_1421, %add3A_1423, %dma_start3A_1427] : memref<64x576x768xf32, #tpu.memory_space<hbm>> -> memref<1x24x768xf32, #tpu.memory_space<hbm>>
      %dma_start3A_1429 = tpu.memref_squeeze %dma_start3A_1428 : memref<1x24x768xf32, #tpu.memory_space<hbm>> -> memref<24x768xf32, #tpu.memory_space<hbm>>
      tpu.enqueue_dma source(%arg6 : memref<24x768xf32, #tpu.memory_space<vmem>>) target(%dma_start3A_1429 : memref<24x768xf32, #tpu.memory_space<hbm>>) target_semaphore(%arg15 : memref<!tpu.dma_semaphore, #tpu.memory_space<semaphore_mem>>)
      %mul3A_1430 = arith.constant 4 : i32
      %mul3A_1431 = arith.muli %mul3A_1430, %add3A_1311 : i32
      %add3A_1432 = arith.constant 0 : i32
      %add3A_1433 = arith.addi %mul3A_1431, %add3A_1432 : i32
      %mul3A_1434 = arith.constant 16 : i32
      %mul3A_1435 = arith.muli %select_n3A_9, %mul3A_1434 : i32
      %add3A_1436 = arith.constant 0 : i32
      %add3A_1437 = arith.addi %mul3A_1435, %add3A_1436 : i32
      %add3A_1438 = arith.constant 0 : i32
      %add3A_1439 = arith.addi %mul3A_32, %add3A_1438 : i32
      %dma_wait3A_1440 = arith.constant 0 : i32
      %dma_wait3A_1441 = tpu.memref_slice %arg2[%add3A_1437, %add3A_1439, %dma_wait3A_1440] : memref<64x576x768xf32, #tpu.memory_space<hbm>> -> memref<1x24x768xf32, #tpu.memory_space<hbm>>
      %dma_wait3A_1442 = tpu.memref_squeeze %dma_wait3A_1441 : memref<1x24x768xf32, #tpu.memory_space<hbm>> -> memref<24x768xf32, #tpu.memory_space<hbm>>
      %dma_wait3A_1443 = arith.constant 0 : i32
      %dma_wait3A_1444 = tpu.memref_slice %arg2[%add3A_1437, %add3A_1439, %dma_wait3A_1443] : memref<64x576x768xf32, #tpu.memory_space<hbm>> -> memref<1x24x768xf32, #tpu.memory_space<hbm>>
      %dma_wait3A_1445 = tpu.memref_squeeze %dma_wait3A_1444 : memref<1x24x768xf32, #tpu.memory_space<hbm>> -> memref<24x768xf32, #tpu.memory_space<hbm>>
      tpu.wait_dma2 semaphore(%arg12 : memref<!tpu.dma_semaphore, #tpu.memory_space<semaphore_mem>>) src(%dma_wait3A_1445 : memref<24x768xf32, #tpu.memory_space<hbm>>) dst(%arg7 : memref<24x768xf32, #tpu.memory_space<vmem>>)
      %mul3A_1446 = arith.constant 4 : i32
      %mul3A_1447 = arith.muli %mul3A_1446, %add3A_1311 : i32
      %add3A_1448 = arith.constant 1 : i32
      %add3A_1449 = arith.addi %mul3A_1447, %add3A_1448 : i32
      %mul3A_1450 = arith.constant 16 : i32
      %mul3A_1451 = arith.muli %select_n3A_9, %mul3A_1450 : i32
      %add3A_1452 = arith.constant 0 : i32
      %add3A_1453 = arith.addi %mul3A_1451, %add3A_1452 : i32
      %add3A_1454 = arith.constant 0 : i32
      %add3A_1455 = arith.addi %mul3A_32, %add3A_1454 : i32
      %dma_wait3A_1456 = arith.constant 0 : i32
      %dma_wait3A_1457 = tpu.memref_slice %arg4[%add3A_1453, %add3A_1455, %dma_wait3A_1456] : memref<64x576x768xf32, #tpu.memory_space<hbm>> -> memref<1x24x768xf32, #tpu.memory_space<hbm>>
      %dma_wait3A_1458 = tpu.memref_squeeze %dma_wait3A_1457 : memref<1x24x768xf32, #tpu.memory_space<hbm>> -> memref<24x768xf32, #tpu.memory_space<hbm>>
      %dma_wait3A_1459 = arith.constant 0 : i32
      %dma_wait3A_1460 = tpu.memref_slice %arg4[%add3A_1453, %add3A_1455, %dma_wait3A_1459] : memref<64x576x768xf32, #tpu.memory_space<hbm>> -> memref<1x24x768xf32, #tpu.memory_space<hbm>>
      %dma_wait3A_1461 = tpu.memref_squeeze %dma_wait3A_1460 : memref<1x24x768xf32, #tpu.memory_space<hbm>> -> memref<24x768xf32, #tpu.memory_space<hbm>>
      tpu.wait_dma2 semaphore(%arg14 : memref<!tpu.dma_semaphore, #tpu.memory_space<semaphore_mem>>) src(%arg5 : memref<24x768xf32, #tpu.memory_space<vmem>>) dst(%dma_wait3A_1461 : memref<24x768xf32, #tpu.memory_space<hbm>>)
      %mul3A_1462 = arith.constant 16 : i32
      %mul3A_1463 = arith.muli %select_n3A_9, %mul3A_1462 : i32
      %add3A_1464 = arith.addi %mul3A_1463, %add3A_1449 : i32
      %add3A_1465 = arith.constant 24 : i32
      %add3A_1466 = arith.addi %mul3A_32, %add3A_1465 : i32
      %dma_start3A_1467 = arith.constant 0 : i32
      %dma_start3A_1468 = tpu.memref_slice %arg2[%add3A_1464, %add3A_1466, %dma_start3A_1467] : memref<64x576x768xf32, #tpu.memory_space<hbm>> -> memref<1x24x768xf32, #tpu.memory_space<hbm>>
      %dma_start3A_1469 = tpu.memref_squeeze %dma_start3A_1468 : memref<1x24x768xf32, #tpu.memory_space<hbm>> -> memref<24x768xf32, #tpu.memory_space<hbm>>
      %dma_start3A_1470 = arith.constant 0 : i32
      %dma_start3A_1471 = tpu.memref_slice %arg2[%add3A_1464, %add3A_1466, %dma_start3A_1470] : memref<64x576x768xf32, #tpu.memory_space<hbm>> -> memref<1x24x768xf32, #tpu.memory_space<hbm>>
      %dma_start3A_1472 = tpu.memref_squeeze %dma_start3A_1471 : memref<1x24x768xf32, #tpu.memory_space<hbm>> -> memref<24x768xf32, #tpu.memory_space<hbm>>
      tpu.enqueue_dma source(%dma_start3A_1472 : memref<24x768xf32, #tpu.memory_space<hbm>>) target(%arg5 : memref<24x768xf32, #tpu.memory_space<vmem>>) target_semaphore(%arg10 : memref<!tpu.dma_semaphore, #tpu.memory_space<semaphore_mem>>)
      %scan3A_1473 = arith.constant 0 : i32
      %scan3A_1474 = arith.constant 24 : i32
      %scan3A_1475 = arith.addi %scan3A_1473, %scan3A_1474 : i32
      %scan3A_1476 = arith.constant 1 : i32
      scf.for %scan3A_2020 = %scan3A_1473 to %scan3A_1475 step %scan3A_1476  : i32 {
        %mul3A_2021 = arith.constant 1 : i32
        %mul3A_2022 = arith.muli %scan3A_2020, %mul3A_2021 : i32
        %add3A_2023 = arith.constant 0 : i32
        %add3A_2024 = arith.addi %add3A_2023, %mul3A_2022 : i32
        %parallel_loop3A = arith.constant 0 : i32
        %parallel_loop3A_2025 = arith.constant 768 : i32
        %parallel_loop3A_2026 = arith.constant 16 : i32
        scf.for %parallel_loop3A_2027 = %parallel_loop3A to %parallel_loop3A_2025 step %parallel_loop3A_2026  : i32 {
          %parallel_loop3A_2028 = arith.index_cast %add3A_2024 : i32 to index
          %parallel_loop3A_2029 = arith.index_cast %parallel_loop3A_2027 : i32 to index
          %parallel_loop3A_2030 = tpu.vector_load %arg7[%parallel_loop3A_2028, %parallel_loop3A_2029] {strides = array<i32>} : memref<24x768xf32, #tpu.memory_space<vmem>>, vector<1x16xf32>,
          %parallel_loop3A_2031 = vector.shape_cast %parallel_loop3A_2030 : vector<1x16xf32> to vector<16xf32>
          %parallel_loop3A_2032 = arith.constant 48 : i32
          %parallel_loop3A_2033 = arith.addi %parallel_loop3A_2032, %add3A_2024 : i32
          %parallel_loop3A_2034 = arith.index_cast %parallel_loop3A_2033 : i32 to index
          %parallel_loop3A_2035 = arith.index_cast %parallel_loop3A_2027 : i32 to index
          %parallel_loop3A_2036 = tpu.vector_load %arg9[%parallel_loop3A_2034, %parallel_loop3A_2035] {strides = array<i32>} : memref<72x768xf32, #tpu.memory_space<vmem>>, vector<1x16xf32>,
          %parallel_loop3A_2037 = vector.shape_cast %parallel_loop3A_2036 : vector<1x16xf32> to vector<16xf32>
          %parallel_loop3A_2038 = arith.addf %parallel_loop3A_2031, %parallel_loop3A_2037 : vector<16xf32>
          %parallel_loop3A_2039 = arith.index_cast %add3A_2024 : i32 to index
          %parallel_loop3A_2040 = arith.index_cast %parallel_loop3A_2027 : i32 to index
          %parallel_loop3A_2041 = tpu.vector_load %arg7[%parallel_loop3A_2039, %parallel_loop3A_2040] {strides = array<i32>} : memref<24x768xf32, #tpu.memory_space<vmem>>, vector<1x16xf32>,
          %parallel_loop3A_2042 = vector.shape_cast %parallel_loop3A_2041 : vector<1x16xf32> to vector<16xf32>
          %parallel_loop3A_2043 = vector.shape_cast %parallel_loop3A_2038 : vector<16xf32> to vector<1x16xf32>
          tpu.vector_store %arg7[%parallel_loop3A_2039, %parallel_loop3A_2040], %parallel_loop3A_2043 {strides = array<i32>} : memref<24x768xf32, #tpu.memory_space<vmem>>, vector<1x16xf32>,
        } {sc.loop_unroll_factor = 8 : i64, sc.parallel_access}
      }
      %scan3A_1477 = arith.constant 24 : i32
      %mul3A_1478 = arith.constant 16 : i32
      %mul3A_1479 = arith.muli %select_n3A_9, %mul3A_1478 : i32
      %add3A_1480 = arith.addi %mul3A_1479, %add3A_1433 : i32
      %add3A_1481 = arith.constant 48 : i32
      %add3A_1482 = arith.addi %mul3A_32, %add3A_1481 : i32
      %dma_start3A_1483 = arith.constant 0 : i32
      %dma_start3A_1484 = tpu.memref_slice %arg4[%add3A_1480, %add3A_1482, %dma_start3A_1483] : memref<64x576x768xf32, #tpu.memory_space<hbm>> -> memref<1x24x768xf32, #tpu.memory_space<hbm>>
      %dma_start3A_1485 = tpu.memref_squeeze %dma_start3A_1484 : memref<1x24x768xf32, #tpu.memory_space<hbm>> -> memref<24x768xf32, #tpu.memory_space<hbm>>
      %dma_start3A_1486 = arith.constant 0 : i32
      %dma_start3A_1487 = tpu.memref_slice %arg4[%add3A_1480, %add3A_1482, %dma_start3A_1486] : memref<64x576x768xf32, #tpu.memory_space<hbm>> -> memref<1x24x768xf32, #tpu.memory_space<hbm>>
      %dma_start3A_1488 = tpu.memref_squeeze %dma_start3A_1487 : memref<1x24x768xf32, #tpu.memory_space<hbm>> -> memref<24x768xf32, #tpu.memory_space<hbm>>
      tpu.enqueue_dma source(%arg7 : memref<24x768xf32, #tpu.memory_space<vmem>>) target(%dma_start3A_1488 : memref<24x768xf32, #tpu.memory_space<hbm>>) target_semaphore(%arg16 : memref<!tpu.dma_semaphore, #tpu.memory_space<semaphore_mem>>)
      %mul3A_1489 = arith.constant 4 : i32
      %mul3A_1490 = arith.muli %mul3A_1489, %add3A_1311 : i32
      %add3A_1491 = arith.constant 1 : i32
      %add3A_1492 = arith.addi %mul3A_1490, %add3A_1491 : i32
      %mul3A_1493 = arith.constant 16 : i32
      %mul3A_1494 = arith.muli %select_n3A_9, %mul3A_1493 : i32
      %add3A_1495 = arith.constant 0 : i32
      %add3A_1496 = arith.addi %mul3A_1494, %add3A_1495 : i32
      %add3A_1497 = arith.constant 0 : i32
      %add3A_1498 = arith.addi %mul3A_32, %add3A_1497 : i32
      %dma_wait3A_1499 = arith.constant 0 : i32
      %dma_wait3A_1500 = tpu.memref_slice %arg2[%add3A_1496, %add3A_1498, %dma_wait3A_1499] : memref<64x576x768xf32, #tpu.memory_space<hbm>> -> memref<1x24x768xf32, #tpu.memory_space<hbm>>
      %dma_wait3A_1501 = tpu.memref_squeeze %dma_wait3A_1500 : memref<1x24x768xf32, #tpu.memory_space<hbm>> -> memref<24x768xf32, #tpu.memory_space<hbm>>
      %dma_wait3A_1502 = arith.constant 0 : i32
      %dma_wait3A_1503 = tpu.memref_slice %arg2[%add3A_1496, %add3A_1498, %dma_wait3A_1502] : memref<64x576x768xf32, #tpu.memory_space<hbm>> -> memref<1x24x768xf32, #tpu.memory_space<hbm>>
      %dma_wait3A_1504 = tpu.memref_squeeze %dma_wait3A_1503 : memref<1x24x768xf32, #tpu.memory_space<hbm>> -> memref<24x768xf32, #tpu.memory_space<hbm>>
      tpu.wait_dma2 semaphore(%arg13 : memref<!tpu.dma_semaphore, #tpu.memory_space<semaphore_mem>>) src(%dma_wait3A_1504 : memref<24x768xf32, #tpu.memory_space<hbm>>) dst(%arg8 : memref<24x768xf32, #tpu.memory_space<vmem>>)
      %mul3A_1505 = arith.constant 4 : i32
      %mul3A_1506 = arith.muli %mul3A_1505, %add3A_1311 : i32
      %add3A_1507 = arith.constant 1 : i32
      %add3A_1508 = arith.addi %mul3A_1506, %add3A_1507 : i32
      %mul3A_1509 = arith.constant 16 : i32
      %mul3A_1510 = arith.muli %select_n3A_9, %mul3A_1509 : i32
      %add3A_1511 = arith.constant 0 : i32
      %add3A_1512 = arith.addi %mul3A_1510, %add3A_1511 : i32
      %add3A_1513 = arith.constant 0 : i32
      %add3A_1514 = arith.addi %mul3A_32, %add3A_1513 : i32
      %dma_wait3A_1515 = arith.constant 0 : i32
      %dma_wait3A_1516 = tpu.memref_slice %arg4[%add3A_1512, %add3A_1514, %dma_wait3A_1515] : memref<64x576x768xf32, #tpu.memory_space<hbm>> -> memref<1x24x768xf32, #tpu.memory_space<hbm>>
      %dma_wait3A_1517 = tpu.memref_squeeze %dma_wait3A_1516 : memref<1x24x768xf32, #tpu.memory_space<hbm>> -> memref<24x768xf32, #tpu.memory_space<hbm>>
      %dma_wait3A_1518 = arith.constant 0 : i32
      %dma_wait3A_1519 = tpu.memref_slice %arg4[%add3A_1512, %add3A_1514, %dma_wait3A_1518] : memref<64x576x768xf32, #tpu.memory_space<hbm>> -> memref<1x24x768xf32, #tpu.memory_space<hbm>>
      %dma_wait3A_1520 = tpu.memref_squeeze %dma_wait3A_1519 : memref<1x24x768xf32, #tpu.memory_space<hbm>> -> memref<24x768xf32, #tpu.memory_space<hbm>>
      tpu.wait_dma2 semaphore(%arg15 : memref<!tpu.dma_semaphore, #tpu.memory_space<semaphore_mem>>) src(%arg6 : memref<24x768xf32, #tpu.memory_space<vmem>>) dst(%dma_wait3A_1520 : memref<24x768xf32, #tpu.memory_space<hbm>>)
      %mul3A_1521 = arith.constant 16 : i32
      %mul3A_1522 = arith.muli %select_n3A_9, %mul3A_1521 : i32
      %add3A_1523 = arith.addi %mul3A_1522, %add3A_1508 : i32
      %add3A_1524 = arith.constant 48 : i32
      %add3A_1525 = arith.addi %mul3A_32, %add3A_1524 : i32
      %dma_start3A_1526 = arith.constant 0 : i32
      %dma_start3A_1527 = tpu.memref_slice %arg2[%add3A_1523, %add3A_1525, %dma_start3A_1526] : memref<64x576x768xf32, #tpu.memory_space<hbm>> -> memref<1x24x768xf32, #tpu.memory_space<hbm>>
      %dma_start3A_1528 = tpu.memref_squeeze %dma_start3A_1527 : memref<1x24x768xf32, #tpu.memory_space<hbm>> -> memref<24x768xf32, #tpu.memory_space<hbm>>
      %dma_start3A_1529 = arith.constant 0 : i32
      %dma_start3A_1530 = tpu.memref_slice %arg2[%add3A_1523, %add3A_1525, %dma_start3A_1529] : memref<64x576x768xf32, #tpu.memory_space<hbm>> -> memref<1x24x768xf32, #tpu.memory_space<hbm>>
      %dma_start3A_1531 = tpu.memref_squeeze %dma_start3A_1530 : memref<1x24x768xf32, #tpu.memory_space<hbm>> -> memref<24x768xf32, #tpu.memory_space<hbm>>
      tpu.enqueue_dma source(%dma_start3A_1531 : memref<24x768xf32, #tpu.memory_space<hbm>>) target(%arg6 : memref<24x768xf32, #tpu.memory_space<vmem>>) target_semaphore(%arg11 : memref<!tpu.dma_semaphore, #tpu.memory_space<semaphore_mem>>)
      %scan3A_1532 = arith.constant 0 : i32
      %scan3A_1533 = arith.constant 24 : i32
      %scan3A_1534 = arith.addi %scan3A_1532, %scan3A_1533 : i32
      %scan3A_1535 = arith.constant 1 : i32
      scf.for %scan3A_2020 = %scan3A_1532 to %scan3A_1534 step %scan3A_1535  : i32 {
        %mul3A_2021 = arith.constant 1 : i32
        %mul3A_2022 = arith.muli %scan3A_2020, %mul3A_2021 : i32
        %add3A_2023 = arith.constant 0 : i32
        %add3A_2024 = arith.addi %add3A_2023, %mul3A_2022 : i32
        %parallel_loop3A = arith.constant 0 : i32
        %parallel_loop3A_2025 = arith.constant 768 : i32
        %parallel_loop3A_2026 = arith.constant 16 : i32
        scf.for %parallel_loop3A_2027 = %parallel_loop3A to %parallel_loop3A_2025 step %parallel_loop3A_2026  : i32 {
          %parallel_loop3A_2028 = arith.index_cast %add3A_2024 : i32 to index
          %parallel_loop3A_2029 = arith.index_cast %parallel_loop3A_2027 : i32 to index
          %parallel_loop3A_2030 = tpu.vector_load %arg8[%parallel_loop3A_2028, %parallel_loop3A_2029] {strides = array<i32>} : memref<24x768xf32, #tpu.memory_space<vmem>>, vector<1x16xf32>,
          %parallel_loop3A_2031 = vector.shape_cast %parallel_loop3A_2030 : vector<1x16xf32> to vector<16xf32>
          %parallel_loop3A_2032 = arith.constant 0 : i32
          %parallel_loop3A_2033 = arith.addi %parallel_loop3A_2032, %add3A_2024 : i32
          %parallel_loop3A_2034 = arith.index_cast %parallel_loop3A_2033 : i32 to index
          %parallel_loop3A_2035 = arith.index_cast %parallel_loop3A_2027 : i32 to index
          %parallel_loop3A_2036 = tpu.vector_load %arg9[%parallel_loop3A_2034, %parallel_loop3A_2035] {strides = array<i32>} : memref<72x768xf32, #tpu.memory_space<vmem>>, vector<1x16xf32>,
          %parallel_loop3A_2037 = vector.shape_cast %parallel_loop3A_2036 : vector<1x16xf32> to vector<16xf32>
          %parallel_loop3A_2038 = arith.addf %parallel_loop3A_2031, %parallel_loop3A_2037 : vector<16xf32>
          %parallel_loop3A_2039 = arith.index_cast %add3A_2024 : i32 to index
          %parallel_loop3A_2040 = arith.index_cast %parallel_loop3A_2027 : i32 to index
          %parallel_loop3A_2041 = tpu.vector_load %arg8[%parallel_loop3A_2039, %parallel_loop3A_2040] {strides = array<i32>} : memref<24x768xf32, #tpu.memory_space<vmem>>, vector<1x16xf32>,
          %parallel_loop3A_2042 = vector.shape_cast %parallel_loop3A_2041 : vector<1x16xf32> to vector<16xf32>
          %parallel_loop3A_2043 = vector.shape_cast %parallel_loop3A_2038 : vector<16xf32> to vector<1x16xf32>
          tpu.vector_store %arg8[%parallel_loop3A_2039, %parallel_loop3A_2040], %parallel_loop3A_2043 {strides = array<i32>} : memref<24x768xf32, #tpu.memory_space<vmem>>, vector<1x16xf32>,
        } {sc.loop_unroll_factor = 8 : i64, sc.parallel_access}
      }
      %scan3A_1536 = arith.constant 24 : i32
      %mul3A_1537 = arith.constant 16 : i32
      %mul3A_1538 = arith.muli %select_n3A_9, %mul3A_1537 : i32
      %add3A_1539 = arith.addi %mul3A_1538, %add3A_1492 : i32
      %add3A_1540 = arith.constant 0 : i32
      %add3A_1541 = arith.addi %mul3A_32, %add3A_1540 : i32
      %dma_start3A_1542 = arith.constant 0 : i32
      %dma_start3A_1543 = tpu.memref_slice %arg4[%add3A_1539, %add3A_1541, %dma_start3A_1542] : memref<64x576x768xf32, #tpu.memory_space<hbm>> -> memref<1x24x768xf32, #tpu.memory_space<hbm>>
      %dma_start3A_1544 = tpu.memref_squeeze %dma_start3A_1543 : memref<1x24x768xf32, #tpu.memory_space<hbm>> -> memref<24x768xf32, #tpu.memory_space<hbm>>
      %dma_start3A_1545 = arith.constant 0 : i32
      %dma_start3A_1546 = tpu.memref_slice %arg4[%add3A_1539, %add3A_1541, %dma_start3A_1545] : memref<64x576x768xf32, #tpu.memory_space<hbm>> -> memref<1x24x768xf32, #tpu.memory_space<hbm>>
      %dma_start3A_1547 = tpu.memref_squeeze %dma_start3A_1546 : memref<1x24x768xf32, #tpu.memory_space<hbm>> -> memref<24x768xf32, #tpu.memory_space<hbm>>
      tpu.enqueue_dma source(%arg8 : memref<24x768xf32, #tpu.memory_space<vmem>>) target(%dma_start3A_1547 : memref<24x768xf32, #tpu.memory_space<hbm>>) target_semaphore(%arg17 : memref<!tpu.dma_semaphore, #tpu.memory_space<semaphore_mem>>)
      %mul3A_1548 = arith.constant 4 : i32
      %mul3A_1549 = arith.muli %mul3A_1548, %add3A_1311 : i32
      %add3A_1550 = arith.constant 1 : i32
      %add3A_1551 = arith.addi %mul3A_1549, %add3A_1550 : i32
      %mul3A_1552 = arith.constant 16 : i32
      %mul3A_1553 = arith.muli %select_n3A_9, %mul3A_1552 : i32
      %add3A_1554 = arith.constant 0 : i32
      %add3A_1555 = arith.addi %mul3A_1553, %add3A_1554 : i32
      %add3A_1556 = arith.constant 0 : i32
      %add3A_1557 = arith.addi %mul3A_32, %add3A_1556 : i32
      %dma_wait3A_1558 = arith.constant 0 : i32
      %dma_wait3A_1559 = tpu.memref_slice %arg2[%add3A_1555, %add3A_1557, %dma_wait3A_1558] : memref<64x576x768xf32, #tpu.memory_space<hbm>> -> memref<1x24x768xf32, #tpu.memory_space<hbm>>
      %dma_wait3A_1560 = tpu.memref_squeeze %dma_wait3A_1559 : memref<1x24x768xf32, #tpu.memory_space<hbm>> -> memref<24x768xf32, #tpu.memory_space<hbm>>
      %dma_wait3A_1561 = arith.constant 0 : i32
      %dma_wait3A_1562 = tpu.memref_slice %arg2[%add3A_1555, %add3A_1557, %dma_wait3A_1561] : memref<64x576x768xf32, #tpu.memory_space<hbm>> -> memref<1x24x768xf32, #tpu.memory_space<hbm>>
      %dma_wait3A_1563 = tpu.memref_squeeze %dma_wait3A_1562 : memref<1x24x768xf32, #tpu.memory_space<hbm>> -> memref<24x768xf32, #tpu.memory_space<hbm>>
      tpu.wait_dma2 semaphore(%arg10 : memref<!tpu.dma_semaphore, #tpu.memory_space<semaphore_mem>>) src(%dma_wait3A_1563 : memref<24x768xf32, #tpu.memory_space<hbm>>) dst(%arg5 : memref<24x768xf32, #tpu.memory_space<vmem>>)
      %mul3A_1564 = arith.constant 4 : i32
      %mul3A_1565 = arith.muli %mul3A_1564, %add3A_1311 : i32
      %add3A_1566 = arith.constant 2 : i32
      %add3A_1567 = arith.addi %mul3A_1565, %add3A_1566 : i32
      %mul3A_1568 = arith.constant 16 : i32
      %mul3A_1569 = arith.muli %select_n3A_9, %mul3A_1568 : i32
      %add3A_1570 = arith.constant 0 : i32
      %add3A_1571 = arith.addi %mul3A_1569, %add3A_1570 : i32
      %add3A_1572 = arith.constant 0 : i32
      %add3A_1573 = arith.addi %mul3A_32, %add3A_1572 : i32
      %dma_wait3A_1574 = arith.constant 0 : i32
      %dma_wait3A_1575 = tpu.memref_slice %arg4[%add3A_1571, %add3A_1573, %dma_wait3A_1574] : memref<64x576x768xf32, #tpu.memory_space<hbm>> -> memref<1x24x768xf32, #tpu.memory_space<hbm>>
      %dma_wait3A_1576 = tpu.memref_squeeze %dma_wait3A_1575 : memref<1x24x768xf32, #tpu.memory_space<hbm>> -> memref<24x768xf32, #tpu.memory_space<hbm>>
      %dma_wait3A_1577 = arith.constant 0 : i32
      %dma_wait3A_1578 = tpu.memref_slice %arg4[%add3A_1571, %add3A_1573, %dma_wait3A_1577] : memref<64x576x768xf32, #tpu.memory_space<hbm>> -> memref<1x24x768xf32, #tpu.memory_space<hbm>>
      %dma_wait3A_1579 = tpu.memref_squeeze %dma_wait3A_1578 : memref<1x24x768xf32, #tpu.memory_space<hbm>> -> memref<24x768xf32, #tpu.memory_space<hbm>>
      tpu.wait_dma2 semaphore(%arg16 : memref<!tpu.dma_semaphore, #tpu.memory_space<semaphore_mem>>) src(%arg7 : memref<24x768xf32, #tpu.memory_space<vmem>>) dst(%dma_wait3A_1579 : memref<24x768xf32, #tpu.memory_space<hbm>>)
      %mul3A_1580 = arith.constant 16 : i32
      %mul3A_1581 = arith.muli %select_n3A_9, %mul3A_1580 : i32
      %add3A_1582 = arith.addi %mul3A_1581, %add3A_1567 : i32
      %add3A_1583 = arith.constant 0 : i32
      %add3A_1584 = arith.addi %mul3A_32, %add3A_1583 : i32
      %dma_start3A_1585 = arith.constant 0 : i32
      %dma_start3A_1586 = tpu.memref_slice %arg2[%add3A_1582, %add3A_1584, %dma_start3A_1585] : memref<64x576x768xf32, #tpu.memory_space<hbm>> -> memref<1x24x768xf32, #tpu.memory_space<hbm>>
      %dma_start3A_1587 = tpu.memref_squeeze %dma_start3A_1586 : memref<1x24x768xf32, #tpu.memory_space<hbm>> -> memref<24x768xf32, #tpu.memory_space<hbm>>
      %dma_start3A_1588 = arith.constant 0 : i32
      %dma_start3A_1589 = tpu.memref_slice %arg2[%add3A_1582, %add3A_1584, %dma_start3A_1588] : memref<64x576x768xf32, #tpu.memory_space<hbm>> -> memref<1x24x768xf32, #tpu.memory_space<hbm>>
      %dma_start3A_1590 = tpu.memref_squeeze %dma_start3A_1589 : memref<1x24x768xf32, #tpu.memory_space<hbm>> -> memref<24x768xf32, #tpu.memory_space<hbm>>
      tpu.enqueue_dma source(%dma_start3A_1590 : memref<24x768xf32, #tpu.memory_space<hbm>>) target(%arg7 : memref<24x768xf32, #tpu.memory_space<vmem>>) target_semaphore(%arg12 : memref<!tpu.dma_semaphore, #tpu.memory_space<semaphore_mem>>)
      %scan3A_1591 = arith.constant 0 : i32
      %scan3A_1592 = arith.constant 24 : i32
      %scan3A_1593 = arith.addi %scan3A_1591, %scan3A_1592 : i32
      %scan3A_1594 = arith.constant 1 : i32
      scf.for %scan3A_2020 = %scan3A_1591 to %scan3A_1593 step %scan3A_1594  : i32 {
        %mul3A_2021 = arith.constant 1 : i32
        %mul3A_2022 = arith.muli %scan3A_2020, %mul3A_2021 : i32
        %add3A_2023 = arith.constant 0 : i32
        %add3A_2024 = arith.addi %add3A_2023, %mul3A_2022 : i32
        %parallel_loop3A = arith.constant 0 : i32
        %parallel_loop3A_2025 = arith.constant 768 : i32
        %parallel_loop3A_2026 = arith.constant 16 : i32
        scf.for %parallel_loop3A_2027 = %parallel_loop3A to %parallel_loop3A_2025 step %parallel_loop3A_2026  : i32 {
          %parallel_loop3A_2028 = arith.index_cast %add3A_2024 : i32 to index
          %parallel_loop3A_2029 = arith.index_cast %parallel_loop3A_2027 : i32 to index
          %parallel_loop3A_2030 = tpu.vector_load %arg5[%parallel_loop3A_2028, %parallel_loop3A_2029] {strides = array<i32>} : memref<24x768xf32, #tpu.memory_space<vmem>>, vector<1x16xf32>,
          %parallel_loop3A_2031 = vector.shape_cast %parallel_loop3A_2030 : vector<1x16xf32> to vector<16xf32>
          %parallel_loop3A_2032 = arith.constant 24 : i32
          %parallel_loop3A_2033 = arith.addi %parallel_loop3A_2032, %add3A_2024 : i32
          %parallel_loop3A_2034 = arith.index_cast %parallel_loop3A_2033 : i32 to index
          %parallel_loop3A_2035 = arith.index_cast %parallel_loop3A_2027 : i32 to index
          %parallel_loop3A_2036 = tpu.vector_load %arg9[%parallel_loop3A_2034, %parallel_loop3A_2035] {strides = array<i32>} : memref<72x768xf32, #tpu.memory_space<vmem>>, vector<1x16xf32>,
          %parallel_loop3A_2037 = vector.shape_cast %parallel_loop3A_2036 : vector<1x16xf32> to vector<16xf32>
          %parallel_loop3A_2038 = arith.addf %parallel_loop3A_2031, %parallel_loop3A_2037 : vector<16xf32>
          %parallel_loop3A_2039 = arith.index_cast %add3A_2024 : i32 to index
          %parallel_loop3A_2040 = arith.index_cast %parallel_loop3A_2027 : i32 to index
          %parallel_loop3A_2041 = tpu.vector_load %arg5[%parallel_loop3A_2039, %parallel_loop3A_2040] {strides = array<i32>} : memref<24x768xf32, #tpu.memory_space<vmem>>, vector<1x16xf32>,
          %parallel_loop3A_2042 = vector.shape_cast %parallel_loop3A_2041 : vector<1x16xf32> to vector<16xf32>
          %parallel_loop3A_2043 = vector.shape_cast %parallel_loop3A_2038 : vector<16xf32> to vector<1x16xf32>
          tpu.vector_store %arg5[%parallel_loop3A_2039, %parallel_loop3A_2040], %parallel_loop3A_2043 {strides = array<i32>} : memref<24x768xf32, #tpu.memory_space<vmem>>, vector<1x16xf32>,
        } {sc.loop_unroll_factor = 8 : i64, sc.parallel_access}
      }
      %scan3A_1595 = arith.constant 24 : i32
      %mul3A_1596 = arith.constant 16 : i32
      %mul3A_1597 = arith.muli %select_n3A_9, %mul3A_1596 : i32
      %add3A_1598 = arith.addi %mul3A_1597, %add3A_1551 : i32
      %add3A_1599 = arith.constant 24 : i32
      %add3A_1600 = arith.addi %mul3A_32, %add3A_1599 : i32
      %dma_start3A_1601 = arith.constant 0 : i32
      %dma_start3A_1602 = tpu.memref_slice %arg4[%add3A_1598, %add3A_1600, %dma_start3A_1601] : memref<64x576x768xf32, #tpu.memory_space<hbm>> -> memref<1x24x768xf32, #tpu.memory_space<hbm>>
      %dma_start3A_1603 = tpu.memref_squeeze %dma_start3A_1602 : memref<1x24x768xf32, #tpu.memory_space<hbm>> -> memref<24x768xf32, #tpu.memory_space<hbm>>
      %dma_start3A_1604 = arith.constant 0 : i32
      %dma_start3A_1605 = tpu.memref_slice %arg4[%add3A_1598, %add3A_1600, %dma_start3A_1604] : memref<64x576x768xf32, #tpu.memory_space<hbm>> -> memref<1x24x768xf32, #tpu.memory_space<hbm>>
      %dma_start3A_1606 = tpu.memref_squeeze %dma_start3A_1605 : memref<1x24x768xf32, #tpu.memory_space<hbm>> -> memref<24x768xf32, #tpu.memory_space<hbm>>
      tpu.enqueue_dma source(%arg5 : memref<24x768xf32, #tpu.memory_space<vmem>>) target(%dma_start3A_1606 : memref<24x768xf32, #tpu.memory_space<hbm>>) target_semaphore(%arg14 : memref<!tpu.dma_semaphore, #tpu.memory_space<semaphore_mem>>)
      %mul3A_1607 = arith.constant 4 : i32
      %mul3A_1608 = arith.muli %mul3A_1607, %add3A_1311 : i32
      %add3A_1609 = arith.constant 1 : i32
      %add3A_1610 = arith.addi %mul3A_1608, %add3A_1609 : i32
      %mul3A_1611 = arith.constant 16 : i32
      %mul3A_1612 = arith.muli %select_n3A_9, %mul3A_1611 : i32
      %add3A_1613 = arith.constant 0 : i32
      %add3A_1614 = arith.addi %mul3A_1612, %add3A_1613 : i32
      %add3A_1615 = arith.constant 0 : i32
      %add3A_1616 = arith.addi %mul3A_32, %add3A_1615 : i32
      %dma_wait3A_1617 = arith.constant 0 : i32
      %dma_wait3A_1618 = tpu.memref_slice %arg2[%add3A_1614, %add3A_1616, %dma_wait3A_1617] : memref<64x576x768xf32, #tpu.memory_space<hbm>> -> memref<1x24x768xf32, #tpu.memory_space<hbm>>
      %dma_wait3A_1619 = tpu.memref_squeeze %dma_wait3A_1618 : memref<1x24x768xf32, #tpu.memory_space<hbm>> -> memref<24x768xf32, #tpu.memory_space<hbm>>
      %dma_wait3A_1620 = arith.constant 0 : i32
      %dma_wait3A_1621 = tpu.memref_slice %arg2[%add3A_1614, %add3A_1616, %dma_wait3A_1620] : memref<64x576x768xf32, #tpu.memory_space<hbm>> -> memref<1x24x768xf32, #tpu.memory_space<hbm>>
      %dma_wait3A_1622 = tpu.memref_squeeze %dma_wait3A_1621 : memref<1x24x768xf32, #tpu.memory_space<hbm>> -> memref<24x768xf32, #tpu.memory_space<hbm>>
      tpu.wait_dma2 semaphore(%arg11 : memref<!tpu.dma_semaphore, #tpu.memory_space<semaphore_mem>>) src(%dma_wait3A_1622 : memref<24x768xf32, #tpu.memory_space<hbm>>) dst(%arg6 : memref<24x768xf32, #tpu.memory_space<vmem>>)
      %mul3A_1623 = arith.constant 4 : i32
      %mul3A_1624 = arith.muli %mul3A_1623, %add3A_1311 : i32
      %add3A_1625 = arith.constant 2 : i32
      %add3A_1626 = arith.addi %mul3A_1624, %add3A_1625 : i32
      %mul3A_1627 = arith.constant 16 : i32
      %mul3A_1628 = arith.muli %select_n3A_9, %mul3A_1627 : i32
      %add3A_1629 = arith.constant 0 : i32
      %add3A_1630 = arith.addi %mul3A_1628, %add3A_1629 : i32
      %add3A_1631 = arith.constant 0 : i32
      %add3A_1632 = arith.addi %mul3A_32, %add3A_1631 : i32
      %dma_wait3A_1633 = arith.constant 0 : i32
      %dma_wait3A_1634 = tpu.memref_slice %arg4[%add3A_1630, %add3A_1632, %dma_wait3A_1633] : memref<64x576x768xf32, #tpu.memory_space<hbm>> -> memref<1x24x768xf32, #tpu.memory_space<hbm>>
      %dma_wait3A_1635 = tpu.memref_squeeze %dma_wait3A_1634 : memref<1x24x768xf32, #tpu.memory_space<hbm>> -> memref<24x768xf32, #tpu.memory_space<hbm>>
      %dma_wait3A_1636 = arith.constant 0 : i32
      %dma_wait3A_1637 = tpu.memref_slice %arg4[%add3A_1630, %add3A_1632, %dma_wait3A_1636] : memref<64x576x768xf32, #tpu.memory_space<hbm>> -> memref<1x24x768xf32, #tpu.memory_space<hbm>>
      %dma_wait3A_1638 = tpu.memref_squeeze %dma_wait3A_1637 : memref<1x24x768xf32, #tpu.memory_space<hbm>> -> memref<24x768xf32, #tpu.memory_space<hbm>>
      tpu.wait_dma2 semaphore(%arg17 : memref<!tpu.dma_semaphore, #tpu.memory_space<semaphore_mem>>) src(%arg8 : memref<24x768xf32, #tpu.memory_space<vmem>>) dst(%dma_wait3A_1638 : memref<24x768xf32, #tpu.memory_space<hbm>>)
      %mul3A_1639 = arith.constant 16 : i32
      %mul3A_1640 = arith.muli %select_n3A_9, %mul3A_1639 : i32
      %add3A_1641 = arith.addi %mul3A_1640, %add3A_1626 : i32
      %add3A_1642 = arith.constant 24 : i32
      %add3A_1643 = arith.addi %mul3A_32, %add3A_1642 : i32
      %dma_start3A_1644 = arith.constant 0 : i32
      %dma_start3A_1645 = tpu.memref_slice %arg2[%add3A_1641, %add3A_1643, %dma_start3A_1644] : memref<64x576x768xf32, #tpu.memory_space<hbm>> -> memref<1x24x768xf32, #tpu.memory_space<hbm>>
      %dma_start3A_1646 = tpu.memref_squeeze %dma_start3A_1645 : memref<1x24x768xf32, #tpu.memory_space<hbm>> -> memref<24x768xf32, #tpu.memory_space<hbm>>
      %dma_start3A_1647 = arith.constant 0 : i32
      %dma_start3A_1648 = tpu.memref_slice %arg2[%add3A_1641, %add3A_1643, %dma_start3A_1647] : memref<64x576x768xf32, #tpu.memory_space<hbm>> -> memref<1x24x768xf32, #tpu.memory_space<hbm>>
      %dma_start3A_1649 = tpu.memref_squeeze %dma_start3A_1648 : memref<1x24x768xf32, #tpu.memory_space<hbm>> -> memref<24x768xf32, #tpu.memory_space<hbm>>
      tpu.enqueue_dma source(%dma_start3A_1649 : memref<24x768xf32, #tpu.memory_space<hbm>>) target(%arg8 : memref<24x768xf32, #tpu.memory_space<vmem>>) target_semaphore(%arg13 : memref<!tpu.dma_semaphore, #tpu.memory_space<semaphore_mem>>)
      %scan3A_1650 = arith.constant 0 : i32
      %scan3A_1651 = arith.constant 24 : i32
      %scan3A_1652 = arith.addi %scan3A_1650, %scan3A_1651 : i32
      %scan3A_1653 = arith.constant 1 : i32
      scf.for %scan3A_2020 = %scan3A_1650 to %scan3A_1652 step %scan3A_1653  : i32 {
        %mul3A_2021 = arith.constant 1 : i32
        %mul3A_2022 = arith.muli %scan3A_2020, %mul3A_2021 : i32
        %add3A_2023 = arith.constant 0 : i32
        %add3A_2024 = arith.addi %add3A_2023, %mul3A_2022 : i32
        %parallel_loop3A = arith.constant 0 : i32
        %parallel_loop3A_2025 = arith.constant 768 : i32
        %parallel_loop3A_2026 = arith.constant 16 : i32
        scf.for %parallel_loop3A_2027 = %parallel_loop3A to %parallel_loop3A_2025 step %parallel_loop3A_2026  : i32 {
          %parallel_loop3A_2028 = arith.index_cast %add3A_2024 : i32 to index
          %parallel_loop3A_2029 = arith.index_cast %parallel_loop3A_2027 : i32 to index
          %parallel_loop3A_2030 = tpu.vector_load %arg6[%parallel_loop3A_2028, %parallel_loop3A_2029] {strides = array<i32>} : memref<24x768xf32, #tpu.memory_space<vmem>>, vector<1x16xf32>,
          %parallel_loop3A_2031 = vector.shape_cast %parallel_loop3A_2030 : vector<1x16xf32> to vector<16xf32>
          %parallel_loop3A_2032 = arith.constant 48 : i32
          %parallel_loop3A_2033 = arith.addi %parallel_loop3A_2032, %add3A_2024 : i32
          %parallel_loop3A_2034 = arith.index_cast %parallel_loop3A_2033 : i32 to index
          %parallel_loop3A_2035 = arith.index_cast %parallel_loop3A_2027 : i32 to index
          %parallel_loop3A_2036 = tpu.vector_load %arg9[%parallel_loop3A_2034, %parallel_loop3A_2035] {strides = array<i32>} : memref<72x768xf32, #tpu.memory_space<vmem>>, vector<1x16xf32>,
          %parallel_loop3A_2037 = vector.shape_cast %parallel_loop3A_2036 : vector<1x16xf32> to vector<16xf32>
          %parallel_loop3A_2038 = arith.addf %parallel_loop3A_2031, %parallel_loop3A_2037 : vector<16xf32>
          %parallel_loop3A_2039 = arith.index_cast %add3A_2024 : i32 to index
          %parallel_loop3A_2040 = arith.index_cast %parallel_loop3A_2027 : i32 to index
          %parallel_loop3A_2041 = tpu.vector_load %arg6[%parallel_loop3A_2039, %parallel_loop3A_2040] {strides = array<i32>} : memref<24x768xf32, #tpu.memory_space<vmem>>, vector<1x16xf32>,
          %parallel_loop3A_2042 = vector.shape_cast %parallel_loop3A_2041 : vector<1x16xf32> to vector<16xf32>
          %parallel_loop3A_2043 = vector.shape_cast %parallel_loop3A_2038 : vector<16xf32> to vector<1x16xf32>
          tpu.vector_store %arg6[%parallel_loop3A_2039, %parallel_loop3A_2040], %parallel_loop3A_2043 {strides = array<i32>} : memref<24x768xf32, #tpu.memory_space<vmem>>, vector<1x16xf32>,
        } {sc.loop_unroll_factor = 8 : i64, sc.parallel_access}
      }
      %scan3A_1654 = arith.constant 24 : i32
      %mul3A_1655 = arith.constant 16 : i32
      %mul3A_1656 = arith.muli %select_n3A_9, %mul3A_1655 : i32
      %add3A_1657 = arith.addi %mul3A_1656, %add3A_1610 : i32
      %add3A_1658 = arith.constant 48 : i32
      %add3A_1659 = arith.addi %mul3A_32, %add3A_1658 : i32
      %dma_start3A_1660 = arith.constant 0 : i32
      %dma_start3A_1661 = tpu.memref_slice %arg4[%add3A_1657, %add3A_1659, %dma_start3A_1660] : memref<64x576x768xf32, #tpu.memory_space<hbm>> -> memref<1x24x768xf32, #tpu.memory_space<hbm>>
      %dma_start3A_1662 = tpu.memref_squeeze %dma_start3A_1661 : memref<1x24x768xf32, #tpu.memory_space<hbm>> -> memref<24x768xf32, #tpu.memory_space<hbm>>
      %dma_start3A_1663 = arith.constant 0 : i32
      %dma_start3A_1664 = tpu.memref_slice %arg4[%add3A_1657, %add3A_1659, %dma_start3A_1663] : memref<64x576x768xf32, #tpu.memory_space<hbm>> -> memref<1x24x768xf32, #tpu.memory_space<hbm>>
      %dma_start3A_1665 = tpu.memref_squeeze %dma_start3A_1664 : memref<1x24x768xf32, #tpu.memory_space<hbm>> -> memref<24x768xf32, #tpu.memory_space<hbm>>
      tpu.enqueue_dma source(%arg6 : memref<24x768xf32, #tpu.memory_space<vmem>>) target(%dma_start3A_1665 : memref<24x768xf32, #tpu.memory_space<hbm>>) target_semaphore(%arg15 : memref<!tpu.dma_semaphore, #tpu.memory_space<semaphore_mem>>)
      %mul3A_1666 = arith.constant 4 : i32
      %mul3A_1667 = arith.muli %mul3A_1666, %add3A_1311 : i32
      %add3A_1668 = arith.constant 2 : i32
      %add3A_1669 = arith.addi %mul3A_1667, %add3A_1668 : i32
      %mul3A_1670 = arith.constant 16 : i32
      %mul3A_1671 = arith.muli %select_n3A_9, %mul3A_1670 : i32
      %add3A_1672 = arith.constant 0 : i32
      %add3A_1673 = arith.addi %mul3A_1671, %add3A_1672 : i32
      %add3A_1674 = arith.constant 0 : i32
      %add3A_1675 = arith.addi %mul3A_32, %add3A_1674 : i32
      %dma_wait3A_1676 = arith.constant 0 : i32
      %dma_wait3A_1677 = tpu.memref_slice %arg2[%add3A_1673, %add3A_1675, %dma_wait3A_1676] : memref<64x576x768xf32, #tpu.memory_space<hbm>> -> memref<1x24x768xf32, #tpu.memory_space<hbm>>
      %dma_wait3A_1678 = tpu.memref_squeeze %dma_wait3A_1677 : memref<1x24x768xf32, #tpu.memory_space<hbm>> -> memref<24x768xf32, #tpu.memory_space<hbm>>
      %dma_wait3A_1679 = arith.constant 0 : i32
      %dma_wait3A_1680 = tpu.memref_slice %arg2[%add3A_1673, %add3A_1675, %dma_wait3A_1679] : memref<64x576x768xf32, #tpu.memory_space<hbm>> -> memref<1x24x768xf32, #tpu.memory_space<hbm>>
      %dma_wait3A_1681 = tpu.memref_squeeze %dma_wait3A_1680 : memref<1x24x768xf32, #tpu.memory_space<hbm>> -> memref<24x768xf32, #tpu.memory_space<hbm>>
      tpu.wait_dma2 semaphore(%arg12 : memref<!tpu.dma_semaphore, #tpu.memory_space<semaphore_mem>>) src(%dma_wait3A_1681 : memref<24x768xf32, #tpu.memory_space<hbm>>) dst(%arg7 : memref<24x768xf32, #tpu.memory_space<vmem>>)
      %mul3A_1682 = arith.constant 4 : i32
      %mul3A_1683 = arith.muli %mul3A_1682, %add3A_1311 : i32
      %add3A_1684 = arith.constant 2 : i32
      %add3A_1685 = arith.addi %mul3A_1683, %add3A_1684 : i32
      %mul3A_1686 = arith.constant 16 : i32
      %mul3A_1687 = arith.muli %select_n3A_9, %mul3A_1686 : i32
      %add3A_1688 = arith.constant 0 : i32
      %add3A_1689 = arith.addi %mul3A_1687, %add3A_1688 : i32
      %add3A_1690 = arith.constant 0 : i32
      %add3A_1691 = arith.addi %mul3A_32, %add3A_1690 : i32
      %dma_wait3A_1692 = arith.constant 0 : i32
      %dma_wait3A_1693 = tpu.memref_slice %arg4[%add3A_1689, %add3A_1691, %dma_wait3A_1692] : memref<64x576x768xf32, #tpu.memory_space<hbm>> -> memref<1x24x768xf32, #tpu.memory_space<hbm>>
      %dma_wait3A_1694 = tpu.memref_squeeze %dma_wait3A_1693 : memref<1x24x768xf32, #tpu.memory_space<hbm>> -> memref<24x768xf32, #tpu.memory_space<hbm>>
      %dma_wait3A_1695 = arith.constant 0 : i32
      %dma_wait3A_1696 = tpu.memref_slice %arg4[%add3A_1689, %add3A_1691, %dma_wait3A_1695] : memref<64x576x768xf32, #tpu.memory_space<hbm>> -> memref<1x24x768xf32, #tpu.memory_space<hbm>>
      %dma_wait3A_1697 = tpu.memref_squeeze %dma_wait3A_1696 : memref<1x24x768xf32, #tpu.memory_space<hbm>> -> memref<24x768xf32, #tpu.memory_space<hbm>>
      tpu.wait_dma2 semaphore(%arg14 : memref<!tpu.dma_semaphore, #tpu.memory_space<semaphore_mem>>) src(%arg5 : memref<24x768xf32, #tpu.memory_space<vmem>>) dst(%dma_wait3A_1697 : memref<24x768xf32, #tpu.memory_space<hbm>>)
      %mul3A_1698 = arith.constant 16 : i32
      %mul3A_1699 = arith.muli %select_n3A_9, %mul3A_1698 : i32
      %add3A_1700 = arith.addi %mul3A_1699, %add3A_1685 : i32
      %add3A_1701 = arith.constant 48 : i32
      %add3A_1702 = arith.addi %mul3A_32, %add3A_1701 : i32
      %dma_start3A_1703 = arith.constant 0 : i32
      %dma_start3A_1704 = tpu.memref_slice %arg2[%add3A_1700, %add3A_1702, %dma_start3A_1703] : memref<64x576x768xf32, #tpu.memory_space<hbm>> -> memref<1x24x768xf32, #tpu.memory_space<hbm>>
      %dma_start3A_1705 = tpu.memref_squeeze %dma_start3A_1704 : memref<1x24x768xf32, #tpu.memory_space<hbm>> -> memref<24x768xf32, #tpu.memory_space<hbm>>
      %dma_start3A_1706 = arith.constant 0 : i32
      %dma_start3A_1707 = tpu.memref_slice %arg2[%add3A_1700, %add3A_1702, %dma_start3A_1706] : memref<64x576x768xf32, #tpu.memory_space<hbm>> -> memref<1x24x768xf32, #tpu.memory_space<hbm>>
      %dma_start3A_1708 = tpu.memref_squeeze %dma_start3A_1707 : memref<1x24x768xf32, #tpu.memory_space<hbm>> -> memref<24x768xf32, #tpu.memory_space<hbm>>
      tpu.enqueue_dma source(%dma_start3A_1708 : memref<24x768xf32, #tpu.memory_space<hbm>>) target(%arg5 : memref<24x768xf32, #tpu.memory_space<vmem>>) target_semaphore(%arg10 : memref<!tpu.dma_semaphore, #tpu.memory_space<semaphore_mem>>)
      %scan3A_1709 = arith.constant 0 : i32
      %scan3A_1710 = arith.constant 24 : i32
      %scan3A_1711 = arith.addi %scan3A_1709, %scan3A_1710 : i32
      %scan3A_1712 = arith.constant 1 : i32
      scf.for %scan3A_2020 = %scan3A_1709 to %scan3A_1711 step %scan3A_1712  : i32 {
        %mul3A_2021 = arith.constant 1 : i32
        %mul3A_2022 = arith.muli %scan3A_2020, %mul3A_2021 : i32
        %add3A_2023 = arith.constant 0 : i32
        %add3A_2024 = arith.addi %add3A_2023, %mul3A_2022 : i32
        %parallel_loop3A = arith.constant 0 : i32
        %parallel_loop3A_2025 = arith.constant 768 : i32
        %parallel_loop3A_2026 = arith.constant 16 : i32
        scf.for %parallel_loop3A_2027 = %parallel_loop3A to %parallel_loop3A_2025 step %parallel_loop3A_2026  : i32 {
          %parallel_loop3A_2028 = arith.index_cast %add3A_2024 : i32 to index
          %parallel_loop3A_2029 = arith.index_cast %parallel_loop3A_2027 : i32 to index
          %parallel_loop3A_2030 = tpu.vector_load %arg7[%parallel_loop3A_2028, %parallel_loop3A_2029] {strides = array<i32>} : memref<24x768xf32, #tpu.memory_space<vmem>>, vector<1x16xf32>,
          %parallel_loop3A_2031 = vector.shape_cast %parallel_loop3A_2030 : vector<1x16xf32> to vector<16xf32>
          %parallel_loop3A_2032 = arith.constant 0 : i32
          %parallel_loop3A_2033 = arith.addi %parallel_loop3A_2032, %add3A_2024 : i32
          %parallel_loop3A_2034 = arith.index_cast %parallel_loop3A_2033 : i32 to index
          %parallel_loop3A_2035 = arith.index_cast %parallel_loop3A_2027 : i32 to index
          %parallel_loop3A_2036 = tpu.vector_load %arg9[%parallel_loop3A_2034, %parallel_loop3A_2035] {strides = array<i32>} : memref<72x768xf32, #tpu.memory_space<vmem>>, vector<1x16xf32>,
          %parallel_loop3A_2037 = vector.shape_cast %parallel_loop3A_2036 : vector<1x16xf32> to vector<16xf32>
          %parallel_loop3A_2038 = arith.addf %parallel_loop3A_2031, %parallel_loop3A_2037 : vector<16xf32>
          %parallel_loop3A_2039 = arith.index_cast %add3A_2024 : i32 to index
          %parallel_loop3A_2040 = arith.index_cast %parallel_loop3A_2027 : i32 to index
          %parallel_loop3A_2041 = tpu.vector_load %arg7[%parallel_loop3A_2039, %parallel_loop3A_2040] {strides = array<i32>} : memref<24x768xf32, #tpu.memory_space<vmem>>, vector<1x16xf32>,
          %parallel_loop3A_2042 = vector.shape_cast %parallel_loop3A_2041 : vector<1x16xf32> to vector<16xf32>
          %parallel_loop3A_2043 = vector.shape_cast %parallel_loop3A_2038 : vector<16xf32> to vector<1x16xf32>
          tpu.vector_store %arg7[%parallel_loop3A_2039, %parallel_loop3A_2040], %parallel_loop3A_2043 {strides = array<i32>} : memref<24x768xf32, #tpu.memory_space<vmem>>, vector<1x16xf32>,
        } {sc.loop_unroll_factor = 8 : i64, sc.parallel_access}
      }
      %scan3A_1713 = arith.constant 24 : i32
      %mul3A_1714 = arith.constant 16 : i32
      %mul3A_1715 = arith.muli %select_n3A_9, %mul3A_1714 : i32
      %add3A_1716 = arith.addi %mul3A_1715, %add3A_1669 : i32
      %add3A_1717 = arith.constant 0 : i32
      %add3A_1718 = arith.addi %mul3A_32, %add3A_1717 : i32
      %dma_start3A_1719 = arith.constant 0 : i32
      %dma_start3A_1720 = tpu.memref_slice %arg4[%add3A_1716, %add3A_1718, %dma_start3A_1719] : memref<64x576x768xf32, #tpu.memory_space<hbm>> -> memref<1x24x768xf32, #tpu.memory_space<hbm>>
      %dma_start3A_1721 = tpu.memref_squeeze %dma_start3A_1720 : memref<1x24x768xf32, #tpu.memory_space<hbm>> -> memref<24x768xf32, #tpu.memory_space<hbm>>
      %dma_start3A_1722 = arith.constant 0 : i32
      %dma_start3A_1723 = tpu.memref_slice %arg4[%add3A_1716, %add3A_1718, %dma_start3A_1722] : memref<64x576x768xf32, #tpu.memory_space<hbm>> -> memref<1x24x768xf32, #tpu.memory_space<hbm>>
      %dma_start3A_1724 = tpu.memref_squeeze %dma_start3A_1723 : memref<1x24x768xf32, #tpu.memory_space<hbm>> -> memref<24x768xf32, #tpu.memory_space<hbm>>
      tpu.enqueue_dma source(%arg7 : memref<24x768xf32, #tpu.memory_space<vmem>>) target(%dma_start3A_1724 : memref<24x768xf32, #tpu.memory_space<hbm>>) target_semaphore(%arg16 : memref<!tpu.dma_semaphore, #tpu.memory_space<semaphore_mem>>)
      %mul3A_1725 = arith.constant 4 : i32
      %mul3A_1726 = arith.muli %mul3A_1725, %add3A_1311 : i32
      %add3A_1727 = arith.constant 2 : i32
      %add3A_1728 = arith.addi %mul3A_1726, %add3A_1727 : i32
      %mul3A_1729 = arith.constant 16 : i32
      %mul3A_1730 = arith.muli %select_n3A_9, %mul3A_1729 : i32
      %add3A_1731 = arith.constant 0 : i32
      %add3A_1732 = arith.addi %mul3A_1730, %add3A_1731 : i32
      %add3A_1733 = arith.constant 0 : i32
      %add3A_1734 = arith.addi %mul3A_32, %add3A_1733 : i32
      %dma_wait3A_1735 = arith.constant 0 : i32
      %dma_wait3A_1736 = tpu.memref_slice %arg2[%add3A_1732, %add3A_1734, %dma_wait3A_1735] : memref<64x576x768xf32, #tpu.memory_space<hbm>> -> memref<1x24x768xf32, #tpu.memory_space<hbm>>
      %dma_wait3A_1737 = tpu.memref_squeeze %dma_wait3A_1736 : memref<1x24x768xf32, #tpu.memory_space<hbm>> -> memref<24x768xf32, #tpu.memory_space<hbm>>
      %dma_wait3A_1738 = arith.constant 0 : i32
      %dma_wait3A_1739 = tpu.memref_slice %arg2[%add3A_1732, %add3A_1734, %dma_wait3A_1738] : memref<64x576x768xf32, #tpu.memory_space<hbm>> -> memref<1x24x768xf32, #tpu.memory_space<hbm>>
      %dma_wait3A_1740 = tpu.memref_squeeze %dma_wait3A_1739 : memref<1x24x768xf32, #tpu.memory_space<hbm>> -> memref<24x768xf32, #tpu.memory_space<hbm>>
      tpu.wait_dma2 semaphore(%arg13 : memref<!tpu.dma_semaphore, #tpu.memory_space<semaphore_mem>>) src(%dma_wait3A_1740 : memref<24x768xf32, #tpu.memory_space<hbm>>) dst(%arg8 : memref<24x768xf32, #tpu.memory_space<vmem>>)
      %mul3A_1741 = arith.constant 4 : i32
      %mul3A_1742 = arith.muli %mul3A_1741, %add3A_1311 : i32
      %add3A_1743 = arith.constant 3 : i32
      %add3A_1744 = arith.addi %mul3A_1742, %add3A_1743 : i32
      %mul3A_1745 = arith.constant 16 : i32
      %mul3A_1746 = arith.muli %select_n3A_9, %mul3A_1745 : i32
      %add3A_1747 = arith.constant 0 : i32
      %add3A_1748 = arith.addi %mul3A_1746, %add3A_1747 : i32
      %add3A_1749 = arith.constant 0 : i32
      %add3A_1750 = arith.addi %mul3A_32, %add3A_1749 : i32
      %dma_wait3A_1751 = arith.constant 0 : i32
      %dma_wait3A_1752 = tpu.memref_slice %arg4[%add3A_1748, %add3A_1750, %dma_wait3A_1751] : memref<64x576x768xf32, #tpu.memory_space<hbm>> -> memref<1x24x768xf32, #tpu.memory_space<hbm>>
      %dma_wait3A_1753 = tpu.memref_squeeze %dma_wait3A_1752 : memref<1x24x768xf32, #tpu.memory_space<hbm>> -> memref<24x768xf32, #tpu.memory_space<hbm>>
      %dma_wait3A_1754 = arith.constant 0 : i32
      %dma_wait3A_1755 = tpu.memref_slice %arg4[%add3A_1748, %add3A_1750, %dma_wait3A_1754] : memref<64x576x768xf32, #tpu.memory_space<hbm>> -> memref<1x24x768xf32, #tpu.memory_space<hbm>>
      %dma_wait3A_1756 = tpu.memref_squeeze %dma_wait3A_1755 : memref<1x24x768xf32, #tpu.memory_space<hbm>> -> memref<24x768xf32, #tpu.memory_space<hbm>>
      tpu.wait_dma2 semaphore(%arg15 : memref<!tpu.dma_semaphore, #tpu.memory_space<semaphore_mem>>) src(%arg6 : memref<24x768xf32, #tpu.memory_space<vmem>>) dst(%dma_wait3A_1756 : memref<24x768xf32, #tpu.memory_space<hbm>>)
      %mul3A_1757 = arith.constant 16 : i32
      %mul3A_1758 = arith.muli %select_n3A_9, %mul3A_1757 : i32
      %add3A_1759 = arith.addi %mul3A_1758, %add3A_1744 : i32
      %add3A_1760 = arith.constant 0 : i32
      %add3A_1761 = arith.addi %mul3A_32, %add3A_1760 : i32
      %dma_start3A_1762 = arith.constant 0 : i32
      %dma_start3A_1763 = tpu.memref_slice %arg2[%add3A_1759, %add3A_1761, %dma_start3A_1762] : memref<64x576x768xf32, #tpu.memory_space<hbm>> -> memref<1x24x768xf32, #tpu.memory_space<hbm>>
      %dma_start3A_1764 = tpu.memref_squeeze %dma_start3A_1763 : memref<1x24x768xf32, #tpu.memory_space<hbm>> -> memref<24x768xf32, #tpu.memory_space<hbm>>
      %dma_start3A_1765 = arith.constant 0 : i32
      %dma_start3A_1766 = tpu.memref_slice %arg2[%add3A_1759, %add3A_1761, %dma_start3A_1765] : memref<64x576x768xf32, #tpu.memory_space<hbm>> -> memref<1x24x768xf32, #tpu.memory_space<hbm>>
      %dma_start3A_1767 = tpu.memref_squeeze %dma_start3A_1766 : memref<1x24x768xf32, #tpu.memory_space<hbm>> -> memref<24x768xf32, #tpu.memory_space<hbm>>
      tpu.enqueue_dma source(%dma_start3A_1767 : memref<24x768xf32, #tpu.memory_space<hbm>>) target(%arg6 : memref<24x768xf32, #tpu.memory_space<vmem>>) target_semaphore(%arg11 : memref<!tpu.dma_semaphore, #tpu.memory_space<semaphore_mem>>)
      %scan3A_1768 = arith.constant 0 : i32
      %scan3A_1769 = arith.constant 24 : i32
      %scan3A_1770 = arith.addi %scan3A_1768, %scan3A_1769 : i32
      %scan3A_1771 = arith.constant 1 : i32
      scf.for %scan3A_2020 = %scan3A_1768 to %scan3A_1770 step %scan3A_1771  : i32 {
        %mul3A_2021 = arith.constant 1 : i32
        %mul3A_2022 = arith.muli %scan3A_2020, %mul3A_2021 : i32
        %add3A_2023 = arith.constant 0 : i32
        %add3A_2024 = arith.addi %add3A_2023, %mul3A_2022 : i32
        %parallel_loop3A = arith.constant 0 : i32
        %parallel_loop3A_2025 = arith.constant 768 : i32
        %parallel_loop3A_2026 = arith.constant 16 : i32
        scf.for %parallel_loop3A_2027 = %parallel_loop3A to %parallel_loop3A_2025 step %parallel_loop3A_2026  : i32 {
          %parallel_loop3A_2028 = arith.index_cast %add3A_2024 : i32 to index
          %parallel_loop3A_2029 = arith.index_cast %parallel_loop3A_2027 : i32 to index
          %parallel_loop3A_2030 = tpu.vector_load %arg8[%parallel_loop3A_2028, %parallel_loop3A_2029] {strides = array<i32>} : memref<24x768xf32, #tpu.memory_space<vmem>>, vector<1x16xf32>,
          %parallel_loop3A_2031 = vector.shape_cast %parallel_loop3A_2030 : vector<1x16xf32> to vector<16xf32>
          %parallel_loop3A_2032 = arith.constant 24 : i32
          %parallel_loop3A_2033 = arith.addi %parallel_loop3A_2032, %add3A_2024 : i32
          %parallel_loop3A_2034 = arith.index_cast %parallel_loop3A_2033 : i32 to index
          %parallel_loop3A_2035 = arith.index_cast %parallel_loop3A_2027 : i32 to index
          %parallel_loop3A_2036 = tpu.vector_load %arg9[%parallel_loop3A_2034, %parallel_loop3A_2035] {strides = array<i32>} : memref<72x768xf32, #tpu.memory_space<vmem>>, vector<1x16xf32>,
          %parallel_loop3A_2037 = vector.shape_cast %parallel_loop3A_2036 : vector<1x16xf32> to vector<16xf32>
          %parallel_loop3A_2038 = arith.addf %parallel_loop3A_2031, %parallel_loop3A_2037 : vector<16xf32>
          %parallel_loop3A_2039 = arith.index_cast %add3A_2024 : i32 to index
          %parallel_loop3A_2040 = arith.index_cast %parallel_loop3A_2027 : i32 to index
          %parallel_loop3A_2041 = tpu.vector_load %arg8[%parallel_loop3A_2039, %parallel_loop3A_2040] {strides = array<i32>} : memref<24x768xf32, #tpu.memory_space<vmem>>, vector<1x16xf32>,
          %parallel_loop3A_2042 = vector.shape_cast %parallel_loop3A_2041 : vector<1x16xf32> to vector<16xf32>
          %parallel_loop3A_2043 = vector.shape_cast %parallel_loop3A_2038 : vector<16xf32> to vector<1x16xf32>
          tpu.vector_store %arg8[%parallel_loop3A_2039, %parallel_loop3A_2040], %parallel_loop3A_2043 {strides = array<i32>} : memref<24x768xf32, #tpu.memory_space<vmem>>, vector<1x16xf32>,
        } {sc.loop_unroll_factor = 8 : i64, sc.parallel_access}
      }
      %scan3A_1772 = arith.constant 24 : i32
      %mul3A_1773 = arith.constant 16 : i32
      %mul3A_1774 = arith.muli %select_n3A_9, %mul3A_1773 : i32
      %add3A_1775 = arith.addi %mul3A_1774, %add3A_1728 : i32
      %add3A_1776 = arith.constant 24 : i32
      %add3A_1777 = arith.addi %mul3A_32, %add3A_1776 : i32
      %dma_start3A_1778 = arith.constant 0 : i32
      %dma_start3A_1779 = tpu.memref_slice %arg4[%add3A_1775, %add3A_1777, %dma_start3A_1778] : memref<64x576x768xf32, #tpu.memory_space<hbm>> -> memref<1x24x768xf32, #tpu.memory_space<hbm>>
      %dma_start3A_1780 = tpu.memref_squeeze %dma_start3A_1779 : memref<1x24x768xf32, #tpu.memory_space<hbm>> -> memref<24x768xf32, #tpu.memory_space<hbm>>
      %dma_start3A_1781 = arith.constant 0 : i32
      %dma_start3A_1782 = tpu.memref_slice %arg4[%add3A_1775, %add3A_1777, %dma_start3A_1781] : memref<64x576x768xf32, #tpu.memory_space<hbm>> -> memref<1x24x768xf32, #tpu.memory_space<hbm>>
      %dma_start3A_1783 = tpu.memref_squeeze %dma_start3A_1782 : memref<1x24x768xf32, #tpu.memory_space<hbm>> -> memref<24x768xf32, #tpu.memory_space<hbm>>
      tpu.enqueue_dma source(%arg8 : memref<24x768xf32, #tpu.memory_space<vmem>>) target(%dma_start3A_1783 : memref<24x768xf32, #tpu.memory_space<hbm>>) target_semaphore(%arg17 : memref<!tpu.dma_semaphore, #tpu.memory_space<semaphore_mem>>)
      %mul3A_1784 = arith.constant 4 : i32
      %mul3A_1785 = arith.muli %mul3A_1784, %add3A_1311 : i32
      %add3A_1786 = arith.constant 2 : i32
      %add3A_1787 = arith.addi %mul3A_1785, %add3A_1786 : i32
      %mul3A_1788 = arith.constant 16 : i32
      %mul3A_1789 = arith.muli %select_n3A_9, %mul3A_1788 : i32
      %add3A_1790 = arith.constant 0 : i32
      %add3A_1791 = arith.addi %mul3A_1789, %add3A_1790 : i32
      %add3A_1792 = arith.constant 0 : i32
      %add3A_1793 = arith.addi %mul3A_32, %add3A_1792 : i32
      %dma_wait3A_1794 = arith.constant 0 : i32
      %dma_wait3A_1795 = tpu.memref_slice %arg2[%add3A_1791, %add3A_1793, %dma_wait3A_1794] : memref<64x576x768xf32, #tpu.memory_space<hbm>> -> memref<1x24x768xf32, #tpu.memory_space<hbm>>
      %dma_wait3A_1796 = tpu.memref_squeeze %dma_wait3A_1795 : memref<1x24x768xf32, #tpu.memory_space<hbm>> -> memref<24x768xf32, #tpu.memory_space<hbm>>
      %dma_wait3A_1797 = arith.constant 0 : i32
      %dma_wait3A_1798 = tpu.memref_slice %arg2[%add3A_1791, %add3A_1793, %dma_wait3A_1797] : memref<64x576x768xf32, #tpu.memory_space<hbm>> -> memref<1x24x768xf32, #tpu.memory_space<hbm>>
      %dma_wait3A_1799 = tpu.memref_squeeze %dma_wait3A_1798 : memref<1x24x768xf32, #tpu.memory_space<hbm>> -> memref<24x768xf32, #tpu.memory_space<hbm>>
      tpu.wait_dma2 semaphore(%arg10 : memref<!tpu.dma_semaphore, #tpu.memory_space<semaphore_mem>>) src(%dma_wait3A_1799 : memref<24x768xf32, #tpu.memory_space<hbm>>) dst(%arg5 : memref<24x768xf32, #tpu.memory_space<vmem>>)
      %mul3A_1800 = arith.constant 4 : i32
      %mul3A_1801 = arith.muli %mul3A_1800, %add3A_1311 : i32
      %add3A_1802 = arith.constant 3 : i32
      %add3A_1803 = arith.addi %mul3A_1801, %add3A_1802 : i32
      %mul3A_1804 = arith.constant 16 : i32
      %mul3A_1805 = arith.muli %select_n3A_9, %mul3A_1804 : i32
      %add3A_1806 = arith.constant 0 : i32
      %add3A_1807 = arith.addi %mul3A_1805, %add3A_1806 : i32
      %add3A_1808 = arith.constant 0 : i32
      %add3A_1809 = arith.addi %mul3A_32, %add3A_1808 : i32
      %dma_wait3A_1810 = arith.constant 0 : i32
      %dma_wait3A_1811 = tpu.memref_slice %arg4[%add3A_1807, %add3A_1809, %dma_wait3A_1810] : memref<64x576x768xf32, #tpu.memory_space<hbm>> -> memref<1x24x768xf32, #tpu.memory_space<hbm>>
      %dma_wait3A_1812 = tpu.memref_squeeze %dma_wait3A_1811 : memref<1x24x768xf32, #tpu.memory_space<hbm>> -> memref<24x768xf32, #tpu.memory_space<hbm>>
      %dma_wait3A_1813 = arith.constant 0 : i32
      %dma_wait3A_1814 = tpu.memref_slice %arg4[%add3A_1807, %add3A_1809, %dma_wait3A_1813] : memref<64x576x768xf32, #tpu.memory_space<hbm>> -> memref<1x24x768xf32, #tpu.memory_space<hbm>>
      %dma_wait3A_1815 = tpu.memref_squeeze %dma_wait3A_1814 : memref<1x24x768xf32, #tpu.memory_space<hbm>> -> memref<24x768xf32, #tpu.memory_space<hbm>>
      tpu.wait_dma2 semaphore(%arg16 : memref<!tpu.dma_semaphore, #tpu.memory_space<semaphore_mem>>) src(%arg7 : memref<24x768xf32, #tpu.memory_space<vmem>>) dst(%dma_wait3A_1815 : memref<24x768xf32, #tpu.memory_space<hbm>>)
      %mul3A_1816 = arith.constant 16 : i32
      %mul3A_1817 = arith.muli %select_n3A_9, %mul3A_1816 : i32
      %add3A_1818 = arith.addi %mul3A_1817, %add3A_1803 : i32
      %add3A_1819 = arith.constant 24 : i32
      %add3A_1820 = arith.addi %mul3A_32, %add3A_1819 : i32
      %dma_start3A_1821 = arith.constant 0 : i32
      %dma_start3A_1822 = tpu.memref_slice %arg2[%add3A_1818, %add3A_1820, %dma_start3A_1821] : memref<64x576x768xf32, #tpu.memory_space<hbm>> -> memref<1x24x768xf32, #tpu.memory_space<hbm>>
      %dma_start3A_1823 = tpu.memref_squeeze %dma_start3A_1822 : memref<1x24x768xf32, #tpu.memory_space<hbm>> -> memref<24x768xf32, #tpu.memory_space<hbm>>
      %dma_start3A_1824 = arith.constant 0 : i32
      %dma_start3A_1825 = tpu.memref_slice %arg2[%add3A_1818, %add3A_1820, %dma_start3A_1824] : memref<64x576x768xf32, #tpu.memory_space<hbm>> -> memref<1x24x768xf32, #tpu.memory_space<hbm>>
      %dma_start3A_1826 = tpu.memref_squeeze %dma_start3A_1825 : memref<1x24x768xf32, #tpu.memory_space<hbm>> -> memref<24x768xf32, #tpu.memory_space<hbm>>
      tpu.enqueue_dma source(%dma_start3A_1826 : memref<24x768xf32, #tpu.memory_space<hbm>>) target(%arg7 : memref<24x768xf32, #tpu.memory_space<vmem>>) target_semaphore(%arg12 : memref<!tpu.dma_semaphore, #tpu.memory_space<semaphore_mem>>)
      %scan3A_1827 = arith.constant 0 : i32
      %scan3A_1828 = arith.constant 24 : i32
      %scan3A_1829 = arith.addi %scan3A_1827, %scan3A_1828 : i32
      %scan3A_1830 = arith.constant 1 : i32
      scf.for %scan3A_2020 = %scan3A_1827 to %scan3A_1829 step %scan3A_1830  : i32 {
        %mul3A_2021 = arith.constant 1 : i32
        %mul3A_2022 = arith.muli %scan3A_2020, %mul3A_2021 : i32
        %add3A_2023 = arith.constant 0 : i32
        %add3A_2024 = arith.addi %add3A_2023, %mul3A_2022 : i32
        %parallel_loop3A = arith.constant 0 : i32
        %parallel_loop3A_2025 = arith.constant 768 : i32
        %parallel_loop3A_2026 = arith.constant 16 : i32
        scf.for %parallel_loop3A_2027 = %parallel_loop3A to %parallel_loop3A_2025 step %parallel_loop3A_2026  : i32 {
          %parallel_loop3A_2028 = arith.index_cast %add3A_2024 : i32 to index
          %parallel_loop3A_2029 = arith.index_cast %parallel_loop3A_2027 : i32 to index
          %parallel_loop3A_2030 = tpu.vector_load %arg5[%parallel_loop3A_2028, %parallel_loop3A_2029] {strides = array<i32>} : memref<24x768xf32, #tpu.memory_space<vmem>>, vector<1x16xf32>,
          %parallel_loop3A_2031 = vector.shape_cast %parallel_loop3A_2030 : vector<1x16xf32> to vector<16xf32>
          %parallel_loop3A_2032 = arith.constant 48 : i32
          %parallel_loop3A_2033 = arith.addi %parallel_loop3A_2032, %add3A_2024 : i32
          %parallel_loop3A_2034 = arith.index_cast %parallel_loop3A_2033 : i32 to index
          %parallel_loop3A_2035 = arith.index_cast %parallel_loop3A_2027 : i32 to index
          %parallel_loop3A_2036 = tpu.vector_load %arg9[%parallel_loop3A_2034, %parallel_loop3A_2035] {strides = array<i32>} : memref<72x768xf32, #tpu.memory_space<vmem>>, vector<1x16xf32>,
          %parallel_loop3A_2037 = vector.shape_cast %parallel_loop3A_2036 : vector<1x16xf32> to vector<16xf32>
          %parallel_loop3A_2038 = arith.addf %parallel_loop3A_2031, %parallel_loop3A_2037 : vector<16xf32>
          %parallel_loop3A_2039 = arith.index_cast %add3A_2024 : i32 to index
          %parallel_loop3A_2040 = arith.index_cast %parallel_loop3A_2027 : i32 to index
          %parallel_loop3A_2041 = tpu.vector_load %arg5[%parallel_loop3A_2039, %parallel_loop3A_2040] {strides = array<i32>} : memref<24x768xf32, #tpu.memory_space<vmem>>, vector<1x16xf32>,
          %parallel_loop3A_2042 = vector.shape_cast %parallel_loop3A_2041 : vector<1x16xf32> to vector<16xf32>
          %parallel_loop3A_2043 = vector.shape_cast %parallel_loop3A_2038 : vector<16xf32> to vector<1x16xf32>
          tpu.vector_store %arg5[%parallel_loop3A_2039, %parallel_loop3A_2040], %parallel_loop3A_2043 {strides = array<i32>} : memref<24x768xf32, #tpu.memory_space<vmem>>, vector<1x16xf32>,
        } {sc.loop_unroll_factor = 8 : i64, sc.parallel_access}
      }
      %scan3A_1831 = arith.constant 24 : i32
      %mul3A_1832 = arith.constant 16 : i32
      %mul3A_1833 = arith.muli %select_n3A_9, %mul3A_1832 : i32
      %add3A_1834 = arith.addi %mul3A_1833, %add3A_1787 : i32
      %add3A_1835 = arith.constant 48 : i32
      %add3A_1836 = arith.addi %mul3A_32, %add3A_1835 : i32
      %dma_start3A_1837 = arith.constant 0 : i32
      %dma_start3A_1838 = tpu.memref_slice %arg4[%add3A_1834, %add3A_1836, %dma_start3A_1837] : memref<64x576x768xf32, #tpu.memory_space<hbm>> -> memref<1x24x768xf32, #tpu.memory_space<hbm>>
      %dma_start3A_1839 = tpu.memref_squeeze %dma_start3A_1838 : memref<1x24x768xf32, #tpu.memory_space<hbm>> -> memref<24x768xf32, #tpu.memory_space<hbm>>
      %dma_start3A_1840 = arith.constant 0 : i32
      %dma_start3A_1841 = tpu.memref_slice %arg4[%add3A_1834, %add3A_1836, %dma_start3A_1840] : memref<64x576x768xf32, #tpu.memory_space<hbm>> -> memref<1x24x768xf32, #tpu.memory_space<hbm>>
      %dma_start3A_1842 = tpu.memref_squeeze %dma_start3A_1841 : memref<1x24x768xf32, #tpu.memory_space<hbm>> -> memref<24x768xf32, #tpu.memory_space<hbm>>
      tpu.enqueue_dma source(%arg5 : memref<24x768xf32, #tpu.memory_space<vmem>>) target(%dma_start3A_1842 : memref<24x768xf32, #tpu.memory_space<hbm>>) target_semaphore(%arg14 : memref<!tpu.dma_semaphore, #tpu.memory_space<semaphore_mem>>)
      %mul3A_1843 = arith.constant 4 : i32
      %mul3A_1844 = arith.muli %mul3A_1843, %add3A_1311 : i32
      %add3A_1845 = arith.constant 3 : i32
      %add3A_1846 = arith.addi %mul3A_1844, %add3A_1845 : i32
      %mul3A_1847 = arith.constant 16 : i32
      %mul3A_1848 = arith.muli %select_n3A_9, %mul3A_1847 : i32
      %add3A_1849 = arith.constant 0 : i32
      %add3A_1850 = arith.addi %mul3A_1848, %add3A_1849 : i32
      %add3A_1851 = arith.constant 0 : i32
      %add3A_1852 = arith.addi %mul3A_32, %add3A_1851 : i32
      %dma_wait3A_1853 = arith.constant 0 : i32
      %dma_wait3A_1854 = tpu.memref_slice %arg2[%add3A_1850, %add3A_1852, %dma_wait3A_1853] : memref<64x576x768xf32, #tpu.memory_space<hbm>> -> memref<1x24x768xf32, #tpu.memory_space<hbm>>
      %dma_wait3A_1855 = tpu.memref_squeeze %dma_wait3A_1854 : memref<1x24x768xf32, #tpu.memory_space<hbm>> -> memref<24x768xf32, #tpu.memory_space<hbm>>
      %dma_wait3A_1856 = arith.constant 0 : i32
      %dma_wait3A_1857 = tpu.memref_slice %arg2[%add3A_1850, %add3A_1852, %dma_wait3A_1856] : memref<64x576x768xf32, #tpu.memory_space<hbm>> -> memref<1x24x768xf32, #tpu.memory_space<hbm>>
      %dma_wait3A_1858 = tpu.memref_squeeze %dma_wait3A_1857 : memref<1x24x768xf32, #tpu.memory_space<hbm>> -> memref<24x768xf32, #tpu.memory_space<hbm>>
      tpu.wait_dma2 semaphore(%arg11 : memref<!tpu.dma_semaphore, #tpu.memory_space<semaphore_mem>>) src(%dma_wait3A_1858 : memref<24x768xf32, #tpu.memory_space<hbm>>) dst(%arg6 : memref<24x768xf32, #tpu.memory_space<vmem>>)
      %mul3A_1859 = arith.constant 4 : i32
      %mul3A_1860 = arith.muli %mul3A_1859, %add3A_1311 : i32
      %add3A_1861 = arith.constant 3 : i32
      %add3A_1862 = arith.addi %mul3A_1860, %add3A_1861 : i32
      %mul3A_1863 = arith.constant 16 : i32
      %mul3A_1864 = arith.muli %select_n3A_9, %mul3A_1863 : i32
      %add3A_1865 = arith.constant 0 : i32
      %add3A_1866 = arith.addi %mul3A_1864, %add3A_1865 : i32
      %add3A_1867 = arith.constant 0 : i32
      %add3A_1868 = arith.addi %mul3A_32, %add3A_1867 : i32
      %dma_wait3A_1869 = arith.constant 0 : i32
      %dma_wait3A_1870 = tpu.memref_slice %arg4[%add3A_1866, %add3A_1868, %dma_wait3A_1869] : memref<64x576x768xf32, #tpu.memory_space<hbm>> -> memref<1x24x768xf32, #tpu.memory_space<hbm>>
      %dma_wait3A_1871 = tpu.memref_squeeze %dma_wait3A_1870 : memref<1x24x768xf32, #tpu.memory_space<hbm>> -> memref<24x768xf32, #tpu.memory_space<hbm>>
      %dma_wait3A_1872 = arith.constant 0 : i32
      %dma_wait3A_1873 = tpu.memref_slice %arg4[%add3A_1866, %add3A_1868, %dma_wait3A_1872] : memref<64x576x768xf32, #tpu.memory_space<hbm>> -> memref<1x24x768xf32, #tpu.memory_space<hbm>>
      %dma_wait3A_1874 = tpu.memref_squeeze %dma_wait3A_1873 : memref<1x24x768xf32, #tpu.memory_space<hbm>> -> memref<24x768xf32, #tpu.memory_space<hbm>>
      tpu.wait_dma2 semaphore(%arg17 : memref<!tpu.dma_semaphore, #tpu.memory_space<semaphore_mem>>) src(%arg8 : memref<24x768xf32, #tpu.memory_space<vmem>>) dst(%dma_wait3A_1874 : memref<24x768xf32, #tpu.memory_space<hbm>>)
      %mul3A_1875 = arith.constant 16 : i32
      %mul3A_1876 = arith.muli %select_n3A_9, %mul3A_1875 : i32
      %add3A_1877 = arith.addi %mul3A_1876, %add3A_1862 : i32
      %add3A_1878 = arith.constant 48 : i32
      %add3A_1879 = arith.addi %mul3A_32, %add3A_1878 : i32
      %dma_start3A_1880 = arith.constant 0 : i32
      %dma_start3A_1881 = tpu.memref_slice %arg2[%add3A_1877, %add3A_1879, %dma_start3A_1880] : memref<64x576x768xf32, #tpu.memory_space<hbm>> -> memref<1x24x768xf32, #tpu.memory_space<hbm>>
      %dma_start3A_1882 = tpu.memref_squeeze %dma_start3A_1881 : memref<1x24x768xf32, #tpu.memory_space<hbm>> -> memref<24x768xf32, #tpu.memory_space<hbm>>
      %dma_start3A_1883 = arith.constant 0 : i32
      %dma_start3A_1884 = tpu.memref_slice %arg2[%add3A_1877, %add3A_1879, %dma_start3A_1883] : memref<64x576x768xf32, #tpu.memory_space<hbm>> -> memref<1x24x768xf32, #tpu.memory_space<hbm>>
      %dma_start3A_1885 = tpu.memref_squeeze %dma_start3A_1884 : memref<1x24x768xf32, #tpu.memory_space<hbm>> -> memref<24x768xf32, #tpu.memory_space<hbm>>
      tpu.enqueue_dma source(%dma_start3A_1885 : memref<24x768xf32, #tpu.memory_space<hbm>>) target(%arg8 : memref<24x768xf32, #tpu.memory_space<vmem>>) target_semaphore(%arg13 : memref<!tpu.dma_semaphore, #tpu.memory_space<semaphore_mem>>)
      %scan3A_1886 = arith.constant 0 : i32
      %scan3A_1887 = arith.constant 24 : i32
      %scan3A_1888 = arith.addi %scan3A_1886, %scan3A_1887 : i32
      %scan3A_1889 = arith.constant 1 : i32
      scf.for %scan3A_2020 = %scan3A_1886 to %scan3A_1888 step %scan3A_1889  : i32 {
        %mul3A_2021 = arith.constant 1 : i32
        %mul3A_2022 = arith.muli %scan3A_2020, %mul3A_2021 : i32
        %add3A_2023 = arith.constant 0 : i32
        %add3A_2024 = arith.addi %add3A_2023, %mul3A_2022 : i32
        %parallel_loop3A = arith.constant 0 : i32
        %parallel_loop3A_2025 = arith.constant 768 : i32
        %parallel_loop3A_2026 = arith.constant 16 : i32
        scf.for %parallel_loop3A_2027 = %parallel_loop3A to %parallel_loop3A_2025 step %parallel_loop3A_2026  : i32 {
          %parallel_loop3A_2028 = arith.index_cast %add3A_2024 : i32 to index
          %parallel_loop3A_2029 = arith.index_cast %parallel_loop3A_2027 : i32 to index
          %parallel_loop3A_2030 = tpu.vector_load %arg6[%parallel_loop3A_2028, %parallel_loop3A_2029] {strides = array<i32>} : memref<24x768xf32, #tpu.memory_space<vmem>>, vector<1x16xf32>,
          %parallel_loop3A_2031 = vector.shape_cast %parallel_loop3A_2030 : vector<1x16xf32> to vector<16xf32>
          %parallel_loop3A_2032 = arith.constant 0 : i32
          %parallel_loop3A_2033 = arith.addi %parallel_loop3A_2032, %add3A_2024 : i32
          %parallel_loop3A_2034 = arith.index_cast %parallel_loop3A_2033 : i32 to index
          %parallel_loop3A_2035 = arith.index_cast %parallel_loop3A_2027 : i32 to index
          %parallel_loop3A_2036 = tpu.vector_load %arg9[%parallel_loop3A_2034, %parallel_loop3A_2035] {strides = array<i32>} : memref<72x768xf32, #tpu.memory_space<vmem>>, vector<1x16xf32>,
          %parallel_loop3A_2037 = vector.shape_cast %parallel_loop3A_2036 : vector<1x16xf32> to vector<16xf32>
          %parallel_loop3A_2038 = arith.addf %parallel_loop3A_2031, %parallel_loop3A_2037 : vector<16xf32>
          %parallel_loop3A_2039 = arith.index_cast %add3A_2024 : i32 to index
          %parallel_loop3A_2040 = arith.index_cast %parallel_loop3A_2027 : i32 to index
          %parallel_loop3A_2041 = tpu.vector_load %arg6[%parallel_loop3A_2039, %parallel_loop3A_2040] {strides = array<i32>} : memref<24x768xf32, #tpu.memory_space<vmem>>, vector<1x16xf32>,
          %parallel_loop3A_2042 = vector.shape_cast %parallel_loop3A_2041 : vector<1x16xf32> to vector<16xf32>
          %parallel_loop3A_2043 = vector.shape_cast %parallel_loop3A_2038 : vector<16xf32> to vector<1x16xf32>
          tpu.vector_store %arg6[%parallel_loop3A_2039, %parallel_loop3A_2040], %parallel_loop3A_2043 {strides = array<i32>} : memref<24x768xf32, #tpu.memory_space<vmem>>, vector<1x16xf32>,
        } {sc.loop_unroll_factor = 8 : i64, sc.parallel_access}
      }
      %scan3A_1890 = arith.constant 24 : i32
      %mul3A_1891 = arith.constant 16 : i32
      %mul3A_1892 = arith.muli %select_n3A_9, %mul3A_1891 : i32
      %add3A_1893 = arith.addi %mul3A_1892, %add3A_1846 : i32
      %add3A_1894 = arith.constant 0 : i32
      %add3A_1895 = arith.addi %mul3A_32, %add3A_1894 : i32
      %dma_start3A_1896 = arith.constant 0 : i32
      %dma_start3A_1897 = tpu.memref_slice %arg4[%add3A_1893, %add3A_1895, %dma_start3A_1896] : memref<64x576x768xf32, #tpu.memory_space<hbm>> -> memref<1x24x768xf32, #tpu.memory_space<hbm>>
      %dma_start3A_1898 = tpu.memref_squeeze %dma_start3A_1897 : memref<1x24x768xf32, #tpu.memory_space<hbm>> -> memref<24x768xf32, #tpu.memory_space<hbm>>
      %dma_start3A_1899 = arith.constant 0 : i32
      %dma_start3A_1900 = tpu.memref_slice %arg4[%add3A_1893, %add3A_1895, %dma_start3A_1899] : memref<64x576x768xf32, #tpu.memory_space<hbm>> -> memref<1x24x768xf32, #tpu.memory_space<hbm>>
      %dma_start3A_1901 = tpu.memref_squeeze %dma_start3A_1900 : memref<1x24x768xf32, #tpu.memory_space<hbm>> -> memref<24x768xf32, #tpu.memory_space<hbm>>
      tpu.enqueue_dma source(%arg6 : memref<24x768xf32, #tpu.memory_space<vmem>>) target(%dma_start3A_1901 : memref<24x768xf32, #tpu.memory_space<hbm>>) target_semaphore(%arg15 : memref<!tpu.dma_semaphore, #tpu.memory_space<semaphore_mem>>)
      %mul3A_1902 = arith.constant 4 : i32
      %mul3A_1903 = arith.muli %mul3A_1902, %add3A_1311 : i32
      %add3A_1904 = arith.constant 3 : i32
      %add3A_1905 = arith.addi %mul3A_1903, %add3A_1904 : i32
      %mul3A_1906 = arith.constant 16 : i32
      %mul3A_1907 = arith.muli %select_n3A_9, %mul3A_1906 : i32
      %add3A_1908 = arith.constant 0 : i32
      %add3A_1909 = arith.addi %mul3A_1907, %add3A_1908 : i32
      %add3A_1910 = arith.constant 0 : i32
      %add3A_1911 = arith.addi %mul3A_32, %add3A_1910 : i32
      %dma_wait3A_1912 = arith.constant 0 : i32
      %dma_wait3A_1913 = tpu.memref_slice %arg2[%add3A_1909, %add3A_1911, %dma_wait3A_1912] : memref<64x576x768xf32, #tpu.memory_space<hbm>> -> memref<1x24x768xf32, #tpu.memory_space<hbm>>
      %dma_wait3A_1914 = tpu.memref_squeeze %dma_wait3A_1913 : memref<1x24x768xf32, #tpu.memory_space<hbm>> -> memref<24x768xf32, #tpu.memory_space<hbm>>
      %dma_wait3A_1915 = arith.constant 0 : i32
      %dma_wait3A_1916 = tpu.memref_slice %arg2[%add3A_1909, %add3A_1911, %dma_wait3A_1915] : memref<64x576x768xf32, #tpu.memory_space<hbm>> -> memref<1x24x768xf32, #tpu.memory_space<hbm>>
      %dma_wait3A_1917 = tpu.memref_squeeze %dma_wait3A_1916 : memref<1x24x768xf32, #tpu.memory_space<hbm>> -> memref<24x768xf32, #tpu.memory_space<hbm>>
      tpu.wait_dma2 semaphore(%arg12 : memref<!tpu.dma_semaphore, #tpu.memory_space<semaphore_mem>>) src(%dma_wait3A_1917 : memref<24x768xf32, #tpu.memory_space<hbm>>) dst(%arg7 : memref<24x768xf32, #tpu.memory_space<vmem>>)
      %mul3A_1918 = arith.constant 4 : i32
      %mul3A_1919 = arith.muli %mul3A_1918, %add3A_1311 : i32
      %add3A_1920 = arith.constant 4 : i32
      %add3A_1921 = arith.addi %mul3A_1919, %add3A_1920 : i32
      %mul3A_1922 = arith.constant 16 : i32
      %mul3A_1923 = arith.muli %select_n3A_9, %mul3A_1922 : i32
      %add3A_1924 = arith.constant 0 : i32
      %add3A_1925 = arith.addi %mul3A_1923, %add3A_1924 : i32
      %add3A_1926 = arith.constant 0 : i32
      %add3A_1927 = arith.addi %mul3A_32, %add3A_1926 : i32
      %dma_wait3A_1928 = arith.constant 0 : i32
      %dma_wait3A_1929 = tpu.memref_slice %arg4[%add3A_1925, %add3A_1927, %dma_wait3A_1928] : memref<64x576x768xf32, #tpu.memory_space<hbm>> -> memref<1x24x768xf32, #tpu.memory_space<hbm>>
      %dma_wait3A_1930 = tpu.memref_squeeze %dma_wait3A_1929 : memref<1x24x768xf32, #tpu.memory_space<hbm>> -> memref<24x768xf32, #tpu.memory_space<hbm>>
      %dma_wait3A_1931 = arith.constant 0 : i32
      %dma_wait3A_1932 = tpu.memref_slice %arg4[%add3A_1925, %add3A_1927, %dma_wait3A_1931] : memref<64x576x768xf32, #tpu.memory_space<hbm>> -> memref<1x24x768xf32, #tpu.memory_space<hbm>>
      %dma_wait3A_1933 = tpu.memref_squeeze %dma_wait3A_1932 : memref<1x24x768xf32, #tpu.memory_space<hbm>> -> memref<24x768xf32, #tpu.memory_space<hbm>>
      tpu.wait_dma2 semaphore(%arg14 : memref<!tpu.dma_semaphore, #tpu.memory_space<semaphore_mem>>) src(%arg5 : memref<24x768xf32, #tpu.memory_space<vmem>>) dst(%dma_wait3A_1933 : memref<24x768xf32, #tpu.memory_space<hbm>>)
      %mul3A_1934 = arith.constant 16 : i32
      %mul3A_1935 = arith.muli %select_n3A_9, %mul3A_1934 : i32
      %add3A_1936 = arith.addi %mul3A_1935, %add3A_1921 : i32
      %add3A_1937 = arith.constant 0 : i32
      %add3A_1938 = arith.addi %mul3A_32, %add3A_1937 : i32
      %dma_start3A_1939 = arith.constant 0 : i32
      %dma_start3A_1940 = tpu.memref_slice %arg2[%add3A_1936, %add3A_1938, %dma_start3A_1939] : memref<64x576x768xf32, #tpu.memory_space<hbm>> -> memref<1x24x768xf32, #tpu.memory_space<hbm>>
      %dma_start3A_1941 = tpu.memref_squeeze %dma_start3A_1940 : memref<1x24x768xf32, #tpu.memory_space<hbm>> -> memref<24x768xf32, #tpu.memory_space<hbm>>
      %dma_start3A_1942 = arith.constant 0 : i32
      %dma_start3A_1943 = tpu.memref_slice %arg2[%add3A_1936, %add3A_1938, %dma_start3A_1942] : memref<64x576x768xf32, #tpu.memory_space<hbm>> -> memref<1x24x768xf32, #tpu.memory_space<hbm>>
      %dma_start3A_1944 = tpu.memref_squeeze %dma_start3A_1943 : memref<1x24x768xf32, #tpu.memory_space<hbm>> -> memref<24x768xf32, #tpu.memory_space<hbm>>
      tpu.enqueue_dma source(%dma_start3A_1944 : memref<24x768xf32, #tpu.memory_space<hbm>>) target(%arg5 : memref<24x768xf32, #tpu.memory_space<vmem>>) target_semaphore(%arg10 : memref<!tpu.dma_semaphore, #tpu.memory_space<semaphore_mem>>)
      %scan3A_1945 = arith.constant 0 : i32
      %scan3A_1946 = arith.constant 24 : i32
      %scan3A_1947 = arith.addi %scan3A_1945, %scan3A_1946 : i32
      %scan3A_1948 = arith.constant 1 : i32
      scf.for %scan3A_2020 = %scan3A_1945 to %scan3A_1947 step %scan3A_1948  : i32 {
        %mul3A_2021 = arith.constant 1 : i32
        %mul3A_2022 = arith.muli %scan3A_2020, %mul3A_2021 : i32
        %add3A_2023 = arith.constant 0 : i32
        %add3A_2024 = arith.addi %add3A_2023, %mul3A_2022 : i32
        %parallel_loop3A = arith.constant 0 : i32
        %parallel_loop3A_2025 = arith.constant 768 : i32
        %parallel_loop3A_2026 = arith.constant 16 : i32
        scf.for %parallel_loop3A_2027 = %parallel_loop3A to %parallel_loop3A_2025 step %parallel_loop3A_2026  : i32 {
          %parallel_loop3A_2028 = arith.index_cast %add3A_2024 : i32 to index
          %parallel_loop3A_2029 = arith.index_cast %parallel_loop3A_2027 : i32 to index
          %parallel_loop3A_2030 = tpu.vector_load %arg7[%parallel_loop3A_2028, %parallel_loop3A_2029] {strides = array<i32>} : memref<24x768xf32, #tpu.memory_space<vmem>>, vector<1x16xf32>,
          %parallel_loop3A_2031 = vector.shape_cast %parallel_loop3A_2030 : vector<1x16xf32> to vector<16xf32>
          %parallel_loop3A_2032 = arith.constant 24 : i32
          %parallel_loop3A_2033 = arith.addi %parallel_loop3A_2032, %add3A_2024 : i32
          %parallel_loop3A_2034 = arith.index_cast %parallel_loop3A_2033 : i32 to index
          %parallel_loop3A_2035 = arith.index_cast %parallel_loop3A_2027 : i32 to index
          %parallel_loop3A_2036 = tpu.vector_load %arg9[%parallel_loop3A_2034, %parallel_loop3A_2035] {strides = array<i32>} : memref<72x768xf32, #tpu.memory_space<vmem>>, vector<1x16xf32>,
          %parallel_loop3A_2037 = vector.shape_cast %parallel_loop3A_2036 : vector<1x16xf32> to vector<16xf32>
          %parallel_loop3A_2038 = arith.addf %parallel_loop3A_2031, %parallel_loop3A_2037 : vector<16xf32>
          %parallel_loop3A_2039 = arith.index_cast %add3A_2024 : i32 to index
          %parallel_loop3A_2040 = arith.index_cast %parallel_loop3A_2027 : i32 to index
          %parallel_loop3A_2041 = tpu.vector_load %arg7[%parallel_loop3A_2039, %parallel_loop3A_2040] {strides = array<i32>} : memref<24x768xf32, #tpu.memory_space<vmem>>, vector<1x16xf32>,
          %parallel_loop3A_2042 = vector.shape_cast %parallel_loop3A_2041 : vector<1x16xf32> to vector<16xf32>
          %parallel_loop3A_2043 = vector.shape_cast %parallel_loop3A_2038 : vector<16xf32> to vector<1x16xf32>
          tpu.vector_store %arg7[%parallel_loop3A_2039, %parallel_loop3A_2040], %parallel_loop3A_2043 {strides = array<i32>} : memref<24x768xf32, #tpu.memory_space<vmem>>, vector<1x16xf32>,
        } {sc.loop_unroll_factor = 8 : i64, sc.parallel_access}
      }
      %scan3A_1949 = arith.constant 24 : i32
      %mul3A_1950 = arith.constant 16 : i32
      %mul3A_1951 = arith.muli %select_n3A_9, %mul3A_1950 : i32
      %add3A_1952 = arith.addi %mul3A_1951, %add3A_1905 : i32
      %add3A_1953 = arith.constant 24 : i32
      %add3A_1954 = arith.addi %mul3A_32, %add3A_1953 : i32
      %dma_start3A_1955 = arith.constant 0 : i32
      %dma_start3A_1956 = tpu.memref_slice %arg4[%add3A_1952, %add3A_1954, %dma_start3A_1955] : memref<64x576x768xf32, #tpu.memory_space<hbm>> -> memref<1x24x768xf32, #tpu.memory_space<hbm>>
      %dma_start3A_1957 = tpu.memref_squeeze %dma_start3A_1956 : memref<1x24x768xf32, #tpu.memory_space<hbm>> -> memref<24x768xf32, #tpu.memory_space<hbm>>
      %dma_start3A_1958 = arith.constant 0 : i32
      %dma_start3A_1959 = tpu.memref_slice %arg4[%add3A_1952, %add3A_1954, %dma_start3A_1958] : memref<64x576x768xf32, #tpu.memory_space<hbm>> -> memref<1x24x768xf32, #tpu.memory_space<hbm>>
      %dma_start3A_1960 = tpu.memref_squeeze %dma_start3A_1959 : memref<1x24x768xf32, #tpu.memory_space<hbm>> -> memref<24x768xf32, #tpu.memory_space<hbm>>
      tpu.enqueue_dma source(%arg7 : memref<24x768xf32, #tpu.memory_space<vmem>>) target(%dma_start3A_1960 : memref<24x768xf32, #tpu.memory_space<hbm>>) target_semaphore(%arg16 : memref<!tpu.dma_semaphore, #tpu.memory_space<semaphore_mem>>)
      %mul3A_1961 = arith.constant 4 : i32
      %mul3A_1962 = arith.muli %mul3A_1961, %add3A_1311 : i32
      %add3A_1963 = arith.constant 3 : i32
      %add3A_1964 = arith.addi %mul3A_1962, %add3A_1963 : i32
      %mul3A_1965 = arith.constant 16 : i32
      %mul3A_1966 = arith.muli %select_n3A_9, %mul3A_1965 : i32
      %add3A_1967 = arith.constant 0 : i32
      %add3A_1968 = arith.addi %mul3A_1966, %add3A_1967 : i32
      %add3A_1969 = arith.constant 0 : i32
      %add3A_1970 = arith.addi %mul3A_32, %add3A_1969 : i32
      %dma_wait3A_1971 = arith.constant 0 : i32
      %dma_wait3A_1972 = tpu.memref_slice %arg2[%add3A_1968, %add3A_1970, %dma_wait3A_1971] : memref<64x576x768xf32, #tpu.memory_space<hbm>> -> memref<1x24x768xf32, #tpu.memory_space<hbm>>
      %dma_wait3A_1973 = tpu.memref_squeeze %dma_wait3A_1972 : memref<1x24x768xf32, #tpu.memory_space<hbm>> -> memref<24x768xf32, #tpu.memory_space<hbm>>
      %dma_wait3A_1974 = arith.constant 0 : i32
      %dma_wait3A_1975 = tpu.memref_slice %arg2[%add3A_1968, %add3A_1970, %dma_wait3A_1974] : memref<64x576x768xf32, #tpu.memory_space<hbm>> -> memref<1x24x768xf32, #tpu.memory_space<hbm>>
      %dma_wait3A_1976 = tpu.memref_squeeze %dma_wait3A_1975 : memref<1x24x768xf32, #tpu.memory_space<hbm>> -> memref<24x768xf32, #tpu.memory_space<hbm>>
      tpu.wait_dma2 semaphore(%arg13 : memref<!tpu.dma_semaphore, #tpu.memory_space<semaphore_mem>>) src(%dma_wait3A_1976 : memref<24x768xf32, #tpu.memory_space<hbm>>) dst(%arg8 : memref<24x768xf32, #tpu.memory_space<vmem>>)
      %mul3A_1977 = arith.constant 4 : i32
      %mul3A_1978 = arith.muli %mul3A_1977, %add3A_1311 : i32
      %add3A_1979 = arith.constant 4 : i32
      %add3A_1980 = arith.addi %mul3A_1978, %add3A_1979 : i32
      %mul3A_1981 = arith.constant 16 : i32
      %mul3A_1982 = arith.muli %select_n3A_9, %mul3A_1981 : i32
      %add3A_1983 = arith.constant 0 : i32
      %add3A_1984 = arith.addi %mul3A_1982, %add3A_1983 : i32
      %add3A_1985 = arith.constant 0 : i32
      %add3A_1986 = arith.addi %mul3A_32, %add3A_1985 : i32
      %dma_wait3A_1987 = arith.constant 0 : i32
      %dma_wait3A_1988 = tpu.memref_slice %arg4[%add3A_1984, %add3A_1986, %dma_wait3A_1987] : memref<64x576x768xf32, #tpu.memory_space<hbm>> -> memref<1x24x768xf32, #tpu.memory_space<hbm>>
      %dma_wait3A_1989 = tpu.memref_squeeze %dma_wait3A_1988 : memref<1x24x768xf32, #tpu.memory_space<hbm>> -> memref<24x768xf32, #tpu.memory_space<hbm>>
      %dma_wait3A_1990 = arith.constant 0 : i32
      %dma_wait3A_1991 = tpu.memref_slice %arg4[%add3A_1984, %add3A_1986, %dma_wait3A_1990] : memref<64x576x768xf32, #tpu.memory_space<hbm>> -> memref<1x24x768xf32, #tpu.memory_space<hbm>>
      %dma_wait3A_1992 = tpu.memref_squeeze %dma_wait3A_1991 : memref<1x24x768xf32, #tpu.memory_space<hbm>> -> memref<24x768xf32, #tpu.memory_space<hbm>>
      tpu.wait_dma2 semaphore(%arg15 : memref<!tpu.dma_semaphore, #tpu.memory_space<semaphore_mem>>) src(%arg6 : memref<24x768xf32, #tpu.memory_space<vmem>>) dst(%dma_wait3A_1992 : memref<24x768xf32, #tpu.memory_space<hbm>>)
      %mul3A_1993 = arith.constant 16 : i32
      %mul3A_1994 = arith.muli %select_n3A_9, %mul3A_1993 : i32
      %add3A_1995 = arith.addi %mul3A_1994, %add3A_1980 : i32
      %add3A_1996 = arith.constant 24 : i32
      %add3A_1997 = arith.addi %mul3A_32, %add3A_1996 : i32
      %dma_start3A_1998 = arith.constant 0 : i32
      %dma_start3A_1999 = tpu.memref_slice %arg2[%add3A_1995, %add3A_1997, %dma_start3A_1998] : memref<64x576x768xf32, #tpu.memory_space<hbm>> -> memref<1x24x768xf32, #tpu.memory_space<hbm>>
      %dma_start3A_2000 = tpu.memref_squeeze %dma_start3A_1999 : memref<1x24x768xf32, #tpu.memory_space<hbm>> -> memref<24x768xf32, #tpu.memory_space<hbm>>
      %dma_start3A_2001 = arith.constant 0 : i32
      %dma_start3A_2002 = tpu.memref_slice %arg2[%add3A_1995, %add3A_1997, %dma_start3A_2001] : memref<64x576x768xf32, #tpu.memory_space<hbm>> -> memref<1x24x768xf32, #tpu.memory_space<hbm>>
      %dma_start3A_2003 = tpu.memref_squeeze %dma_start3A_2002 : memref<1x24x768xf32, #tpu.memory_space<hbm>> -> memref<24x768xf32, #tpu.memory_space<hbm>>
      tpu.enqueue_dma source(%dma_start3A_2003 : memref<24x768xf32, #tpu.memory_space<hbm>>) target(%arg6 : memref<24x768xf32, #tpu.memory_space<vmem>>) target_semaphore(%arg11 : memref<!tpu.dma_semaphore, #tpu.memory_space<semaphore_mem>>)
      %scan3A_2004 = arith.constant 0 : i32
      %scan3A_2005 = arith.constant 24 : i32
      %scan3A_2006 = arith.addi %scan3A_2004, %scan3A_2005 : i32
      %scan3A_2007 = arith.constant 1 : i32
      scf.for %scan3A_2020 = %scan3A_2004 to %scan3A_2006 step %scan3A_2007  : i32 {
        %mul3A_2021 = arith.constant 1 : i32
        %mul3A_2022 = arith.muli %scan3A_2020, %mul3A_2021 : i32
        %add3A_2023 = arith.constant 0 : i32
        %add3A_2024 = arith.addi %add3A_2023, %mul3A_2022 : i32
        %parallel_loop3A = arith.constant 0 : i32
        %parallel_loop3A_2025 = arith.constant 768 : i32
        %parallel_loop3A_2026 = arith.constant 16 : i32
        scf.for %parallel_loop3A_2027 = %parallel_loop3A to %parallel_loop3A_2025 step %parallel_loop3A_2026  : i32 {
          %parallel_loop3A_2028 = arith.index_cast %add3A_2024 : i32 to index
          %parallel_loop3A_2029 = arith.index_cast %parallel_loop3A_2027 : i32 to index
          %parallel_loop3A_2030 = tpu.vector_load %arg8[%parallel_loop3A_2028, %parallel_loop3A_2029] {strides = array<i32>} : memref<24x768xf32, #tpu.memory_space<vmem>>, vector<1x16xf32>,
          %parallel_loop3A_2031 = vector.shape_cast %parallel_loop3A_2030 : vector<1x16xf32> to vector<16xf32>
          %parallel_loop3A_2032 = arith.constant 48 : i32
          %parallel_loop3A_2033 = arith.addi %parallel_loop3A_2032, %add3A_2024 : i32
          %parallel_loop3A_2034 = arith.index_cast %parallel_loop3A_2033 : i32 to index
          %parallel_loop3A_2035 = arith.index_cast %parallel_loop3A_2027 : i32 to index
          %parallel_loop3A_2036 = tpu.vector_load %arg9[%parallel_loop3A_2034, %parallel_loop3A_2035] {strides = array<i32>} : memref<72x768xf32, #tpu.memory_space<vmem>>, vector<1x16xf32>,
          %parallel_loop3A_2037 = vector.shape_cast %parallel_loop3A_2036 : vector<1x16xf32> to vector<16xf32>
          %parallel_loop3A_2038 = arith.addf %parallel_loop3A_2031, %parallel_loop3A_2037 : vector<16xf32>
          %parallel_loop3A_2039 = arith.index_cast %add3A_2024 : i32 to index
          %parallel_loop3A_2040 = arith.index_cast %parallel_loop3A_2027 : i32 to index
          %parallel_loop3A_2041 = tpu.vector_load %arg8[%parallel_loop3A_2039, %parallel_loop3A_2040] {strides = array<i32>} : memref<24x768xf32, #tpu.memory_space<vmem>>, vector<1x16xf32>,
          %parallel_loop3A_2042 = vector.shape_cast %parallel_loop3A_2041 : vector<1x16xf32> to vector<16xf32>
          %parallel_loop3A_2043 = vector.shape_cast %parallel_loop3A_2038 : vector<16xf32> to vector<1x16xf32>
          tpu.vector_store %arg8[%parallel_loop3A_2039, %parallel_loop3A_2040], %parallel_loop3A_2043 {strides = array<i32>} : memref<24x768xf32, #tpu.memory_space<vmem>>, vector<1x16xf32>,
        } {sc.loop_unroll_factor = 8 : i64, sc.parallel_access}
      }
      %scan3A_2008 = arith.constant 24 : i32
      %mul3A_2009 = arith.constant 16 : i32
      %mul3A_2010 = arith.muli %select_n3A_9, %mul3A_2009 : i32
      %add3A_2011 = arith.addi %mul3A_2010, %add3A_1964 : i32
      %add3A_2012 = arith.constant 48 : i32
      %add3A_2013 = arith.addi %mul3A_32, %add3A_2012 : i32
      %dma_start3A_2014 = arith.constant 0 : i32
      %dma_start3A_2015 = tpu.memref_slice %arg4[%add3A_2011, %add3A_2013, %dma_start3A_2014] : memref<64x576x768xf32, #tpu.memory_space<hbm>> -> memref<1x24x768xf32, #tpu.memory_space<hbm>>
      %dma_start3A_2016 = tpu.memref_squeeze %dma_start3A_2015 : memref<1x24x768xf32, #tpu.memory_space<hbm>> -> memref<24x768xf32, #tpu.memory_space<hbm>>
      %dma_start3A_2017 = arith.constant 0 : i32
      %dma_start3A_2018 = tpu.memref_slice %arg4[%add3A_2011, %add3A_2013, %dma_start3A_2017] : memref<64x576x768xf32, #tpu.memory_space<hbm>> -> memref<1x24x768xf32, #tpu.memory_space<hbm>>
      %dma_start3A_2019 = tpu.memref_squeeze %dma_start3A_2018 : memref<1x24x768xf32, #tpu.memory_space<hbm>> -> memref<24x768xf32, #tpu.memory_space<hbm>>
      tpu.enqueue_dma source(%arg8 : memref<24x768xf32, #tpu.memory_space<vmem>>) target(%dma_start3A_2019 : memref<24x768xf32, #tpu.memory_space<hbm>>) target_semaphore(%arg17 : memref<!tpu.dma_semaphore, #tpu.memory_space<semaphore_mem>>)
    }
    %scan3A_670 = arith.constant 2 : i32
    %mul3A_671 = arith.constant 16 : i32
    %mul3A_672 = arith.muli %select_n3A_9, %mul3A_671 : i32
    %add3A_673 = arith.constant 0 : i32
    %add3A_674 = arith.addi %mul3A_672, %add3A_673 : i32
    %add3A_675 = arith.constant 0 : i32
    %add3A_676 = arith.addi %mul3A_32, %add3A_675 : i32
    %dma_wait3A_677 = arith.constant 0 : i32
    %dma_wait3A_678 = tpu.memref_slice %arg2[%add3A_674, %add3A_676, %dma_wait3A_677] : memref<64x576x768xf32, #tpu.memory_space<hbm>> -> memref<1x24x768xf32, #tpu.memory_space<hbm>>
    %dma_wait3A_679 = tpu.memref_squeeze %dma_wait3A_678 : memref<1x24x768xf32, #tpu.memory_space<hbm>> -> memref<24x768xf32, #tpu.memory_space<hbm>>
    %dma_wait3A_680 = arith.constant 0 : i32
    %dma_wait3A_681 = tpu.memref_slice %arg2[%add3A_674, %add3A_676, %dma_wait3A_680] : memref<64x576x768xf32, #tpu.memory_space<hbm>> -> memref<1x24x768xf32, #tpu.memory_space<hbm>>
    %dma_wait3A_682 = tpu.memref_squeeze %dma_wait3A_681 : memref<1x24x768xf32, #tpu.memory_space<hbm>> -> memref<24x768xf32, #tpu.memory_space<hbm>>
    tpu.wait_dma2 semaphore(%arg10 : memref<!tpu.dma_semaphore, #tpu.memory_space<semaphore_mem>>) src(%dma_wait3A_682 : memref<24x768xf32, #tpu.memory_space<hbm>>) dst(%arg5 : memref<24x768xf32, #tpu.memory_space<vmem>>)
    %mul3A_683 = arith.constant 16 : i32
    %mul3A_684 = arith.muli %select_n3A_9, %mul3A_683 : i32
    %add3A_685 = arith.constant 0 : i32
    %add3A_686 = arith.addi %mul3A_684, %add3A_685 : i32
    %add3A_687 = arith.constant 0 : i32
    %add3A_688 = arith.addi %mul3A_32, %add3A_687 : i32
    %dma_wait3A_689 = arith.constant 0 : i32
    %dma_wait3A_690 = tpu.memref_slice %arg4[%add3A_686, %add3A_688, %dma_wait3A_689] : memref<64x576x768xf32, #tpu.memory_space<hbm>> -> memref<1x24x768xf32, #tpu.memory_space<hbm>>
    %dma_wait3A_691 = tpu.memref_squeeze %dma_wait3A_690 : memref<1x24x768xf32, #tpu.memory_space<hbm>> -> memref<24x768xf32, #tpu.memory_space<hbm>>
    %dma_wait3A_692 = arith.constant 0 : i32
    %dma_wait3A_693 = tpu.memref_slice %arg4[%add3A_686, %add3A_688, %dma_wait3A_692] : memref<64x576x768xf32, #tpu.memory_space<hbm>> -> memref<1x24x768xf32, #tpu.memory_space<hbm>>
    %dma_wait3A_694 = tpu.memref_squeeze %dma_wait3A_693 : memref<1x24x768xf32, #tpu.memory_space<hbm>> -> memref<24x768xf32, #tpu.memory_space<hbm>>
    tpu.wait_dma2 semaphore(%arg16 : memref<!tpu.dma_semaphore, #tpu.memory_space<semaphore_mem>>) src(%arg7 : memref<24x768xf32, #tpu.memory_space<vmem>>) dst(%dma_wait3A_694 : memref<24x768xf32, #tpu.memory_space<hbm>>)
    %mul3A_695 = arith.constant 16 : i32
    %mul3A_696 = arith.muli %select_n3A_9, %mul3A_695 : i32
    %add3A_697 = arith.constant 12 : i32
    %add3A_698 = arith.addi %mul3A_696, %add3A_697 : i32
    %add3A_699 = arith.constant 48 : i32
    %add3A_700 = arith.addi %mul3A_32, %add3A_699 : i32
    %dma_start3A_701 = arith.constant 0 : i32
    %dma_start3A_702 = tpu.memref_slice %arg2[%add3A_698, %add3A_700, %dma_start3A_701] : memref<64x576x768xf32, #tpu.memory_space<hbm>> -> memref<1x24x768xf32, #tpu.memory_space<hbm>>
    %dma_start3A_703 = tpu.memref_squeeze %dma_start3A_702 : memref<1x24x768xf32, #tpu.memory_space<hbm>> -> memref<24x768xf32, #tpu.memory_space<hbm>>
    %dma_start3A_704 = arith.constant 0 : i32
    %dma_start3A_705 = tpu.memref_slice %arg2[%add3A_698, %add3A_700, %dma_start3A_704] : memref<64x576x768xf32, #tpu.memory_space<hbm>> -> memref<1x24x768xf32, #tpu.memory_space<hbm>>
    %dma_start3A_706 = tpu.memref_squeeze %dma_start3A_705 : memref<1x24x768xf32, #tpu.memory_space<hbm>> -> memref<24x768xf32, #tpu.memory_space<hbm>>
    tpu.enqueue_dma source(%dma_start3A_706 : memref<24x768xf32, #tpu.memory_space<hbm>>) target(%arg7 : memref<24x768xf32, #tpu.memory_space<vmem>>) target_semaphore(%arg12 : memref<!tpu.dma_semaphore, #tpu.memory_space<semaphore_mem>>)
    %scan3A_707 = arith.constant 0 : i32
    %scan3A_708 = arith.constant 24 : i32
    %scan3A_709 = arith.addi %scan3A_707, %scan3A_708 : i32
    %scan3A_710 = arith.constant 1 : i32
    scf.for %scan3A_1307 = %scan3A_707 to %scan3A_709 step %scan3A_710  : i32 {
      %mul3A_1308 = arith.constant 1 : i32
      %mul3A_1309 = arith.muli %scan3A_1307, %mul3A_1308 : i32
      %add3A_1310 = arith.constant 0 : i32
      %add3A_1311 = arith.addi %add3A_1310, %mul3A_1309 : i32
      %parallel_loop3A = arith.constant 0 : i32
      %parallel_loop3A_1312 = arith.constant 768 : i32
      %parallel_loop3A_1313 = arith.constant 16 : i32
      scf.for %parallel_loop3A_1314 = %parallel_loop3A to %parallel_loop3A_1312 step %parallel_loop3A_1313  : i32 {
        %parallel_loop3A_1315 = arith.index_cast %add3A_1311 : i32 to index
        %parallel_loop3A_1316 = arith.index_cast %parallel_loop3A_1314 : i32 to index
        %parallel_loop3A_1317 = tpu.vector_load %arg5[%parallel_loop3A_1315, %parallel_loop3A_1316] {strides = array<i32>} : memref<24x768xf32, #tpu.memory_space<vmem>>, vector<1x16xf32>,
        %parallel_loop3A_1318 = vector.shape_cast %parallel_loop3A_1317 : vector<1x16xf32> to vector<16xf32>
        %parallel_loop3A_1319 = arith.constant 0 : i32
        %parallel_loop3A_1320 = arith.addi %parallel_loop3A_1319, %add3A_1311 : i32
        %parallel_loop3A_1321 = arith.index_cast %parallel_loop3A_1320 : i32 to index
        %parallel_loop3A_1322 = arith.index_cast %parallel_loop3A_1314 : i32 to index
        %parallel_loop3A_1323 = tpu.vector_load %arg9[%parallel_loop3A_1321, %parallel_loop3A_1322] {strides = array<i32>} : memref<72x768xf32, #tpu.memory_space<vmem>>, vector<1x16xf32>,
        %parallel_loop3A_1324 = vector.shape_cast %parallel_loop3A_1323 : vector<1x16xf32> to vector<16xf32>
        %parallel_loop3A_1325 = arith.addf %parallel_loop3A_1318, %parallel_loop3A_1324 : vector<16xf32>
        %parallel_loop3A_1326 = arith.index_cast %add3A_1311 : i32 to index
        %parallel_loop3A_1327 = arith.index_cast %parallel_loop3A_1314 : i32 to index
        %parallel_loop3A_1328 = tpu.vector_load %arg5[%parallel_loop3A_1326, %parallel_loop3A_1327] {strides = array<i32>} : memref<24x768xf32, #tpu.memory_space<vmem>>, vector<1x16xf32>,
        %parallel_loop3A_1329 = vector.shape_cast %parallel_loop3A_1328 : vector<1x16xf32> to vector<16xf32>
        %parallel_loop3A_1330 = vector.shape_cast %parallel_loop3A_1325 : vector<16xf32> to vector<1x16xf32>
        tpu.vector_store %arg5[%parallel_loop3A_1326, %parallel_loop3A_1327], %parallel_loop3A_1330 {strides = array<i32>} : memref<24x768xf32, #tpu.memory_space<vmem>>, vector<1x16xf32>,
      } {sc.loop_unroll_factor = 8 : i64, sc.parallel_access}
    }
    %scan3A_711 = arith.constant 24 : i32
    %mul3A_712 = arith.constant 16 : i32
    %mul3A_713 = arith.muli %select_n3A_9, %mul3A_712 : i32
    %add3A_714 = arith.constant 12 : i32
    %add3A_715 = arith.addi %mul3A_713, %add3A_714 : i32
    %add3A_716 = arith.constant 0 : i32
    %add3A_717 = arith.addi %mul3A_32, %add3A_716 : i32
    %dma_start3A_718 = arith.constant 0 : i32
    %dma_start3A_719 = tpu.memref_slice %arg4[%add3A_715, %add3A_717, %dma_start3A_718] : memref<64x576x768xf32, #tpu.memory_space<hbm>> -> memref<1x24x768xf32, #tpu.memory_space<hbm>>
    %dma_start3A_720 = tpu.memref_squeeze %dma_start3A_719 : memref<1x24x768xf32, #tpu.memory_space<hbm>> -> memref<24x768xf32, #tpu.memory_space<hbm>>
    %dma_start3A_721 = arith.constant 0 : i32
    %dma_start3A_722 = tpu.memref_slice %arg4[%add3A_715, %add3A_717, %dma_start3A_721] : memref<64x576x768xf32, #tpu.memory_space<hbm>> -> memref<1x24x768xf32, #tpu.memory_space<hbm>>
    %dma_start3A_723 = tpu.memref_squeeze %dma_start3A_722 : memref<1x24x768xf32, #tpu.memory_space<hbm>> -> memref<24x768xf32, #tpu.memory_space<hbm>>
    tpu.enqueue_dma source(%arg5 : memref<24x768xf32, #tpu.memory_space<vmem>>) target(%dma_start3A_723 : memref<24x768xf32, #tpu.memory_space<hbm>>) target_semaphore(%arg14 : memref<!tpu.dma_semaphore, #tpu.memory_space<semaphore_mem>>)
    %mul3A_724 = arith.constant 16 : i32
    %mul3A_725 = arith.muli %select_n3A_9, %mul3A_724 : i32
    %add3A_726 = arith.constant 0 : i32
    %add3A_727 = arith.addi %mul3A_725, %add3A_726 : i32
    %add3A_728 = arith.constant 0 : i32
    %add3A_729 = arith.addi %mul3A_32, %add3A_728 : i32
    %dma_wait3A_730 = arith.constant 0 : i32
    %dma_wait3A_731 = tpu.memref_slice %arg2[%add3A_727, %add3A_729, %dma_wait3A_730] : memref<64x576x768xf32, #tpu.memory_space<hbm>> -> memref<1x24x768xf32, #tpu.memory_space<hbm>>
    %dma_wait3A_732 = tpu.memref_squeeze %dma_wait3A_731 : memref<1x24x768xf32, #tpu.memory_space<hbm>> -> memref<24x768xf32, #tpu.memory_space<hbm>>
    %dma_wait3A_733 = arith.constant 0 : i32
    %dma_wait3A_734 = tpu.memref_slice %arg2[%add3A_727, %add3A_729, %dma_wait3A_733] : memref<64x576x768xf32, #tpu.memory_space<hbm>> -> memref<1x24x768xf32, #tpu.memory_space<hbm>>
    %dma_wait3A_735 = tpu.memref_squeeze %dma_wait3A_734 : memref<1x24x768xf32, #tpu.memory_space<hbm>> -> memref<24x768xf32, #tpu.memory_space<hbm>>
    tpu.wait_dma2 semaphore(%arg11 : memref<!tpu.dma_semaphore, #tpu.memory_space<semaphore_mem>>) src(%dma_wait3A_735 : memref<24x768xf32, #tpu.memory_space<hbm>>) dst(%arg6 : memref<24x768xf32, #tpu.memory_space<vmem>>)
    %mul3A_736 = arith.constant 16 : i32
    %mul3A_737 = arith.muli %select_n3A_9, %mul3A_736 : i32
    %add3A_738 = arith.constant 0 : i32
    %add3A_739 = arith.addi %mul3A_737, %add3A_738 : i32
    %add3A_740 = arith.constant 0 : i32
    %add3A_741 = arith.addi %mul3A_32, %add3A_740 : i32
    %dma_wait3A_742 = arith.constant 0 : i32
    %dma_wait3A_743 = tpu.memref_slice %arg4[%add3A_739, %add3A_741, %dma_wait3A_742] : memref<64x576x768xf32, #tpu.memory_space<hbm>> -> memref<1x24x768xf32, #tpu.memory_space<hbm>>
    %dma_wait3A_744 = tpu.memref_squeeze %dma_wait3A_743 : memref<1x24x768xf32, #tpu.memory_space<hbm>> -> memref<24x768xf32, #tpu.memory_space<hbm>>
    %dma_wait3A_745 = arith.constant 0 : i32
    %dma_wait3A_746 = tpu.memref_slice %arg4[%add3A_739, %add3A_741, %dma_wait3A_745] : memref<64x576x768xf32, #tpu.memory_space<hbm>> -> memref<1x24x768xf32, #tpu.memory_space<hbm>>
    %dma_wait3A_747 = tpu.memref_squeeze %dma_wait3A_746 : memref<1x24x768xf32, #tpu.memory_space<hbm>> -> memref<24x768xf32, #tpu.memory_space<hbm>>
    tpu.wait_dma2 semaphore(%arg17 : memref<!tpu.dma_semaphore, #tpu.memory_space<semaphore_mem>>) src(%arg8 : memref<24x768xf32, #tpu.memory_space<vmem>>) dst(%dma_wait3A_747 : memref<24x768xf32, #tpu.memory_space<hbm>>)
    %mul3A_748 = arith.constant 16 : i32
    %mul3A_749 = arith.muli %select_n3A_9, %mul3A_748 : i32
    %add3A_750 = arith.constant 13 : i32
    %add3A_751 = arith.addi %mul3A_749, %add3A_750 : i32
    %add3A_752 = arith.constant 0 : i32
    %add3A_753 = arith.addi %mul3A_32, %add3A_752 : i32
    %dma_start3A_754 = arith.constant 0 : i32
    %dma_start3A_755 = tpu.memref_slice %arg2[%add3A_751, %add3A_753, %dma_start3A_754] : memref<64x576x768xf32, #tpu.memory_space<hbm>> -> memref<1x24x768xf32, #tpu.memory_space<hbm>>
    %dma_start3A_756 = tpu.memref_squeeze %dma_start3A_755 : memref<1x24x768xf32, #tpu.memory_space<hbm>> -> memref<24x768xf32, #tpu.memory_space<hbm>>
    %dma_start3A_757 = arith.constant 0 : i32
    %dma_start3A_758 = tpu.memref_slice %arg2[%add3A_751, %add3A_753, %dma_start3A_757] : memref<64x576x768xf32, #tpu.memory_space<hbm>> -> memref<1x24x768xf32, #tpu.memory_space<hbm>>
    %dma_start3A_759 = tpu.memref_squeeze %dma_start3A_758 : memref<1x24x768xf32, #tpu.memory_space<hbm>> -> memref<24x768xf32, #tpu.memory_space<hbm>>
    tpu.enqueue_dma source(%dma_start3A_759 : memref<24x768xf32, #tpu.memory_space<hbm>>) target(%arg8 : memref<24x768xf32, #tpu.memory_space<vmem>>) target_semaphore(%arg13 : memref<!tpu.dma_semaphore, #tpu.memory_space<semaphore_mem>>)
    %scan3A_760 = arith.constant 0 : i32
    %scan3A_761 = arith.constant 24 : i32
    %scan3A_762 = arith.addi %scan3A_760, %scan3A_761 : i32
    %scan3A_763 = arith.constant 1 : i32
    scf.for %scan3A_1307 = %scan3A_760 to %scan3A_762 step %scan3A_763  : i32 {
      %mul3A_1308 = arith.constant 1 : i32
      %mul3A_1309 = arith.muli %scan3A_1307, %mul3A_1308 : i32
      %add3A_1310 = arith.constant 0 : i32
      %add3A_1311 = arith.addi %add3A_1310, %mul3A_1309 : i32
      %parallel_loop3A = arith.constant 0 : i32
      %parallel_loop3A_1312 = arith.constant 768 : i32
      %parallel_loop3A_1313 = arith.constant 16 : i32
      scf.for %parallel_loop3A_1314 = %parallel_loop3A to %parallel_loop3A_1312 step %parallel_loop3A_1313  : i32 {
        %parallel_loop3A_1315 = arith.index_cast %add3A_1311 : i32 to index
        %parallel_loop3A_1316 = arith.index_cast %parallel_loop3A_1314 : i32 to index
        %parallel_loop3A_1317 = tpu.vector_load %arg6[%parallel_loop3A_1315, %parallel_loop3A_1316] {strides = array<i32>} : memref<24x768xf32, #tpu.memory_space<vmem>>, vector<1x16xf32>,
        %parallel_loop3A_1318 = vector.shape_cast %parallel_loop3A_1317 : vector<1x16xf32> to vector<16xf32>
        %parallel_loop3A_1319 = arith.constant 24 : i32
        %parallel_loop3A_1320 = arith.addi %parallel_loop3A_1319, %add3A_1311 : i32
        %parallel_loop3A_1321 = arith.index_cast %parallel_loop3A_1320 : i32 to index
        %parallel_loop3A_1322 = arith.index_cast %parallel_loop3A_1314 : i32 to index
        %parallel_loop3A_1323 = tpu.vector_load %arg9[%parallel_loop3A_1321, %parallel_loop3A_1322] {strides = array<i32>} : memref<72x768xf32, #tpu.memory_space<vmem>>, vector<1x16xf32>,
        %parallel_loop3A_1324 = vector.shape_cast %parallel_loop3A_1323 : vector<1x16xf32> to vector<16xf32>
        %parallel_loop3A_1325 = arith.addf %parallel_loop3A_1318, %parallel_loop3A_1324 : vector<16xf32>
        %parallel_loop3A_1326 = arith.index_cast %add3A_1311 : i32 to index
        %parallel_loop3A_1327 = arith.index_cast %parallel_loop3A_1314 : i32 to index
        %parallel_loop3A_1328 = tpu.vector_load %arg6[%parallel_loop3A_1326, %parallel_loop3A_1327] {strides = array<i32>} : memref<24x768xf32, #tpu.memory_space<vmem>>, vector<1x16xf32>,
        %parallel_loop3A_1329 = vector.shape_cast %parallel_loop3A_1328 : vector<1x16xf32> to vector<16xf32>
        %parallel_loop3A_1330 = vector.shape_cast %parallel_loop3A_1325 : vector<16xf32> to vector<1x16xf32>
        tpu.vector_store %arg6[%parallel_loop3A_1326, %parallel_loop3A_1327], %parallel_loop3A_1330 {strides = array<i32>} : memref<24x768xf32, #tpu.memory_space<vmem>>, vector<1x16xf32>,
      } {sc.loop_unroll_factor = 8 : i64, sc.parallel_access}
    }
    %scan3A_764 = arith.constant 24 : i32
    %mul3A_765 = arith.constant 16 : i32
    %mul3A_766 = arith.muli %select_n3A_9, %mul3A_765 : i32
    %add3A_767 = arith.constant 12 : i32
    %add3A_768 = arith.addi %mul3A_766, %add3A_767 : i32
    %add3A_769 = arith.constant 24 : i32
    %add3A_770 = arith.addi %mul3A_32, %add3A_769 : i32
    %dma_start3A_771 = arith.constant 0 : i32
    %dma_start3A_772 = tpu.memref_slice %arg4[%add3A_768, %add3A_770, %dma_start3A_771] : memref<64x576x768xf32, #tpu.memory_space<hbm>> -> memref<1x24x768xf32, #tpu.memory_space<hbm>>
    %dma_start3A_773 = tpu.memref_squeeze %dma_start3A_772 : memref<1x24x768xf32, #tpu.memory_space<hbm>> -> memref<24x768xf32, #tpu.memory_space<hbm>>
    %dma_start3A_774 = arith.constant 0 : i32
    %dma_start3A_775 = tpu.memref_slice %arg4[%add3A_768, %add3A_770, %dma_start3A_774] : memref<64x576x768xf32, #tpu.memory_space<hbm>> -> memref<1x24x768xf32, #tpu.memory_space<hbm>>
    %dma_start3A_776 = tpu.memref_squeeze %dma_start3A_775 : memref<1x24x768xf32, #tpu.memory_space<hbm>> -> memref<24x768xf32, #tpu.memory_space<hbm>>
    tpu.enqueue_dma source(%arg6 : memref<24x768xf32, #tpu.memory_space<vmem>>) target(%dma_start3A_776 : memref<24x768xf32, #tpu.memory_space<hbm>>) target_semaphore(%arg15 : memref<!tpu.dma_semaphore, #tpu.memory_space<semaphore_mem>>)
    %mul3A_777 = arith.constant 16 : i32
    %mul3A_778 = arith.muli %select_n3A_9, %mul3A_777 : i32
    %add3A_779 = arith.constant 0 : i32
    %add3A_780 = arith.addi %mul3A_778, %add3A_779 : i32
    %add3A_781 = arith.constant 0 : i32
    %add3A_782 = arith.addi %mul3A_32, %add3A_781 : i32
    %dma_wait3A_783 = arith.constant 0 : i32
    %dma_wait3A_784 = tpu.memref_slice %arg2[%add3A_780, %add3A_782, %dma_wait3A_783] : memref<64x576x768xf32, #tpu.memory_space<hbm>> -> memref<1x24x768xf32, #tpu.memory_space<hbm>>
    %dma_wait3A_785 = tpu.memref_squeeze %dma_wait3A_784 : memref<1x24x768xf32, #tpu.memory_space<hbm>> -> memref<24x768xf32, #tpu.memory_space<hbm>>
    %dma_wait3A_786 = arith.constant 0 : i32
    %dma_wait3A_787 = tpu.memref_slice %arg2[%add3A_780, %add3A_782, %dma_wait3A_786] : memref<64x576x768xf32, #tpu.memory_space<hbm>> -> memref<1x24x768xf32, #tpu.memory_space<hbm>>
    %dma_wait3A_788 = tpu.memref_squeeze %dma_wait3A_787 : memref<1x24x768xf32, #tpu.memory_space<hbm>> -> memref<24x768xf32, #tpu.memory_space<hbm>>
    tpu.wait_dma2 semaphore(%arg12 : memref<!tpu.dma_semaphore, #tpu.memory_space<semaphore_mem>>) src(%dma_wait3A_788 : memref<24x768xf32, #tpu.memory_space<hbm>>) dst(%arg7 : memref<24x768xf32, #tpu.memory_space<vmem>>)
    %mul3A_789 = arith.constant 16 : i32
    %mul3A_790 = arith.muli %select_n3A_9, %mul3A_789 : i32
    %add3A_791 = arith.constant 0 : i32
    %add3A_792 = arith.addi %mul3A_790, %add3A_791 : i32
    %add3A_793 = arith.constant 0 : i32
    %add3A_794 = arith.addi %mul3A_32, %add3A_793 : i32
    %dma_wait3A_795 = arith.constant 0 : i32
    %dma_wait3A_796 = tpu.memref_slice %arg4[%add3A_792, %add3A_794, %dma_wait3A_795] : memref<64x576x768xf32, #tpu.memory_space<hbm>> -> memref<1x24x768xf32, #tpu.memory_space<hbm>>
    %dma_wait3A_797 = tpu.memref_squeeze %dma_wait3A_796 : memref<1x24x768xf32, #tpu.memory_space<hbm>> -> memref<24x768xf32, #tpu.memory_space<hbm>>
    %dma_wait3A_798 = arith.constant 0 : i32
    %dma_wait3A_799 = tpu.memref_slice %arg4[%add3A_792, %add3A_794, %dma_wait3A_798] : memref<64x576x768xf32, #tpu.memory_space<hbm>> -> memref<1x24x768xf32, #tpu.memory_space<hbm>>
    %dma_wait3A_800 = tpu.memref_squeeze %dma_wait3A_799 : memref<1x24x768xf32, #tpu.memory_space<hbm>> -> memref<24x768xf32, #tpu.memory_space<hbm>>
    tpu.wait_dma2 semaphore(%arg14 : memref<!tpu.dma_semaphore, #tpu.memory_space<semaphore_mem>>) src(%arg5 : memref<24x768xf32, #tpu.memory_space<vmem>>) dst(%dma_wait3A_800 : memref<24x768xf32, #tpu.memory_space<hbm>>)
    %mul3A_801 = arith.constant 16 : i32
    %mul3A_802 = arith.muli %select_n3A_9, %mul3A_801 : i32
    %add3A_803 = arith.constant 13 : i32
    %add3A_804 = arith.addi %mul3A_802, %add3A_803 : i32
    %add3A_805 = arith.constant 24 : i32
    %add3A_806 = arith.addi %mul3A_32, %add3A_805 : i32
    %dma_start3A_807 = arith.constant 0 : i32
    %dma_start3A_808 = tpu.memref_slice %arg2[%add3A_804, %add3A_806, %dma_start3A_807] : memref<64x576x768xf32, #tpu.memory_space<hbm>> -> memref<1x24x768xf32, #tpu.memory_space<hbm>>
    %dma_start3A_809 = tpu.memref_squeeze %dma_start3A_808 : memref<1x24x768xf32, #tpu.memory_space<hbm>> -> memref<24x768xf32, #tpu.memory_space<hbm>>
    %dma_start3A_810 = arith.constant 0 : i32
    %dma_start3A_811 = tpu.memref_slice %arg2[%add3A_804, %add3A_806, %dma_start3A_810] : memref<64x576x768xf32, #tpu.memory_space<hbm>> -> memref<1x24x768xf32, #tpu.memory_space<hbm>>
    %dma_start3A_812 = tpu.memref_squeeze %dma_start3A_811 : memref<1x24x768xf32, #tpu.memory_space<hbm>> -> memref<24x768xf32, #tpu.memory_space<hbm>>
    tpu.enqueue_dma source(%dma_start3A_812 : memref<24x768xf32, #tpu.memory_space<hbm>>) target(%arg5 : memref<24x768xf32, #tpu.memory_space<vmem>>) target_semaphore(%arg10 : memref<!tpu.dma_semaphore, #tpu.memory_space<semaphore_mem>>)
    %scan3A_813 = arith.constant 0 : i32
    %scan3A_814 = arith.constant 24 : i32
    %scan3A_815 = arith.addi %scan3A_813, %scan3A_814 : i32
    %scan3A_816 = arith.constant 1 : i32
    scf.for %scan3A_1307 = %scan3A_813 to %scan3A_815 step %scan3A_816  : i32 {
      %mul3A_1308 = arith.constant 1 : i32
      %mul3A_1309 = arith.muli %scan3A_1307, %mul3A_1308 : i32
      %add3A_1310 = arith.constant 0 : i32
      %add3A_1311 = arith.addi %add3A_1310, %mul3A_1309 : i32
      %parallel_loop3A = arith.constant 0 : i32
      %parallel_loop3A_1312 = arith.constant 768 : i32
      %parallel_loop3A_1313 = arith.constant 16 : i32
      scf.for %parallel_loop3A_1314 = %parallel_loop3A to %parallel_loop3A_1312 step %parallel_loop3A_1313  : i32 {
        %parallel_loop3A_1315 = arith.index_cast %add3A_1311 : i32 to index
        %parallel_loop3A_1316 = arith.index_cast %parallel_loop3A_1314 : i32 to index
        %parallel_loop3A_1317 = tpu.vector_load %arg7[%parallel_loop3A_1315, %parallel_loop3A_1316] {strides = array<i32>} : memref<24x768xf32, #tpu.memory_space<vmem>>, vector<1x16xf32>,
        %parallel_loop3A_1318 = vector.shape_cast %parallel_loop3A_1317 : vector<1x16xf32> to vector<16xf32>
        %parallel_loop3A_1319 = arith.constant 48 : i32
        %parallel_loop3A_1320 = arith.addi %parallel_loop3A_1319, %add3A_1311 : i32
        %parallel_loop3A_1321 = arith.index_cast %parallel_loop3A_1320 : i32 to index
        %parallel_loop3A_1322 = arith.index_cast %parallel_loop3A_1314 : i32 to index
        %parallel_loop3A_1323 = tpu.vector_load %arg9[%parallel_loop3A_1321, %parallel_loop3A_1322] {strides = array<i32>} : memref<72x768xf32, #tpu.memory_space<vmem>>, vector<1x16xf32>,
        %parallel_loop3A_1324 = vector.shape_cast %parallel_loop3A_1323 : vector<1x16xf32> to vector<16xf32>
        %parallel_loop3A_1325 = arith.addf %parallel_loop3A_1318, %parallel_loop3A_1324 : vector<16xf32>
        %parallel_loop3A_1326 = arith.index_cast %add3A_1311 : i32 to index
        %parallel_loop3A_1327 = arith.index_cast %parallel_loop3A_1314 : i32 to index
        %parallel_loop3A_1328 = tpu.vector_load %arg7[%parallel_loop3A_1326, %parallel_loop3A_1327] {strides = array<i32>} : memref<24x768xf32, #tpu.memory_space<vmem>>, vector<1x16xf32>,
        %parallel_loop3A_1329 = vector.shape_cast %parallel_loop3A_1328 : vector<1x16xf32> to vector<16xf32>
        %parallel_loop3A_1330 = vector.shape_cast %parallel_loop3A_1325 : vector<16xf32> to vector<1x16xf32>
        tpu.vector_store %arg7[%parallel_loop3A_1326, %parallel_loop3A_1327], %parallel_loop3A_1330 {strides = array<i32>} : memref<24x768xf32, #tpu.memory_space<vmem>>, vector<1x16xf32>,
      } {sc.loop_unroll_factor = 8 : i64, sc.parallel_access}
    }
    %scan3A_817 = arith.constant 24 : i32
    %mul3A_818 = arith.constant 16 : i32
    %mul3A_819 = arith.muli %select_n3A_9, %mul3A_818 : i32
    %add3A_820 = arith.constant 12 : i32
    %add3A_821 = arith.addi %mul3A_819, %add3A_820 : i32
    %add3A_822 = arith.constant 48 : i32
    %add3A_823 = arith.addi %mul3A_32, %add3A_822 : i32
    %dma_start3A_824 = arith.constant 0 : i32
    %dma_start3A_825 = tpu.memref_slice %arg4[%add3A_821, %add3A_823, %dma_start3A_824] : memref<64x576x768xf32, #tpu.memory_space<hbm>> -> memref<1x24x768xf32, #tpu.memory_space<hbm>>
    %dma_start3A_826 = tpu.memref_squeeze %dma_start3A_825 : memref<1x24x768xf32, #tpu.memory_space<hbm>> -> memref<24x768xf32, #tpu.memory_space<hbm>>
    %dma_start3A_827 = arith.constant 0 : i32
    %dma_start3A_828 = tpu.memref_slice %arg4[%add3A_821, %add3A_823, %dma_start3A_827] : memref<64x576x768xf32, #tpu.memory_space<hbm>> -> memref<1x24x768xf32, #tpu.memory_space<hbm>>
    %dma_start3A_829 = tpu.memref_squeeze %dma_start3A_828 : memref<1x24x768xf32, #tpu.memory_space<hbm>> -> memref<24x768xf32, #tpu.memory_space<hbm>>
    tpu.enqueue_dma source(%arg7 : memref<24x768xf32, #tpu.memory_space<vmem>>) target(%dma_start3A_829 : memref<24x768xf32, #tpu.memory_space<hbm>>) target_semaphore(%arg16 : memref<!tpu.dma_semaphore, #tpu.memory_space<semaphore_mem>>)
    %mul3A_830 = arith.constant 16 : i32
    %mul3A_831 = arith.muli %select_n3A_9, %mul3A_830 : i32
    %add3A_832 = arith.constant 0 : i32
    %add3A_833 = arith.addi %mul3A_831, %add3A_832 : i32
    %add3A_834 = arith.constant 0 : i32
    %add3A_835 = arith.addi %mul3A_32, %add3A_834 : i32
    %dma_wait3A_836 = arith.constant 0 : i32
    %dma_wait3A_837 = tpu.memref_slice %arg2[%add3A_833, %add3A_835, %dma_wait3A_836] : memref<64x576x768xf32, #tpu.memory_space<hbm>> -> memref<1x24x768xf32, #tpu.memory_space<hbm>>
    %dma_wait3A_838 = tpu.memref_squeeze %dma_wait3A_837 : memref<1x24x768xf32, #tpu.memory_space<hbm>> -> memref<24x768xf32, #tpu.memory_space<hbm>>
    %dma_wait3A_839 = arith.constant 0 : i32
    %dma_wait3A_840 = tpu.memref_slice %arg2[%add3A_833, %add3A_835, %dma_wait3A_839] : memref<64x576x768xf32, #tpu.memory_space<hbm>> -> memref<1x24x768xf32, #tpu.memory_space<hbm>>
    %dma_wait3A_841 = tpu.memref_squeeze %dma_wait3A_840 : memref<1x24x768xf32, #tpu.memory_space<hbm>> -> memref<24x768xf32, #tpu.memory_space<hbm>>
    tpu.wait_dma2 semaphore(%arg13 : memref<!tpu.dma_semaphore, #tpu.memory_space<semaphore_mem>>) src(%dma_wait3A_841 : memref<24x768xf32, #tpu.memory_space<hbm>>) dst(%arg8 : memref<24x768xf32, #tpu.memory_space<vmem>>)
    %mul3A_842 = arith.constant 16 : i32
    %mul3A_843 = arith.muli %select_n3A_9, %mul3A_842 : i32
    %add3A_844 = arith.constant 0 : i32
    %add3A_845 = arith.addi %mul3A_843, %add3A_844 : i32
    %add3A_846 = arith.constant 0 : i32
    %add3A_847 = arith.addi %mul3A_32, %add3A_846 : i32
    %dma_wait3A_848 = arith.constant 0 : i32
    %dma_wait3A_849 = tpu.memref_slice %arg4[%add3A_845, %add3A_847, %dma_wait3A_848] : memref<64x576x768xf32, #tpu.memory_space<hbm>> -> memref<1x24x768xf32, #tpu.memory_space<hbm>>
    %dma_wait3A_850 = tpu.memref_squeeze %dma_wait3A_849 : memref<1x24x768xf32, #tpu.memory_space<hbm>> -> memref<24x768xf32, #tpu.memory_space<hbm>>
    %dma_wait3A_851 = arith.constant 0 : i32
    %dma_wait3A_852 = tpu.memref_slice %arg4[%add3A_845, %add3A_847, %dma_wait3A_851] : memref<64x576x768xf32, #tpu.memory_space<hbm>> -> memref<1x24x768xf32, #tpu.memory_space<hbm>>
    %dma_wait3A_853 = tpu.memref_squeeze %dma_wait3A_852 : memref<1x24x768xf32, #tpu.memory_space<hbm>> -> memref<24x768xf32, #tpu.memory_space<hbm>>
    tpu.wait_dma2 semaphore(%arg15 : memref<!tpu.dma_semaphore, #tpu.memory_space<semaphore_mem>>) src(%arg6 : memref<24x768xf32, #tpu.memory_space<vmem>>) dst(%dma_wait3A_853 : memref<24x768xf32, #tpu.memory_space<hbm>>)
    %mul3A_854 = arith.constant 16 : i32
    %mul3A_855 = arith.muli %select_n3A_9, %mul3A_854 : i32
    %add3A_856 = arith.constant 13 : i32
    %add3A_857 = arith.addi %mul3A_855, %add3A_856 : i32
    %add3A_858 = arith.constant 48 : i32
    %add3A_859 = arith.addi %mul3A_32, %add3A_858 : i32
    %dma_start3A_860 = arith.constant 0 : i32
    %dma_start3A_861 = tpu.memref_slice %arg2[%add3A_857, %add3A_859, %dma_start3A_860] : memref<64x576x768xf32, #tpu.memory_space<hbm>> -> memref<1x24x768xf32, #tpu.memory_space<hbm>>
    %dma_start3A_862 = tpu.memref_squeeze %dma_start3A_861 : memref<1x24x768xf32, #tpu.memory_space<hbm>> -> memref<24x768xf32, #tpu.memory_space<hbm>>
    %dma_start3A_863 = arith.constant 0 : i32
    %dma_start3A_864 = tpu.memref_slice %arg2[%add3A_857, %add3A_859, %dma_start3A_863] : memref<64x576x768xf32, #tpu.memory_space<hbm>> -> memref<1x24x768xf32, #tpu.memory_space<hbm>>
    %dma_start3A_865 = tpu.memref_squeeze %dma_start3A_864 : memref<1x24x768xf32, #tpu.memory_space<hbm>> -> memref<24x768xf32, #tpu.memory_space<hbm>>
    tpu.enqueue_dma source(%dma_start3A_865 : memref<24x768xf32, #tpu.memory_space<hbm>>) target(%arg6 : memref<24x768xf32, #tpu.memory_space<vmem>>) target_semaphore(%arg11 : memref<!tpu.dma_semaphore, #tpu.memory_space<semaphore_mem>>)
    %scan3A_866 = arith.constant 0 : i32
    %scan3A_867 = arith.constant 24 : i32
    %scan3A_868 = arith.addi %scan3A_866, %scan3A_867 : i32
    %scan3A_869 = arith.constant 1 : i32
    scf.for %scan3A_1307 = %scan3A_866 to %scan3A_868 step %scan3A_869  : i32 {
      %mul3A_1308 = arith.constant 1 : i32
      %mul3A_1309 = arith.muli %scan3A_1307, %mul3A_1308 : i32
      %add3A_1310 = arith.constant 0 : i32
      %add3A_1311 = arith.addi %add3A_1310, %mul3A_1309 : i32
      %parallel_loop3A = arith.constant 0 : i32
      %parallel_loop3A_1312 = arith.constant 768 : i32
      %parallel_loop3A_1313 = arith.constant 16 : i32
      scf.for %parallel_loop3A_1314 = %parallel_loop3A to %parallel_loop3A_1312 step %parallel_loop3A_1313  : i32 {
        %parallel_loop3A_1315 = arith.index_cast %add3A_1311 : i32 to index
        %parallel_loop3A_1316 = arith.index_cast %parallel_loop3A_1314 : i32 to index
        %parallel_loop3A_1317 = tpu.vector_load %arg8[%parallel_loop3A_1315, %parallel_loop3A_1316] {strides = array<i32>} : memref<24x768xf32, #tpu.memory_space<vmem>>, vector<1x16xf32>,
        %parallel_loop3A_1318 = vector.shape_cast %parallel_loop3A_1317 : vector<1x16xf32> to vector<16xf32>
        %parallel_loop3A_1319 = arith.constant 0 : i32
        %parallel_loop3A_1320 = arith.addi %parallel_loop3A_1319, %add3A_1311 : i32
        %parallel_loop3A_1321 = arith.index_cast %parallel_loop3A_1320 : i32 to index
        %parallel_loop3A_1322 = arith.index_cast %parallel_loop3A_1314 : i32 to index
        %parallel_loop3A_1323 = tpu.vector_load %arg9[%parallel_loop3A_1321, %parallel_loop3A_1322] {strides = array<i32>} : memref<72x768xf32, #tpu.memory_space<vmem>>, vector<1x16xf32>,
        %parallel_loop3A_1324 = vector.shape_cast %parallel_loop3A_1323 : vector<1x16xf32> to vector<16xf32>
        %parallel_loop3A_1325 = arith.addf %parallel_loop3A_1318, %parallel_loop3A_1324 : vector<16xf32>
        %parallel_loop3A_1326 = arith.index_cast %add3A_1311 : i32 to index
        %parallel_loop3A_1327 = arith.index_cast %parallel_loop3A_1314 : i32 to index
        %parallel_loop3A_1328 = tpu.vector_load %arg8[%parallel_loop3A_1326, %parallel_loop3A_1327] {strides = array<i32>} : memref<24x768xf32, #tpu.memory_space<vmem>>, vector<1x16xf32>,
        %parallel_loop3A_1329 = vector.shape_cast %parallel_loop3A_1328 : vector<1x16xf32> to vector<16xf32>
        %parallel_loop3A_1330 = vector.shape_cast %parallel_loop3A_1325 : vector<16xf32> to vector<1x16xf32>
        tpu.vector_store %arg8[%parallel_loop3A_1326, %parallel_loop3A_1327], %parallel_loop3A_1330 {strides = array<i32>} : memref<24x768xf32, #tpu.memory_space<vmem>>, vector<1x16xf32>,
      } {sc.loop_unroll_factor = 8 : i64, sc.parallel_access}
    }
    %scan3A_870 = arith.constant 24 : i32
    %mul3A_871 = arith.constant 16 : i32
    %mul3A_872 = arith.muli %select_n3A_9, %mul3A_871 : i32
    %add3A_873 = arith.constant 13 : i32
    %add3A_874 = arith.addi %mul3A_872, %add3A_873 : i32
    %add3A_875 = arith.constant 0 : i32
    %add3A_876 = arith.addi %mul3A_32, %add3A_875 : i32
    %dma_start3A_877 = arith.constant 0 : i32
    %dma_start3A_878 = tpu.memref_slice %arg4[%add3A_874, %add3A_876, %dma_start3A_877] : memref<64x576x768xf32, #tpu.memory_space<hbm>> -> memref<1x24x768xf32, #tpu.memory_space<hbm>>
    %dma_start3A_879 = tpu.memref_squeeze %dma_start3A_878 : memref<1x24x768xf32, #tpu.memory_space<hbm>> -> memref<24x768xf32, #tpu.memory_space<hbm>>
    %dma_start3A_880 = arith.constant 0 : i32
    %dma_start3A_881 = tpu.memref_slice %arg4[%add3A_874, %add3A_876, %dma_start3A_880] : memref<64x576x768xf32, #tpu.memory_space<hbm>> -> memref<1x24x768xf32, #tpu.memory_space<hbm>>
    %dma_start3A_882 = tpu.memref_squeeze %dma_start3A_881 : memref<1x24x768xf32, #tpu.memory_space<hbm>> -> memref<24x768xf32, #tpu.memory_space<hbm>>
    tpu.enqueue_dma source(%arg8 : memref<24x768xf32, #tpu.memory_space<vmem>>) target(%dma_start3A_882 : memref<24x768xf32, #tpu.memory_space<hbm>>) target_semaphore(%arg17 : memref<!tpu.dma_semaphore, #tpu.memory_space<semaphore_mem>>)
    %mul3A_883 = arith.constant 16 : i32
    %mul3A_884 = arith.muli %select_n3A_9, %mul3A_883 : i32
    %add3A_885 = arith.constant 0 : i32
    %add3A_886 = arith.addi %mul3A_884, %add3A_885 : i32
    %add3A_887 = arith.constant 0 : i32
    %add3A_888 = arith.addi %mul3A_32, %add3A_887 : i32
    %dma_wait3A_889 = arith.constant 0 : i32
    %dma_wait3A_890 = tpu.memref_slice %arg2[%add3A_886, %add3A_888, %dma_wait3A_889] : memref<64x576x768xf32, #tpu.memory_space<hbm>> -> memref<1x24x768xf32, #tpu.memory_space<hbm>>
    %dma_wait3A_891 = tpu.memref_squeeze %dma_wait3A_890 : memref<1x24x768xf32, #tpu.memory_space<hbm>> -> memref<24x768xf32, #tpu.memory_space<hbm>>
    %dma_wait3A_892 = arith.constant 0 : i32
    %dma_wait3A_893 = tpu.memref_slice %arg2[%add3A_886, %add3A_888, %dma_wait3A_892] : memref<64x576x768xf32, #tpu.memory_space<hbm>> -> memref<1x24x768xf32, #tpu.memory_space<hbm>>
    %dma_wait3A_894 = tpu.memref_squeeze %dma_wait3A_893 : memref<1x24x768xf32, #tpu.memory_space<hbm>> -> memref<24x768xf32, #tpu.memory_space<hbm>>
    tpu.wait_dma2 semaphore(%arg10 : memref<!tpu.dma_semaphore, #tpu.memory_space<semaphore_mem>>) src(%dma_wait3A_894 : memref<24x768xf32, #tpu.memory_space<hbm>>) dst(%arg5 : memref<24x768xf32, #tpu.memory_space<vmem>>)
    %mul3A_895 = arith.constant 16 : i32
    %mul3A_896 = arith.muli %select_n3A_9, %mul3A_895 : i32
    %add3A_897 = arith.constant 0 : i32
    %add3A_898 = arith.addi %mul3A_896, %add3A_897 : i32
    %add3A_899 = arith.constant 0 : i32
    %add3A_900 = arith.addi %mul3A_32, %add3A_899 : i32
    %dma_wait3A_901 = arith.constant 0 : i32
    %dma_wait3A_902 = tpu.memref_slice %arg4[%add3A_898, %add3A_900, %dma_wait3A_901] : memref<64x576x768xf32, #tpu.memory_space<hbm>> -> memref<1x24x768xf32, #tpu.memory_space<hbm>>
    %dma_wait3A_903 = tpu.memref_squeeze %dma_wait3A_902 : memref<1x24x768xf32, #tpu.memory_space<hbm>> -> memref<24x768xf32, #tpu.memory_space<hbm>>
    %dma_wait3A_904 = arith.constant 0 : i32
    %dma_wait3A_905 = tpu.memref_slice %arg4[%add3A_898, %add3A_900, %dma_wait3A_904] : memref<64x576x768xf32, #tpu.memory_space<hbm>> -> memref<1x24x768xf32, #tpu.memory_space<hbm>>
    %dma_wait3A_906 = tpu.memref_squeeze %dma_wait3A_905 : memref<1x24x768xf32, #tpu.memory_space<hbm>> -> memref<24x768xf32, #tpu.memory_space<hbm>>
    tpu.wait_dma2 semaphore(%arg16 : memref<!tpu.dma_semaphore, #tpu.memory_space<semaphore_mem>>) src(%arg7 : memref<24x768xf32, #tpu.memory_space<vmem>>) dst(%dma_wait3A_906 : memref<24x768xf32, #tpu.memory_space<hbm>>)
    %mul3A_907 = arith.constant 16 : i32
    %mul3A_908 = arith.muli %select_n3A_9, %mul3A_907 : i32
    %add3A_909 = arith.constant 14 : i32
    %add3A_910 = arith.addi %mul3A_908, %add3A_909 : i32
    %add3A_911 = arith.constant 0 : i32
    %add3A_912 = arith.addi %mul3A_32, %add3A_911 : i32
    %dma_start3A_913 = arith.constant 0 : i32
    %dma_start3A_914 = tpu.memref_slice %arg2[%add3A_910, %add3A_912, %dma_start3A_913] : memref<64x576x768xf32, #tpu.memory_space<hbm>> -> memref<1x24x768xf32, #tpu.memory_space<hbm>>
    %dma_start3A_915 = tpu.memref_squeeze %dma_start3A_914 : memref<1x24x768xf32, #tpu.memory_space<hbm>> -> memref<24x768xf32, #tpu.memory_space<hbm>>
    %dma_start3A_916 = arith.constant 0 : i32
    %dma_start3A_917 = tpu.memref_slice %arg2[%add3A_910, %add3A_912, %dma_start3A_916] : memref<64x576x768xf32, #tpu.memory_space<hbm>> -> memref<1x24x768xf32, #tpu.memory_space<hbm>>
    %dma_start3A_918 = tpu.memref_squeeze %dma_start3A_917 : memref<1x24x768xf32, #tpu.memory_space<hbm>> -> memref<24x768xf32, #tpu.memory_space<hbm>>
    tpu.enqueue_dma source(%dma_start3A_918 : memref<24x768xf32, #tpu.memory_space<hbm>>) target(%arg7 : memref<24x768xf32, #tpu.memory_space<vmem>>) target_semaphore(%arg12 : memref<!tpu.dma_semaphore, #tpu.memory_space<semaphore_mem>>)
    %scan3A_919 = arith.constant 0 : i32
    %scan3A_920 = arith.constant 24 : i32
    %scan3A_921 = arith.addi %scan3A_919, %scan3A_920 : i32
    %scan3A_922 = arith.constant 1 : i32
    scf.for %scan3A_1307 = %scan3A_919 to %scan3A_921 step %scan3A_922  : i32 {
      %mul3A_1308 = arith.constant 1 : i32
      %mul3A_1309 = arith.muli %scan3A_1307, %mul3A_1308 : i32
      %add3A_1310 = arith.constant 0 : i32
      %add3A_1311 = arith.addi %add3A_1310, %mul3A_1309 : i32
      %parallel_loop3A = arith.constant 0 : i32
      %parallel_loop3A_1312 = arith.constant 768 : i32
      %parallel_loop3A_1313 = arith.constant 16 : i32
      scf.for %parallel_loop3A_1314 = %parallel_loop3A to %parallel_loop3A_1312 step %parallel_loop3A_1313  : i32 {
        %parallel_loop3A_1315 = arith.index_cast %add3A_1311 : i32 to index
        %parallel_loop3A_1316 = arith.index_cast %parallel_loop3A_1314 : i32 to index
        %parallel_loop3A_1317 = tpu.vector_load %arg5[%parallel_loop3A_1315, %parallel_loop3A_1316] {strides = array<i32>} : memref<24x768xf32, #tpu.memory_space<vmem>>, vector<1x16xf32>,
        %parallel_loop3A_1318 = vector.shape_cast %parallel_loop3A_1317 : vector<1x16xf32> to vector<16xf32>
        %parallel_loop3A_1319 = arith.constant 24 : i32
        %parallel_loop3A_1320 = arith.addi %parallel_loop3A_1319, %add3A_1311 : i32
        %parallel_loop3A_1321 = arith.index_cast %parallel_loop3A_1320 : i32 to index
        %parallel_loop3A_1322 = arith.index_cast %parallel_loop3A_1314 : i32 to index
        %parallel_loop3A_1323 = tpu.vector_load %arg9[%parallel_loop3A_1321, %parallel_loop3A_1322] {strides = array<i32>} : memref<72x768xf32, #tpu.memory_space<vmem>>, vector<1x16xf32>,
        %parallel_loop3A_1324 = vector.shape_cast %parallel_loop3A_1323 : vector<1x16xf32> to vector<16xf32>
        %parallel_loop3A_1325 = arith.addf %parallel_loop3A_1318, %parallel_loop3A_1324 : vector<16xf32>
        %parallel_loop3A_1326 = arith.index_cast %add3A_1311 : i32 to index
        %parallel_loop3A_1327 = arith.index_cast %parallel_loop3A_1314 : i32 to index
        %parallel_loop3A_1328 = tpu.vector_load %arg5[%parallel_loop3A_1326, %parallel_loop3A_1327] {strides = array<i32>} : memref<24x768xf32, #tpu.memory_space<vmem>>, vector<1x16xf32>,
        %parallel_loop3A_1329 = vector.shape_cast %parallel_loop3A_1328 : vector<1x16xf32> to vector<16xf32>
        %parallel_loop3A_1330 = vector.shape_cast %parallel_loop3A_1325 : vector<16xf32> to vector<1x16xf32>
        tpu.vector_store %arg5[%parallel_loop3A_1326, %parallel_loop3A_1327], %parallel_loop3A_1330 {strides = array<i32>} : memref<24x768xf32, #tpu.memory_space<vmem>>, vector<1x16xf32>,
      } {sc.loop_unroll_factor = 8 : i64, sc.parallel_access}
    }
    %scan3A_923 = arith.constant 24 : i32
    %mul3A_924 = arith.constant 16 : i32
    %mul3A_925 = arith.muli %select_n3A_9, %mul3A_924 : i32
    %add3A_926 = arith.constant 13 : i32
    %add3A_927 = arith.addi %mul3A_925, %add3A_926 : i32
    %add3A_928 = arith.constant 24 : i32
    %add3A_929 = arith.addi %mul3A_32, %add3A_928 : i32
    %dma_start3A_930 = arith.constant 0 : i32
    %dma_start3A_931 = tpu.memref_slice %arg4[%add3A_927, %add3A_929, %dma_start3A_930] : memref<64x576x768xf32, #tpu.memory_space<hbm>> -> memref<1x24x768xf32, #tpu.memory_space<hbm>>
    %dma_start3A_932 = tpu.memref_squeeze %dma_start3A_931 : memref<1x24x768xf32, #tpu.memory_space<hbm>> -> memref<24x768xf32, #tpu.memory_space<hbm>>
    %dma_start3A_933 = arith.constant 0 : i32
    %dma_start3A_934 = tpu.memref_slice %arg4[%add3A_927, %add3A_929, %dma_start3A_933] : memref<64x576x768xf32, #tpu.memory_space<hbm>> -> memref<1x24x768xf32, #tpu.memory_space<hbm>>
    %dma_start3A_935 = tpu.memref_squeeze %dma_start3A_934 : memref<1x24x768xf32, #tpu.memory_space<hbm>> -> memref<24x768xf32, #tpu.memory_space<hbm>>
    tpu.enqueue_dma source(%arg5 : memref<24x768xf32, #tpu.memory_space<vmem>>) target(%dma_start3A_935 : memref<24x768xf32, #tpu.memory_space<hbm>>) target_semaphore(%arg14 : memref<!tpu.dma_semaphore, #tpu.memory_space<semaphore_mem>>)
    %mul3A_936 = arith.constant 16 : i32
    %mul3A_937 = arith.muli %select_n3A_9, %mul3A_936 : i32
    %add3A_938 = arith.constant 0 : i32
    %add3A_939 = arith.addi %mul3A_937, %add3A_938 : i32
    %add3A_940 = arith.constant 0 : i32
    %add3A_941 = arith.addi %mul3A_32, %add3A_940 : i32
    %dma_wait3A_942 = arith.constant 0 : i32
    %dma_wait3A_943 = tpu.memref_slice %arg2[%add3A_939, %add3A_941, %dma_wait3A_942] : memref<64x576x768xf32, #tpu.memory_space<hbm>> -> memref<1x24x768xf32, #tpu.memory_space<hbm>>
    %dma_wait3A_944 = tpu.memref_squeeze %dma_wait3A_943 : memref<1x24x768xf32, #tpu.memory_space<hbm>> -> memref<24x768xf32, #tpu.memory_space<hbm>>
    %dma_wait3A_945 = arith.constant 0 : i32
    %dma_wait3A_946 = tpu.memref_slice %arg2[%add3A_939, %add3A_941, %dma_wait3A_945] : memref<64x576x768xf32, #tpu.memory_space<hbm>> -> memref<1x24x768xf32, #tpu.memory_space<hbm>>
    %dma_wait3A_947 = tpu.memref_squeeze %dma_wait3A_946 : memref<1x24x768xf32, #tpu.memory_space<hbm>> -> memref<24x768xf32, #tpu.memory_space<hbm>>
    tpu.wait_dma2 semaphore(%arg11 : memref<!tpu.dma_semaphore, #tpu.memory_space<semaphore_mem>>) src(%dma_wait3A_947 : memref<24x768xf32, #tpu.memory_space<hbm>>) dst(%arg6 : memref<24x768xf32, #tpu.memory_space<vmem>>)
    %mul3A_948 = arith.constant 16 : i32
    %mul3A_949 = arith.muli %select_n3A_9, %mul3A_948 : i32
    %add3A_950 = arith.constant 0 : i32
    %add3A_951 = arith.addi %mul3A_949, %add3A_950 : i32
    %add3A_952 = arith.constant 0 : i32
    %add3A_953 = arith.addi %mul3A_32, %add3A_952 : i32
    %dma_wait3A_954 = arith.constant 0 : i32
    %dma_wait3A_955 = tpu.memref_slice %arg4[%add3A_951, %add3A_953, %dma_wait3A_954] : memref<64x576x768xf32, #tpu.memory_space<hbm>> -> memref<1x24x768xf32, #tpu.memory_space<hbm>>
    %dma_wait3A_956 = tpu.memref_squeeze %dma_wait3A_955 : memref<1x24x768xf32, #tpu.memory_space<hbm>> -> memref<24x768xf32, #tpu.memory_space<hbm>>
    %dma_wait3A_957 = arith.constant 0 : i32
    %dma_wait3A_958 = tpu.memref_slice %arg4[%add3A_951, %add3A_953, %dma_wait3A_957] : memref<64x576x768xf32, #tpu.memory_space<hbm>> -> memref<1x24x768xf32, #tpu.memory_space<hbm>>
    %dma_wait3A_959 = tpu.memref_squeeze %dma_wait3A_958 : memref<1x24x768xf32, #tpu.memory_space<hbm>> -> memref<24x768xf32, #tpu.memory_space<hbm>>
    tpu.wait_dma2 semaphore(%arg17 : memref<!tpu.dma_semaphore, #tpu.memory_space<semaphore_mem>>) src(%arg8 : memref<24x768xf32, #tpu.memory_space<vmem>>) dst(%dma_wait3A_959 : memref<24x768xf32, #tpu.memory_space<hbm>>)
    %mul3A_960 = arith.constant 16 : i32
    %mul3A_961 = arith.muli %select_n3A_9, %mul3A_960 : i32
    %add3A_962 = arith.constant 14 : i32
    %add3A_963 = arith.addi %mul3A_961, %add3A_962 : i32
    %add3A_964 = arith.constant 24 : i32
    %add3A_965 = arith.addi %mul3A_32, %add3A_964 : i32
    %dma_start3A_966 = arith.constant 0 : i32
    %dma_start3A_967 = tpu.memref_slice %arg2[%add3A_963, %add3A_965, %dma_start3A_966] : memref<64x576x768xf32, #tpu.memory_space<hbm>> -> memref<1x24x768xf32, #tpu.memory_space<hbm>>
    %dma_start3A_968 = tpu.memref_squeeze %dma_start3A_967 : memref<1x24x768xf32, #tpu.memory_space<hbm>> -> memref<24x768xf32, #tpu.memory_space<hbm>>
    %dma_start3A_969 = arith.constant 0 : i32
    %dma_start3A_970 = tpu.memref_slice %arg2[%add3A_963, %add3A_965, %dma_start3A_969] : memref<64x576x768xf32, #tpu.memory_space<hbm>> -> memref<1x24x768xf32, #tpu.memory_space<hbm>>
    %dma_start3A_971 = tpu.memref_squeeze %dma_start3A_970 : memref<1x24x768xf32, #tpu.memory_space<hbm>> -> memref<24x768xf32, #tpu.memory_space<hbm>>
    tpu.enqueue_dma source(%dma_start3A_971 : memref<24x768xf32, #tpu.memory_space<hbm>>) target(%arg8 : memref<24x768xf32, #tpu.memory_space<vmem>>) target_semaphore(%arg13 : memref<!tpu.dma_semaphore, #tpu.memory_space<semaphore_mem>>)
    %scan3A_972 = arith.constant 0 : i32
    %scan3A_973 = arith.constant 24 : i32
    %scan3A_974 = arith.addi %scan3A_972, %scan3A_973 : i32
    %scan3A_975 = arith.constant 1 : i32
    scf.for %scan3A_1307 = %scan3A_972 to %scan3A_974 step %scan3A_975  : i32 {
      %mul3A_1308 = arith.constant 1 : i32
      %mul3A_1309 = arith.muli %scan3A_1307, %mul3A_1308 : i32
      %add3A_1310 = arith.constant 0 : i32
      %add3A_1311 = arith.addi %add3A_1310, %mul3A_1309 : i32
      %parallel_loop3A = arith.constant 0 : i32
      %parallel_loop3A_1312 = arith.constant 768 : i32
      %parallel_loop3A_1313 = arith.constant 16 : i32
      scf.for %parallel_loop3A_1314 = %parallel_loop3A to %parallel_loop3A_1312 step %parallel_loop3A_1313  : i32 {
        %parallel_loop3A_1315 = arith.index_cast %add3A_1311 : i32 to index
        %parallel_loop3A_1316 = arith.index_cast %parallel_loop3A_1314 : i32 to index
        %parallel_loop3A_1317 = tpu.vector_load %arg6[%parallel_loop3A_1315, %parallel_loop3A_1316] {strides = array<i32>} : memref<24x768xf32, #tpu.memory_space<vmem>>, vector<1x16xf32>,
        %parallel_loop3A_1318 = vector.shape_cast %parallel_loop3A_1317 : vector<1x16xf32> to vector<16xf32>
        %parallel_loop3A_1319 = arith.constant 48 : i32
        %parallel_loop3A_1320 = arith.addi %parallel_loop3A_1319, %add3A_1311 : i32
        %parallel_loop3A_1321 = arith.index_cast %parallel_loop3A_1320 : i32 to index
        %parallel_loop3A_1322 = arith.index_cast %parallel_loop3A_1314 : i32 to index
        %parallel_loop3A_1323 = tpu.vector_load %arg9[%parallel_loop3A_1321, %parallel_loop3A_1322] {strides = array<i32>} : memref<72x768xf32, #tpu.memory_space<vmem>>, vector<1x16xf32>,
        %parallel_loop3A_1324 = vector.shape_cast %parallel_loop3A_1323 : vector<1x16xf32> to vector<16xf32>
        %parallel_loop3A_1325 = arith.addf %parallel_loop3A_1318, %parallel_loop3A_1324 : vector<16xf32>
        %parallel_loop3A_1326 = arith.index_cast %add3A_1311 : i32 to index
        %parallel_loop3A_1327 = arith.index_cast %parallel_loop3A_1314 : i32 to index
        %parallel_loop3A_1328 = tpu.vector_load %arg6[%parallel_loop3A_1326, %parallel_loop3A_1327] {strides = array<i32>} : memref<24x768xf32, #tpu.memory_space<vmem>>, vector<1x16xf32>,
        %parallel_loop3A_1329 = vector.shape_cast %parallel_loop3A_1328 : vector<1x16xf32> to vector<16xf32>
        %parallel_loop3A_1330 = vector.shape_cast %parallel_loop3A_1325 : vector<16xf32> to vector<1x16xf32>
        tpu.vector_store %arg6[%parallel_loop3A_1326, %parallel_loop3A_1327], %parallel_loop3A_1330 {strides = array<i32>} : memref<24x768xf32, #tpu.memory_space<vmem>>, vector<1x16xf32>,
      } {sc.loop_unroll_factor = 8 : i64, sc.parallel_access}
    }
    %scan3A_976 = arith.constant 24 : i32
    %mul3A_977 = arith.constant 16 : i32
    %mul3A_978 = arith.muli %select_n3A_9, %mul3A_977 : i32
    %add3A_979 = arith.constant 13 : i32
    %add3A_980 = arith.addi %mul3A_978, %add3A_979 : i32
    %add3A_981 = arith.constant 48 : i32
    %add3A_982 = arith.addi %mul3A_32, %add3A_981 : i32
    %dma_start3A_983 = arith.constant 0 : i32
    %dma_start3A_984 = tpu.memref_slice %arg4[%add3A_980, %add3A_982, %dma_start3A_983] : memref<64x576x768xf32, #tpu.memory_space<hbm>> -> memref<1x24x768xf32, #tpu.memory_space<hbm>>
    %dma_start3A_985 = tpu.memref_squeeze %dma_start3A_984 : memref<1x24x768xf32, #tpu.memory_space<hbm>> -> memref<24x768xf32, #tpu.memory_space<hbm>>
    %dma_start3A_986 = arith.constant 0 : i32
    %dma_start3A_987 = tpu.memref_slice %arg4[%add3A_980, %add3A_982, %dma_start3A_986] : memref<64x576x768xf32, #tpu.memory_space<hbm>> -> memref<1x24x768xf32, #tpu.memory_space<hbm>>
    %dma_start3A_988 = tpu.memref_squeeze %dma_start3A_987 : memref<1x24x768xf32, #tpu.memory_space<hbm>> -> memref<24x768xf32, #tpu.memory_space<hbm>>
    tpu.enqueue_dma source(%arg6 : memref<24x768xf32, #tpu.memory_space<vmem>>) target(%dma_start3A_988 : memref<24x768xf32, #tpu.memory_space<hbm>>) target_semaphore(%arg15 : memref<!tpu.dma_semaphore, #tpu.memory_space<semaphore_mem>>)
    %mul3A_989 = arith.constant 16 : i32
    %mul3A_990 = arith.muli %select_n3A_9, %mul3A_989 : i32
    %add3A_991 = arith.constant 0 : i32
    %add3A_992 = arith.addi %mul3A_990, %add3A_991 : i32
    %add3A_993 = arith.constant 0 : i32
    %add3A_994 = arith.addi %mul3A_32, %add3A_993 : i32
    %dma_wait3A_995 = arith.constant 0 : i32
    %dma_wait3A_996 = tpu.memref_slice %arg2[%add3A_992, %add3A_994, %dma_wait3A_995] : memref<64x576x768xf32, #tpu.memory_space<hbm>> -> memref<1x24x768xf32, #tpu.memory_space<hbm>>
    %dma_wait3A_997 = tpu.memref_squeeze %dma_wait3A_996 : memref<1x24x768xf32, #tpu.memory_space<hbm>> -> memref<24x768xf32, #tpu.memory_space<hbm>>
    %dma_wait3A_998 = arith.constant 0 : i32
    %dma_wait3A_999 = tpu.memref_slice %arg2[%add3A_992, %add3A_994, %dma_wait3A_998] : memref<64x576x768xf32, #tpu.memory_space<hbm>> -> memref<1x24x768xf32, #tpu.memory_space<hbm>>
    %dma_wait3A_1000 = tpu.memref_squeeze %dma_wait3A_999 : memref<1x24x768xf32, #tpu.memory_space<hbm>> -> memref<24x768xf32, #tpu.memory_space<hbm>>
    tpu.wait_dma2 semaphore(%arg12 : memref<!tpu.dma_semaphore, #tpu.memory_space<semaphore_mem>>) src(%dma_wait3A_1000 : memref<24x768xf32, #tpu.memory_space<hbm>>) dst(%arg7 : memref<24x768xf32, #tpu.memory_space<vmem>>)
    %mul3A_1001 = arith.constant 16 : i32
    %mul3A_1002 = arith.muli %select_n3A_9, %mul3A_1001 : i32
    %add3A_1003 = arith.constant 0 : i32
    %add3A_1004 = arith.addi %mul3A_1002, %add3A_1003 : i32
    %add3A_1005 = arith.constant 0 : i32
    %add3A_1006 = arith.addi %mul3A_32, %add3A_1005 : i32
    %dma_wait3A_1007 = arith.constant 0 : i32
    %dma_wait3A_1008 = tpu.memref_slice %arg4[%add3A_1004, %add3A_1006, %dma_wait3A_1007] : memref<64x576x768xf32, #tpu.memory_space<hbm>> -> memref<1x24x768xf32, #tpu.memory_space<hbm>>
    %dma_wait3A_1009 = tpu.memref_squeeze %dma_wait3A_1008 : memref<1x24x768xf32, #tpu.memory_space<hbm>> -> memref<24x768xf32, #tpu.memory_space<hbm>>
    %dma_wait3A_1010 = arith.constant 0 : i32
    %dma_wait3A_1011 = tpu.memref_slice %arg4[%add3A_1004, %add3A_1006, %dma_wait3A_1010] : memref<64x576x768xf32, #tpu.memory_space<hbm>> -> memref<1x24x768xf32, #tpu.memory_space<hbm>>
    %dma_wait3A_1012 = tpu.memref_squeeze %dma_wait3A_1011 : memref<1x24x768xf32, #tpu.memory_space<hbm>> -> memref<24x768xf32, #tpu.memory_space<hbm>>
    tpu.wait_dma2 semaphore(%arg14 : memref<!tpu.dma_semaphore, #tpu.memory_space<semaphore_mem>>) src(%arg5 : memref<24x768xf32, #tpu.memory_space<vmem>>) dst(%dma_wait3A_1012 : memref<24x768xf32, #tpu.memory_space<hbm>>)
    %mul3A_1013 = arith.constant 16 : i32
    %mul3A_1014 = arith.muli %select_n3A_9, %mul3A_1013 : i32
    %add3A_1015 = arith.constant 14 : i32
    %add3A_1016 = arith.addi %mul3A_1014, %add3A_1015 : i32
    %add3A_1017 = arith.constant 48 : i32
    %add3A_1018 = arith.addi %mul3A_32, %add3A_1017 : i32
    %dma_start3A_1019 = arith.constant 0 : i32
    %dma_start3A_1020 = tpu.memref_slice %arg2[%add3A_1016, %add3A_1018, %dma_start3A_1019] : memref<64x576x768xf32, #tpu.memory_space<hbm>> -> memref<1x24x768xf32, #tpu.memory_space<hbm>>
    %dma_start3A_1021 = tpu.memref_squeeze %dma_start3A_1020 : memref<1x24x768xf32, #tpu.memory_space<hbm>> -> memref<24x768xf32, #tpu.memory_space<hbm>>
    %dma_start3A_1022 = arith.constant 0 : i32
    %dma_start3A_1023 = tpu.memref_slice %arg2[%add3A_1016, %add3A_1018, %dma_start3A_1022] : memref<64x576x768xf32, #tpu.memory_space<hbm>> -> memref<1x24x768xf32, #tpu.memory_space<hbm>>
    %dma_start3A_1024 = tpu.memref_squeeze %dma_start3A_1023 : memref<1x24x768xf32, #tpu.memory_space<hbm>> -> memref<24x768xf32, #tpu.memory_space<hbm>>
    tpu.enqueue_dma source(%dma_start3A_1024 : memref<24x768xf32, #tpu.memory_space<hbm>>) target(%arg5 : memref<24x768xf32, #tpu.memory_space<vmem>>) target_semaphore(%arg10 : memref<!tpu.dma_semaphore, #tpu.memory_space<semaphore_mem>>)
    %scan3A_1025 = arith.constant 0 : i32
    %scan3A_1026 = arith.constant 24 : i32
    %scan3A_1027 = arith.addi %scan3A_1025, %scan3A_1026 : i32
    %scan3A_1028 = arith.constant 1 : i32
    scf.for %scan3A_1307 = %scan3A_1025 to %scan3A_1027 step %scan3A_1028  : i32 {
      %mul3A_1308 = arith.constant 1 : i32
      %mul3A_1309 = arith.muli %scan3A_1307, %mul3A_1308 : i32
      %add3A_1310 = arith.constant 0 : i32
      %add3A_1311 = arith.addi %add3A_1310, %mul3A_1309 : i32
      %parallel_loop3A = arith.constant 0 : i32
      %parallel_loop3A_1312 = arith.constant 768 : i32
      %parallel_loop3A_1313 = arith.constant 16 : i32
      scf.for %parallel_loop3A_1314 = %parallel_loop3A to %parallel_loop3A_1312 step %parallel_loop3A_1313  : i32 {
        %parallel_loop3A_1315 = arith.index_cast %add3A_1311 : i32 to index
        %parallel_loop3A_1316 = arith.index_cast %parallel_loop3A_1314 : i32 to index
        %parallel_loop3A_1317 = tpu.vector_load %arg7[%parallel_loop3A_1315, %parallel_loop3A_1316] {strides = array<i32>} : memref<24x768xf32, #tpu.memory_space<vmem>>, vector<1x16xf32>,
        %parallel_loop3A_1318 = vector.shape_cast %parallel_loop3A_1317 : vector<1x16xf32> to vector<16xf32>
        %parallel_loop3A_1319 = arith.constant 0 : i32
        %parallel_loop3A_1320 = arith.addi %parallel_loop3A_1319, %add3A_1311 : i32
        %parallel_loop3A_1321 = arith.index_cast %parallel_loop3A_1320 : i32 to index
        %parallel_loop3A_1322 = arith.index_cast %parallel_loop3A_1314 : i32 to index
        %parallel_loop3A_1323 = tpu.vector_load %arg9[%parallel_loop3A_1321, %parallel_loop3A_1322] {strides = array<i32>} : memref<72x768xf32, #tpu.memory_space<vmem>>, vector<1x16xf32>,
        %parallel_loop3A_1324 = vector.shape_cast %parallel_loop3A_1323 : vector<1x16xf32> to vector<16xf32>
        %parallel_loop3A_1325 = arith.addf %parallel_loop3A_1318, %parallel_loop3A_1324 : vector<16xf32>
        %parallel_loop3A_1326 = arith.index_cast %add3A_1311 : i32 to index
        %parallel_loop3A_1327 = arith.index_cast %parallel_loop3A_1314 : i32 to index
        %parallel_loop3A_1328 = tpu.vector_load %arg7[%parallel_loop3A_1326, %parallel_loop3A_1327] {strides = array<i32>} : memref<24x768xf32, #tpu.memory_space<vmem>>, vector<1x16xf32>,
        %parallel_loop3A_1329 = vector.shape_cast %parallel_loop3A_1328 : vector<1x16xf32> to vector<16xf32>
        %parallel_loop3A_1330 = vector.shape_cast %parallel_loop3A_1325 : vector<16xf32> to vector<1x16xf32>
        tpu.vector_store %arg7[%parallel_loop3A_1326, %parallel_loop3A_1327], %parallel_loop3A_1330 {strides = array<i32>} : memref<24x768xf32, #tpu.memory_space<vmem>>, vector<1x16xf32>,
      } {sc.loop_unroll_factor = 8 : i64, sc.parallel_access}
    }
    %scan3A_1029 = arith.constant 24 : i32
    %mul3A_1030 = arith.constant 16 : i32
    %mul3A_1031 = arith.muli %select_n3A_9, %mul3A_1030 : i32
    %add3A_1032 = arith.constant 14 : i32
    %add3A_1033 = arith.addi %mul3A_1031, %add3A_1032 : i32
    %add3A_1034 = arith.constant 0 : i32
    %add3A_1035 = arith.addi %mul3A_32, %add3A_1034 : i32
    %dma_start3A_1036 = arith.constant 0 : i32
    %dma_start3A_1037 = tpu.memref_slice %arg4[%add3A_1033, %add3A_1035, %dma_start3A_1036] : memref<64x576x768xf32, #tpu.memory_space<hbm>> -> memref<1x24x768xf32, #tpu.memory_space<hbm>>
    %dma_start3A_1038 = tpu.memref_squeeze %dma_start3A_1037 : memref<1x24x768xf32, #tpu.memory_space<hbm>> -> memref<24x768xf32, #tpu.memory_space<hbm>>
    %dma_start3A_1039 = arith.constant 0 : i32
    %dma_start3A_1040 = tpu.memref_slice %arg4[%add3A_1033, %add3A_1035, %dma_start3A_1039] : memref<64x576x768xf32, #tpu.memory_space<hbm>> -> memref<1x24x768xf32, #tpu.memory_space<hbm>>
    %dma_start3A_1041 = tpu.memref_squeeze %dma_start3A_1040 : memref<1x24x768xf32, #tpu.memory_space<hbm>> -> memref<24x768xf32, #tpu.memory_space<hbm>>
    tpu.enqueue_dma source(%arg7 : memref<24x768xf32, #tpu.memory_space<vmem>>) target(%dma_start3A_1041 : memref<24x768xf32, #tpu.memory_space<hbm>>) target_semaphore(%arg16 : memref<!tpu.dma_semaphore, #tpu.memory_space<semaphore_mem>>)
    %mul3A_1042 = arith.constant 16 : i32
    %mul3A_1043 = arith.muli %select_n3A_9, %mul3A_1042 : i32
    %add3A_1044 = arith.constant 0 : i32
    %add3A_1045 = arith.addi %mul3A_1043, %add3A_1044 : i32
    %add3A_1046 = arith.constant 0 : i32
    %add3A_1047 = arith.addi %mul3A_32, %add3A_1046 : i32
    %dma_wait3A_1048 = arith.constant 0 : i32
    %dma_wait3A_1049 = tpu.memref_slice %arg2[%add3A_1045, %add3A_1047, %dma_wait3A_1048] : memref<64x576x768xf32, #tpu.memory_space<hbm>> -> memref<1x24x768xf32, #tpu.memory_space<hbm>>
    %dma_wait3A_1050 = tpu.memref_squeeze %dma_wait3A_1049 : memref<1x24x768xf32, #tpu.memory_space<hbm>> -> memref<24x768xf32, #tpu.memory_space<hbm>>
    %dma_wait3A_1051 = arith.constant 0 : i32
    %dma_wait3A_1052 = tpu.memref_slice %arg2[%add3A_1045, %add3A_1047, %dma_wait3A_1051] : memref<64x576x768xf32, #tpu.memory_space<hbm>> -> memref<1x24x768xf32, #tpu.memory_space<hbm>>
    %dma_wait3A_1053 = tpu.memref_squeeze %dma_wait3A_1052 : memref<1x24x768xf32, #tpu.memory_space<hbm>> -> memref<24x768xf32, #tpu.memory_space<hbm>>
    tpu.wait_dma2 semaphore(%arg13 : memref<!tpu.dma_semaphore, #tpu.memory_space<semaphore_mem>>) src(%dma_wait3A_1053 : memref<24x768xf32, #tpu.memory_space<hbm>>) dst(%arg8 : memref<24x768xf32, #tpu.memory_space<vmem>>)
    %mul3A_1054 = arith.constant 16 : i32
    %mul3A_1055 = arith.muli %select_n3A_9, %mul3A_1054 : i32
    %add3A_1056 = arith.constant 0 : i32
    %add3A_1057 = arith.addi %mul3A_1055, %add3A_1056 : i32
    %add3A_1058 = arith.constant 0 : i32
    %add3A_1059 = arith.addi %mul3A_32, %add3A_1058 : i32
    %dma_wait3A_1060 = arith.constant 0 : i32
    %dma_wait3A_1061 = tpu.memref_slice %arg4[%add3A_1057, %add3A_1059, %dma_wait3A_1060] : memref<64x576x768xf32, #tpu.memory_space<hbm>> -> memref<1x24x768xf32, #tpu.memory_space<hbm>>
    %dma_wait3A_1062 = tpu.memref_squeeze %dma_wait3A_1061 : memref<1x24x768xf32, #tpu.memory_space<hbm>> -> memref<24x768xf32, #tpu.memory_space<hbm>>
    %dma_wait3A_1063 = arith.constant 0 : i32
    %dma_wait3A_1064 = tpu.memref_slice %arg4[%add3A_1057, %add3A_1059, %dma_wait3A_1063] : memref<64x576x768xf32, #tpu.memory_space<hbm>> -> memref<1x24x768xf32, #tpu.memory_space<hbm>>
    %dma_wait3A_1065 = tpu.memref_squeeze %dma_wait3A_1064 : memref<1x24x768xf32, #tpu.memory_space<hbm>> -> memref<24x768xf32, #tpu.memory_space<hbm>>
    tpu.wait_dma2 semaphore(%arg15 : memref<!tpu.dma_semaphore, #tpu.memory_space<semaphore_mem>>) src(%arg6 : memref<24x768xf32, #tpu.memory_space<vmem>>) dst(%dma_wait3A_1065 : memref<24x768xf32, #tpu.memory_space<hbm>>)
    %mul3A_1066 = arith.constant 16 : i32
    %mul3A_1067 = arith.muli %select_n3A_9, %mul3A_1066 : i32
    %add3A_1068 = arith.constant 15 : i32
    %add3A_1069 = arith.addi %mul3A_1067, %add3A_1068 : i32
    %add3A_1070 = arith.constant 0 : i32
    %add3A_1071 = arith.addi %mul3A_32, %add3A_1070 : i32
    %dma_start3A_1072 = arith.constant 0 : i32
    %dma_start3A_1073 = tpu.memref_slice %arg2[%add3A_1069, %add3A_1071, %dma_start3A_1072] : memref<64x576x768xf32, #tpu.memory_space<hbm>> -> memref<1x24x768xf32, #tpu.memory_space<hbm>>
    %dma_start3A_1074 = tpu.memref_squeeze %dma_start3A_1073 : memref<1x24x768xf32, #tpu.memory_space<hbm>> -> memref<24x768xf32, #tpu.memory_space<hbm>>
    %dma_start3A_1075 = arith.constant 0 : i32
    %dma_start3A_1076 = tpu.memref_slice %arg2[%add3A_1069, %add3A_1071, %dma_start3A_1075] : memref<64x576x768xf32, #tpu.memory_space<hbm>> -> memref<1x24x768xf32, #tpu.memory_space<hbm>>
    %dma_start3A_1077 = tpu.memref_squeeze %dma_start3A_1076 : memref<1x24x768xf32, #tpu.memory_space<hbm>> -> memref<24x768xf32, #tpu.memory_space<hbm>>
    tpu.enqueue_dma source(%dma_start3A_1077 : memref<24x768xf32, #tpu.memory_space<hbm>>) target(%arg6 : memref<24x768xf32, #tpu.memory_space<vmem>>) target_semaphore(%arg11 : memref<!tpu.dma_semaphore, #tpu.memory_space<semaphore_mem>>)
    %scan3A_1078 = arith.constant 0 : i32
    %scan3A_1079 = arith.constant 24 : i32
    %scan3A_1080 = arith.addi %scan3A_1078, %scan3A_1079 : i32
    %scan3A_1081 = arith.constant 1 : i32
    scf.for %scan3A_1307 = %scan3A_1078 to %scan3A_1080 step %scan3A_1081  : i32 {
      %mul3A_1308 = arith.constant 1 : i32
      %mul3A_1309 = arith.muli %scan3A_1307, %mul3A_1308 : i32
      %add3A_1310 = arith.constant 0 : i32
      %add3A_1311 = arith.addi %add3A_1310, %mul3A_1309 : i32
      %parallel_loop3A = arith.constant 0 : i32
      %parallel_loop3A_1312 = arith.constant 768 : i32
      %parallel_loop3A_1313 = arith.constant 16 : i32
      scf.for %parallel_loop3A_1314 = %parallel_loop3A to %parallel_loop3A_1312 step %parallel_loop3A_1313  : i32 {
        %parallel_loop3A_1315 = arith.index_cast %add3A_1311 : i32 to index
        %parallel_loop3A_1316 = arith.index_cast %parallel_loop3A_1314 : i32 to index
        %parallel_loop3A_1317 = tpu.vector_load %arg8[%parallel_loop3A_1315, %parallel_loop3A_1316] {strides = array<i32>} : memref<24x768xf32, #tpu.memory_space<vmem>>, vector<1x16xf32>,
        %parallel_loop3A_1318 = vector.shape_cast %parallel_loop3A_1317 : vector<1x16xf32> to vector<16xf32>
        %parallel_loop3A_1319 = arith.constant 24 : i32
        %parallel_loop3A_1320 = arith.addi %parallel_loop3A_1319, %add3A_1311 : i32
        %parallel_loop3A_1321 = arith.index_cast %parallel_loop3A_1320 : i32 to index
        %parallel_loop3A_1322 = arith.index_cast %parallel_loop3A_1314 : i32 to index
        %parallel_loop3A_1323 = tpu.vector_load %arg9[%parallel_loop3A_1321, %parallel_loop3A_1322] {strides = array<i32>} : memref<72x768xf32, #tpu.memory_space<vmem>>, vector<1x16xf32>,
        %parallel_loop3A_1324 = vector.shape_cast %parallel_loop3A_1323 : vector<1x16xf32> to vector<16xf32>
        %parallel_loop3A_1325 = arith.addf %parallel_loop3A_1318, %parallel_loop3A_1324 : vector<16xf32>
        %parallel_loop3A_1326 = arith.index_cast %add3A_1311 : i32 to index
        %parallel_loop3A_1327 = arith.index_cast %parallel_loop3A_1314 : i32 to index
        %parallel_loop3A_1328 = tpu.vector_load %arg8[%parallel_loop3A_1326, %parallel_loop3A_1327] {strides = array<i32>} : memref<24x768xf32, #tpu.memory_space<vmem>>, vector<1x16xf32>,
        %parallel_loop3A_1329 = vector.shape_cast %parallel_loop3A_1328 : vector<1x16xf32> to vector<16xf32>
        %parallel_loop3A_1330 = vector.shape_cast %parallel_loop3A_1325 : vector<16xf32> to vector<1x16xf32>
        tpu.vector_store %arg8[%parallel_loop3A_1326, %parallel_loop3A_1327], %parallel_loop3A_1330 {strides = array<i32>} : memref<24x768xf32, #tpu.memory_space<vmem>>, vector<1x16xf32>,
      } {sc.loop_unroll_factor = 8 : i64, sc.parallel_access}
    }
    %scan3A_1082 = arith.constant 24 : i32
    %mul3A_1083 = arith.constant 16 : i32
    %mul3A_1084 = arith.muli %select_n3A_9, %mul3A_1083 : i32
    %add3A_1085 = arith.constant 14 : i32
    %add3A_1086 = arith.addi %mul3A_1084, %add3A_1085 : i32
    %add3A_1087 = arith.constant 24 : i32
    %add3A_1088 = arith.addi %mul3A_32, %add3A_1087 : i32
    %dma_start3A_1089 = arith.constant 0 : i32
    %dma_start3A_1090 = tpu.memref_slice %arg4[%add3A_1086, %add3A_1088, %dma_start3A_1089] : memref<64x576x768xf32, #tpu.memory_space<hbm>> -> memref<1x24x768xf32, #tpu.memory_space<hbm>>
    %dma_start3A_1091 = tpu.memref_squeeze %dma_start3A_1090 : memref<1x24x768xf32, #tpu.memory_space<hbm>> -> memref<24x768xf32, #tpu.memory_space<hbm>>
    %dma_start3A_1092 = arith.constant 0 : i32
    %dma_start3A_1093 = tpu.memref_slice %arg4[%add3A_1086, %add3A_1088, %dma_start3A_1092] : memref<64x576x768xf32, #tpu.memory_space<hbm>> -> memref<1x24x768xf32, #tpu.memory_space<hbm>>
    %dma_start3A_1094 = tpu.memref_squeeze %dma_start3A_1093 : memref<1x24x768xf32, #tpu.memory_space<hbm>> -> memref<24x768xf32, #tpu.memory_space<hbm>>
    tpu.enqueue_dma source(%arg8 : memref<24x768xf32, #tpu.memory_space<vmem>>) target(%dma_start3A_1094 : memref<24x768xf32, #tpu.memory_space<hbm>>) target_semaphore(%arg17 : memref<!tpu.dma_semaphore, #tpu.memory_space<semaphore_mem>>)
    %mul3A_1095 = arith.constant 16 : i32
    %mul3A_1096 = arith.muli %select_n3A_9, %mul3A_1095 : i32
    %add3A_1097 = arith.constant 0 : i32
    %add3A_1098 = arith.addi %mul3A_1096, %add3A_1097 : i32
    %add3A_1099 = arith.constant 0 : i32
    %add3A_1100 = arith.addi %mul3A_32, %add3A_1099 : i32
    %dma_wait3A_1101 = arith.constant 0 : i32
    %dma_wait3A_1102 = tpu.memref_slice %arg2[%add3A_1098, %add3A_1100, %dma_wait3A_1101] : memref<64x576x768xf32, #tpu.memory_space<hbm>> -> memref<1x24x768xf32, #tpu.memory_space<hbm>>
    %dma_wait3A_1103 = tpu.memref_squeeze %dma_wait3A_1102 : memref<1x24x768xf32, #tpu.memory_space<hbm>> -> memref<24x768xf32, #tpu.memory_space<hbm>>
    %dma_wait3A_1104 = arith.constant 0 : i32
    %dma_wait3A_1105 = tpu.memref_slice %arg2[%add3A_1098, %add3A_1100, %dma_wait3A_1104] : memref<64x576x768xf32, #tpu.memory_space<hbm>> -> memref<1x24x768xf32, #tpu.memory_space<hbm>>
    %dma_wait3A_1106 = tpu.memref_squeeze %dma_wait3A_1105 : memref<1x24x768xf32, #tpu.memory_space<hbm>> -> memref<24x768xf32, #tpu.memory_space<hbm>>
    tpu.wait_dma2 semaphore(%arg10 : memref<!tpu.dma_semaphore, #tpu.memory_space<semaphore_mem>>) src(%dma_wait3A_1106 : memref<24x768xf32, #tpu.memory_space<hbm>>) dst(%arg5 : memref<24x768xf32, #tpu.memory_space<vmem>>)
    %mul3A_1107 = arith.constant 16 : i32
    %mul3A_1108 = arith.muli %select_n3A_9, %mul3A_1107 : i32
    %add3A_1109 = arith.constant 0 : i32
    %add3A_1110 = arith.addi %mul3A_1108, %add3A_1109 : i32
    %add3A_1111 = arith.constant 0 : i32
    %add3A_1112 = arith.addi %mul3A_32, %add3A_1111 : i32
    %dma_wait3A_1113 = arith.constant 0 : i32
    %dma_wait3A_1114 = tpu.memref_slice %arg4[%add3A_1110, %add3A_1112, %dma_wait3A_1113] : memref<64x576x768xf32, #tpu.memory_space<hbm>> -> memref<1x24x768xf32, #tpu.memory_space<hbm>>
    %dma_wait3A_1115 = tpu.memref_squeeze %dma_wait3A_1114 : memref<1x24x768xf32, #tpu.memory_space<hbm>> -> memref<24x768xf32, #tpu.memory_space<hbm>>
    %dma_wait3A_1116 = arith.constant 0 : i32
    %dma_wait3A_1117 = tpu.memref_slice %arg4[%add3A_1110, %add3A_1112, %dma_wait3A_1116] : memref<64x576x768xf32, #tpu.memory_space<hbm>> -> memref<1x24x768xf32, #tpu.memory_space<hbm>>
    %dma_wait3A_1118 = tpu.memref_squeeze %dma_wait3A_1117 : memref<1x24x768xf32, #tpu.memory_space<hbm>> -> memref<24x768xf32, #tpu.memory_space<hbm>>
    tpu.wait_dma2 semaphore(%arg16 : memref<!tpu.dma_semaphore, #tpu.memory_space<semaphore_mem>>) src(%arg7 : memref<24x768xf32, #tpu.memory_space<vmem>>) dst(%dma_wait3A_1118 : memref<24x768xf32, #tpu.memory_space<hbm>>)
    %mul3A_1119 = arith.constant 16 : i32
    %mul3A_1120 = arith.muli %select_n3A_9, %mul3A_1119 : i32
    %add3A_1121 = arith.constant 15 : i32
    %add3A_1122 = arith.addi %mul3A_1120, %add3A_1121 : i32
    %add3A_1123 = arith.constant 24 : i32
    %add3A_1124 = arith.addi %mul3A_32, %add3A_1123 : i32
    %dma_start3A_1125 = arith.constant 0 : i32
    %dma_start3A_1126 = tpu.memref_slice %arg2[%add3A_1122, %add3A_1124, %dma_start3A_1125] : memref<64x576x768xf32, #tpu.memory_space<hbm>> -> memref<1x24x768xf32, #tpu.memory_space<hbm>>
    %dma_start3A_1127 = tpu.memref_squeeze %dma_start3A_1126 : memref<1x24x768xf32, #tpu.memory_space<hbm>> -> memref<24x768xf32, #tpu.memory_space<hbm>>
    %dma_start3A_1128 = arith.constant 0 : i32
    %dma_start3A_1129 = tpu.memref_slice %arg2[%add3A_1122, %add3A_1124, %dma_start3A_1128] : memref<64x576x768xf32, #tpu.memory_space<hbm>> -> memref<1x24x768xf32, #tpu.memory_space<hbm>>
    %dma_start3A_1130 = tpu.memref_squeeze %dma_start3A_1129 : memref<1x24x768xf32, #tpu.memory_space<hbm>> -> memref<24x768xf32, #tpu.memory_space<hbm>>
    tpu.enqueue_dma source(%dma_start3A_1130 : memref<24x768xf32, #tpu.memory_space<hbm>>) target(%arg7 : memref<24x768xf32, #tpu.memory_space<vmem>>) target_semaphore(%arg12 : memref<!tpu.dma_semaphore, #tpu.memory_space<semaphore_mem>>)
    %scan3A_1131 = arith.constant 0 : i32
    %scan3A_1132 = arith.constant 24 : i32
    %scan3A_1133 = arith.addi %scan3A_1131, %scan3A_1132 : i32
    %scan3A_1134 = arith.constant 1 : i32
    scf.for %scan3A_1307 = %scan3A_1131 to %scan3A_1133 step %scan3A_1134  : i32 {
      %mul3A_1308 = arith.constant 1 : i32
      %mul3A_1309 = arith.muli %scan3A_1307, %mul3A_1308 : i32
      %add3A_1310 = arith.constant 0 : i32
      %add3A_1311 = arith.addi %add3A_1310, %mul3A_1309 : i32
      %parallel_loop3A = arith.constant 0 : i32
      %parallel_loop3A_1312 = arith.constant 768 : i32
      %parallel_loop3A_1313 = arith.constant 16 : i32
      scf.for %parallel_loop3A_1314 = %parallel_loop3A to %parallel_loop3A_1312 step %parallel_loop3A_1313  : i32 {
        %parallel_loop3A_1315 = arith.index_cast %add3A_1311 : i32 to index
        %parallel_loop3A_1316 = arith.index_cast %parallel_loop3A_1314 : i32 to index
        %parallel_loop3A_1317 = tpu.vector_load %arg5[%parallel_loop3A_1315, %parallel_loop3A_1316] {strides = array<i32>} : memref<24x768xf32, #tpu.memory_space<vmem>>, vector<1x16xf32>,
        %parallel_loop3A_1318 = vector.shape_cast %parallel_loop3A_1317 : vector<1x16xf32> to vector<16xf32>
        %parallel_loop3A_1319 = arith.constant 48 : i32
        %parallel_loop3A_1320 = arith.addi %parallel_loop3A_1319, %add3A_1311 : i32
        %parallel_loop3A_1321 = arith.index_cast %parallel_loop3A_1320 : i32 to index
        %parallel_loop3A_1322 = arith.index_cast %parallel_loop3A_1314 : i32 to index
        %parallel_loop3A_1323 = tpu.vector_load %arg9[%parallel_loop3A_1321, %parallel_loop3A_1322] {strides = array<i32>} : memref<72x768xf32, #tpu.memory_space<vmem>>, vector<1x16xf32>,
        %parallel_loop3A_1324 = vector.shape_cast %parallel_loop3A_1323 : vector<1x16xf32> to vector<16xf32>
        %parallel_loop3A_1325 = arith.addf %parallel_loop3A_1318, %parallel_loop3A_1324 : vector<16xf32>
        %parallel_loop3A_1326 = arith.index_cast %add3A_1311 : i32 to index
        %parallel_loop3A_1327 = arith.index_cast %parallel_loop3A_1314 : i32 to index
        %parallel_loop3A_1328 = tpu.vector_load %arg5[%parallel_loop3A_1326, %parallel_loop3A_1327] {strides = array<i32>} : memref<24x768xf32, #tpu.memory_space<vmem>>, vector<1x16xf32>,
        %parallel_loop3A_1329 = vector.shape_cast %parallel_loop3A_1328 : vector<1x16xf32> to vector<16xf32>
        %parallel_loop3A_1330 = vector.shape_cast %parallel_loop3A_1325 : vector<16xf32> to vector<1x16xf32>
        tpu.vector_store %arg5[%parallel_loop3A_1326, %parallel_loop3A_1327], %parallel_loop3A_1330 {strides = array<i32>} : memref<24x768xf32, #tpu.memory_space<vmem>>, vector<1x16xf32>,
      } {sc.loop_unroll_factor = 8 : i64, sc.parallel_access}
    }
    %scan3A_1135 = arith.constant 24 : i32
    %mul3A_1136 = arith.constant 16 : i32
    %mul3A_1137 = arith.muli %select_n3A_9, %mul3A_1136 : i32
    %add3A_1138 = arith.constant 14 : i32
    %add3A_1139 = arith.addi %mul3A_1137, %add3A_1138 : i32
    %add3A_1140 = arith.constant 48 : i32
    %add3A_1141 = arith.addi %mul3A_32, %add3A_1140 : i32
    %dma_start3A_1142 = arith.constant 0 : i32
    %dma_start3A_1143 = tpu.memref_slice %arg4[%add3A_1139, %add3A_1141, %dma_start3A_1142] : memref<64x576x768xf32, #tpu.memory_space<hbm>> -> memref<1x24x768xf32, #tpu.memory_space<hbm>>
    %dma_start3A_1144 = tpu.memref_squeeze %dma_start3A_1143 : memref<1x24x768xf32, #tpu.memory_space<hbm>> -> memref<24x768xf32, #tpu.memory_space<hbm>>
    %dma_start3A_1145 = arith.constant 0 : i32
    %dma_start3A_1146 = tpu.memref_slice %arg4[%add3A_1139, %add3A_1141, %dma_start3A_1145] : memref<64x576x768xf32, #tpu.memory_space<hbm>> -> memref<1x24x768xf32, #tpu.memory_space<hbm>>
    %dma_start3A_1147 = tpu.memref_squeeze %dma_start3A_1146 : memref<1x24x768xf32, #tpu.memory_space<hbm>> -> memref<24x768xf32, #tpu.memory_space<hbm>>
    tpu.enqueue_dma source(%arg5 : memref<24x768xf32, #tpu.memory_space<vmem>>) target(%dma_start3A_1147 : memref<24x768xf32, #tpu.memory_space<hbm>>) target_semaphore(%arg14 : memref<!tpu.dma_semaphore, #tpu.memory_space<semaphore_mem>>)
    %mul3A_1148 = arith.constant 16 : i32
    %mul3A_1149 = arith.muli %select_n3A_9, %mul3A_1148 : i32
    %add3A_1150 = arith.constant 0 : i32
    %add3A_1151 = arith.addi %mul3A_1149, %add3A_1150 : i32
    %add3A_1152 = arith.constant 0 : i32
    %add3A_1153 = arith.addi %mul3A_32, %add3A_1152 : i32
    %dma_wait3A_1154 = arith.constant 0 : i32
    %dma_wait3A_1155 = tpu.memref_slice %arg2[%add3A_1151, %add3A_1153, %dma_wait3A_1154] : memref<64x576x768xf32, #tpu.memory_space<hbm>> -> memref<1x24x768xf32, #tpu.memory_space<hbm>>
    %dma_wait3A_1156 = tpu.memref_squeeze %dma_wait3A_1155 : memref<1x24x768xf32, #tpu.memory_space<hbm>> -> memref<24x768xf32, #tpu.memory_space<hbm>>
    %dma_wait3A_1157 = arith.constant 0 : i32
    %dma_wait3A_1158 = tpu.memref_slice %arg2[%add3A_1151, %add3A_1153, %dma_wait3A_1157] : memref<64x576x768xf32, #tpu.memory_space<hbm>> -> memref<1x24x768xf32, #tpu.memory_space<hbm>>
    %dma_wait3A_1159 = tpu.memref_squeeze %dma_wait3A_1158 : memref<1x24x768xf32, #tpu.memory_space<hbm>> -> memref<24x768xf32, #tpu.memory_space<hbm>>
    tpu.wait_dma2 semaphore(%arg11 : memref<!tpu.dma_semaphore, #tpu.memory_space<semaphore_mem>>) src(%dma_wait3A_1159 : memref<24x768xf32, #tpu.memory_space<hbm>>) dst(%arg6 : memref<24x768xf32, #tpu.memory_space<vmem>>)
    %mul3A_1160 = arith.constant 16 : i32
    %mul3A_1161 = arith.muli %select_n3A_9, %mul3A_1160 : i32
    %add3A_1162 = arith.constant 0 : i32
    %add3A_1163 = arith.addi %mul3A_1161, %add3A_1162 : i32
    %add3A_1164 = arith.constant 0 : i32
    %add3A_1165 = arith.addi %mul3A_32, %add3A_1164 : i32
    %dma_wait3A_1166 = arith.constant 0 : i32
    %dma_wait3A_1167 = tpu.memref_slice %arg4[%add3A_1163, %add3A_1165, %dma_wait3A_1166] : memref<64x576x768xf32, #tpu.memory_space<hbm>> -> memref<1x24x768xf32, #tpu.memory_space<hbm>>
    %dma_wait3A_1168 = tpu.memref_squeeze %dma_wait3A_1167 : memref<1x24x768xf32, #tpu.memory_space<hbm>> -> memref<24x768xf32, #tpu.memory_space<hbm>>
    %dma_wait3A_1169 = arith.constant 0 : i32
    %dma_wait3A_1170 = tpu.memref_slice %arg4[%add3A_1163, %add3A_1165, %dma_wait3A_1169] : memref<64x576x768xf32, #tpu.memory_space<hbm>> -> memref<1x24x768xf32, #tpu.memory_space<hbm>>
    %dma_wait3A_1171 = tpu.memref_squeeze %dma_wait3A_1170 : memref<1x24x768xf32, #tpu.memory_space<hbm>> -> memref<24x768xf32, #tpu.memory_space<hbm>>
    tpu.wait_dma2 semaphore(%arg17 : memref<!tpu.dma_semaphore, #tpu.memory_space<semaphore_mem>>) src(%arg8 : memref<24x768xf32, #tpu.memory_space<vmem>>) dst(%dma_wait3A_1171 : memref<24x768xf32, #tpu.memory_space<hbm>>)
    %mul3A_1172 = arith.constant 16 : i32
    %mul3A_1173 = arith.muli %select_n3A_9, %mul3A_1172 : i32
    %add3A_1174 = arith.constant 15 : i32
    %add3A_1175 = arith.addi %mul3A_1173, %add3A_1174 : i32
    %add3A_1176 = arith.constant 48 : i32
    %add3A_1177 = arith.addi %mul3A_32, %add3A_1176 : i32
    %dma_start3A_1178 = arith.constant 0 : i32
    %dma_start3A_1179 = tpu.memref_slice %arg2[%add3A_1175, %add3A_1177, %dma_start3A_1178] : memref<64x576x768xf32, #tpu.memory_space<hbm>> -> memref<1x24x768xf32, #tpu.memory_space<hbm>>
    %dma_start3A_1180 = tpu.memref_squeeze %dma_start3A_1179 : memref<1x24x768xf32, #tpu.memory_space<hbm>> -> memref<24x768xf32, #tpu.memory_space<hbm>>
    %dma_start3A_1181 = arith.constant 0 : i32
    %dma_start3A_1182 = tpu.memref_slice %arg2[%add3A_1175, %add3A_1177, %dma_start3A_1181] : memref<64x576x768xf32, #tpu.memory_space<hbm>> -> memref<1x24x768xf32, #tpu.memory_space<hbm>>
    %dma_start3A_1183 = tpu.memref_squeeze %dma_start3A_1182 : memref<1x24x768xf32, #tpu.memory_space<hbm>> -> memref<24x768xf32, #tpu.memory_space<hbm>>
    tpu.enqueue_dma source(%dma_start3A_1183 : memref<24x768xf32, #tpu.memory_space<hbm>>) target(%arg8 : memref<24x768xf32, #tpu.memory_space<vmem>>) target_semaphore(%arg13 : memref<!tpu.dma_semaphore, #tpu.memory_space<semaphore_mem>>)
    %scan3A_1184 = arith.constant 0 : i32
    %scan3A_1185 = arith.constant 24 : i32
    %scan3A_1186 = arith.addi %scan3A_1184, %scan3A_1185 : i32
    %scan3A_1187 = arith.constant 1 : i32
    scf.for %scan3A_1307 = %scan3A_1184 to %scan3A_1186 step %scan3A_1187  : i32 {
      %mul3A_1308 = arith.constant 1 : i32
      %mul3A_1309 = arith.muli %scan3A_1307, %mul3A_1308 : i32
      %add3A_1310 = arith.constant 0 : i32
      %add3A_1311 = arith.addi %add3A_1310, %mul3A_1309 : i32
      %parallel_loop3A = arith.constant 0 : i32
      %parallel_loop3A_1312 = arith.constant 768 : i32
      %parallel_loop3A_1313 = arith.constant 16 : i32
      scf.for %parallel_loop3A_1314 = %parallel_loop3A to %parallel_loop3A_1312 step %parallel_loop3A_1313  : i32 {
        %parallel_loop3A_1315 = arith.index_cast %add3A_1311 : i32 to index
        %parallel_loop3A_1316 = arith.index_cast %parallel_loop3A_1314 : i32 to index
        %parallel_loop3A_1317 = tpu.vector_load %arg6[%parallel_loop3A_1315, %parallel_loop3A_1316] {strides = array<i32>} : memref<24x768xf32, #tpu.memory_space<vmem>>, vector<1x16xf32>,
        %parallel_loop3A_1318 = vector.shape_cast %parallel_loop3A_1317 : vector<1x16xf32> to vector<16xf32>
        %parallel_loop3A_1319 = arith.constant 0 : i32
        %parallel_loop3A_1320 = arith.addi %parallel_loop3A_1319, %add3A_1311 : i32
        %parallel_loop3A_1321 = arith.index_cast %parallel_loop3A_1320 : i32 to index
        %parallel_loop3A_1322 = arith.index_cast %parallel_loop3A_1314 : i32 to index
        %parallel_loop3A_1323 = tpu.vector_load %arg9[%parallel_loop3A_1321, %parallel_loop3A_1322] {strides = array<i32>} : memref<72x768xf32, #tpu.memory_space<vmem>>, vector<1x16xf32>,
        %parallel_loop3A_1324 = vector.shape_cast %parallel_loop3A_1323 : vector<1x16xf32> to vector<16xf32>
        %parallel_loop3A_1325 = arith.addf %parallel_loop3A_1318, %parallel_loop3A_1324 : vector<16xf32>
        %parallel_loop3A_1326 = arith.index_cast %add3A_1311 : i32 to index
        %parallel_loop3A_1327 = arith.index_cast %parallel_loop3A_1314 : i32 to index
        %parallel_loop3A_1328 = tpu.vector_load %arg6[%parallel_loop3A_1326, %parallel_loop3A_1327] {strides = array<i32>} : memref<24x768xf32, #tpu.memory_space<vmem>>, vector<1x16xf32>,
        %parallel_loop3A_1329 = vector.shape_cast %parallel_loop3A_1328 : vector<1x16xf32> to vector<16xf32>
        %parallel_loop3A_1330 = vector.shape_cast %parallel_loop3A_1325 : vector<16xf32> to vector<1x16xf32>
        tpu.vector_store %arg6[%parallel_loop3A_1326, %parallel_loop3A_1327], %parallel_loop3A_1330 {strides = array<i32>} : memref<24x768xf32, #tpu.memory_space<vmem>>, vector<1x16xf32>,
      } {sc.loop_unroll_factor = 8 : i64, sc.parallel_access}
    }
    %scan3A_1188 = arith.constant 24 : i32
    %mul3A_1189 = arith.constant 16 : i32
    %mul3A_1190 = arith.muli %select_n3A_9, %mul3A_1189 : i32
    %add3A_1191 = arith.constant 15 : i32
    %add3A_1192 = arith.addi %mul3A_1190, %add3A_1191 : i32
    %add3A_1193 = arith.constant 0 : i32
    %add3A_1194 = arith.addi %mul3A_32, %add3A_1193 : i32
    %dma_start3A_1195 = arith.constant 0 : i32
    %dma_start3A_1196 = tpu.memref_slice %arg4[%add3A_1192, %add3A_1194, %dma_start3A_1195] : memref<64x576x768xf32, #tpu.memory_space<hbm>> -> memref<1x24x768xf32, #tpu.memory_space<hbm>>
    %dma_start3A_1197 = tpu.memref_squeeze %dma_start3A_1196 : memref<1x24x768xf32, #tpu.memory_space<hbm>> -> memref<24x768xf32, #tpu.memory_space<hbm>>
    %dma_start3A_1198 = arith.constant 0 : i32
    %dma_start3A_1199 = tpu.memref_slice %arg4[%add3A_1192, %add3A_1194, %dma_start3A_1198] : memref<64x576x768xf32, #tpu.memory_space<hbm>> -> memref<1x24x768xf32, #tpu.memory_space<hbm>>
    %dma_start3A_1200 = tpu.memref_squeeze %dma_start3A_1199 : memref<1x24x768xf32, #tpu.memory_space<hbm>> -> memref<24x768xf32, #tpu.memory_space<hbm>>
    tpu.enqueue_dma source(%arg6 : memref<24x768xf32, #tpu.memory_space<vmem>>) target(%dma_start3A_1200 : memref<24x768xf32, #tpu.memory_space<hbm>>) target_semaphore(%arg15 : memref<!tpu.dma_semaphore, #tpu.memory_space<semaphore_mem>>)
    %mul3A_1201 = arith.constant 16 : i32
    %mul3A_1202 = arith.muli %select_n3A_9, %mul3A_1201 : i32
    %add3A_1203 = arith.constant 0 : i32
    %add3A_1204 = arith.addi %mul3A_1202, %add3A_1203 : i32
    %add3A_1205 = arith.constant 0 : i32
    %add3A_1206 = arith.addi %mul3A_32, %add3A_1205 : i32
    %dma_wait3A_1207 = arith.constant 0 : i32
    %dma_wait3A_1208 = tpu.memref_slice %arg2[%add3A_1204, %add3A_1206, %dma_wait3A_1207] : memref<64x576x768xf32, #tpu.memory_space<hbm>> -> memref<1x24x768xf32, #tpu.memory_space<hbm>>
    %dma_wait3A_1209 = tpu.memref_squeeze %dma_wait3A_1208 : memref<1x24x768xf32, #tpu.memory_space<hbm>> -> memref<24x768xf32, #tpu.memory_space<hbm>>
    %dma_wait3A_1210 = arith.constant 0 : i32
    %dma_wait3A_1211 = tpu.memref_slice %arg2[%add3A_1204, %add3A_1206, %dma_wait3A_1210] : memref<64x576x768xf32, #tpu.memory_space<hbm>> -> memref<1x24x768xf32, #tpu.memory_space<hbm>>
    %dma_wait3A_1212 = tpu.memref_squeeze %dma_wait3A_1211 : memref<1x24x768xf32, #tpu.memory_space<hbm>> -> memref<24x768xf32, #tpu.memory_space<hbm>>
    tpu.wait_dma2 semaphore(%arg12 : memref<!tpu.dma_semaphore, #tpu.memory_space<semaphore_mem>>) src(%dma_wait3A_1212 : memref<24x768xf32, #tpu.memory_space<hbm>>) dst(%arg7 : memref<24x768xf32, #tpu.memory_space<vmem>>)
    %scan3A_1213 = arith.constant 0 : i32
    %scan3A_1214 = arith.constant 24 : i32
    %scan3A_1215 = arith.addi %scan3A_1213, %scan3A_1214 : i32
    %scan3A_1216 = arith.constant 1 : i32
    scf.for %scan3A_1307 = %scan3A_1213 to %scan3A_1215 step %scan3A_1216  : i32 {
      %mul3A_1308 = arith.constant 1 : i32
      %mul3A_1309 = arith.muli %scan3A_1307, %mul3A_1308 : i32
      %add3A_1310 = arith.constant 0 : i32
      %add3A_1311 = arith.addi %add3A_1310, %mul3A_1309 : i32
      %parallel_loop3A = arith.constant 0 : i32
      %parallel_loop3A_1312 = arith.constant 768 : i32
      %parallel_loop3A_1313 = arith.constant 16 : i32
      scf.for %parallel_loop3A_1314 = %parallel_loop3A to %parallel_loop3A_1312 step %parallel_loop3A_1313  : i32 {
        %parallel_loop3A_1315 = arith.index_cast %add3A_1311 : i32 to index
        %parallel_loop3A_1316 = arith.index_cast %parallel_loop3A_1314 : i32 to index
        %parallel_loop3A_1317 = tpu.vector_load %arg7[%parallel_loop3A_1315, %parallel_loop3A_1316] {strides = array<i32>} : memref<24x768xf32, #tpu.memory_space<vmem>>, vector<1x16xf32>,
        %parallel_loop3A_1318 = vector.shape_cast %parallel_loop3A_1317 : vector<1x16xf32> to vector<16xf32>
        %parallel_loop3A_1319 = arith.constant 24 : i32
        %parallel_loop3A_1320 = arith.addi %parallel_loop3A_1319, %add3A_1311 : i32
        %parallel_loop3A_1321 = arith.index_cast %parallel_loop3A_1320 : i32 to index
        %parallel_loop3A_1322 = arith.index_cast %parallel_loop3A_1314 : i32 to index
        %parallel_loop3A_1323 = tpu.vector_load %arg9[%parallel_loop3A_1321, %parallel_loop3A_1322] {strides = array<i32>} : memref<72x768xf32, #tpu.memory_space<vmem>>, vector<1x16xf32>,
        %parallel_loop3A_1324 = vector.shape_cast %parallel_loop3A_1323 : vector<1x16xf32> to vector<16xf32>
        %parallel_loop3A_1325 = arith.addf %parallel_loop3A_1318, %parallel_loop3A_1324 : vector<16xf32>
        %parallel_loop3A_1326 = arith.index_cast %add3A_1311 : i32 to index
        %parallel_loop3A_1327 = arith.index_cast %parallel_loop3A_1314 : i32 to index
        %parallel_loop3A_1328 = tpu.vector_load %arg7[%parallel_loop3A_1326, %parallel_loop3A_1327] {strides = array<i32>} : memref<24x768xf32, #tpu.memory_space<vmem>>, vector<1x16xf32>,
        %parallel_loop3A_1329 = vector.shape_cast %parallel_loop3A_1328 : vector<1x16xf32> to vector<16xf32>
        %parallel_loop3A_1330 = vector.shape_cast %parallel_loop3A_1325 : vector<16xf32> to vector<1x16xf32>
        tpu.vector_store %arg7[%parallel_loop3A_1326, %parallel_loop3A_1327], %parallel_loop3A_1330 {strides = array<i32>} : memref<24x768xf32, #tpu.memory_space<vmem>>, vector<1x16xf32>,
      } {sc.loop_unroll_factor = 8 : i64, sc.parallel_access}
    }
    %scan3A_1217 = arith.constant 24 : i32
    %mul3A_1218 = arith.constant 16 : i32
    %mul3A_1219 = arith.muli %select_n3A_9, %mul3A_1218 : i32
    %add3A_1220 = arith.constant 15 : i32
    %add3A_1221 = arith.addi %mul3A_1219, %add3A_1220 : i32
    %add3A_1222 = arith.constant 24 : i32
    %add3A_1223 = arith.addi %mul3A_32, %add3A_1222 : i32
    %dma_start3A_1224 = arith.constant 0 : i32
    %dma_start3A_1225 = tpu.memref_slice %arg4[%add3A_1221, %add3A_1223, %dma_start3A_1224] : memref<64x576x768xf32, #tpu.memory_space<hbm>> -> memref<1x24x768xf32, #tpu.memory_space<hbm>>
    %dma_start3A_1226 = tpu.memref_squeeze %dma_start3A_1225 : memref<1x24x768xf32, #tpu.memory_space<hbm>> -> memref<24x768xf32, #tpu.memory_space<hbm>>
    %dma_start3A_1227 = arith.constant 0 : i32
    %dma_start3A_1228 = tpu.memref_slice %arg4[%add3A_1221, %add3A_1223, %dma_start3A_1227] : memref<64x576x768xf32, #tpu.memory_space<hbm>> -> memref<1x24x768xf32, #tpu.memory_space<hbm>>
    %dma_start3A_1229 = tpu.memref_squeeze %dma_start3A_1228 : memref<1x24x768xf32, #tpu.memory_space<hbm>> -> memref<24x768xf32, #tpu.memory_space<hbm>>
    tpu.enqueue_dma source(%arg7 : memref<24x768xf32, #tpu.memory_space<vmem>>) target(%dma_start3A_1229 : memref<24x768xf32, #tpu.memory_space<hbm>>) target_semaphore(%arg16 : memref<!tpu.dma_semaphore, #tpu.memory_space<semaphore_mem>>)
    %mul3A_1230 = arith.constant 16 : i32
    %mul3A_1231 = arith.muli %select_n3A_9, %mul3A_1230 : i32
    %add3A_1232 = arith.constant 0 : i32
    %add3A_1233 = arith.addi %mul3A_1231, %add3A_1232 : i32
    %add3A_1234 = arith.constant 0 : i32
    %add3A_1235 = arith.addi %mul3A_32, %add3A_1234 : i32
    %dma_wait3A_1236 = arith.constant 0 : i32
    %dma_wait3A_1237 = tpu.memref_slice %arg2[%add3A_1233, %add3A_1235, %dma_wait3A_1236] : memref<64x576x768xf32, #tpu.memory_space<hbm>> -> memref<1x24x768xf32, #tpu.memory_space<hbm>>
    %dma_wait3A_1238 = tpu.memref_squeeze %dma_wait3A_1237 : memref<1x24x768xf32, #tpu.memory_space<hbm>> -> memref<24x768xf32, #tpu.memory_space<hbm>>
    %dma_wait3A_1239 = arith.constant 0 : i32
    %dma_wait3A_1240 = tpu.memref_slice %arg2[%add3A_1233, %add3A_1235, %dma_wait3A_1239] : memref<64x576x768xf32, #tpu.memory_space<hbm>> -> memref<1x24x768xf32, #tpu.memory_space<hbm>>
    %dma_wait3A_1241 = tpu.memref_squeeze %dma_wait3A_1240 : memref<1x24x768xf32, #tpu.memory_space<hbm>> -> memref<24x768xf32, #tpu.memory_space<hbm>>
    tpu.wait_dma2 semaphore(%arg13 : memref<!tpu.dma_semaphore, #tpu.memory_space<semaphore_mem>>) src(%dma_wait3A_1241 : memref<24x768xf32, #tpu.memory_space<hbm>>) dst(%arg8 : memref<24x768xf32, #tpu.memory_space<vmem>>)
    %scan3A_1242 = arith.constant 0 : i32
    %scan3A_1243 = arith.constant 24 : i32
    %scan3A_1244 = arith.addi %scan3A_1242, %scan3A_1243 : i32
    %scan3A_1245 = arith.constant 1 : i32
    scf.for %scan3A_1307 = %scan3A_1242 to %scan3A_1244 step %scan3A_1245  : i32 {
      %mul3A_1308 = arith.constant 1 : i32
      %mul3A_1309 = arith.muli %scan3A_1307, %mul3A_1308 : i32
      %add3A_1310 = arith.constant 0 : i32
      %add3A_1311 = arith.addi %add3A_1310, %mul3A_1309 : i32
      %parallel_loop3A = arith.constant 0 : i32
      %parallel_loop3A_1312 = arith.constant 768 : i32
      %parallel_loop3A_1313 = arith.constant 16 : i32
      scf.for %parallel_loop3A_1314 = %parallel_loop3A to %parallel_loop3A_1312 step %parallel_loop3A_1313  : i32 {
        %parallel_loop3A_1315 = arith.index_cast %add3A_1311 : i32 to index
        %parallel_loop3A_1316 = arith.index_cast %parallel_loop3A_1314 : i32 to index
        %parallel_loop3A_1317 = tpu.vector_load %arg8[%parallel_loop3A_1315, %parallel_loop3A_1316] {strides = array<i32>} : memref<24x768xf32, #tpu.memory_space<vmem>>, vector<1x16xf32>,
        %parallel_loop3A_1318 = vector.shape_cast %parallel_loop3A_1317 : vector<1x16xf32> to vector<16xf32>
        %parallel_loop3A_1319 = arith.constant 48 : i32
        %parallel_loop3A_1320 = arith.addi %parallel_loop3A_1319, %add3A_1311 : i32
        %parallel_loop3A_1321 = arith.index_cast %parallel_loop3A_1320 : i32 to index
        %parallel_loop3A_1322 = arith.index_cast %parallel_loop3A_1314 : i32 to index
        %parallel_loop3A_1323 = tpu.vector_load %arg9[%parallel_loop3A_1321, %parallel_loop3A_1322] {strides = array<i32>} : memref<72x768xf32, #tpu.memory_space<vmem>>, vector<1x16xf32>,
        %parallel_loop3A_1324 = vector.shape_cast %parallel_loop3A_1323 : vector<1x16xf32> to vector<16xf32>
        %parallel_loop3A_1325 = arith.addf %parallel_loop3A_1318, %parallel_loop3A_1324 : vector<16xf32>
        %parallel_loop3A_1326 = arith.index_cast %add3A_1311 : i32 to index
        %parallel_loop3A_1327 = arith.index_cast %parallel_loop3A_1314 : i32 to index
        %parallel_loop3A_1328 = tpu.vector_load %arg8[%parallel_loop3A_1326, %parallel_loop3A_1327] {strides = array<i32>} : memref<24x768xf32, #tpu.memory_space<vmem>>, vector<1x16xf32>,
        %parallel_loop3A_1329 = vector.shape_cast %parallel_loop3A_1328 : vector<1x16xf32> to vector<16xf32>
        %parallel_loop3A_1330 = vector.shape_cast %parallel_loop3A_1325 : vector<16xf32> to vector<1x16xf32>
        tpu.vector_store %arg8[%parallel_loop3A_1326, %parallel_loop3A_1327], %parallel_loop3A_1330 {strides = array<i32>} : memref<24x768xf32, #tpu.memory_space<vmem>>, vector<1x16xf32>,
      } {sc.loop_unroll_factor = 8 : i64, sc.parallel_access}
    }
    %scan3A_1246 = arith.constant 24 : i32
    %mul3A_1247 = arith.constant 16 : i32
    %mul3A_1248 = arith.muli %select_n3A_9, %mul3A_1247 : i32
    %add3A_1249 = arith.constant 15 : i32
    %add3A_1250 = arith.addi %mul3A_1248, %add3A_1249 : i32
    %add3A_1251 = arith.constant 48 : i32
    %add3A_1252 = arith.addi %mul3A_32, %add3A_1251 : i32
    %dma_start3A_1253 = arith.constant 0 : i32
    %dma_start3A_1254 = tpu.memref_slice %arg4[%add3A_1250, %add3A_1252, %dma_start3A_1253] : memref<64x576x768xf32, #tpu.memory_space<hbm>> -> memref<1x24x768xf32, #tpu.memory_space<hbm>>
    %dma_start3A_1255 = tpu.memref_squeeze %dma_start3A_1254 : memref<1x24x768xf32, #tpu.memory_space<hbm>> -> memref<24x768xf32, #tpu.memory_space<hbm>>
    %dma_start3A_1256 = arith.constant 0 : i32
    %dma_start3A_1257 = tpu.memref_slice %arg4[%add3A_1250, %add3A_1252, %dma_start3A_1256] : memref<64x576x768xf32, #tpu.memory_space<hbm>> -> memref<1x24x768xf32, #tpu.memory_space<hbm>>
    %dma_start3A_1258 = tpu.memref_squeeze %dma_start3A_1257 : memref<1x24x768xf32, #tpu.memory_space<hbm>> -> memref<24x768xf32, #tpu.memory_space<hbm>>
    tpu.enqueue_dma source(%arg8 : memref<24x768xf32, #tpu.memory_space<vmem>>) target(%dma_start3A_1258 : memref<24x768xf32, #tpu.memory_space<hbm>>) target_semaphore(%arg17 : memref<!tpu.dma_semaphore, #tpu.memory_space<semaphore_mem>>)
    %mul3A_1259 = arith.constant 16 : i32
    %mul3A_1260 = arith.muli %select_n3A_9, %mul3A_1259 : i32
    %add3A_1261 = arith.constant 0 : i32
    %add3A_1262 = arith.addi %mul3A_1260, %add3A_1261 : i32
    %add3A_1263 = arith.constant 0 : i32
    %add3A_1264 = arith.addi %mul3A_32, %add3A_1263 : i32
    %dma_wait3A_1265 = arith.constant 0 : i32
    %dma_wait3A_1266 = tpu.memref_slice %arg4[%add3A_1262, %add3A_1264, %dma_wait3A_1265] : memref<64x576x768xf32, #tpu.memory_space<hbm>> -> memref<1x24x768xf32, #tpu.memory_space<hbm>>
    %dma_wait3A_1267 = tpu.memref_squeeze %dma_wait3A_1266 : memref<1x24x768xf32, #tpu.memory_space<hbm>> -> memref<24x768xf32, #tpu.memory_space<hbm>>
    %dma_wait3A_1268 = arith.constant 0 : i32
    %dma_wait3A_1269 = tpu.memref_slice %arg4[%add3A_1262, %add3A_1264, %dma_wait3A_1268] : memref<64x576x768xf32, #tpu.memory_space<hbm>> -> memref<1x24x768xf32, #tpu.memory_space<hbm>>
    %dma_wait3A_1270 = tpu.memref_squeeze %dma_wait3A_1269 : memref<1x24x768xf32, #tpu.memory_space<hbm>> -> memref<24x768xf32, #tpu.memory_space<hbm>>
    tpu.wait_dma2 semaphore(%arg14 : memref<!tpu.dma_semaphore, #tpu.memory_space<semaphore_mem>>) src(%arg5 : memref<24x768xf32, #tpu.memory_space<vmem>>) dst(%dma_wait3A_1270 : memref<24x768xf32, #tpu.memory_space<hbm>>)
    %mul3A_1271 = arith.constant 16 : i32
    %mul3A_1272 = arith.muli %select_n3A_9, %mul3A_1271 : i32
    %add3A_1273 = arith.constant 0 : i32
    %add3A_1274 = arith.addi %mul3A_1272, %add3A_1273 : i32
    %add3A_1275 = arith.constant 0 : i32
    %add3A_1276 = arith.addi %mul3A_32, %add3A_1275 : i32
    %dma_wait3A_1277 = arith.constant 0 : i32
    %dma_wait3A_1278 = tpu.memref_slice %arg4[%add3A_1274, %add3A_1276, %dma_wait3A_1277] : memref<64x576x768xf32, #tpu.memory_space<hbm>> -> memref<1x24x768xf32, #tpu.memory_space<hbm>>
    %dma_wait3A_1279 = tpu.memref_squeeze %dma_wait3A_1278 : memref<1x24x768xf32, #tpu.memory_space<hbm>> -> memref<24x768xf32, #tpu.memory_space<hbm>>
    %dma_wait3A_1280 = arith.constant 0 : i32
    %dma_wait3A_1281 = tpu.memref_slice %arg4[%add3A_1274, %add3A_1276, %dma_wait3A_1280] : memref<64x576x768xf32, #tpu.memory_space<hbm>> -> memref<1x24x768xf32, #tpu.memory_space<hbm>>
    %dma_wait3A_1282 = tpu.memref_squeeze %dma_wait3A_1281 : memref<1x24x768xf32, #tpu.memory_space<hbm>> -> memref<24x768xf32, #tpu.memory_space<hbm>>
    tpu.wait_dma2 semaphore(%arg15 : memref<!tpu.dma_semaphore, #tpu.memory_space<semaphore_mem>>) src(%arg6 : memref<24x768xf32, #tpu.memory_space<vmem>>) dst(%dma_wait3A_1282 : memref<24x768xf32, #tpu.memory_space<hbm>>)
    %mul3A_1283 = arith.constant 16 : i32
    %mul3A_1284 = arith.muli %select_n3A_9, %mul3A_1283 : i32
    %add3A_1285 = arith.constant 0 : i32
    %add3A_1286 = arith.addi %mul3A_1284, %add3A_1285 : i32
    %add3A_1287 = arith.constant 0 : i32
    %add3A_1288 = arith.addi %mul3A_32, %add3A_1287 : i32
    %dma_wait3A_1289 = arith.constant 0 : i32
    %dma_wait3A_1290 = tpu.memref_slice %arg4[%add3A_1286, %add3A_1288, %dma_wait3A_1289] : memref<64x576x768xf32, #tpu.memory_space<hbm>> -> memref<1x24x768xf32, #tpu.memory_space<hbm>>
    %dma_wait3A_1291 = tpu.memref_squeeze %dma_wait3A_1290 : memref<1x24x768xf32, #tpu.memory_space<hbm>> -> memref<24x768xf32, #tpu.memory_space<hbm>>
    %dma_wait3A_1292 = arith.constant 0 : i32
    %dma_wait3A_1293 = tpu.memref_slice %arg4[%add3A_1286, %add3A_1288, %dma_wait3A_1292] : memref<64x576x768xf32, #tpu.memory_space<hbm>> -> memref<1x24x768xf32, #tpu.memory_space<hbm>>
    %dma_wait3A_1294 = tpu.memref_squeeze %dma_wait3A_1293 : memref<1x24x768xf32, #tpu.memory_space<hbm>> -> memref<24x768xf32, #tpu.memory_space<hbm>>
    tpu.wait_dma2 semaphore(%arg16 : memref<!tpu.dma_semaphore, #tpu.memory_space<semaphore_mem>>) src(%arg7 : memref<24x768xf32, #tpu.memory_space<vmem>>) dst(%dma_wait3A_1294 : memref<24x768xf32, #tpu.memory_space<hbm>>)
    %mul3A_1295 = arith.constant 16 : i32
    %mul3A_1296 = arith.muli %select_n3A_9, %mul3A_1295 : i32
    %add3A_1297 = arith.constant 0 : i32
    %add3A_1298 = arith.addi %mul3A_1296, %add3A_1297 : i32
    %add3A_1299 = arith.constant 0 : i32
    %add3A_1300 = arith.addi %mul3A_32, %add3A_1299 : i32
    %dma_wait3A_1301 = arith.constant 0 : i32
    %dma_wait3A_1302 = tpu.memref_slice %arg4[%add3A_1298, %add3A_1300, %dma_wait3A_1301] : memref<64x576x768xf32, #tpu.memory_space<hbm>> -> memref<1x24x768xf32, #tpu.memory_space<hbm>>
    %dma_wait3A_1303 = tpu.memref_squeeze %dma_wait3A_1302 : memref<1x24x768xf32, #tpu.memory_space<hbm>> -> memref<24x768xf32, #tpu.memory_space<hbm>>
    %dma_wait3A_1304 = arith.constant 0 : i32
    %dma_wait3A_1305 = tpu.memref_slice %arg4[%add3A_1298, %add3A_1300, %dma_wait3A_1304] : memref<64x576x768xf32, #tpu.memory_space<hbm>> -> memref<1x24x768xf32, #tpu.memory_space<hbm>>
    %dma_wait3A_1306 = tpu.memref_squeeze %dma_wait3A_1305 : memref<1x24x768xf32, #tpu.memory_space<hbm>> -> memref<24x768xf32, #tpu.memory_space<hbm>>
    tpu.wait_dma2 semaphore(%arg17 : memref<!tpu.dma_semaphore, #tpu.memory_space<semaphore_mem>>) src(%arg8 : memref<24x768xf32, #tpu.memory_space<vmem>>) dst(%dma_wait3A_1306 : memref<24x768xf32, #tpu.memory_space<hbm>>)
    return
  }
}

</mosaic_0001>

<sc_bundles>
// kernel: kernel.3.cloned.1.call-start
scs
__scs_entry_jumppad:
0x0: {  	(pc) =	sbr.rel $0x88, $3  }
0x1: {  	(tag) =	ssettag $0x0;
	lr =	simm.s32 $0x1  }
0x2: {  	[smem:$0x3F9F] =	sst lr;
	_ =	strace $0xD0000000  }
0x3: {  	_ = 	snop  }
0x4: {  	_ = 	snop  }
0x5: {  	_ = 	snop  }
0x6: {  	_ = 	snop  }
0x7: {  	_ = 	snop  }
__scs_overlays_trampoline_lowered:
0x8: {  	[smem:$0x3FAE] =	sst s0  }
0x9: {  	[smem:$0x3FAF] =	sst s1  }
0xa: {  	[smem:$0x3FB0] =	sst s2  }
0xb: {  	[smem:$0x3FB1] =	sst s3  }
0xc: {  	[smem:$0x3FB2] =	sst s4  }
0xd: {  	[smem:$0x3FB3] =	sst s5  }
0xe: {  	[smem:$0x3FB4] =	sst s6  }
0xf: {  	[smem:$0x3FB5] =	sst s7  }
0x10: {  	[smem:$0x3FB6] =	sst s8  }
0x11: {  	[smem:$0x3FB7] =	sst s9;
	s0 =	simm.s32 @!p0 $0x0  }
0x12: {  	s1 =	sld [smem:$0x3F9D];
	s0 =	simm.s32 @p0 $0x1  }
0x13: {  	[smem:$0x3FB8] =	sst s0;
	s0 =	simm.s32 @!p1 $0x0  }
0x14: {  	s2 =	sld [smem:$0x3F9C];
	s0 =	simm.s32 @p1 $0x1  }
0x15: {  	[smem:$0x3FB9] =	sst s0;
	s0 =	simm.s32 @!p2 $0x0  }
0x16: {  	s3 =	sld [smem:$0x3FDB];
	s0 =	simm.s32 @p2 $0x1  }
0x17: {  	s4 =	simm.s32 $0x1BF5;
	[smem:$0x3FBB] =	sst s0  }
0x18: {  	s0 =	sld [smem:$0x3F9E];
	_ =	swait.ge [sflag:s4], $0x0  }
0x19: {  	s7 =	sld [smem:$0x3F9F]  }
0x1a: {  	s8 =	sadd.s32 $0xFFFFE003, lr  }
0x1b: {  	s9 =	sadd.s32 $0xFFFFFEF7, lr;
	s5 =	simm.s32 $0xFFFFFFFF;
	p2 =	slt.u32 s8, $0xFFFFF086  }
0x1c: {  	p1 =	slt.u32 s9, $0xF7A;
	s5 =	simm.s32 @!p2 $0x0  }
0x1d: {  	s5 =	simm.s32 @p1 $0x1;
	p0 =	seq.s32 s7, s2  }
0x1e: {  	s7 =	smul.u32 @!p0 $0xF7A, s2;
	p2 =	seq.s32 @!p0 s5, $0x0  }
0x1f: {  	s9 =	smul.u32 $0xF7A, s1;
	s8 =	simm.s32 @!p0 $0x1BF5;
	p2 =	por !p2, p0  }
0x20: {  	[sflag:s8] =	ssyncset.s32 @!p0 $0xFFFFF086;
	s6 =	sadd.s32 @!p0 s3, s7;
	s7 =	simm.s32 @!p0 $0x108  }
0x21: {  	s3 =	sadd.s32 s3, s9;
	s6 =	sadd.s32 @!p0 $0x88, s6;
	s7 =	simm.s32 @p2 $0x1082  }
0x22: {  	[simem:s7], [sflag:s8] =	dma.local @!p0 [hbm:s6], $0xF7A  }
0x23: {  	s9 =	sor.u32 $0xD0000000, s2;
	s6 =	simm.s32 $0x108;
	_ =	swait.ge @!p0 [sflag:s8], $0x0  }
0x24: {  	s3 =	sadd.s32 $0x88, s3;
	s6 =	simm.s32 @!p1 $0x1082;
	[sflag:s4] =	ssyncset.s32 $0xFFFFF086  }
0x25: {  	[simem:s6], [sflag:s4] =	dma.local [hbm:s3], $0xF7A  }
0x26: {  	[smem:$0x3F9F] =	sst s1;
	(tag) =	ssettag s2;
	_ =	strace s9  }
0x27: {  	s1 =	sld [smem:$0x3FAF]  }
0x28: {  	s2 =	sld [smem:$0x3FB0]  }
0x29: {  	s4 =	sld [smem:$0x3FB2]  }
0x2a: {  	p0 =	seq.s32 s5, $0x0;
	s5 =	sld [smem:$0x3FB3]  }
0x2b: {  	s6 =	sld [smem:$0x3FB4]  }
0x2c: {  	s7 =	sld [smem:$0x3FB5]  }
0x2d: {  	s3 =	simm.s32 $0x108;
	s8 =	sld [smem:$0x3FB6]  }
0x2e: {  	s3 =	simm.s32 @!p0 $0x1082;
	s9 =	sld [smem:$0x3FB7]  }
0x2f: {  	lr =	sadd.s32 s0, s3;
	s0 =	sld [smem:$0x3FAE]  }
0x30: {  	s3 =	sld [smem:$0x3FB1]  }
0x31: {  	[smem:$0x3FBA] =	sst s10  }
0x32: {  	s10 =	sld [smem:$0x3FB8];
	_ =	sdelay $0x3  }
0x33: {  	p0 =	seq.s32 s10, $0x1;
	s10 =	sld [smem:$0x3FBA];
	_ =	sdelay $0x3  }
0x34: {  	[smem:$0x3FBA] =	sst s10  }
0x35: {  	s10 =	sld [smem:$0x3FB9];
	_ =	sdelay $0x3  }
0x36: {  	p1 =	seq.s32 s10, $0x1;
	s10 =	sld [smem:$0x3FBA];
	_ =	sdelay $0x3  }
0x37: {  	[smem:$0x3FBA] =	sst s10  }
0x38: {  	s10 =	sld [smem:$0x3FBB]  }
0x39: {  	_ = 	snop;
	(pc) =	sbr.ind lr, $3  }
0x3a: {  	_ = 	snop  }
0x3b: {  	_ = 	snop  }
0x3c: {  	p2 =	seq.s32 s10, $0x1;
	s10 =	sld [smem:$0x3FBA]  }
0x3d: {  	_ =	shalt  }
0x3e: {  	_ =	shalt  }
0x3f: {  	_ =	shalt  }
0x40: {  	_ =	shalt  }
0x41: {  	_ =	shalt  }
0x42: {  	_ =	shalt  }
0x43: {  	_ =	shalt  }
0x44: {  	_ =	shalt  }
0x45: {  	_ =	shalt  }
0x46: {  	_ =	shalt  }
0x47: {  	_ =	shalt  }
0x48: {  	_ =	shalt  }
0x49: {  	_ =	shalt  }
0x4a: {  	_ =	shalt  }
0x4b: {  	_ =	shalt  }
0x4c: {  	_ =	shalt  }
0x4d: {  	_ =	shalt  }
0x4e: {  	_ =	shalt  }
0x4f: {  	_ =	shalt  }
0x50: {  	_ =	shalt  }
0x51: {  	_ =	shalt  }
0x52: {  	_ =	shalt  }
0x53: {  	_ =	shalt  }
0x54: {  	_ =	shalt  }
0x55: {  	_ =	shalt  }
0x56: {  	_ =	shalt  }
0x57: {  	_ =	shalt  }
0x58: {  	_ =	shalt  }
0x59: {  	_ =	shalt  }
0x5a: {  	_ =	shalt  }
0x5b: {  	_ =	shalt  }
0x5c: {  	_ =	shalt  }
0x5d: {  	_ =	shalt  }
0x5e: {  	_ =	shalt  }
0x5f: {  	_ =	shalt  }
0x60: {  	_ =	shalt  }
0x61: {  	_ =	shalt  }
0x62: {  	_ =	shalt  }
0x63: {  	_ =	shalt  }
0x64: {  	_ =	shalt  }
0x65: {  	_ =	shalt  }
0x66: {  	_ =	shalt  }
0x67: {  	_ =	shalt  }
0x68: {  	_ =	shalt  }
0x69: {  	_ =	shalt  }
0x6a: {  	_ =	shalt  }
0x6b: {  	_ =	shalt  }
0x6c: {  	_ =	shalt  }
0x6d: {  	_ =	shalt  }
0x6e: {  	_ =	shalt  }
0x6f: {  	_ =	shalt  }
0x70: {  	_ =	shalt  }
0x71: {  	_ =	shalt  }
0x72: {  	_ =	shalt  }
0x73: {  	_ =	shalt  }
0x74: {  	_ =	shalt  }
0x75: {  	_ =	shalt  }
0x76: {  	_ =	shalt  }
0x77: {  	_ =	shalt  }
0x78: {  	_ =	shalt  }
0x79: {  	_ =	shalt  }
0x7a: {  	_ =	shalt  }
0x7b: {  	_ =	shalt  }
0x7c: {  	_ =	shalt  }
0x7d: {  	_ =	shalt  }
0x7e: {  	_ =	shalt  }
0x7f: {  	_ =	shalt  }
0x80: {  	_ =	shalt  }
0x81: {  	_ =	shalt  }
0x82: {  	_ =	shalt  }
0x83: {  	_ =	shalt  }
0x84: {  	_ =	shalt  }
0x85: {  	_ =	shalt  }
0x86: {  	_ =	shalt  }
0x87: {  	_ =	shalt  }
.Lfunc_end0:
.L_simem_size_0:
called_computation_lowered:
.L_overlay_start_0:
0x88: {  	s2 =	sld [smem:$0x3FD9]  }
0x89: {  	s3 =	sld [smem:$0x3FFE];
	_ =	sdelay $0x1  }
0x8a: {  	s1 =	srdreg.scid  }
0x8b: {  	s0 =	sand.u32 $0x1, s1  }
0x8c: {  	s17 =	sshll.u32 s0, $0xA;
	s2 =	sadd.s32 s3, s2  }
0x8d: {  	s2 =	sadd.s32 s2, s17  }
0x8e: {  	[smem:$0x3FC6] =	sst s2  }
0x8f: {  	_ = 	snop  }
0x90: {  	s2 =	sld [smem:$0x3FC9]  }
0x91: {  	s18 =	sld [smem:$0x3FD0];
	(tm) =	ssettm $0x1  }
0x92: {  	s4 =	sld [smem:$0x3FFB];
	_ =	sdelay $0x3  }
0x93: {  	_ =	strace s4  }
0x94: {  	s4 =	sld [smem:$0x3FFC];
	_ =	sdelay $0x3  }
0x95: {  	_ =	strace s4  }
0x96: {  	s4 =	sld [smem:$0x3FFD];
	_ =	sdelay $0x3  }
0x97: {  	_ =	strace s4  }
0x98: {  	_ =	strace $0x8FFFFFFF  }
0x99: {  	s19 =	sld [smem:$0x3FDB];
	_ =	sdelay $0x1  }
0x9a: {  	s5 =	simm.s32 $_scs_section_size  }
0x9b: {  	s6 =	simm.s32 $_size__tile_overlayer_lowered;
	s7 =	simm.s32 $_tile_overlayer_lowered  }
0x9c: {  	s22 =	simm.s32 $0x1BFF;
	s21 =	sshll.u32 s7, $0x1;
	s4 =	sadd.s32 s5, s19  }
0x9d: {  	s8 =	simm.s32 $0x0;
	s20 =	sshll.u32 s6, $0x1;
	s6 =	sadd.s32 s21, s4  }
0x9e: {  	[timem:s8], [sflag:s22] =	dma.local [hbm:s6], s20  }
0x9f: {  	_ =	swait.ge [sflag:s22], s20  }
0xa0: {  	s5 =	ssub.s32 $0x0, s20;
	[sflag:s22] =	ssyncset.done $0x0  }
0xa1: {  	[sflag:s22] =	ssyncadd.s32 s5;
	_ =	sdelay $0x1  }
0xa2: {  	s23 =	simm.s32 $0x1B8B  }
0xa3: {  	_ =	swait.ge [sflag:s23], $0x1  }
0xa4: {  	[sflag:s23] =	ssyncset.done $0x0  }
0xa5: {  	s25 =	simm.s32 $0x1B8E;
	s24 =	sld [smem:$0x3FFE];
	[sflag:s23] =	ssyncadd.s32 $0xFFFFFFFF  }
0xa6: {  	s26 =	simm.s32 $execute0_lowered;
	[smem:$0x3FD2] =	sst s25  }
0xa7: {  	s6 =	sshll.u32 s26, $0x1;
	_ =	strace $0x80000046;
	[dreg:$0x1] =	wrdreg $0xFFFFFFFF  }
0xa8: {  	s28 =	simm.s32 $_size_execute0_lowered;
	s4 =	sadd.s32 s4, s6;
	[dreg:$0x0] =	wrdreg $0x0  }
0xa9: {  	s6 =	sshll.u32 s28, $0x1;
	[dreg:$0x2] =	wrdreg s4  }
0xaa: {  	[dreg:$0x3] =	wrdreg s6  }
0xab: {  	[dreg:$0x4] =	wrdreg $0xC0  }
0xac: {  	_ =	task [dreg:s8], $0x5FFFF  }
0xad: {  	[dreg:$0x1] =	wrdreg $0xFFFFFFFF  }
0xae: {  	[dreg:$0x0] =	wrdreg $0x60  }
0xaf: {  	[dreg:$0x2] =	wrdreg s2  }
0xb0: {  	[dreg:$0x3] =	wrdreg s24  }
0xb1: {  	[dreg:$0x4] =	wrdreg s18  }
0xb2: {  	[dreg:$0x5] =	wrdreg $0x9  }
0xb3: {  	_ =	task.clear_ibuf [dreg:s8], $0x6FFFF;
	_ =	strace $0x90000046  }
0xb4: {  	s29 =	simm.s32 $0x9;
	_ =	strace $0x80000048  }
0xb5: {  	_ =	swait.ge [sflag:s29], $0x1  }
0xb6: {  	[sflag:s29] =	ssyncadd.s32 $0xFFFFFFFF  }
0xb7: {  	_ =	strace $0x90000048  }
0xb8: {  	_ =	sfence  }
0xb9: {  	s30 =	sld [smem:$0x0];
	_ =	sdelay $0x2  }
0xba: {  	s31 =	sshll.u32 s1, $0xD;
	s1 =	sshrl.u32 s1, $0x2  }
0xbb: {  	s3 =	sand.u32 $0x4000, s31;
	s1 =	sadd.s32 s1, s30  }
0xbc: {  	s0 =	sor.u32 s3, s0;
	s1 =	sshll.u32 s1, $0x11  }
0xbd: {  	s0 =	sor.u32 s1, s0  }
0xbe: {  	s0 =	sadd.s32 $0x8F2B, s0  }
0xbf: {  	[sflag:s0] =	ssyncadd.remote.s32 $0x1  }
0xc0: {  	_ =	sfence.sel $0xFFFF  }
0xc1: {  	[dreg:$0x0] =	wrdreg $0xFFFFFFFF;
	(pc) =	sbr.abs _section_cstart, $3  }
0xc2: {  	[dreg:$0x1] =	wrdreg $0xFFFFFFFF  }
0xc3: {  	_ =	task.clear_ibuf [dreg:s8], $0x2FFFF;
	_ =	strace $0x9FFFFFFF  }
0xc4: {  	(tm) =	ssettm $0x7FFFFFFF  }
0xc5: {  	_ =	shalt  }
tec
execute0_lowered:
.L_overlay_start_1:
0x0: {  	(tag) =	ssettag $0x1  }
0x1: {  	s0 =	srdreg.scid  }
0x2: {  	s0 =	sand.u32 $0x1, s0  }
0x3: {  	s2 =	stileid.u32;
	s1 =	sshll.u32 s0, $0x4  }
0x4: {  	s5 =	sand.u32 $0x3, s2;
	s1 =	sor.u32 s2, s1  }
0x5: {  	p0 =	sne.s32 s5, $0x0;
	p1 =	seq.s32 s1, $0x0  }
0x6: {  	p0 =	por !p0, !p1  }
0x7: {  	s2 =	simm.s32 $0x1;
	p0 =	por !p0, !p0  }
0x8: {  	s6 =	rddreg [dreg:$0x1];
	s1 =	sshrl.u32 s1, $0x2;
	s2 =	simm.s32 @!p0 $0x0  }
0x9: {  	s17 =	ssub.s32 $0x2, s0;
	s0 =	smul.u32 $0x6C0000, s5;
	s1 =	ssub.s32 s1, s2  }
0xa: {  	s3 =	rddreg [dreg:$0x2];
	s26 =	simm.s32 $0x0;
	s1 =	smul.u32 $0x48, s1  }
0xb: {  	[smem:$0x7FF] =	sst s26;
	s8 =	sshrl.u32 s17, $0x1;
	s12 =	sadd.s32 $0x6C000, s0  }
0xc: {  	s14 =	sadd.s32 $0xD8000, s0;
	s2 =	rddreg [dreg:$0x0];
	s4 =	sshrl.u32 s1, $0x3  }
0xd: {  	_ =	strace $0x80000047;
	s16 =	sadd.s32 $0x18, s1;
	s4 =	smul.u32 $0x1800, s4  }
0xe: {  	s10 =	sadd.s32 $0x30, s1;
	s1 =	ssub.s32 s17, s8;
	s8 =	sshll.u32 s5, $0x4  }
0xf: {  	s19 =	sshrl.u32 s10, $0x3;
	s7 =	sshrl.u32 s4, $0x3;
	s18 =	sadd.s32 s0, s4  }
0x10: {  	s25 =	sadd.s32 s12, s4;
	s15 =	sadd.s32 s14, s4;
	s20 =	sshrl.u32 s18, $0x3  }
0x11: {  	s9 =	sadd.s32 s7, s6;
	s6 =	sshrl.u32 s16, $0x3;
	s21 =	sadd.s32 s2, s20  }
0x12: {  	s7 =	smul.u32 $0x1800, s19;
	s9 =	sadd.s32 $0x400, s9;
	[dreg:$0x4] =	wrdreg s21  }
0x13: {  	s6 =	smul.u32 $0x1800, s6;
	s10 =	sadd.s32 s3, s20;
	[dreg:$0x6] =	wrdreg s9  }
0x14: {  	s19 =	sadd.s32 $0x144000, s0;
	s23 =	sadd.s32 s0, s7;
	[dreg:$0x8] =	wrdreg s10  }
0x15: {  	s21 =	sadd.s32 s19, s4;
	s11 =	sadd.s32 s0, s6;
	s24 =	sshrl.u32 s23, $0x3  }
0x16: {  	s28 =	sadd.s32 s12, s6;
	s16 =	sadd.s32 s14, s6;
	s22 =	sshrl.u32 s11, $0x3  }
0x17: {  	s13 =	sadd.s32 s2, s24;
	s30 =	sshrl.u32 s28, $0x3;
	s9 =	sadd.s32 s3, s24  }
0x18: {  	s17 =	sshrl.u32 s16, $0x3;
	s24 =	sadd.s32 s19, s6;
	[dreg:$0x7] =	wrdreg s13  }
0x19: {  	s28 =	sadd.s32 $0x1B0000, s0;
	s11 =	sadd.s32 s2, s22;
	[dreg:$0xc] =	wrdreg s9  }
0x1a: {  	s16 =	sadd.s32 $0x510000, s0;
	s5 =	sadd.s32 s3, s22;
	[dreg:$0x5] =	wrdreg s11  }
0x1b: {  	s31 =	sadd.s32 s2, s30;
	s13 =	sadd.s32 s12, s7;
	[dreg:$0xa] =	wrdreg s5  }
0x1c: {  	s10 =	sadd.s32 s3, s30;
	s9 =	sadd.s32 s14, s7;
	[dreg:$0xb] =	wrdreg s31  }
0x1d: {  	s23 =	sadd.s32 s2, s17;
	s30 =	sadd.s32 s28, s4;
	[dreg:$0xe] =	wrdreg s10  }
0x1e: {  	s11 =	sshrl.u32 s25, $0x3;
	[dreg:$0x13] =	wrdreg s23;
	s10 =	sadd.s32 s3, s17  }
0x1f: {  	s5 =	sshrl.u32 s13, $0x3;
	s29 =	sadd.s32 s2, s11;
	[dreg:$0x14] =	wrdreg s10  }
0x20: {  	s20 =	sshrl.u32 s9, $0x3;
	s11 =	sadd.s32 s3, s11;
	[dreg:$0x9] =	wrdreg s29  }
0x21: {  	s9 =	sshrl.u32 s21, $0x3;
	s18 =	sadd.s32 s2, s5;
	[dreg:$0xd] =	wrdreg s11  }
0x22: {  	s12 =	sshrl.u32 s30, $0x3;
	s5 =	sadd.s32 s3, s5;
	[dreg:$0xf] =	wrdreg s18  }
0x23: {  	s13 =	sadd.s32 s28, s6;
	s25 =	sadd.s32 s2, s20;
	[dreg:$0x10] =	wrdreg s5  }
0x24: {  	s17 =	sadd.s32 s16, s7;
	s31 =	sadd.s32 s2, s9;
	[dreg:$0x15] =	wrdreg s25  }
0x25: {  	s10 =	sshrl.u32 s24, $0x3;
	s9 =	sadd.s32 s3, s9;
	[dreg:$0x17] =	wrdreg s31  }
0x26: {  	s12 =	sadd.s32 s2, s12;
	s11 =	sshrl.u32 s15, $0x3;
	[dreg:$0x18] =	wrdreg s9  }
0x27: {  	s5 =	sadd.s32 s3, s20;
	s29 =	sadd.s32 s19, s7;
	[dreg:$0x19] =	wrdreg s12  }
0x28: {  	s14 =	sadd.s32 s2, s10;
	s10 =	sadd.s32 s3, s10;
	s9 =	sshrl.u32 s13, $0x3  }
0x29: {  	s18 =	sadd.s32 s16, s4;
	s19 =	sadd.s32 $0x57C000, s0;
	s25 =	sadd.s32 $0x5E8000, s0  }
0x2a: {  	s0 =	sadd.s32 $0x654000, s0;
	s12 =	sor.u32 $0x4, s8;
	[dreg:$0x16] =	wrdreg s5  }
0x2b: {  	s13 =	simm.s32 $0x4800;
	s22 =	sadd.s32 s2, s11;
	[dreg:$0x1a] =	wrdreg s14  }
0x2c: {  	s11 =	sadd.s32 s3, s11;
	s5 =	sshrl.u32 s29, $0x3;
	[dreg:$0x1b] =	wrdreg s10  }
0x2d: {  	s9 =	sadd.s32 s2, s9;
	s10 =	sshrl.u32 s18, $0x3;
	s20 =	sadd.s32 s19, s4  }
0x2e: {  	s21 =	sadd.s32 s19, s6;
	s24 =	sadd.s32 s19, s7;
	[dreg:$0x11] =	wrdreg s22  }
0x2f: {  	s29 =	sadd.s32 s25, s4;
	s31 =	sadd.s32 s25, s6;
	[dreg:$0x12] =	wrdreg s11  }
0x30: {  	s18 =	sadd.s32 s0, s4;
	[dreg:$0x1c] =	wrdreg s9;
	s15 =	sadd.s32 s2, s5  }
0x31: {  	s5 =	sadd.s32 s3, s5;
	s10 =	sadd.s32 s3, s10;
	[dreg:$0x1d] =	wrdreg s15  }
0x32: {  	s9 =	sadd.s32 s16, s6;
	s22 =	sshrl.u32 s21, $0x3;
	[dreg:$0x1e] =	wrdreg s5  }
0x33: {  	s30 =	sshrl.u32 s29, $0x3;
	[dreg:$0x1f] =	wrdreg s10;
	s14 =	sadd.s32 s2, s22  }
0x34: {  	s9 =	sshrl.u32 s9, $0x3;
	s19 =	sadd.s32 s2, s30;
	[smem:$0x7ED] =	sst s14  }
0x35: {  	s15 =	sshrl.u32 s31, $0x3;
	s31 =	smax.u32 s1, $0x1;
	[smem:$0x7F1] =	sst s19  }
0x36: {  	s5 =	sshrl.u32 s17, $0x3;
	s9 =	sadd.s32 s3, s9;
	[smem:$0x7FD] =	sst s31  }
0x37: {  	s11 =	sadd.s32 s25, s7;
	s23 =	sadd.s32 s2, s5;
	[smem:$0x7E8] =	sst s9  }
0x38: {  	s10 =	sshrl.u32 s20, $0x3;
	s5 =	sadd.s32 s3, s5;
	[smem:$0x7E9] =	sst s23  }
0x39: {  	s17 =	sshrl.u32 s11, $0x3;
	s28 =	sadd.s32 s2, s10;
	[smem:$0x7EA] =	sst s5  }
0x3a: {  	s20 =	sshrl.u32 s18, $0x3;
	s10 =	sadd.s32 s3, s10;
	[smem:$0x7EB] =	sst s28  }
0x3b: {  	s11 =	simm.s32 $0x1;
	s21 =	sadd.s32 s2, s15;
	[smem:$0x7EC] =	sst s10  }
0x3c: {  	s18 =	simm.s32 $0x3;
	s25 =	sadd.s32 s3, s20;
	[smem:$0x7F3] =	sst s21  }
0x3d: {  	s1 =	simm.s32 $0x0;
	s9 =	sadd.s32 s3, s22;
	[smem:$0x7F8] =	sst s25  }
0x3e: {  	s19 =	simm.s32 $0x5;
	s10 =	sadd.s32 s3, s30;
	[smem:$0x7EE] =	sst s9  }
0x3f: {  	s5 =	sshrl.u32 s24, $0x3;
	s23 =	sadd.s32 s2, s17;
	[smem:$0x7F2] =	sst s10  }
0x40: {  	s22 =	sadd.s32 s0, s6;
	s24 =	sadd.s32 s2, s20;
	[smem:$0x7F5] =	sst s23  }
0x41: {  	s0 =	sadd.s32 s0, s7;
	s16 =	sadd.s32 s2, s5;
	[smem:$0x7F7] =	sst s24  }
0x42: {  	s20 =	simm.s32 $0x4;
	s5 =	sadd.s32 s3, s5;
	[smem:$0x7EF] =	sst s16  }
0x43: {  	s21 =	simm.s32 $0x6;
	s9 =	sadd.s32 s3, s15;
	[smem:$0x7F0] =	sst s5  }
0x44: {  	s0 =	sshrl.u32 s0, $0x3;
	[smem:$0x7F4] =	sst s9;
	s5 =	sadd.s32 s3, s17  }
0x45: {  	s15 =	simm.s32 $0x9000;
	s30 =	sadd.s32 s2, s0;
	[smem:$0x7F6] =	sst s5  }
0x46: {  	s9 =	sshrl.u32 s22, $0x3;
	s0 =	sadd.s32 s3, s0;
	[smem:$0x7FB] =	sst s30  }
0x47: {  	s23 =	simm.s32 $0x8;
	s28 =	sadd.s32 s2, s9;
	[smem:$0x7FC] =	sst s0  }
0x48: {  	s16 =	simm.s32 $0x2;
	s29 =	sadd.s32 s3, s9;
	[smem:$0x7F9] =	sst s28  }
0x49: {  	s17 =	simm.s32 $0xD800;
	s22 =	simm.s32 $0x7;
	[smem:$0x7FA] =	sst s29  }
.LBB2_1:
0x4a: {  	[smem:$0x7E7] =	sst s1  }
0x4b: {  	s0 =	rddreg [dreg:$0x4]  }
0x4c: {  	[tilespmem:s26], [sflag:$0x1] =	stream.linear.gather [hbm4b:s0+s26], $0x4800, $0x38;
	[tilespmem:$0x1F800] =	vst v63  }
0x4d: {  	s25 =	rddreg [dreg:$0x5]  }
0x4e: {  	[tilespmem:s13], [sflag:$0x2] =	stream.linear.gather [hbm4b:s25+s26], $0x4800, $0x38;
	[tilespmem:$0x1F800] =	vst v63  }
0x4f: {  	s28 =	rddreg [dreg:$0x6];
	s29 =	simm.s32 $0x12000;
	s30 =	simm.s32 $0x9  }
0x50: {  	[tilespmem:s29], [sflag:$0x9] =	stream.linear.gather [hbm4b:s28+s26], $0xD800, $0x38;
	[tilespmem:$0x1F800] =	vst v63  }
0x51: {  	_ =	swait.ge [sflag:s30], $0xD800  }
0x52: {  	[sflag:s30] =	ssyncset.done $0x0  }
0x53: {  	[sflag:s30] =	ssyncadd.s32 $0xFFFF2800  }
0x54: {  	_ =	swait.ge [sflag:s11], $0x4800  }
0x55: {  	s1 =	simm.s32 $0x0;
	[sflag:s11] =	ssyncset.done $0x0  }
0x56: {  	s0 =	simm.s32 $0x0;
	s31 =	rddreg [dreg:$0x7];
	[sflag:s11] =	ssyncadd.s32 $0xFFFFB800  }
0x57: {  	[tilespmem:s15], [sflag:$0x3] =	stream.linear.gather [hbm4b:s31+s26], $0x4800, $0x38;
	[tilespmem:$0x1F800] =	vst v63  }
.LBB2_2:
0x58: {  	s5 =	sshrl.u32 s1, $0x3  }
0x59: {  	s9 =	sand.u32 $0x7, s0;
	s5 =	smul.u32 $0x6000, s5  }
0x5a: {  	s9 =	sshll.u32 s9, $0x9  }
0x5b: {  	s5 =	sor.u32 s9, s5  }
0x5c: {  	s5 =	sshra.s32 s5, $0x2  }
0x5d: {  	s9 =	sor.u32 $0x40, s5  }
0x5e: {  	s10 =	sadd.s32 $0x12040, s5;
	v1 =	vld [tilespmem:s9+$0x30]  }
0x5f: {  	v2 =	vld [tilespmem:s10+$0x30]  }
0x60: {  	v0 =	vld [tilespmem:s10+$0xFFFFFFC0]  }
0x61: {  	v3 =	vld [tilespmem:s9+$0xFFFFFFD0]  }
0x62: {  	v4 =	vld [tilespmem:s10+$0xFFFFFFD0]  }
0x63: {  	v5 =	vld [tilespmem:s9+$0xFFFFFFE0]  }
0x64: {  	v6 =	vld [tilespmem:s10+$0xFFFFFFE0]  }
0x65: {  	v7 =	vld [tilespmem:s9+$0xFFFFFFF0]  }
0x66: {  	v8 =	vld [tilespmem:s10+$0xFFFFFFF0]  }
0x67: {  	v9 =	vld [tilespmem:s9+$0x0]  }
0x68: {  	v10 =	vld [tilespmem:s10+$0x0];
	v2 =	vadd.f32 v2, v1  }
0x69: {  	v4 =	vadd.f32 v4, v3;
	v1 =	vld [tilespmem:s9+$0x10]  }
0x6a: {  	v5 =	vadd.f32 v6, v5;
	v3 =	vld [tilespmem:s10+$0x10];
	[tilespmem:s9+$0x30] =	vst v2  }
0x6b: {  	v6 =	vadd.f32 v8, v7;
	[tilespmem:s9+$0xFFFFFFD0] =	vst v4;
	v2 =	vld [tilespmem:s9+$0x20]  }
0x6c: {  	[tilespmem:s9+$0xFFFFFFE0] =	vst v5;
	v5 =	vld [tilespmem:s10+$0x20]  }
0x6d: {  	s14 =	simm.s32 $0x0;
	s24 =	sadd.s32 $0x400, s9;
	v4 =	vld [tilespmem:s9+$0xFFFFFFC0];
	[tilespmem:s9+$0xFFFFFFF0] =	vst v6;
	v6 =	vadd.f32 v10, v9  }
.LBB2_3:
0x6e: {  	v7 =	vld [tilespmem:s24+$0x30];
	s10 =	sadd.s32 $0x400, s10  }
0x6f: {  	s14 =	sadd.s32 $0x80, s14;
	v8 =	vld [tilespmem:s10+$0x30];
	[tilespmem:s9+$0x0] =	vst v6;
	v1 =	vadd.f32 v3, v1  }
0x70: {  	p0 =	slt.u32 s14, $0x280;
	v3 =	vld [tilespmem:s10+$0xFFFFFFC0]  }
0x71: {  	v6 =	vld [tilespmem:s24+$0xFFFFFFD0];
	[tilespmem:s9+$0x10] =	vst v1;
	v1 =	vadd.f32 v5, v2  }
0x72: {  	v2 =	vld [tilespmem:s10+$0xFFFFFFD0];
	v9 =	vadd.f32 v0, v4  }
0x73: {  	v4 =	vld [tilespmem:s24+$0xFFFFFFE0];
	[tilespmem:s9+$0x20] =	vst v1  }
0x74: {  	v1 =	vld [tilespmem:s10+$0xFFFFFFE0];
	v5 =	vadd.f32 v8, v7;
	[tilespmem:s9+$0xFFFFFFC0] =	vst v9;
	s9 =	smov.u32 s24  }
0x75: {  	v7 =	vld [tilespmem:s24+$0xFFFFFFF0];
	v0 =	vmov v3  }
0x76: {  	v8 =	vld [tilespmem:s10+$0xFFFFFFF0];
	[tilespmem:s24+$0x30] =	vst v5  }
0x77: {  	v2 =	vadd.f32 v2, v6;
	v6 =	vld [tilespmem:s24+$0x0]  }
0x78: {  	v9 =	vld [tilespmem:s10+$0x0]  }
.Ltmp0:
0x79: {  	[tilespmem:s24+$0xFFFFFFD0] =	vst v2;
	v2 =	vadd.f32 v1, v4;
	v1 =	vld [tilespmem:s24+$0x10];
	(pc) =	sbr.rel @p0 .LBB2_3-.Ltmp0, $4  }
0x7a: {  	v3 =	vld [tilespmem:s10+$0x10]  }
0x7b: {  	[tilespmem:s24+$0xFFFFFFE0] =	vst v2;
	v7 =	vadd.f32 v8, v7;
	v2 =	vld [tilespmem:s24+$0x20]  }
0x7c: {  	v5 =	vld [tilespmem:s10+$0x20]  }
0x7d: {  	s24 =	sadd.s32 $0x400, s24;
	v4 =	vld [tilespmem:s9+$0xFFFFFFC0];
	[tilespmem:s9+$0xFFFFFFF0] =	vst v7;
	v6 =	vadd.f32 v9, v6  }
0x7e: {  	s1 =	sadd.s32 $0x1, s1  }
0x7f: {  	p0 =	sne.s32 s1, $0x18  }
.Ltmp1:
0x80: {  	v1 =	vadd.f32 v3, v1;
	(pc) =	sbr.rel @p0 .LBB2_2-.Ltmp1, $4  }
0x81: {  	[tilespmem:s9+$0x0] =	vst v6;
	v2 =	vadd.f32 v5, v2  }
0x82: {  	[tilespmem:s9+$0x10] =	vst v1;
	v0 =	vadd.f32 v0, v4  }
0x83: {  	[tilespmem:s9+$0x20] =	vst v2  }
0x84: {  	s0 =	sadd.s32 $0x1, s0;
	[tilespmem:s9+$0xFFFFFFC0] =	vst v0  }
0x85: {  	s1 =	simm.s32 $0x0;
	s0 =	rddreg [dreg:$0x8]  }
0x86: {  	[hbm4b:s0+s1] =	stream.linear.scatter [tilespmem:s1], [sflag:$0x5], $0x4800, $0x38;
	[tilespmem:$0x1F800] =	vst v63  }
0x87: {  	_ =	swait.ge [sflag:s16], $0x4800  }
0x88: {  	s25 =	simm.s32 $0x18;
	[sflag:s16] =	ssyncset.done $0x0  }
0x89: {  	s0 =	simm.s32 $0x0;
	s31 =	rddreg [dreg:$0x9];
	[sflag:s16] =	ssyncadd.s32 $0xFFFFB800  }
0x8a: {  	[tilespmem:s17], [sflag:$0x4] =	stream.linear.gather [hbm4b:s31+s1], $0x4800, $0x38;
	[tilespmem:$0x1F800] =	vst v63  }
.LBB2_6:
0x8b: {  	s5 =	sshrl.u32 s0, $0x3  }
0x8c: {  	s9 =	sshll.u32 s1, $0x9;
	s10 =	sshrl.u32 s25, $0x3;
	s5 =	smul.u32 $0x6000, s5  }
0x8d: {  	s9 =	sand.u32 $0xE00, s9;
	s10 =	smul.u32 $0x6000, s10  }
0x8e: {  	s5 =	sor.u32 s9, s5  }
0x8f: {  	s10 =	sor.u32 s9, s10;
	s5 =	sshra.s32 s5, $0x2  }
0x90: {  	s31 =	sshra.s32 s10, $0x2;
	s9 =	sadd.s32 $0x4840, s5  }
0x91: {  	s10 =	sadd.s32 $0x12040, s31;
	v1 =	vld [tilespmem:s9+$0x30]  }
0x92: {  	v2 =	vld [tilespmem:s10+$0x30]  }
0x93: {  	v0 =	vld [tilespmem:s10+$0xFFFFFFC0]  }
0x94: {  	v3 =	vld [tilespmem:s9+$0xFFFFFFD0]  }
0x95: {  	v4 =	vld [tilespmem:s10+$0xFFFFFFD0]  }
0x96: {  	v5 =	vld [tilespmem:s9+$0xFFFFFFE0]  }
0x97: {  	v6 =	vld [tilespmem:s10+$0xFFFFFFE0]  }
0x98: {  	v7 =	vld [tilespmem:s9+$0xFFFFFFF0]  }
0x99: {  	v8 =	vld [tilespmem:s10+$0xFFFFFFF0]  }
0x9a: {  	v9 =	vld [tilespmem:s9+$0x0]  }
0x9b: {  	v10 =	vld [tilespmem:s10+$0x0];
	v2 =	vadd.f32 v2, v1  }
0x9c: {  	v4 =	vadd.f32 v4, v3;
	v1 =	vld [tilespmem:s9+$0x10]  }
0x9d: {  	v5 =	vadd.f32 v6, v5;
	v3 =	vld [tilespmem:s10+$0x10];
	[tilespmem:s9+$0x30] =	vst v2  }
0x9e: {  	v6 =	vadd.f32 v8, v7;
	[tilespmem:s9+$0xFFFFFFD0] =	vst v4;
	v2 =	vld [tilespmem:s9+$0x20]  }
0x9f: {  	[tilespmem:s9+$0xFFFFFFE0] =	vst v5;
	v5 =	vld [tilespmem:s10+$0x20]  }
0xa0: {  	s14 =	simm.s32 $0x0;
	s24 =	sadd.s32 $0x400, s9;
	v4 =	vld [tilespmem:s9+$0xFFFFFFC0];
	[tilespmem:s9+$0xFFFFFFF0] =	vst v6;
	v6 =	vadd.f32 v10, v9  }
.LBB2_7:
0xa1: {  	v7 =	vld [tilespmem:s24+$0x30];
	s10 =	sadd.s32 $0x400, s10  }
0xa2: {  	s14 =	sadd.s32 $0x80, s14;
	v8 =	vld [tilespmem:s10+$0x30];
	[tilespmem:s9+$0x0] =	vst v6;
	v1 =	vadd.f32 v3, v1  }
0xa3: {  	p0 =	slt.u32 s14, $0x280;
	v3 =	vld [tilespmem:s10+$0xFFFFFFC0]  }
0xa4: {  	v6 =	vld [tilespmem:s24+$0xFFFFFFD0];
	[tilespmem:s9+$0x10] =	vst v1;
	v1 =	vadd.f32 v5, v2  }
0xa5: {  	v2 =	vld [tilespmem:s10+$0xFFFFFFD0];
	v9 =	vadd.f32 v0, v4  }
0xa6: {  	v4 =	vld [tilespmem:s24+$0xFFFFFFE0];
	[tilespmem:s9+$0x20] =	vst v1  }
0xa7: {  	v1 =	vld [tilespmem:s10+$0xFFFFFFE0];
	v5 =	vadd.f32 v8, v7;
	[tilespmem:s9+$0xFFFFFFC0] =	vst v9;
	s9 =	smov.u32 s24  }
0xa8: {  	v7 =	vld [tilespmem:s24+$0xFFFFFFF0];
	v0 =	vmov v3  }
0xa9: {  	v8 =	vld [tilespmem:s10+$0xFFFFFFF0];
	[tilespmem:s24+$0x30] =	vst v5  }
0xaa: {  	v2 =	vadd.f32 v2, v6;
	v6 =	vld [tilespmem:s24+$0x0]  }
0xab: {  	v9 =	vld [tilespmem:s10+$0x0]  }
.Ltmp2:
0xac: {  	[tilespmem:s24+$0xFFFFFFD0] =	vst v2;
	v2 =	vadd.f32 v1, v4;
	v1 =	vld [tilespmem:s24+$0x10];
	(pc) =	sbr.rel @p0 .LBB2_7-.Ltmp2, $4  }
0xad: {  	v3 =	vld [tilespmem:s10+$0x10]  }
0xae: {  	[tilespmem:s24+$0xFFFFFFE0] =	vst v2;
	v7 =	vadd.f32 v8, v7;
	v2 =	vld [tilespmem:s24+$0x20]  }
0xaf: {  	v5 =	vld [tilespmem:s10+$0x20]  }
0xb0: {  	s24 =	sadd.s32 $0x400, s24;
	v4 =	vld [tilespmem:s9+$0xFFFFFFC0];
	[tilespmem:s9+$0xFFFFFFF0] =	vst v7;
	v6 =	vadd.f32 v9, v6  }
0xb1: {  	s0 =	sadd.s32 $0x1, s0  }
0xb2: {  	p0 =	sne.s32 s0, $0x18  }
.Ltmp3:
0xb3: {  	v1 =	vadd.f32 v3, v1;
	(pc) =	sbr.rel @p0 .LBB2_6-.Ltmp3, $4  }
0xb4: {  	[tilespmem:s9+$0x0] =	vst v6;
	v2 =	vadd.f32 v5, v2  }
0xb5: {  	[tilespmem:s9+$0x10] =	vst v1;
	v0 =	vadd.f32 v0, v4  }
0xb6: {  	[tilespmem:s9+$0x20] =	vst v2  }
0xb7: {  	s1 =	sadd.s32 $0x1, s1;
	s25 =	sadd.s32 $0x1, s25;
	[tilespmem:s9+$0xFFFFFFC0] =	vst v0  }
0xb8: {  	s1 =	simm.s32 $0x0;
	s0 =	rddreg [dreg:$0xa]  }
0xb9: {  	[hbm4b:s0+s1] =	stream.linear.scatter [tilespmem:s13], [sflag:$0x6], $0x4800, $0x38;
	[tilespmem:$0x1F800] =	vst v63  }
0xba: {  	_ =	swait.ge [sflag:s18], $0x4800  }
0xbb: {  	[sflag:s18] =	ssyncset.done $0x0  }
0xbc: {  	[sflag:s18] =	ssyncadd.s32 $0xFFFFB800  }
0xbd: {  	_ =	swait.ge [sflag:s19], $0x4800  }
0xbe: {  	s25 =	simm.s32 $0x30;
	[sflag:s19] =	ssyncset.done $0x0  }
0xbf: {  	s0 =	simm.s32 $0x0;
	s31 =	rddreg [dreg:$0xb];
	[sflag:s19] =	ssyncadd.s32 $0xFFFFB800  }
0xc0: {  	[tilespmem:s1], [sflag:$0x1] =	stream.linear.gather [hbm4b:s31+s1], $0x4800, $0x38;
	[tilespmem:$0x1F800] =	vst v63  }
.LBB2_10:
0xc1: {  	s5 =	sshrl.u32 s0, $0x3  }
0xc2: {  	s9 =	sshll.u32 s1, $0x9;
	s10 =	sshrl.u32 s25, $0x3;
	s5 =	smul.u32 $0x6000, s5  }
0xc3: {  	s9 =	sand.u32 $0xE00, s9;
	s10 =	smul.u32 $0x6000, s10  }
0xc4: {  	s5 =	sor.u32 s9, s5  }
0xc5: {  	s10 =	sor.u32 s9, s10;
	s5 =	sshra.s32 s5, $0x2  }
0xc6: {  	s31 =	sshra.s32 s10, $0x2;
	s9 =	sadd.s32 $0x9040, s5  }
0xc7: {  	s10 =	sadd.s32 $0x12040, s31;
	v1 =	vld [tilespmem:s9+$0x30]  }
0xc8: {  	v2 =	vld [tilespmem:s10+$0x30]  }
0xc9: {  	v0 =	vld [tilespmem:s10+$0xFFFFFFC0]  }
0xca: {  	v3 =	vld [tilespmem:s9+$0xFFFFFFD0]  }
0xcb: {  	v4 =	vld [tilespmem:s10+$0xFFFFFFD0]  }
0xcc: {  	v5 =	vld [tilespmem:s9+$0xFFFFFFE0]  }
0xcd: {  	v6 =	vld [tilespmem:s10+$0xFFFFFFE0]  }
0xce: {  	v7 =	vld [tilespmem:s9+$0xFFFFFFF0]  }
0xcf: {  	v8 =	vld [tilespmem:s10+$0xFFFFFFF0]  }
0xd0: {  	v9 =	vld [tilespmem:s9+$0x0]  }
0xd1: {  	v10 =	vld [tilespmem:s10+$0x0];
	v2 =	vadd.f32 v2, v1  }
0xd2: {  	v4 =	vadd.f32 v4, v3;
	v1 =	vld [tilespmem:s9+$0x10]  }
0xd3: {  	v5 =	vadd.f32 v6, v5;
	v3 =	vld [tilespmem:s10+$0x10];
	[tilespmem:s9+$0x30] =	vst v2  }
0xd4: {  	v6 =	vadd.f32 v8, v7;
	[tilespmem:s9+$0xFFFFFFD0] =	vst v4;
	v2 =	vld [tilespmem:s9+$0x20]  }
0xd5: {  	[tilespmem:s9+$0xFFFFFFE0] =	vst v5;
	v5 =	vld [tilespmem:s10+$0x20]  }
0xd6: {  	s14 =	simm.s32 $0x0;
	s24 =	sadd.s32 $0x400, s9;
	v4 =	vld [tilespmem:s9+$0xFFFFFFC0];
	[tilespmem:s9+$0xFFFFFFF0] =	vst v6;
	v6 =	vadd.f32 v10, v9  }
.LBB2_11:
0xd7: {  	v7 =	vld [tilespmem:s24+$0x30];
	s10 =	sadd.s32 $0x400, s10  }
0xd8: {  	s14 =	sadd.s32 $0x80, s14;
	v8 =	vld [tilespmem:s10+$0x30];
	[tilespmem:s9+$0x0] =	vst v6;
	v1 =	vadd.f32 v3, v1  }
0xd9: {  	p0 =	slt.u32 s14, $0x280;
	v3 =	vld [tilespmem:s10+$0xFFFFFFC0]  }
0xda: {  	v6 =	vld [tilespmem:s24+$0xFFFFFFD0];
	[tilespmem:s9+$0x10] =	vst v1;
	v1 =	vadd.f32 v5, v2  }
0xdb: {  	v2 =	vld [tilespmem:s10+$0xFFFFFFD0];
	v9 =	vadd.f32 v0, v4  }
0xdc: {  	v4 =	vld [tilespmem:s24+$0xFFFFFFE0];
	[tilespmem:s9+$0x20] =	vst v1  }
0xdd: {  	v1 =	vld [tilespmem:s10+$0xFFFFFFE0];
	v5 =	vadd.f32 v8, v7;
	[tilespmem:s9+$0xFFFFFFC0] =	vst v9;
	s9 =	smov.u32 s24  }
0xde: {  	v7 =	vld [tilespmem:s24+$0xFFFFFFF0];
	v0 =	vmov v3  }
0xdf: {  	v8 =	vld [tilespmem:s10+$0xFFFFFFF0];
	[tilespmem:s24+$0x30] =	vst v5  }
0xe0: {  	v2 =	vadd.f32 v2, v6;
	v6 =	vld [tilespmem:s24+$0x0]  }
0xe1: {  	v9 =	vld [tilespmem:s10+$0x0]  }
.Ltmp4:
0xe2: {  	[tilespmem:s24+$0xFFFFFFD0] =	vst v2;
	v2 =	vadd.f32 v1, v4;
	v1 =	vld [tilespmem:s24+$0x10];
	(pc) =	sbr.rel @p0 .LBB2_11-.Ltmp4, $4  }
0xe3: {  	v3 =	vld [tilespmem:s10+$0x10]  }
0xe4: {  	[tilespmem:s24+$0xFFFFFFE0] =	vst v2;
	v7 =	vadd.f32 v8, v7;
	v2 =	vld [tilespmem:s24+$0x20]  }
0xe5: {  	v5 =	vld [tilespmem:s10+$0x20]  }
0xe6: {  	s24 =	sadd.s32 $0x400, s24;
	v4 =	vld [tilespmem:s9+$0xFFFFFFC0];
	[tilespmem:s9+$0xFFFFFFF0] =	vst v7;
	v6 =	vadd.f32 v9, v6  }
0xe7: {  	s0 =	sadd.s32 $0x1, s0  }
0xe8: {  	p0 =	sne.s32 s0, $0x18  }
.Ltmp5:
0xe9: {  	v1 =	vadd.f32 v3, v1;
	(pc) =	sbr.rel @p0 .LBB2_10-.Ltmp5, $4  }
0xea: {  	[tilespmem:s9+$0x0] =	vst v6;
	v2 =	vadd.f32 v5, v2  }
0xeb: {  	[tilespmem:s9+$0x10] =	vst v1;
	v0 =	vadd.f32 v0, v4  }
0xec: {  	[tilespmem:s9+$0x20] =	vst v2  }
0xed: {  	s1 =	sadd.s32 $0x1, s1;
	s25 =	sadd.s32 $0x1, s25;
	[tilespmem:s9+$0xFFFFFFC0] =	vst v0  }
0xee: {  	s1 =	simm.s32 $0x0;
	s0 =	rddreg [dreg:$0xc]  }
0xef: {  	[hbm4b:s0+s1] =	stream.linear.scatter [tilespmem:s15], [sflag:$0x7], $0x4800, $0x38;
	[tilespmem:$0x1F800] =	vst v63  }
0xf0: {  	_ =	swait.ge [sflag:s20], $0x4800  }
0xf1: {  	[sflag:s20] =	ssyncset.done $0x0  }
0xf2: {  	[sflag:s20] =	ssyncadd.s32 $0xFFFFB800  }
0xf3: {  	_ =	swait.ge [sflag:s21], $0x4800  }
0xf4: {  	[sflag:s21] =	ssyncset.done $0x0  }
0xf5: {  	s0 =	simm.s32 $0x0;
	s31 =	rddreg [dreg:$0xf];
	[sflag:s21] =	ssyncadd.s32 $0xFFFFB800  }
0xf6: {  	[tilespmem:s13], [sflag:$0x2] =	stream.linear.gather [hbm4b:s31+s1], $0x4800, $0x38;
	[tilespmem:$0x1F800] =	vst v63  }
.LBB2_14:
0xf7: {  	s5 =	sshrl.u32 s0, $0x3  }
0xf8: {  	s9 =	sand.u32 $0x7, s1;
	s5 =	smul.u32 $0x6000, s5  }
0xf9: {  	s9 =	sshll.u32 s9, $0x9  }
0xfa: {  	s5 =	sor.u32 s9, s5  }
0xfb: {  	s5 =	sshra.s32 s5, $0x2  }
0xfc: {  	s9 =	sadd.s32 $0xD840, s5  }
0xfd: {  	s10 =	sadd.s32 $0x12040, s5;
	v1 =	vld [tilespmem:s9+$0x30]  }
0xfe: {  	v2 =	vld [tilespmem:s10+$0x30]  }
0xff: {  	v0 =	vld [tilespmem:s10+$0xFFFFFFC0]  }
0x100: {  	v3 =	vld [tilespmem:s9+$0xFFFFFFD0]  }
0x101: {  	v4 =	vld [tilespmem:s10+$0xFFFFFFD0]  }
0x102: {  	v5 =	vld [tilespmem:s9+$0xFFFFFFE0]  }
0x103: {  	v6 =	vld [tilespmem:s10+$0xFFFFFFE0]  }
0x104: {  	v7 =	vld [tilespmem:s9+$0xFFFFFFF0]  }
0x105: {  	v8 =	vld [tilespmem:s10+$0xFFFFFFF0]  }
0x106: {  	v9 =	vld [tilespmem:s9+$0x0]  }
0x107: {  	v10 =	vld [tilespmem:s10+$0x0];
	v2 =	vadd.f32 v2, v1  }
0x108: {  	v4 =	vadd.f32 v4, v3;
	v1 =	vld [tilespmem:s9+$0x10]  }
0x109: {  	v5 =	vadd.f32 v6, v5;
	v3 =	vld [tilespmem:s10+$0x10];
	[tilespmem:s9+$0x30] =	vst v2  }
0x10a: {  	v6 =	vadd.f32 v8, v7;
	[tilespmem:s9+$0xFFFFFFD0] =	vst v4;
	v2 =	vld [tilespmem:s9+$0x20]  }
0x10b: {  	[tilespmem:s9+$0xFFFFFFE0] =	vst v5;
	v5 =	vld [tilespmem:s10+$0x20]  }
0x10c: {  	s14 =	simm.s32 $0x0;
	s24 =	sadd.s32 $0x400, s9;
	v4 =	vld [tilespmem:s9+$0xFFFFFFC0];
	[tilespmem:s9+$0xFFFFFFF0] =	vst v6;
	v6 =	vadd.f32 v10, v9  }
.LBB2_15:
0x10d: {  	v7 =	vld [tilespmem:s24+$0x30];
	s10 =	sadd.s32 $0x400, s10  }
0x10e: {  	s14 =	sadd.s32 $0x80, s14;
	v8 =	vld [tilespmem:s10+$0x30];
	[tilespmem:s9+$0x0] =	vst v6;
	v1 =	vadd.f32 v3, v1  }
0x10f: {  	p0 =	slt.u32 s14, $0x280;
	v3 =	vld [tilespmem:s10+$0xFFFFFFC0]  }
0x110: {  	v6 =	vld [tilespmem:s24+$0xFFFFFFD0];
	[tilespmem:s9+$0x10] =	vst v1;
	v1 =	vadd.f32 v5, v2  }
0x111: {  	v2 =	vld [tilespmem:s10+$0xFFFFFFD0];
	v9 =	vadd.f32 v0, v4  }
0x112: {  	v4 =	vld [tilespmem:s24+$0xFFFFFFE0];
	[tilespmem:s9+$0x20] =	vst v1  }
0x113: {  	v1 =	vld [tilespmem:s10+$0xFFFFFFE0];
	v5 =	vadd.f32 v8, v7;
	[tilespmem:s9+$0xFFFFFFC0] =	vst v9;
	s9 =	smov.u32 s24  }
0x114: {  	v7 =	vld [tilespmem:s24+$0xFFFFFFF0];
	v0 =	vmov v3  }
0x115: {  	v8 =	vld [tilespmem:s10+$0xFFFFFFF0];
	[tilespmem:s24+$0x30] =	vst v5  }
0x116: {  	v2 =	vadd.f32 v2, v6;
	v6 =	vld [tilespmem:s24+$0x0]  }
0x117: {  	v9 =	vld [tilespmem:s10+$0x0]  }
.Ltmp6:
0x118: {  	[tilespmem:s24+$0xFFFFFFD0] =	vst v2;
	v2 =	vadd.f32 v1, v4;
	v1 =	vld [tilespmem:s24+$0x10];
	(pc) =	sbr.rel @p0 .LBB2_15-.Ltmp6, $4  }
0x119: {  	v3 =	vld [tilespmem:s10+$0x10]  }
0x11a: {  	[tilespmem:s24+$0xFFFFFFE0] =	vst v2;
	v7 =	vadd.f32 v8, v7;
	v2 =	vld [tilespmem:s24+$0x20]  }
0x11b: {  	v5 =	vld [tilespmem:s10+$0x20]  }
0x11c: {  	s24 =	sadd.s32 $0x400, s24;
	v4 =	vld [tilespmem:s9+$0xFFFFFFC0];
	[tilespmem:s9+$0xFFFFFFF0] =	vst v7;
	v6 =	vadd.f32 v9, v6  }
0x11d: {  	s0 =	sadd.s32 $0x1, s0  }
0x11e: {  	p0 =	sne.s32 s0, $0x18  }
.Ltmp7:
0x11f: {  	v1 =	vadd.f32 v3, v1;
	(pc) =	sbr.rel @p0 .LBB2_14-.Ltmp7, $4  }
0x120: {  	[tilespmem:s9+$0x0] =	vst v6;
	v2 =	vadd.f32 v5, v2  }
0x121: {  	[tilespmem:s9+$0x10] =	vst v1;
	v0 =	vadd.f32 v0, v4  }
0x122: {  	[tilespmem:s9+$0x20] =	vst v2  }
0x123: {  	s1 =	sadd.s32 $0x1, s1;
	[tilespmem:s9+$0xFFFFFFC0] =	vst v0  }
0x124: {  	s1 =	simm.s32 $0x0;
	s0 =	rddreg [dreg:$0xd]  }
0x125: {  	[hbm4b:s0+s1] =	stream.linear.scatter [tilespmem:s17], [sflag:$0x8], $0x4800, $0x38;
	[tilespmem:$0x1F800] =	vst v63  }
0x126: {  	_ =	swait.ge [sflag:s11], $0x4800  }
0x127: {  	[sflag:s11] =	ssyncset.done $0x0  }
0x128: {  	[sflag:s11] =	ssyncadd.s32 $0xFFFFB800  }
0x129: {  	_ =	swait.ge [sflag:s22], $0x4800  }
0x12a: {  	s25 =	simm.s32 $0x18;
	[sflag:s22] =	ssyncset.done $0x0  }
0x12b: {  	s0 =	simm.s32 $0x0;
	s31 =	rddreg [dreg:$0x11];
	[sflag:s22] =	ssyncadd.s32 $0xFFFFB800  }
0x12c: {  	[tilespmem:s15], [sflag:$0x3] =	stream.linear.gather [hbm4b:s31+s1], $0x4800, $0x38;
	[tilespmem:$0x1F800] =	vst v63  }
.LBB2_18:
0x12d: {  	s5 =	sshrl.u32 s0, $0x3  }
0x12e: {  	s9 =	sshll.u32 s1, $0x9;
	s10 =	sshrl.u32 s25, $0x3;
	s5 =	smul.u32 $0x6000, s5  }
0x12f: {  	s9 =	sand.u32 $0xE00, s9;
	s10 =	smul.u32 $0x6000, s10  }
0x130: {  	s5 =	sor.u32 s9, s5  }
0x131: {  	s10 =	sor.u32 s9, s10;
	s5 =	sshra.s32 s5, $0x2  }
0x132: {  	s31 =	sshra.s32 s10, $0x2;
	s9 =	sor.u32 $0x40, s5  }
0x133: {  	s10 =	sadd.s32 $0x12040, s31;
	v1 =	vld [tilespmem:s9+$0x30]  }
0x134: {  	v2 =	vld [tilespmem:s10+$0x30]  }
0x135: {  	v0 =	vld [tilespmem:s10+$0xFFFFFFC0]  }
0x136: {  	v3 =	vld [tilespmem:s9+$0xFFFFFFD0]  }
0x137: {  	v4 =	vld [tilespmem:s10+$0xFFFFFFD0]  }
0x138: {  	v5 =	vld [tilespmem:s9+$0xFFFFFFE0]  }
0x139: {  	v6 =	vld [tilespmem:s10+$0xFFFFFFE0]  }
0x13a: {  	v7 =	vld [tilespmem:s9+$0xFFFFFFF0]  }
0x13b: {  	v8 =	vld [tilespmem:s10+$0xFFFFFFF0]  }
0x13c: {  	v9 =	vld [tilespmem:s9+$0x0]  }
0x13d: {  	v10 =	vld [tilespmem:s10+$0x0];
	v2 =	vadd.f32 v2, v1  }
0x13e: {  	v4 =	vadd.f32 v4, v3;
	v1 =	vld [tilespmem:s9+$0x10]  }
0x13f: {  	v5 =	vadd.f32 v6, v5;
	v3 =	vld [tilespmem:s10+$0x10];
	[tilespmem:s9+$0x30] =	vst v2  }
0x140: {  	v6 =	vadd.f32 v8, v7;
	[tilespmem:s9+$0xFFFFFFD0] =	vst v4;
	v2 =	vld [tilespmem:s9+$0x20]  }
0x141: {  	[tilespmem:s9+$0xFFFFFFE0] =	vst v5;
	v5 =	vld [tilespmem:s10+$0x20]  }
0x142: {  	s14 =	simm.s32 $0x0;
	s24 =	sadd.s32 $0x400, s9;
	v4 =	vld [tilespmem:s9+$0xFFFFFFC0];
	[tilespmem:s9+$0xFFFFFFF0] =	vst v6;
	v6 =	vadd.f32 v10, v9  }
.LBB2_19:
0x143: {  	v7 =	vld [tilespmem:s24+$0x30];
	s10 =	sadd.s32 $0x400, s10  }
0x144: {  	s14 =	sadd.s32 $0x80, s14;
	v8 =	vld [tilespmem:s10+$0x30];
	[tilespmem:s9+$0x0] =	vst v6;
	v1 =	vadd.f32 v3, v1  }
0x145: {  	p0 =	slt.u32 s14, $0x280;
	v3 =	vld [tilespmem:s10+$0xFFFFFFC0]  }
0x146: {  	v6 =	vld [tilespmem:s24+$0xFFFFFFD0];
	[tilespmem:s9+$0x10] =	vst v1;
	v1 =	vadd.f32 v5, v2  }
0x147: {  	v2 =	vld [tilespmem:s10+$0xFFFFFFD0];
	v9 =	vadd.f32 v0, v4  }
0x148: {  	v4 =	vld [tilespmem:s24+$0xFFFFFFE0];
	[tilespmem:s9+$0x20] =	vst v1  }
0x149: {  	v1 =	vld [tilespmem:s10+$0xFFFFFFE0];
	v5 =	vadd.f32 v8, v7;
	[tilespmem:s9+$0xFFFFFFC0] =	vst v9;
	s9 =	smov.u32 s24  }
0x14a: {  	v7 =	vld [tilespmem:s24+$0xFFFFFFF0];
	v0 =	vmov v3  }
0x14b: {  	v8 =	vld [tilespmem:s10+$0xFFFFFFF0];
	[tilespmem:s24+$0x30] =	vst v5  }
0x14c: {  	v2 =	vadd.f32 v2, v6;
	v6 =	vld [tilespmem:s24+$0x0]  }
0x14d: {  	v9 =	vld [tilespmem:s10+$0x0]  }
.Ltmp8:
0x14e: {  	[tilespmem:s24+$0xFFFFFFD0] =	vst v2;
	v2 =	vadd.f32 v1, v4;
	v1 =	vld [tilespmem:s24+$0x10];
	(pc) =	sbr.rel @p0 .LBB2_19-.Ltmp8, $4  }
0x14f: {  	v3 =	vld [tilespmem:s10+$0x10]  }
0x150: {  	[tilespmem:s24+$0xFFFFFFE0] =	vst v2;
	v7 =	vadd.f32 v8, v7;
	v2 =	vld [tilespmem:s24+$0x20]  }
0x151: {  	v5 =	vld [tilespmem:s10+$0x20]  }
0x152: {  	s24 =	sadd.s32 $0x400, s24;
	v4 =	vld [tilespmem:s9+$0xFFFFFFC0];
	[tilespmem:s9+$0xFFFFFFF0] =	vst v7;
	v6 =	vadd.f32 v9, v6  }
0x153: {  	s0 =	sadd.s32 $0x1, s0  }
0x154: {  	p0 =	sne.s32 s0, $0x18  }
.Ltmp9:
0x155: {  	v1 =	vadd.f32 v3, v1;
	(pc) =	sbr.rel @p0 .LBB2_18-.Ltmp9, $4  }
0x156: {  	[tilespmem:s9+$0x0] =	vst v6;
	v2 =	vadd.f32 v5, v2  }
0x157: {  	[tilespmem:s9+$0x10] =	vst v1;
	v0 =	vadd.f32 v0, v4  }
0x158: {  	[tilespmem:s9+$0x20] =	vst v2  }
0x159: {  	s1 =	sadd.s32 $0x1, s1;
	s25 =	sadd.s32 $0x1, s25;
	[tilespmem:s9+$0xFFFFFFC0] =	vst v0  }
0x15a: {  	s1 =	simm.s32 $0x0;
	s0 =	rddreg [dreg:$0xe]  }
0x15b: {  	[hbm4b:s0+s1] =	stream.linear.scatter [tilespmem:s1], [sflag:$0x5], $0x4800, $0x38;
	[tilespmem:$0x1F800] =	vst v63  }
0x15c: {  	_ =	swait.ge [sflag:s16], $0x4800  }
0x15d: {  	[sflag:s16] =	ssyncset.done $0x0  }
0x15e: {  	[sflag:s16] =	ssyncadd.s32 $0xFFFFB800  }
0x15f: {  	_ =	swait.ge [sflag:s23], $0x4800  }
0x160: {  	s25 =	simm.s32 $0x30;
	[sflag:s23] =	ssyncset.done $0x0  }
0x161: {  	s0 =	simm.s32 $0x0;
	s31 =	rddreg [dreg:$0x13];
	[sflag:s23] =	ssyncadd.s32 $0xFFFFB800  }
0x162: {  	[tilespmem:s17], [sflag:$0x4] =	stream.linear.gather [hbm4b:s31+s1], $0x4800, $0x38;
	[tilespmem:$0x1F800] =	vst v63  }
.LBB2_22:
0x163: {  	s5 =	sshrl.u32 s0, $0x3  }
0x164: {  	s9 =	sshll.u32 s1, $0x9;
	s10 =	sshrl.u32 s25, $0x3;
	s5 =	smul.u32 $0x6000, s5  }
0x165: {  	s9 =	sand.u32 $0xE00, s9;
	s10 =	smul.u32 $0x6000, s10  }
0x166: {  	s5 =	sor.u32 s9, s5  }
0x167: {  	s10 =	sor.u32 s9, s10;
	s5 =	sshra.s32 s5, $0x2  }
0x168: {  	s31 =	sshra.s32 s10, $0x2;
	s9 =	sadd.s32 $0x4840, s5  }
0x169: {  	s10 =	sadd.s32 $0x12040, s31;
	v1 =	vld [tilespmem:s9+$0x30]  }
0x16a: {  	v2 =	vld [tilespmem:s10+$0x30]  }
0x16b: {  	v0 =	vld [tilespmem:s10+$0xFFFFFFC0]  }
0x16c: {  	v3 =	vld [tilespmem:s9+$0xFFFFFFD0]  }
0x16d: {  	v4 =	vld [tilespmem:s10+$0xFFFFFFD0]  }
0x16e: {  	v5 =	vld [tilespmem:s9+$0xFFFFFFE0]  }
0x16f: {  	v6 =	vld [tilespmem:s10+$0xFFFFFFE0]  }
0x170: {  	v7 =	vld [tilespmem:s9+$0xFFFFFFF0]  }
0x171: {  	v8 =	vld [tilespmem:s10+$0xFFFFFFF0]  }
0x172: {  	v9 =	vld [tilespmem:s9+$0x0]  }
0x173: {  	v10 =	vld [tilespmem:s10+$0x0];
	v2 =	vadd.f32 v2, v1  }
0x174: {  	v4 =	vadd.f32 v4, v3;
	v1 =	vld [tilespmem:s9+$0x10]  }
0x175: {  	v5 =	vadd.f32 v6, v5;
	v3 =	vld [tilespmem:s10+$0x10];
	[tilespmem:s9+$0x30] =	vst v2  }
0x176: {  	v6 =	vadd.f32 v8, v7;
	[tilespmem:s9+$0xFFFFFFD0] =	vst v4;
	v2 =	vld [tilespmem:s9+$0x20]  }
0x177: {  	[tilespmem:s9+$0xFFFFFFE0] =	vst v5;
	v5 =	vld [tilespmem:s10+$0x20]  }
0x178: {  	s14 =	simm.s32 $0x0;
	s24 =	sadd.s32 $0x400, s9;
	v4 =	vld [tilespmem:s9+$0xFFFFFFC0];
	[tilespmem:s9+$0xFFFFFFF0] =	vst v6;
	v6 =	vadd.f32 v10, v9  }
.LBB2_23:
0x179: {  	v7 =	vld [tilespmem:s24+$0x30];
	s10 =	sadd.s32 $0x400, s10  }
0x17a: {  	s14 =	sadd.s32 $0x80, s14;
	v8 =	vld [tilespmem:s10+$0x30];
	[tilespmem:s9+$0x0] =	vst v6;
	v1 =	vadd.f32 v3, v1  }
0x17b: {  	p0 =	slt.u32 s14, $0x280;
	v3 =	vld [tilespmem:s10+$0xFFFFFFC0]  }
0x17c: {  	v6 =	vld [tilespmem:s24+$0xFFFFFFD0];
	[tilespmem:s9+$0x10] =	vst v1;
	v1 =	vadd.f32 v5, v2  }
0x17d: {  	v2 =	vld [tilespmem:s10+$0xFFFFFFD0];
	v9 =	vadd.f32 v0, v4  }
0x17e: {  	v4 =	vld [tilespmem:s24+$0xFFFFFFE0];
	[tilespmem:s9+$0x20] =	vst v1  }
0x17f: {  	v1 =	vld [tilespmem:s10+$0xFFFFFFE0];
	v5 =	vadd.f32 v8, v7;
	[tilespmem:s9+$0xFFFFFFC0] =	vst v9;
	s9 =	smov.u32 s24  }
0x180: {  	v7 =	vld [tilespmem:s24+$0xFFFFFFF0];
	v0 =	vmov v3  }
0x181: {  	v8 =	vld [tilespmem:s10+$0xFFFFFFF0];
	[tilespmem:s24+$0x30] =	vst v5  }
0x182: {  	v2 =	vadd.f32 v2, v6;
	v6 =	vld [tilespmem:s24+$0x0]  }
0x183: {  	v9 =	vld [tilespmem:s10+$0x0]  }
.Ltmp10:
0x184: {  	[tilespmem:s24+$0xFFFFFFD0] =	vst v2;
	v2 =	vadd.f32 v1, v4;
	v1 =	vld [tilespmem:s24+$0x10];
	(pc) =	sbr.rel @p0 .LBB2_23-.Ltmp10, $4  }
0x185: {  	v3 =	vld [tilespmem:s10+$0x10]  }
0x186: {  	[tilespmem:s24+$0xFFFFFFE0] =	vst v2;
	v7 =	vadd.f32 v8, v7;
	v2 =	vld [tilespmem:s24+$0x20]  }
0x187: {  	v5 =	vld [tilespmem:s10+$0x20]  }
0x188: {  	s24 =	sadd.s32 $0x400, s24;
	v4 =	vld [tilespmem:s9+$0xFFFFFFC0];
	[tilespmem:s9+$0xFFFFFFF0] =	vst v7;
	v6 =	vadd.f32 v9, v6  }
0x189: {  	s0 =	sadd.s32 $0x1, s0  }
0x18a: {  	p0 =	sne.s32 s0, $0x18  }
.Ltmp11:
0x18b: {  	v1 =	vadd.f32 v3, v1;
	(pc) =	sbr.rel @p0 .LBB2_22-.Ltmp11, $4  }
0x18c: {  	[tilespmem:s9+$0x0] =	vst v6;
	v2 =	vadd.f32 v5, v2  }
0x18d: {  	[tilespmem:s9+$0x10] =	vst v1;
	v0 =	vadd.f32 v0, v4  }
0x18e: {  	[tilespmem:s9+$0x20] =	vst v2  }
0x18f: {  	s1 =	sadd.s32 $0x1, s1;
	s25 =	sadd.s32 $0x1, s25;
	[tilespmem:s9+$0xFFFFFFC0] =	vst v0  }
0x190: {  	s1 =	simm.s32 $0x0;
	s0 =	rddreg [dreg:$0x10]  }
0x191: {  	[hbm4b:s0+s1] =	stream.linear.scatter [tilespmem:s13], [sflag:$0x6], $0x4800, $0x38;
	[tilespmem:$0x1F800] =	vst v63  }
0x192: {  	_ =	swait.ge [sflag:s18], $0x4800  }
0x193: {  	[sflag:s18] =	ssyncset.done $0x0  }
0x194: {  	[sflag:s18] =	ssyncadd.s32 $0xFFFFB800  }
0x195: {  	_ =	swait.ge [sflag:s19], $0x4800  }
0x196: {  	[sflag:s19] =	ssyncset.done $0x0  }
0x197: {  	s0 =	simm.s32 $0x0;
	s31 =	rddreg [dreg:$0x15];
	[sflag:s19] =	ssyncadd.s32 $0xFFFFB800  }
0x198: {  	[tilespmem:s1], [sflag:$0x1] =	stream.linear.gather [hbm4b:s31+s1], $0x4800, $0x38;
	[tilespmem:$0x1F800] =	vst v63  }
.LBB2_26:
0x199: {  	s5 =	sshrl.u32 s0, $0x3  }
0x19a: {  	s9 =	sand.u32 $0x7, s1;
	s5 =	smul.u32 $0x6000, s5  }
0x19b: {  	s9 =	sshll.u32 s9, $0x9  }
0x19c: {  	s5 =	sor.u32 s9, s5  }
0x19d: {  	s5 =	sshra.s32 s5, $0x2  }
0x19e: {  	s9 =	sadd.s32 $0x9040, s5  }
0x19f: {  	s10 =	sadd.s32 $0x12040, s5;
	v1 =	vld [tilespmem:s9+$0x30]  }
0x1a0: {  	v2 =	vld [tilespmem:s10+$0x30]  }
0x1a1: {  	v0 =	vld [tilespmem:s10+$0xFFFFFFC0]  }
0x1a2: {  	v3 =	vld [tilespmem:s9+$0xFFFFFFD0]  }
0x1a3: {  	v4 =	vld [tilespmem:s10+$0xFFFFFFD0]  }
0x1a4: {  	v5 =	vld [tilespmem:s9+$0xFFFFFFE0]  }
0x1a5: {  	v6 =	vld [tilespmem:s10+$0xFFFFFFE0]  }
0x1a6: {  	v7 =	vld [tilespmem:s9+$0xFFFFFFF0]  }
0x1a7: {  	v8 =	vld [tilespmem:s10+$0xFFFFFFF0]  }
0x1a8: {  	v9 =	vld [tilespmem:s9+$0x0]  }
0x1a9: {  	v10 =	vld [tilespmem:s10+$0x0];
	v2 =	vadd.f32 v2, v1  }
0x1aa: {  	v4 =	vadd.f32 v4, v3;
	v1 =	vld [tilespmem:s9+$0x10]  }
0x1ab: {  	v5 =	vadd.f32 v6, v5;
	v3 =	vld [tilespmem:s10+$0x10];
	[tilespmem:s9+$0x30] =	vst v2  }
0x1ac: {  	v6 =	vadd.f32 v8, v7;
	[tilespmem:s9+$0xFFFFFFD0] =	vst v4;
	v2 =	vld [tilespmem:s9+$0x20]  }
0x1ad: {  	[tilespmem:s9+$0xFFFFFFE0] =	vst v5;
	v5 =	vld [tilespmem:s10+$0x20]  }
0x1ae: {  	s14 =	simm.s32 $0x0;
	s24 =	sadd.s32 $0x400, s9;
	v4 =	vld [tilespmem:s9+$0xFFFFFFC0];
	[tilespmem:s9+$0xFFFFFFF0] =	vst v6;
	v6 =	vadd.f32 v10, v9  }
.LBB2_27:
0x1af: {  	v7 =	vld [tilespmem:s24+$0x30];
	s10 =	sadd.s32 $0x400, s10  }
0x1b0: {  	s14 =	sadd.s32 $0x80, s14;
	v8 =	vld [tilespmem:s10+$0x30];
	[tilespmem:s9+$0x0] =	vst v6;
	v1 =	vadd.f32 v3, v1  }
0x1b1: {  	p0 =	slt.u32 s14, $0x280;
	v3 =	vld [tilespmem:s10+$0xFFFFFFC0]  }
0x1b2: {  	v6 =	vld [tilespmem:s24+$0xFFFFFFD0];
	[tilespmem:s9+$0x10] =	vst v1;
	v1 =	vadd.f32 v5, v2  }
0x1b3: {  	v2 =	vld [tilespmem:s10+$0xFFFFFFD0];
	v9 =	vadd.f32 v0, v4  }
0x1b4: {  	v4 =	vld [tilespmem:s24+$0xFFFFFFE0];
	[tilespmem:s9+$0x20] =	vst v1  }
0x1b5: {  	v1 =	vld [tilespmem:s10+$0xFFFFFFE0];
	v5 =	vadd.f32 v8, v7;
	[tilespmem:s9+$0xFFFFFFC0] =	vst v9;
	s9 =	smov.u32 s24  }
0x1b6: {  	v7 =	vld [tilespmem:s24+$0xFFFFFFF0];
	v0 =	vmov v3  }
0x1b7: {  	v8 =	vld [tilespmem:s10+$0xFFFFFFF0];
	[tilespmem:s24+$0x30] =	vst v5  }
0x1b8: {  	v2 =	vadd.f32 v2, v6;
	v6 =	vld [tilespmem:s24+$0x0]  }
0x1b9: {  	v9 =	vld [tilespmem:s10+$0x0]  }
.Ltmp12:
0x1ba: {  	[tilespmem:s24+$0xFFFFFFD0] =	vst v2;
	v2 =	vadd.f32 v1, v4;
	v1 =	vld [tilespmem:s24+$0x10];
	(pc) =	sbr.rel @p0 .LBB2_27-.Ltmp12, $4  }
0x1bb: {  	v3 =	vld [tilespmem:s10+$0x10]  }
0x1bc: {  	[tilespmem:s24+$0xFFFFFFE0] =	vst v2;
	v7 =	vadd.f32 v8, v7;
	v2 =	vld [tilespmem:s24+$0x20]  }
0x1bd: {  	v5 =	vld [tilespmem:s10+$0x20]  }
0x1be: {  	s24 =	sadd.s32 $0x400, s24;
	v4 =	vld [tilespmem:s9+$0xFFFFFFC0];
	[tilespmem:s9+$0xFFFFFFF0] =	vst v7;
	v6 =	vadd.f32 v9, v6  }
0x1bf: {  	s0 =	sadd.s32 $0x1, s0  }
0x1c0: {  	p0 =	sne.s32 s0, $0x18  }
.Ltmp13:
0x1c1: {  	v1 =	vadd.f32 v3, v1;
	(pc) =	sbr.rel @p0 .LBB2_26-.Ltmp13, $4  }
0x1c2: {  	[tilespmem:s9+$0x0] =	vst v6;
	v2 =	vadd.f32 v5, v2  }
0x1c3: {  	[tilespmem:s9+$0x10] =	vst v1;
	v0 =	vadd.f32 v0, v4  }
0x1c4: {  	[tilespmem:s9+$0x20] =	vst v2  }
0x1c5: {  	s1 =	sadd.s32 $0x1, s1;
	[tilespmem:s9+$0xFFFFFFC0] =	vst v0  }
0x1c6: {  	s1 =	simm.s32 $0x0;
	s0 =	rddreg [dreg:$0x12]  }
0x1c7: {  	[hbm4b:s0+s1] =	stream.linear.scatter [tilespmem:s15], [sflag:$0x7], $0x4800, $0x38;
	[tilespmem:$0x1F800] =	vst v63  }
0x1c8: {  	_ =	swait.ge [sflag:s20], $0x4800  }
0x1c9: {  	[sflag:s20] =	ssyncset.done $0x0  }
0x1ca: {  	[sflag:s20] =	ssyncadd.s32 $0xFFFFB800  }
0x1cb: {  	_ =	swait.ge [sflag:s21], $0x4800  }
0x1cc: {  	s25 =	simm.s32 $0x18;
	[sflag:s21] =	ssyncset.done $0x0  }
0x1cd: {  	s0 =	simm.s32 $0x0;
	s31 =	rddreg [dreg:$0x17];
	[sflag:s21] =	ssyncadd.s32 $0xFFFFB800  }
0x1ce: {  	[tilespmem:s13], [sflag:$0x2] =	stream.linear.gather [hbm4b:s31+s1], $0x4800, $0x38;
	[tilespmem:$0x1F800] =	vst v63  }
.LBB2_30:
0x1cf: {  	s5 =	sshrl.u32 s0, $0x3  }
0x1d0: {  	s9 =	sshll.u32 s1, $0x9;
	s10 =	sshrl.u32 s25, $0x3;
	s5 =	smul.u32 $0x6000, s5  }
0x1d1: {  	s9 =	sand.u32 $0xE00, s9;
	s10 =	smul.u32 $0x6000, s10  }
0x1d2: {  	s5 =	sor.u32 s9, s5  }
0x1d3: {  	s10 =	sor.u32 s9, s10;
	s5 =	sshra.s32 s5, $0x2  }
0x1d4: {  	s31 =	sshra.s32 s10, $0x2;
	s9 =	sadd.s32 $0xD840, s5  }
0x1d5: {  	s10 =	sadd.s32 $0x12040, s31;
	v1 =	vld [tilespmem:s9+$0x30]  }
0x1d6: {  	v2 =	vld [tilespmem:s10+$0x30]  }
0x1d7: {  	v0 =	vld [tilespmem:s10+$0xFFFFFFC0]  }
0x1d8: {  	v3 =	vld [tilespmem:s9+$0xFFFFFFD0]  }
0x1d9: {  	v4 =	vld [tilespmem:s10+$0xFFFFFFD0]  }
0x1da: {  	v5 =	vld [tilespmem:s9+$0xFFFFFFE0]  }
0x1db: {  	v6 =	vld [tilespmem:s10+$0xFFFFFFE0]  }
0x1dc: {  	v7 =	vld [tilespmem:s9+$0xFFFFFFF0]  }
0x1dd: {  	v8 =	vld [tilespmem:s10+$0xFFFFFFF0]  }
0x1de: {  	v9 =	vld [tilespmem:s9+$0x0]  }
0x1df: {  	v10 =	vld [tilespmem:s10+$0x0];
	v2 =	vadd.f32 v2, v1  }
0x1e0: {  	v4 =	vadd.f32 v4, v3;
	v1 =	vld [tilespmem:s9+$0x10]  }
0x1e1: {  	v5 =	vadd.f32 v6, v5;
	v3 =	vld [tilespmem:s10+$0x10];
	[tilespmem:s9+$0x30] =	vst v2  }
0x1e2: {  	v6 =	vadd.f32 v8, v7;
	[tilespmem:s9+$0xFFFFFFD0] =	vst v4;
	v2 =	vld [tilespmem:s9+$0x20]  }
0x1e3: {  	[tilespmem:s9+$0xFFFFFFE0] =	vst v5;
	v5 =	vld [tilespmem:s10+$0x20]  }
0x1e4: {  	s14 =	simm.s32 $0x0;
	s24 =	sadd.s32 $0x400, s9;
	v4 =	vld [tilespmem:s9+$0xFFFFFFC0];
	[tilespmem:s9+$0xFFFFFFF0] =	vst v6;
	v6 =	vadd.f32 v10, v9  }
.LBB2_31:
0x1e5: {  	v7 =	vld [tilespmem:s24+$0x30];
	s10 =	sadd.s32 $0x400, s10  }
0x1e6: {  	s14 =	sadd.s32 $0x80, s14;
	v8 =	vld [tilespmem:s10+$0x30];
	[tilespmem:s9+$0x0] =	vst v6;
	v1 =	vadd.f32 v3, v1  }
0x1e7: {  	p0 =	slt.u32 s14, $0x280;
	v3 =	vld [tilespmem:s10+$0xFFFFFFC0]  }
0x1e8: {  	v6 =	vld [tilespmem:s24+$0xFFFFFFD0];
	[tilespmem:s9+$0x10] =	vst v1;
	v1 =	vadd.f32 v5, v2  }
0x1e9: {  	v2 =	vld [tilespmem:s10+$0xFFFFFFD0];
	v9 =	vadd.f32 v0, v4  }
0x1ea: {  	v4 =	vld [tilespmem:s24+$0xFFFFFFE0];
	[tilespmem:s9+$0x20] =	vst v1  }
0x1eb: {  	v1 =	vld [tilespmem:s10+$0xFFFFFFE0];
	v5 =	vadd.f32 v8, v7;
	[tilespmem:s9+$0xFFFFFFC0] =	vst v9;
	s9 =	smov.u32 s24  }
0x1ec: {  	v7 =	vld [tilespmem:s24+$0xFFFFFFF0];
	v0 =	vmov v3  }
0x1ed: {  	v8 =	vld [tilespmem:s10+$0xFFFFFFF0];
	[tilespmem:s24+$0x30] =	vst v5  }
0x1ee: {  	v2 =	vadd.f32 v2, v6;
	v6 =	vld [tilespmem:s24+$0x0]  }
0x1ef: {  	v9 =	vld [tilespmem:s10+$0x0]  }
.Ltmp14:
0x1f0: {  	[tilespmem:s24+$0xFFFFFFD0] =	vst v2;
	v2 =	vadd.f32 v1, v4;
	v1 =	vld [tilespmem:s24+$0x10];
	(pc) =	sbr.rel @p0 .LBB2_31-.Ltmp14, $4  }
0x1f1: {  	v3 =	vld [tilespmem:s10+$0x10]  }
0x1f2: {  	[tilespmem:s24+$0xFFFFFFE0] =	vst v2;
	v7 =	vadd.f32 v8, v7;
	v2 =	vld [tilespmem:s24+$0x20]  }
0x1f3: {  	v5 =	vld [tilespmem:s10+$0x20]  }
0x1f4: {  	s24 =	sadd.s32 $0x400, s24;
	v4 =	vld [tilespmem:s9+$0xFFFFFFC0];
	[tilespmem:s9+$0xFFFFFFF0] =	vst v7;
	v6 =	vadd.f32 v9, v6  }
0x1f5: {  	s0 =	sadd.s32 $0x1, s0  }
0x1f6: {  	p0 =	sne.s32 s0, $0x18  }
.Ltmp15:
0x1f7: {  	v1 =	vadd.f32 v3, v1;
	(pc) =	sbr.rel @p0 .LBB2_30-.Ltmp15, $4  }
0x1f8: {  	[tilespmem:s9+$0x0] =	vst v6;
	v2 =	vadd.f32 v5, v2  }
0x1f9: {  	[tilespmem:s9+$0x10] =	vst v1;
	v0 =	vadd.f32 v0, v4  }
0x1fa: {  	[tilespmem:s9+$0x20] =	vst v2  }
0x1fb: {  	s1 =	sadd.s32 $0x1, s1;
	s25 =	sadd.s32 $0x1, s25;
	[tilespmem:s9+$0xFFFFFFC0] =	vst v0  }
0x1fc: {  	s1 =	simm.s32 $0x0;
	s0 =	rddreg [dreg:$0x14]  }
0x1fd: {  	[hbm4b:s0+s1] =	stream.linear.scatter [tilespmem:s17], [sflag:$0x8], $0x4800, $0x38;
	[tilespmem:$0x1F800] =	vst v63  }
0x1fe: {  	_ =	swait.ge [sflag:s11], $0x4800  }
0x1ff: {  	[sflag:s11] =	ssyncset.done $0x0  }
0x200: {  	[sflag:s11] =	ssyncadd.s32 $0xFFFFB800  }
0x201: {  	_ =	swait.ge [sflag:s22], $0x4800  }
0x202: {  	s25 =	simm.s32 $0x30;
	[sflag:s22] =	ssyncset.done $0x0  }
0x203: {  	s0 =	simm.s32 $0x0;
	s31 =	rddreg [dreg:$0x1a];
	[sflag:s22] =	ssyncadd.s32 $0xFFFFB800  }
0x204: {  	[tilespmem:s15], [sflag:$0x3] =	stream.linear.gather [hbm4b:s31+s1], $0x4800, $0x38;
	[tilespmem:$0x1F800] =	vst v63  }
.LBB2_34:
0x205: {  	s5 =	sshrl.u32 s0, $0x3  }
0x206: {  	s9 =	sshll.u32 s1, $0x9;
	s10 =	sshrl.u32 s25, $0x3;
	s5 =	smul.u32 $0x6000, s5  }
0x207: {  	s9 =	sand.u32 $0xE00, s9;
	s10 =	smul.u32 $0x6000, s10  }
0x208: {  	s5 =	sor.u32 s9, s5  }
0x209: {  	s10 =	sor.u32 s9, s10;
	s5 =	sshra.s32 s5, $0x2  }
0x20a: {  	s31 =	sshra.s32 s10, $0x2;
	s9 =	sor.u32 $0x40, s5  }
0x20b: {  	s10 =	sadd.s32 $0x12040, s31;
	v1 =	vld [tilespmem:s9+$0x30]  }
0x20c: {  	v2 =	vld [tilespmem:s10+$0x30]  }
0x20d: {  	v0 =	vld [tilespmem:s10+$0xFFFFFFC0]  }
0x20e: {  	v3 =	vld [tilespmem:s9+$0xFFFFFFD0]  }
0x20f: {  	v4 =	vld [tilespmem:s10+$0xFFFFFFD0]  }
0x210: {  	v5 =	vld [tilespmem:s9+$0xFFFFFFE0]  }
0x211: {  	v6 =	vld [tilespmem:s10+$0xFFFFFFE0]  }
0x212: {  	v7 =	vld [tilespmem:s9+$0xFFFFFFF0]  }
0x213: {  	v8 =	vld [tilespmem:s10+$0xFFFFFFF0]  }
0x214: {  	v9 =	vld [tilespmem:s9+$0x0]  }
0x215: {  	v10 =	vld [tilespmem:s10+$0x0];
	v2 =	vadd.f32 v2, v1  }
0x216: {  	v4 =	vadd.f32 v4, v3;
	v1 =	vld [tilespmem:s9+$0x10]  }
0x217: {  	v5 =	vadd.f32 v6, v5;
	v3 =	vld [tilespmem:s10+$0x10];
	[tilespmem:s9+$0x30] =	vst v2  }
0x218: {  	v6 =	vadd.f32 v8, v7;
	[tilespmem:s9+$0xFFFFFFD0] =	vst v4;
	v2 =	vld [tilespmem:s9+$0x20]  }
0x219: {  	[tilespmem:s9+$0xFFFFFFE0] =	vst v5;
	v5 =	vld [tilespmem:s10+$0x20]  }
0x21a: {  	s14 =	simm.s32 $0x0;
	s24 =	sadd.s32 $0x400, s9;
	v4 =	vld [tilespmem:s9+$0xFFFFFFC0];
	[tilespmem:s9+$0xFFFFFFF0] =	vst v6;
	v6 =	vadd.f32 v10, v9  }
.LBB2_35:
0x21b: {  	v7 =	vld [tilespmem:s24+$0x30];
	s10 =	sadd.s32 $0x400, s10  }
0x21c: {  	s14 =	sadd.s32 $0x80, s14;
	v8 =	vld [tilespmem:s10+$0x30];
	[tilespmem:s9+$0x0] =	vst v6;
	v1 =	vadd.f32 v3, v1  }
0x21d: {  	p0 =	slt.u32 s14, $0x280;
	v3 =	vld [tilespmem:s10+$0xFFFFFFC0]  }
0x21e: {  	v6 =	vld [tilespmem:s24+$0xFFFFFFD0];
	[tilespmem:s9+$0x10] =	vst v1;
	v1 =	vadd.f32 v5, v2  }
0x21f: {  	v2 =	vld [tilespmem:s10+$0xFFFFFFD0];
	v9 =	vadd.f32 v0, v4  }
0x220: {  	v4 =	vld [tilespmem:s24+$0xFFFFFFE0];
	[tilespmem:s9+$0x20] =	vst v1  }
0x221: {  	v1 =	vld [tilespmem:s10+$0xFFFFFFE0];
	v5 =	vadd.f32 v8, v7;
	[tilespmem:s9+$0xFFFFFFC0] =	vst v9;
	s9 =	smov.u32 s24  }
0x222: {  	v7 =	vld [tilespmem:s24+$0xFFFFFFF0];
	v0 =	vmov v3  }
0x223: {  	v8 =	vld [tilespmem:s10+$0xFFFFFFF0];
	[tilespmem:s24+$0x30] =	vst v5  }
0x224: {  	v2 =	vadd.f32 v2, v6;
	v6 =	vld [tilespmem:s24+$0x0]  }
0x225: {  	v9 =	vld [tilespmem:s10+$0x0]  }
.Ltmp16:
0x226: {  	[tilespmem:s24+$0xFFFFFFD0] =	vst v2;
	v2 =	vadd.f32 v1, v4;
	v1 =	vld [tilespmem:s24+$0x10];
	(pc) =	sbr.rel @p0 .LBB2_35-.Ltmp16, $4  }
0x227: {  	v3 =	vld [tilespmem:s10+$0x10]  }
0x228: {  	[tilespmem:s24+$0xFFFFFFE0] =	vst v2;
	v7 =	vadd.f32 v8, v7;
	v2 =	vld [tilespmem:s24+$0x20]  }
0x229: {  	v5 =	vld [tilespmem:s10+$0x20]  }
0x22a: {  	s24 =	sadd.s32 $0x400, s24;
	v4 =	vld [tilespmem:s9+$0xFFFFFFC0];
	[tilespmem:s9+$0xFFFFFFF0] =	vst v7;
	v6 =	vadd.f32 v9, v6  }
0x22b: {  	s0 =	sadd.s32 $0x1, s0  }
0x22c: {  	p0 =	sne.s32 s0, $0x18  }
.Ltmp17:
0x22d: {  	v1 =	vadd.f32 v3, v1;
	(pc) =	sbr.rel @p0 .LBB2_34-.Ltmp17, $4  }
0x22e: {  	[tilespmem:s9+$0x0] =	vst v6;
	v2 =	vadd.f32 v5, v2  }
0x22f: {  	[tilespmem:s9+$0x10] =	vst v1;
	v0 =	vadd.f32 v0, v4  }
0x230: {  	[tilespmem:s9+$0x20] =	vst v2  }
0x231: {  	s1 =	sadd.s32 $0x1, s1;
	s25 =	sadd.s32 $0x1, s25;
	[tilespmem:s9+$0xFFFFFFC0] =	vst v0  }
0x232: {  	s1 =	simm.s32 $0x0;
	s0 =	rddreg [dreg:$0x16]  }
0x233: {  	[hbm4b:s0+s1] =	stream.linear.scatter [tilespmem:s1], [sflag:$0x5], $0x4800, $0x38;
	[tilespmem:$0x1F800] =	vst v63  }
0x234: {  	_ =	swait.ge [sflag:s16], $0x4800  }
0x235: {  	[sflag:s16] =	ssyncset.done $0x0  }
0x236: {  	[sflag:s16] =	ssyncadd.s32 $0xFFFFB800  }
0x237: {  	_ =	swait.ge [sflag:s23], $0x4800  }
0x238: {  	[sflag:s23] =	ssyncset.done $0x0  }
0x239: {  	s0 =	simm.s32 $0x0;
	s31 =	rddreg [dreg:$0x1d];
	[sflag:s23] =	ssyncadd.s32 $0xFFFFB800  }
0x23a: {  	[tilespmem:s17], [sflag:$0x4] =	stream.linear.gather [hbm4b:s31+s1], $0x4800, $0x38;
	[tilespmem:$0x1F800] =	vst v63  }
.LBB2_38:
0x23b: {  	s5 =	sshrl.u32 s0, $0x3  }
0x23c: {  	s9 =	sand.u32 $0x7, s1;
	s5 =	smul.u32 $0x6000, s5  }
0x23d: {  	s9 =	sshll.u32 s9, $0x9  }
0x23e: {  	s5 =	sor.u32 s9, s5  }
0x23f: {  	s5 =	sshra.s32 s5, $0x2  }
0x240: {  	s9 =	sadd.s32 $0x4840, s5  }
0x241: {  	s10 =	sadd.s32 $0x12040, s5;
	v1 =	vld [tilespmem:s9+$0x30]  }
0x242: {  	v2 =	vld [tilespmem:s10+$0x30]  }
0x243: {  	v0 =	vld [tilespmem:s10+$0xFFFFFFC0]  }
0x244: {  	v3 =	vld [tilespmem:s9+$0xFFFFFFD0]  }
0x245: {  	v4 =	vld [tilespmem:s10+$0xFFFFFFD0]  }
0x246: {  	v5 =	vld [tilespmem:s9+$0xFFFFFFE0]  }
0x247: {  	v6 =	vld [tilespmem:s10+$0xFFFFFFE0]  }
0x248: {  	v7 =	vld [tilespmem:s9+$0xFFFFFFF0]  }
0x249: {  	v8 =	vld [tilespmem:s10+$0xFFFFFFF0]  }
0x24a: {  	v9 =	vld [tilespmem:s9+$0x0]  }
0x24b: {  	v10 =	vld [tilespmem:s10+$0x0];
	v2 =	vadd.f32 v2, v1  }
0x24c: {  	v4 =	vadd.f32 v4, v3;
	v1 =	vld [tilespmem:s9+$0x10]  }
0x24d: {  	v5 =	vadd.f32 v6, v5;
	v3 =	vld [tilespmem:s10+$0x10];
	[tilespmem:s9+$0x30] =	vst v2  }
0x24e: {  	v6 =	vadd.f32 v8, v7;
	[tilespmem:s9+$0xFFFFFFD0] =	vst v4;
	v2 =	vld [tilespmem:s9+$0x20]  }
0x24f: {  	[tilespmem:s9+$0xFFFFFFE0] =	vst v5;
	v5 =	vld [tilespmem:s10+$0x20]  }
0x250: {  	s14 =	simm.s32 $0x0;
	s24 =	sadd.s32 $0x400, s9;
	v4 =	vld [tilespmem:s9+$0xFFFFFFC0];
	[tilespmem:s9+$0xFFFFFFF0] =	vst v6;
	v6 =	vadd.f32 v10, v9  }
.LBB2_39:
0x251: {  	v7 =	vld [tilespmem:s24+$0x30];
	s10 =	sadd.s32 $0x400, s10  }
0x252: {  	s14 =	sadd.s32 $0x80, s14;
	v8 =	vld [tilespmem:s10+$0x30];
	[tilespmem:s9+$0x0] =	vst v6;
	v1 =	vadd.f32 v3, v1  }
0x253: {  	p0 =	slt.u32 s14, $0x280;
	v3 =	vld [tilespmem:s10+$0xFFFFFFC0]  }
0x254: {  	v6 =	vld [tilespmem:s24+$0xFFFFFFD0];
	[tilespmem:s9+$0x10] =	vst v1;
	v1 =	vadd.f32 v5, v2  }
0x255: {  	v2 =	vld [tilespmem:s10+$0xFFFFFFD0];
	v9 =	vadd.f32 v0, v4  }
0x256: {  	v4 =	vld [tilespmem:s24+$0xFFFFFFE0];
	[tilespmem:s9+$0x20] =	vst v1  }
0x257: {  	v1 =	vld [tilespmem:s10+$0xFFFFFFE0];
	v5 =	vadd.f32 v8, v7;
	[tilespmem:s9+$0xFFFFFFC0] =	vst v9;
	s9 =	smov.u32 s24  }
0x258: {  	v7 =	vld [tilespmem:s24+$0xFFFFFFF0];
	v0 =	vmov v3  }
0x259: {  	v8 =	vld [tilespmem:s10+$0xFFFFFFF0];
	[tilespmem:s24+$0x30] =	vst v5  }
0x25a: {  	v2 =	vadd.f32 v2, v6;
	v6 =	vld [tilespmem:s24+$0x0]  }
0x25b: {  	v9 =	vld [tilespmem:s10+$0x0]  }
.Ltmp18:
0x25c: {  	[tilespmem:s24+$0xFFFFFFD0] =	vst v2;
	v2 =	vadd.f32 v1, v4;
	v1 =	vld [tilespmem:s24+$0x10];
	(pc) =	sbr.rel @p0 .LBB2_39-.Ltmp18, $4  }
0x25d: {  	v3 =	vld [tilespmem:s10+$0x10]  }
0x25e: {  	[tilespmem:s24+$0xFFFFFFE0] =	vst v2;
	v7 =	vadd.f32 v8, v7;
	v2 =	vld [tilespmem:s24+$0x20]  }
0x25f: {  	v5 =	vld [tilespmem:s10+$0x20]  }
0x260: {  	s24 =	sadd.s32 $0x400, s24;
	v4 =	vld [tilespmem:s9+$0xFFFFFFC0];
	[tilespmem:s9+$0xFFFFFFF0] =	vst v7;
	v6 =	vadd.f32 v9, v6  }
0x261: {  	s0 =	sadd.s32 $0x1, s0  }
0x262: {  	p0 =	sne.s32 s0, $0x18  }
.Ltmp19:
0x263: {  	v1 =	vadd.f32 v3, v1;
	(pc) =	sbr.rel @p0 .LBB2_38-.Ltmp19, $4  }
0x264: {  	[tilespmem:s9+$0x0] =	vst v6;
	v2 =	vadd.f32 v5, v2  }
0x265: {  	[tilespmem:s9+$0x10] =	vst v1;
	v0 =	vadd.f32 v0, v4  }
0x266: {  	[tilespmem:s9+$0x20] =	vst v2  }
0x267: {  	s1 =	sadd.s32 $0x1, s1;
	[tilespmem:s9+$0xFFFFFFC0] =	vst v0  }
0x268: {  	s1 =	simm.s32 $0x0;
	s0 =	rddreg [dreg:$0x18]  }
0x269: {  	[hbm4b:s0+s1] =	stream.linear.scatter [tilespmem:s13], [sflag:$0x6], $0x4800, $0x38;
	[tilespmem:$0x1F800] =	vst v63  }
0x26a: {  	_ =	swait.ge [sflag:s18], $0x4800  }
0x26b: {  	[sflag:s18] =	ssyncset.done $0x0  }
0x26c: {  	[sflag:s18] =	ssyncadd.s32 $0xFFFFB800  }
0x26d: {  	_ =	swait.ge [sflag:s19], $0x4800  }
0x26e: {  	s25 =	simm.s32 $0x18;
	[sflag:s19] =	ssyncset.done $0x0  }
0x26f: {  	s0 =	simm.s32 $0x0;
	s31 =	rddreg [dreg:$0x19];
	[sflag:s19] =	ssyncadd.s32 $0xFFFFB800  }
0x270: {  	[tilespmem:s1], [sflag:$0x1] =	stream.linear.gather [hbm4b:s31+s1], $0x4800, $0x38;
	[tilespmem:$0x1F800] =	vst v63  }
.LBB2_42:
0x271: {  	s5 =	sshrl.u32 s0, $0x3  }
0x272: {  	s9 =	sshll.u32 s1, $0x9;
	s10 =	sshrl.u32 s25, $0x3;
	s5 =	smul.u32 $0x6000, s5  }
0x273: {  	s9 =	sand.u32 $0xE00, s9;
	s10 =	smul.u32 $0x6000, s10  }
0x274: {  	s5 =	sor.u32 s9, s5  }
0x275: {  	s10 =	sor.u32 s9, s10;
	s5 =	sshra.s32 s5, $0x2  }
0x276: {  	s31 =	sshra.s32 s10, $0x2;
	s9 =	sadd.s32 $0x9040, s5  }
0x277: {  	s10 =	sadd.s32 $0x12040, s31;
	v1 =	vld [tilespmem:s9+$0x30]  }
0x278: {  	v2 =	vld [tilespmem:s10+$0x30]  }
0x279: {  	v0 =	vld [tilespmem:s10+$0xFFFFFFC0]  }
0x27a: {  	v3 =	vld [tilespmem:s9+$0xFFFFFFD0]  }
0x27b: {  	v4 =	vld [tilespmem:s10+$0xFFFFFFD0]  }
0x27c: {  	v5 =	vld [tilespmem:s9+$0xFFFFFFE0]  }
0x27d: {  	v6 =	vld [tilespmem:s10+$0xFFFFFFE0]  }
0x27e: {  	v7 =	vld [tilespmem:s9+$0xFFFFFFF0]  }
0x27f: {  	v8 =	vld [tilespmem:s10+$0xFFFFFFF0]  }
0x280: {  	v9 =	vld [tilespmem:s9+$0x0]  }
0x281: {  	v10 =	vld [tilespmem:s10+$0x0];
	v2 =	vadd.f32 v2, v1  }
0x282: {  	v4 =	vadd.f32 v4, v3;
	v1 =	vld [tilespmem:s9+$0x10]  }
0x283: {  	v5 =	vadd.f32 v6, v5;
	v3 =	vld [tilespmem:s10+$0x10];
	[tilespmem:s9+$0x30] =	vst v2  }
0x284: {  	v6 =	vadd.f32 v8, v7;
	[tilespmem:s9+$0xFFFFFFD0] =	vst v4;
	v2 =	vld [tilespmem:s9+$0x20]  }
0x285: {  	[tilespmem:s9+$0xFFFFFFE0] =	vst v5;
	v5 =	vld [tilespmem:s10+$0x20]  }
0x286: {  	s14 =	simm.s32 $0x0;
	s24 =	sadd.s32 $0x400, s9;
	v4 =	vld [tilespmem:s9+$0xFFFFFFC0];
	[tilespmem:s9+$0xFFFFFFF0] =	vst v6;
	v6 =	vadd.f32 v10, v9  }
.LBB2_43:
0x287: {  	v7 =	vld [tilespmem:s24+$0x30];
	s10 =	sadd.s32 $0x400, s10  }
0x288: {  	s14 =	sadd.s32 $0x80, s14;
	v8 =	vld [tilespmem:s10+$0x30];
	[tilespmem:s9+$0x0] =	vst v6;
	v1 =	vadd.f32 v3, v1  }
0x289: {  	p0 =	slt.u32 s14, $0x280;
	v3 =	vld [tilespmem:s10+$0xFFFFFFC0]  }
0x28a: {  	v6 =	vld [tilespmem:s24+$0xFFFFFFD0];
	[tilespmem:s9+$0x10] =	vst v1;
	v1 =	vadd.f32 v5, v2  }
0x28b: {  	v2 =	vld [tilespmem:s10+$0xFFFFFFD0];
	v9 =	vadd.f32 v0, v4  }
0x28c: {  	v4 =	vld [tilespmem:s24+$0xFFFFFFE0];
	[tilespmem:s9+$0x20] =	vst v1  }
0x28d: {  	v1 =	vld [tilespmem:s10+$0xFFFFFFE0];
	v5 =	vadd.f32 v8, v7;
	[tilespmem:s9+$0xFFFFFFC0] =	vst v9;
	s9 =	smov.u32 s24  }
0x28e: {  	v7 =	vld [tilespmem:s24+$0xFFFFFFF0];
	v0 =	vmov v3  }
0x28f: {  	v8 =	vld [tilespmem:s10+$0xFFFFFFF0];
	[tilespmem:s24+$0x30] =	vst v5  }
0x290: {  	v2 =	vadd.f32 v2, v6;
	v6 =	vld [tilespmem:s24+$0x0]  }
0x291: {  	v9 =	vld [tilespmem:s10+$0x0]  }
.Ltmp20:
0x292: {  	[tilespmem:s24+$0xFFFFFFD0] =	vst v2;
	v2 =	vadd.f32 v1, v4;
	v1 =	vld [tilespmem:s24+$0x10];
	(pc) =	sbr.rel @p0 .LBB2_43-.Ltmp20, $4  }
0x293: {  	v3 =	vld [tilespmem:s10+$0x10]  }
0x294: {  	[tilespmem:s24+$0xFFFFFFE0] =	vst v2;
	v7 =	vadd.f32 v8, v7;
	v2 =	vld [tilespmem:s24+$0x20]  }
0x295: {  	v5 =	vld [tilespmem:s10+$0x20]  }
0x296: {  	s24 =	sadd.s32 $0x400, s24;
	v4 =	vld [tilespmem:s9+$0xFFFFFFC0];
	[tilespmem:s9+$0xFFFFFFF0] =	vst v7;
	v6 =	vadd.f32 v9, v6  }
0x297: {  	s0 =	sadd.s32 $0x1, s0  }
0x298: {  	p0 =	sne.s32 s0, $0x18  }
.Ltmp21:
0x299: {  	v1 =	vadd.f32 v3, v1;
	(pc) =	sbr.rel @p0 .LBB2_42-.Ltmp21, $4  }
0x29a: {  	[tilespmem:s9+$0x0] =	vst v6;
	v2 =	vadd.f32 v5, v2  }
0x29b: {  	[tilespmem:s9+$0x10] =	vst v1;
	v0 =	vadd.f32 v0, v4  }
0x29c: {  	[tilespmem:s9+$0x20] =	vst v2  }
0x29d: {  	s1 =	sadd.s32 $0x1, s1;
	s25 =	sadd.s32 $0x1, s25;
	[tilespmem:s9+$0xFFFFFFC0] =	vst v0  }
0x29e: {  	s1 =	simm.s32 $0x0;
	s0 =	rddreg [dreg:$0x1b]  }
0x29f: {  	[hbm4b:s0+s1] =	stream.linear.scatter [tilespmem:s15], [sflag:$0x7], $0x4800, $0x38;
	[tilespmem:$0x1F800] =	vst v63  }
0x2a0: {  	_ =	swait.ge [sflag:s20], $0x4800  }
0x2a1: {  	[sflag:s20] =	ssyncset.done $0x0  }
0x2a2: {  	[sflag:s20] =	ssyncadd.s32 $0xFFFFB800  }
0x2a3: {  	_ =	swait.ge [sflag:s21], $0x4800  }
0x2a4: {  	s25 =	simm.s32 $0x30;
	[sflag:s21] =	ssyncset.done $0x0  }
0x2a5: {  	s0 =	simm.s32 $0x0;
	s31 =	rddreg [dreg:$0x1c];
	[sflag:s21] =	ssyncadd.s32 $0xFFFFB800  }
0x2a6: {  	[tilespmem:s13], [sflag:$0x2] =	stream.linear.gather [hbm4b:s31+s1], $0x4800, $0x38;
	[tilespmem:$0x1F800] =	vst v63  }
.LBB2_46:
0x2a7: {  	s5 =	sshrl.u32 s0, $0x3  }
0x2a8: {  	s9 =	sshll.u32 s1, $0x9;
	s10 =	sshrl.u32 s25, $0x3;
	s5 =	smul.u32 $0x6000, s5  }
0x2a9: {  	s9 =	sand.u32 $0xE00, s9;
	s10 =	smul.u32 $0x6000, s10  }
0x2aa: {  	s5 =	sor.u32 s9, s5  }
0x2ab: {  	s10 =	sor.u32 s9, s10;
	s5 =	sshra.s32 s5, $0x2  }
0x2ac: {  	s31 =	sshra.s32 s10, $0x2;
	s9 =	sadd.s32 $0xD840, s5  }
0x2ad: {  	s10 =	sadd.s32 $0x12040, s31;
	v1 =	vld [tilespmem:s9+$0x30]  }
0x2ae: {  	v2 =	vld [tilespmem:s10+$0x30]  }
0x2af: {  	v0 =	vld [tilespmem:s10+$0xFFFFFFC0]  }
0x2b0: {  	v3 =	vld [tilespmem:s9+$0xFFFFFFD0]  }
0x2b1: {  	v4 =	vld [tilespmem:s10+$0xFFFFFFD0]  }
0x2b2: {  	v5 =	vld [tilespmem:s9+$0xFFFFFFE0]  }
0x2b3: {  	v6 =	vld [tilespmem:s10+$0xFFFFFFE0]  }
0x2b4: {  	v7 =	vld [tilespmem:s9+$0xFFFFFFF0]  }
0x2b5: {  	v8 =	vld [tilespmem:s10+$0xFFFFFFF0]  }
0x2b6: {  	v9 =	vld [tilespmem:s9+$0x0]  }
0x2b7: {  	v10 =	vld [tilespmem:s10+$0x0];
	v2 =	vadd.f32 v2, v1  }
0x2b8: {  	v4 =	vadd.f32 v4, v3;
	v1 =	vld [tilespmem:s9+$0x10]  }
0x2b9: {  	v5 =	vadd.f32 v6, v5;
	v3 =	vld [tilespmem:s10+$0x10];
	[tilespmem:s9+$0x30] =	vst v2  }
0x2ba: {  	v6 =	vadd.f32 v8, v7;
	[tilespmem:s9+$0xFFFFFFD0] =	vst v4;
	v2 =	vld [tilespmem:s9+$0x20]  }
0x2bb: {  	[tilespmem:s9+$0xFFFFFFE0] =	vst v5;
	v5 =	vld [tilespmem:s10+$0x20]  }
0x2bc: {  	s14 =	simm.s32 $0x0;
	s24 =	sadd.s32 $0x400, s9;
	v4 =	vld [tilespmem:s9+$0xFFFFFFC0];
	[tilespmem:s9+$0xFFFFFFF0] =	vst v6;
	v6 =	vadd.f32 v10, v9  }
.LBB2_47:
0x2bd: {  	v7 =	vld [tilespmem:s24+$0x30];
	s10 =	sadd.s32 $0x400, s10  }
0x2be: {  	s14 =	sadd.s32 $0x80, s14;
	v8 =	vld [tilespmem:s10+$0x30];
	[tilespmem:s9+$0x0] =	vst v6;
	v1 =	vadd.f32 v3, v1  }
0x2bf: {  	p0 =	slt.u32 s14, $0x280;
	v3 =	vld [tilespmem:s10+$0xFFFFFFC0]  }
0x2c0: {  	v6 =	vld [tilespmem:s24+$0xFFFFFFD0];
	[tilespmem:s9+$0x10] =	vst v1;
	v1 =	vadd.f32 v5, v2  }
0x2c1: {  	v2 =	vld [tilespmem:s10+$0xFFFFFFD0];
	v9 =	vadd.f32 v0, v4  }
0x2c2: {  	v4 =	vld [tilespmem:s24+$0xFFFFFFE0];
	[tilespmem:s9+$0x20] =	vst v1  }
0x2c3: {  	v1 =	vld [tilespmem:s10+$0xFFFFFFE0];
	v5 =	vadd.f32 v8, v7;
	[tilespmem:s9+$0xFFFFFFC0] =	vst v9;
	s9 =	smov.u32 s24  }
0x2c4: {  	v7 =	vld [tilespmem:s24+$0xFFFFFFF0];
	v0 =	vmov v3  }
0x2c5: {  	v8 =	vld [tilespmem:s10+$0xFFFFFFF0];
	[tilespmem:s24+$0x30] =	vst v5  }
0x2c6: {  	v2 =	vadd.f32 v2, v6;
	v6 =	vld [tilespmem:s24+$0x0]  }
0x2c7: {  	v9 =	vld [tilespmem:s10+$0x0]  }
.Ltmp22:
0x2c8: {  	[tilespmem:s24+$0xFFFFFFD0] =	vst v2;
	v2 =	vadd.f32 v1, v4;
	v1 =	vld [tilespmem:s24+$0x10];
	(pc) =	sbr.rel @p0 .LBB2_47-.Ltmp22, $4  }
0x2c9: {  	v3 =	vld [tilespmem:s10+$0x10]  }
0x2ca: {  	[tilespmem:s24+$0xFFFFFFE0] =	vst v2;
	v7 =	vadd.f32 v8, v7;
	v2 =	vld [tilespmem:s24+$0x20]  }
0x2cb: {  	v5 =	vld [tilespmem:s10+$0x20]  }
0x2cc: {  	s24 =	sadd.s32 $0x400, s24;
	v4 =	vld [tilespmem:s9+$0xFFFFFFC0];
	[tilespmem:s9+$0xFFFFFFF0] =	vst v7;
	v6 =	vadd.f32 v9, v6  }
0x2cd: {  	s0 =	sadd.s32 $0x1, s0  }
0x2ce: {  	p0 =	sne.s32 s0, $0x18  }
.Ltmp23:
0x2cf: {  	v1 =	vadd.f32 v3, v1;
	(pc) =	sbr.rel @p0 .LBB2_46-.Ltmp23, $4  }
0x2d0: {  	[tilespmem:s9+$0x0] =	vst v6;
	v2 =	vadd.f32 v5, v2  }
0x2d1: {  	[tilespmem:s9+$0x10] =	vst v1;
	v0 =	vadd.f32 v0, v4  }
0x2d2: {  	[tilespmem:s9+$0x20] =	vst v2  }
0x2d3: {  	s1 =	sadd.s32 $0x1, s1;
	s25 =	sadd.s32 $0x1, s25;
	[tilespmem:s9+$0xFFFFFFC0] =	vst v0  }
0x2d4: {  	s0 =	rddreg [dreg:$0x1e];
	s25 =	simm.s32 $0x4;
	p1 =	por $0x1, $0x1  }
0x2d5: {  	[hbm4b:s0+s26] =	stream.linear.scatter [tilespmem:s17], [sflag:$0x8], $0x4800, $0x38;
	[tilespmem:$0x1F800] =	vst v63  }
.LBB2_50:
0x2d6: {  	_ =	swait.ge [sflag:s11], $0x4800;
	s0 =	sor.u32 s8, s25  }
0x2d7: {  	[sflag:s11] =	ssyncset.done $0x0;
	s26 =	smul.u32 $0x6C000, s0  }
0x2d8: {  	[sflag:s11] =	ssyncadd.s32 $0xFFFFB800  }
0x2d9: {  	_ =	swait.ge [sflag:s22], $0x4800;
	s0 =	sadd.s32 s7, s26  }
0x2da: {  	[sflag:s22] =	ssyncset.done $0x0;
	s28 =	sshrl.u32 s0, $0x3  }
0x2db: {  	s0 =	simm.s32 $0x0;
	[sflag:s22] =	ssyncadd.s32 $0xFFFFB800;
	s1 =	sadd.s32 s2, s28  }
0x2dc: {  	[tilespmem:s15], [sflag:$0x3] =	stream.linear.gather [hbm4b:s1+s0], $0x4800, $0x38;
	[tilespmem:$0x1F800] =	vst v63  }
0x2dd: {  	p0 =	por p1, p1;
	s1 =	simm.s32 $0x0  }
.LBB2_51:
0x2de: {  	s5 =	sshrl.u32 s1, $0x3  }
0x2df: {  	s9 =	sand.u32 $0x7, s0;
	s5 =	smul.u32 $0x6000, s5  }
0x2e0: {  	s9 =	sshll.u32 s9, $0x9  }
0x2e1: {  	s5 =	sor.u32 s9, s5  }
0x2e2: {  	s5 =	sshra.s32 s5, $0x2  }
0x2e3: {  	s9 =	sor.u32 $0x40, s5  }
0x2e4: {  	s10 =	sadd.s32 $0x12040, s5;
	v1 =	vld [tilespmem:s9+$0x30]  }
0x2e5: {  	v2 =	vld [tilespmem:s10+$0x30]  }
0x2e6: {  	v0 =	vld [tilespmem:s10+$0xFFFFFFC0]  }
0x2e7: {  	v3 =	vld [tilespmem:s9+$0xFFFFFFD0]  }
0x2e8: {  	v4 =	vld [tilespmem:s10+$0xFFFFFFD0]  }
0x2e9: {  	v5 =	vld [tilespmem:s9+$0xFFFFFFE0]  }
0x2ea: {  	v6 =	vld [tilespmem:s10+$0xFFFFFFE0]  }
0x2eb: {  	v7 =	vld [tilespmem:s9+$0xFFFFFFF0]  }
0x2ec: {  	v8 =	vld [tilespmem:s10+$0xFFFFFFF0]  }
0x2ed: {  	v9 =	vld [tilespmem:s9+$0x0]  }
0x2ee: {  	v10 =	vld [tilespmem:s10+$0x0];
	v2 =	vadd.f32 v2, v1  }
0x2ef: {  	v4 =	vadd.f32 v4, v3;
	v1 =	vld [tilespmem:s9+$0x10]  }
0x2f0: {  	v5 =	vadd.f32 v6, v5;
	v3 =	vld [tilespmem:s10+$0x10];
	[tilespmem:s9+$0x30] =	vst v2  }
0x2f1: {  	v6 =	vadd.f32 v8, v7;
	[tilespmem:s9+$0xFFFFFFD0] =	vst v4;
	v2 =	vld [tilespmem:s9+$0x20]  }
0x2f2: {  	[tilespmem:s9+$0xFFFFFFE0] =	vst v5;
	v5 =	vld [tilespmem:s10+$0x20]  }
0x2f3: {  	s14 =	simm.s32 $0x0;
	s24 =	sadd.s32 $0x400, s9;
	v4 =	vld [tilespmem:s9+$0xFFFFFFC0];
	[tilespmem:s9+$0xFFFFFFF0] =	vst v6;
	v6 =	vadd.f32 v10, v9  }
.LBB2_52:
0x2f4: {  	v7 =	vld [tilespmem:s24+$0x30];
	s10 =	sadd.s32 $0x400, s10  }
0x2f5: {  	s14 =	sadd.s32 $0x80, s14;
	v8 =	vld [tilespmem:s10+$0x30];
	[tilespmem:s9+$0x0] =	vst v6;
	v1 =	vadd.f32 v3, v1  }
0x2f6: {  	p1 =	slt.u32 s14, $0x280;
	v3 =	vld [tilespmem:s10+$0xFFFFFFC0]  }
0x2f7: {  	v6 =	vld [tilespmem:s24+$0xFFFFFFD0];
	[tilespmem:s9+$0x10] =	vst v1;
	v1 =	vadd.f32 v5, v2  }
0x2f8: {  	v2 =	vld [tilespmem:s10+$0xFFFFFFD0];
	v9 =	vadd.f32 v0, v4  }
0x2f9: {  	v4 =	vld [tilespmem:s24+$0xFFFFFFE0];
	[tilespmem:s9+$0x20] =	vst v1  }
0x2fa: {  	v1 =	vld [tilespmem:s10+$0xFFFFFFE0];
	v5 =	vadd.f32 v8, v7;
	[tilespmem:s9+$0xFFFFFFC0] =	vst v9;
	s9 =	smov.u32 s24  }
0x2fb: {  	v7 =	vld [tilespmem:s24+$0xFFFFFFF0];
	v0 =	vmov v3  }
0x2fc: {  	v8 =	vld [tilespmem:s10+$0xFFFFFFF0];
	[tilespmem:s24+$0x30] =	vst v5  }
0x2fd: {  	v2 =	vadd.f32 v2, v6;
	v6 =	vld [tilespmem:s24+$0x0]  }
0x2fe: {  	v9 =	vld [tilespmem:s10+$0x0]  }
.Ltmp24:
0x2ff: {  	[tilespmem:s24+$0xFFFFFFD0] =	vst v2;
	v2 =	vadd.f32 v1, v4;
	v1 =	vld [tilespmem:s24+$0x10];
	(pc) =	sbr.rel @p1 .LBB2_52-.Ltmp24, $4  }
0x300: {  	v3 =	vld [tilespmem:s10+$0x10]  }
0x301: {  	[tilespmem:s24+$0xFFFFFFE0] =	vst v2;
	v7 =	vadd.f32 v8, v7;
	v2 =	vld [tilespmem:s24+$0x20]  }
0x302: {  	v5 =	vld [tilespmem:s10+$0x20]  }
0x303: {  	s24 =	sadd.s32 $0x400, s24;
	v4 =	vld [tilespmem:s9+$0xFFFFFFC0];
	[tilespmem:s9+$0xFFFFFFF0] =	vst v7;
	v6 =	vadd.f32 v9, v6  }
0x304: {  	s1 =	sadd.s32 $0x1, s1  }
0x305: {  	p1 =	sne.s32 s1, $0x18  }
.Ltmp25:
0x306: {  	v1 =	vadd.f32 v3, v1;
	(pc) =	sbr.rel @p1 .LBB2_51-.Ltmp25, $4  }
0x307: {  	[tilespmem:s9+$0x0] =	vst v6;
	v2 =	vadd.f32 v5, v2  }
0x308: {  	[tilespmem:s9+$0x10] =	vst v1;
	v0 =	vadd.f32 v0, v4  }
0x309: {  	[tilespmem:s9+$0x20] =	vst v2  }
0x30a: {  	s0 =	sadd.s32 $0x1, s0;
	[tilespmem:s9+$0xFFFFFFC0] =	vst v0  }
0x30b: {  	s0 =	sadd.s32 s4, s26  }
0x30c: {  	s0 =	sshrl.u32 s0, $0x3  }
0x30d: {  	s1 =	simm.s32 $0x0;
	s0 =	sadd.s32 s3, s0  }
0x30e: {  	[hbm4b:s0+s1] =	stream.linear.scatter [tilespmem:s1], [sflag:$0x5], $0x4800, $0x38;
	[tilespmem:$0x1F800] =	vst v63  }
0x30f: {  	_ =	swait.ge [sflag:s16], $0x4800  }
0x310: {  	[sflag:s16] =	ssyncset.done $0x0  }
0x311: {  	s31 =	sadd.s32 $0x6C000, s26;
	[sflag:s16] =	ssyncadd.s32 $0xFFFFB800  }
0x312: {  	s24 =	sadd.s32 s4, s31;
	_ =	swait.ge [sflag:s23], $0x4800  }
0x313: {  	s29 =	sshrl.u32 s24, $0x3;
	[sflag:s23] =	ssyncset.done $0x0  }
0x314: {  	s0 =	sadd.s32 s2, s29;
	[sflag:s23] =	ssyncadd.s32 $0xFFFFB800  }
0x315: {  	[tilespmem:s17], [sflag:$0x4] =	stream.linear.gather [hbm4b:s0+s1], $0x4800, $0x38;
	[tilespmem:$0x1F800] =	vst v63  }
0x316: {  	s30 =	simm.s32 $0x18;
	s0 =	simm.s32 $0x0  }
.LBB2_55:
0x317: {  	s5 =	sshrl.u32 s0, $0x3  }
0x318: {  	s9 =	sshll.u32 s1, $0x9;
	s10 =	sshrl.u32 s30, $0x3;
	s5 =	smul.u32 $0x6000, s5  }
0x319: {  	s9 =	sand.u32 $0xE00, s9;
	s10 =	smul.u32 $0x6000, s10  }
0x31a: {  	s5 =	sor.u32 s9, s5  }
0x31b: {  	s10 =	sor.u32 s9, s10;
	s5 =	sshra.s32 s5, $0x2  }
0x31c: {  	s24 =	sshra.s32 s10, $0x2;
	s9 =	sadd.s32 $0x4840, s5  }
0x31d: {  	s10 =	sadd.s32 $0x12040, s24;
	v1 =	vld [tilespmem:s9+$0x30]  }
0x31e: {  	v2 =	vld [tilespmem:s10+$0x30]  }
0x31f: {  	v0 =	vld [tilespmem:s10+$0xFFFFFFC0]  }
0x320: {  	v3 =	vld [tilespmem:s9+$0xFFFFFFD0]  }
0x321: {  	v4 =	vld [tilespmem:s10+$0xFFFFFFD0]  }
0x322: {  	v5 =	vld [tilespmem:s9+$0xFFFFFFE0]  }
0x323: {  	v6 =	vld [tilespmem:s10+$0xFFFFFFE0]  }
0x324: {  	v7 =	vld [tilespmem:s9+$0xFFFFFFF0]  }
0x325: {  	v8 =	vld [tilespmem:s10+$0xFFFFFFF0]  }
0x326: {  	v9 =	vld [tilespmem:s9+$0x0]  }
0x327: {  	v10 =	vld [tilespmem:s10+$0x0];
	v2 =	vadd.f32 v2, v1  }
0x328: {  	v4 =	vadd.f32 v4, v3;
	v1 =	vld [tilespmem:s9+$0x10]  }
0x329: {  	v5 =	vadd.f32 v6, v5;
	v3 =	vld [tilespmem:s10+$0x10];
	[tilespmem:s9+$0x30] =	vst v2  }
0x32a: {  	v6 =	vadd.f32 v8, v7;
	[tilespmem:s9+$0xFFFFFFD0] =	vst v4;
	v2 =	vld [tilespmem:s9+$0x20]  }
0x32b: {  	[tilespmem:s9+$0xFFFFFFE0] =	vst v5;
	v5 =	vld [tilespmem:s10+$0x20]  }
0x32c: {  	s14 =	simm.s32 $0x0;
	s24 =	sadd.s32 $0x400, s9;
	v4 =	vld [tilespmem:s9+$0xFFFFFFC0];
	[tilespmem:s9+$0xFFFFFFF0] =	vst v6;
	v6 =	vadd.f32 v10, v9  }
.LBB2_56:
0x32d: {  	v7 =	vld [tilespmem:s24+$0x30];
	s10 =	sadd.s32 $0x400, s10  }
0x32e: {  	s14 =	sadd.s32 $0x80, s14;
	v8 =	vld [tilespmem:s10+$0x30];
	[tilespmem:s9+$0x0] =	vst v6;
	v1 =	vadd.f32 v3, v1  }
0x32f: {  	p1 =	slt.u32 s14, $0x280;
	v3 =	vld [tilespmem:s10+$0xFFFFFFC0]  }
0x330: {  	v6 =	vld [tilespmem:s24+$0xFFFFFFD0];
	[tilespmem:s9+$0x10] =	vst v1;
	v1 =	vadd.f32 v5, v2  }
0x331: {  	v2 =	vld [tilespmem:s10+$0xFFFFFFD0];
	v9 =	vadd.f32 v0, v4  }
0x332: {  	v4 =	vld [tilespmem:s24+$0xFFFFFFE0];
	[tilespmem:s9+$0x20] =	vst v1  }
0x333: {  	v1 =	vld [tilespmem:s10+$0xFFFFFFE0];
	v5 =	vadd.f32 v8, v7;
	[tilespmem:s9+$0xFFFFFFC0] =	vst v9;
	s9 =	smov.u32 s24  }
0x334: {  	v7 =	vld [tilespmem:s24+$0xFFFFFFF0];
	v0 =	vmov v3  }
0x335: {  	v8 =	vld [tilespmem:s10+$0xFFFFFFF0];
	[tilespmem:s24+$0x30] =	vst v5  }
0x336: {  	v2 =	vadd.f32 v2, v6;
	v6 =	vld [tilespmem:s24+$0x0]  }
0x337: {  	v9 =	vld [tilespmem:s10+$0x0]  }
.Ltmp26:
0x338: {  	[tilespmem:s24+$0xFFFFFFD0] =	vst v2;
	v2 =	vadd.f32 v1, v4;
	v1 =	vld [tilespmem:s24+$0x10];
	(pc) =	sbr.rel @p1 .LBB2_56-.Ltmp26, $4  }
0x339: {  	v3 =	vld [tilespmem:s10+$0x10]  }
0x33a: {  	[tilespmem:s24+$0xFFFFFFE0] =	vst v2;
	v7 =	vadd.f32 v8, v7;
	v2 =	vld [tilespmem:s24+$0x20]  }
0x33b: {  	v5 =	vld [tilespmem:s10+$0x20]  }
0x33c: {  	s24 =	sadd.s32 $0x400, s24;
	v4 =	vld [tilespmem:s9+$0xFFFFFFC0];
	[tilespmem:s9+$0xFFFFFFF0] =	vst v7;
	v6 =	vadd.f32 v9, v6  }
0x33d: {  	s0 =	sadd.s32 $0x1, s0  }
0x33e: {  	p1 =	sne.s32 s0, $0x18  }
.Ltmp27:
0x33f: {  	v1 =	vadd.f32 v3, v1;
	(pc) =	sbr.rel @p1 .LBB2_55-.Ltmp27, $4  }
0x340: {  	[tilespmem:s9+$0x0] =	vst v6;
	v2 =	vadd.f32 v5, v2  }
0x341: {  	[tilespmem:s9+$0x10] =	vst v1;
	v0 =	vadd.f32 v0, v4  }
0x342: {  	[tilespmem:s9+$0x20] =	vst v2  }
0x343: {  	s1 =	sadd.s32 $0x1, s1;
	s30 =	sadd.s32 $0x1, s30;
	[tilespmem:s9+$0xFFFFFFC0] =	vst v0  }
0x344: {  	s0 =	sadd.s32 s6, s26  }
0x345: {  	s0 =	sshrl.u32 s0, $0x3  }
0x346: {  	s1 =	simm.s32 $0x0;
	s0 =	sadd.s32 s3, s0  }
0x347: {  	[hbm4b:s0+s1] =	stream.linear.scatter [tilespmem:s13], [sflag:$0x6], $0x4800, $0x38;
	[tilespmem:$0x1F800] =	vst v63  }
0x348: {  	_ =	swait.ge [sflag:s18], $0x4800  }
0x349: {  	[sflag:s18] =	ssyncset.done $0x0  }
0x34a: {  	[sflag:s18] =	ssyncadd.s32 $0xFFFFB800  }
0x34b: {  	s24 =	sadd.s32 s6, s31;
	_ =	swait.ge [sflag:s19], $0x4800  }
0x34c: {  	s30 =	sshrl.u32 s24, $0x3;
	[sflag:s19] =	ssyncset.done $0x0  }
0x34d: {  	s0 =	sadd.s32 s2, s30;
	[sflag:s19] =	ssyncadd.s32 $0xFFFFB800  }
0x34e: {  	[tilespmem:s1], [sflag:$0x1] =	stream.linear.gather [hbm4b:s0+s1], $0x4800, $0x38;
	[tilespmem:$0x1F800] =	vst v63  }
0x34f: {  	s9 =	simm.s32 $0x0;
	s0 =	simm.s32 $0x30  }
.LBB2_59:
0x350: {  	s5 =	sshrl.u32 s9, $0x3  }
0x351: {  	s10 =	sshll.u32 s1, $0x9;
	s14 =	sshrl.u32 s0, $0x3;
	s5 =	smul.u32 $0x6000, s5  }
0x352: {  	s10 =	sand.u32 $0xE00, s10;
	s14 =	smul.u32 $0x6000, s14  }
0x353: {  	s5 =	sor.u32 s10, s5  }
0x354: {  	s14 =	sor.u32 s10, s14;
	s5 =	sshra.s32 s5, $0x2  }
0x355: {  	s24 =	sshra.s32 s14, $0x2;
	s10 =	sadd.s32 $0x9040, s5  }
0x356: {  	s14 =	sadd.s32 $0x12040, s24;
	v1 =	vld [tilespmem:s10+$0x30]  }
0x357: {  	v2 =	vld [tilespmem:s14+$0x30]  }
0x358: {  	v0 =	vld [tilespmem:s14+$0xFFFFFFC0]  }
0x359: {  	v3 =	vld [tilespmem:s10+$0xFFFFFFD0]  }
0x35a: {  	v4 =	vld [tilespmem:s14+$0xFFFFFFD0]  }
0x35b: {  	v5 =	vld [tilespmem:s10+$0xFFFFFFE0]  }
0x35c: {  	v6 =	vld [tilespmem:s14+$0xFFFFFFE0]  }
0x35d: {  	v7 =	vld [tilespmem:s10+$0xFFFFFFF0]  }
0x35e: {  	v8 =	vld [tilespmem:s14+$0xFFFFFFF0]  }
0x35f: {  	v9 =	vld [tilespmem:s10+$0x0]  }
0x360: {  	v10 =	vld [tilespmem:s14+$0x0];
	v2 =	vadd.f32 v2, v1  }
0x361: {  	v4 =	vadd.f32 v4, v3;
	v1 =	vld [tilespmem:s10+$0x10]  }
0x362: {  	v5 =	vadd.f32 v6, v5;
	v3 =	vld [tilespmem:s14+$0x10];
	[tilespmem:s10+$0x30] =	vst v2  }
0x363: {  	v6 =	vadd.f32 v8, v7;
	[tilespmem:s10+$0xFFFFFFD0] =	vst v4;
	v2 =	vld [tilespmem:s10+$0x20]  }
0x364: {  	[tilespmem:s10+$0xFFFFFFE0] =	vst v5;
	v5 =	vld [tilespmem:s14+$0x20]  }
0x365: {  	s24 =	simm.s32 $0x0;
	s5 =	sadd.s32 $0x400, s10;
	v4 =	vld [tilespmem:s10+$0xFFFFFFC0];
	[tilespmem:s10+$0xFFFFFFF0] =	vst v6;
	v6 =	vadd.f32 v10, v9  }
.LBB2_60:
0x366: {  	v7 =	vld [tilespmem:s5+$0x30];
	s14 =	sadd.s32 $0x400, s14  }
0x367: {  	s24 =	sadd.s32 $0x80, s24;
	v8 =	vld [tilespmem:s14+$0x30];
	[tilespmem:s10+$0x0] =	vst v6;
	v1 =	vadd.f32 v3, v1  }
0x368: {  	p1 =	slt.u32 s24, $0x280;
	v3 =	vld [tilespmem:s14+$0xFFFFFFC0]  }
0x369: {  	v6 =	vld [tilespmem:s5+$0xFFFFFFD0];
	[tilespmem:s10+$0x10] =	vst v1;
	v1 =	vadd.f32 v5, v2  }
0x36a: {  	v2 =	vld [tilespmem:s14+$0xFFFFFFD0];
	v9 =	vadd.f32 v0, v4  }
0x36b: {  	v4 =	vld [tilespmem:s5+$0xFFFFFFE0];
	[tilespmem:s10+$0x20] =	vst v1  }
0x36c: {  	v1 =	vld [tilespmem:s14+$0xFFFFFFE0];
	v5 =	vadd.f32 v8, v7;
	[tilespmem:s10+$0xFFFFFFC0] =	vst v9;
	s10 =	smov.u32 s5  }
0x36d: {  	v7 =	vld [tilespmem:s5+$0xFFFFFFF0];
	v0 =	vmov v3  }
0x36e: {  	v8 =	vld [tilespmem:s14+$0xFFFFFFF0];
	[tilespmem:s5+$0x30] =	vst v5  }
0x36f: {  	v2 =	vadd.f32 v2, v6;
	v6 =	vld [tilespmem:s5+$0x0]  }
0x370: {  	v9 =	vld [tilespmem:s14+$0x0]  }
.Ltmp28:
0x371: {  	[tilespmem:s5+$0xFFFFFFD0] =	vst v2;
	v2 =	vadd.f32 v1, v4;
	v1 =	vld [tilespmem:s5+$0x10];
	(pc) =	sbr.rel @p1 .LBB2_60-.Ltmp28, $4  }
0x372: {  	v3 =	vld [tilespmem:s14+$0x10]  }
0x373: {  	[tilespmem:s5+$0xFFFFFFE0] =	vst v2;
	v7 =	vadd.f32 v8, v7;
	v2 =	vld [tilespmem:s5+$0x20]  }
0x374: {  	v5 =	vld [tilespmem:s14+$0x20]  }
0x375: {  	s5 =	sadd.s32 $0x400, s5;
	v4 =	vld [tilespmem:s10+$0xFFFFFFC0];
	[tilespmem:s10+$0xFFFFFFF0] =	vst v7;
	v6 =	vadd.f32 v9, v6  }
0x376: {  	s9 =	sadd.s32 $0x1, s9  }
0x377: {  	p1 =	sne.s32 s9, $0x18  }
.Ltmp29:
0x378: {  	v1 =	vadd.f32 v3, v1;
	(pc) =	sbr.rel @p1 .LBB2_59-.Ltmp29, $4  }
0x379: {  	[tilespmem:s10+$0x0] =	vst v6;
	v2 =	vadd.f32 v5, v2  }
0x37a: {  	[tilespmem:s10+$0x10] =	vst v1;
	v0 =	vadd.f32 v0, v4  }
0x37b: {  	[tilespmem:s10+$0x20] =	vst v2  }
0x37c: {  	s1 =	sadd.s32 $0x1, s1;
	s0 =	sadd.s32 $0x1, s0;
	[tilespmem:s10+$0xFFFFFFC0] =	vst v0  }
0x37d: {  	s0 =	sadd.s32 s3, s28;
	s1 =	simm.s32 $0x0  }
0x37e: {  	[hbm4b:s0+s1] =	stream.linear.scatter [tilespmem:s15], [sflag:$0x7], $0x4800, $0x38;
	[tilespmem:$0x1F800] =	vst v63  }
0x37f: {  	_ =	swait.ge [sflag:s20], $0x4800  }
0x380: {  	[sflag:s20] =	ssyncset.done $0x0  }
0x381: {  	[sflag:s20] =	ssyncadd.s32 $0xFFFFB800  }
0x382: {  	s31 =	sadd.s32 s7, s31;
	_ =	swait.ge [sflag:s21], $0x4800  }
0x383: {  	s28 =	sshrl.u32 s31, $0x3;
	[sflag:s21] =	ssyncset.done $0x0  }
0x384: {  	s0 =	sadd.s32 s2, s28;
	[sflag:s21] =	ssyncadd.s32 $0xFFFFB800  }
0x385: {  	[tilespmem:s13], [sflag:$0x2] =	stream.linear.gather [hbm4b:s0+s1], $0x4800, $0x38;
	[tilespmem:$0x1F800] =	vst v63  }
0x386: {  	s0 =	simm.s32 $0x0  }
.LBB2_63:
0x387: {  	s5 =	sshrl.u32 s0, $0x3  }
0x388: {  	s9 =	sand.u32 $0x7, s1;
	s5 =	smul.u32 $0x6000, s5  }
0x389: {  	s9 =	sshll.u32 s9, $0x9  }
0x38a: {  	s5 =	sor.u32 s9, s5  }
0x38b: {  	s5 =	sshra.s32 s5, $0x2  }
0x38c: {  	s9 =	sadd.s32 $0xD840, s5  }
0x38d: {  	s10 =	sadd.s32 $0x12040, s5;
	v1 =	vld [tilespmem:s9+$0x30]  }
0x38e: {  	v2 =	vld [tilespmem:s10+$0x30]  }
0x38f: {  	v0 =	vld [tilespmem:s10+$0xFFFFFFC0]  }
0x390: {  	v3 =	vld [tilespmem:s9+$0xFFFFFFD0]  }
0x391: {  	v4 =	vld [tilespmem:s10+$0xFFFFFFD0]  }
0x392: {  	v5 =	vld [tilespmem:s9+$0xFFFFFFE0]  }
0x393: {  	v6 =	vld [tilespmem:s10+$0xFFFFFFE0]  }
0x394: {  	v7 =	vld [tilespmem:s9+$0xFFFFFFF0]  }
0x395: {  	v8 =	vld [tilespmem:s10+$0xFFFFFFF0]  }
0x396: {  	v9 =	vld [tilespmem:s9+$0x0]  }
0x397: {  	v10 =	vld [tilespmem:s10+$0x0];
	v2 =	vadd.f32 v2, v1  }
0x398: {  	v4 =	vadd.f32 v4, v3;
	v1 =	vld [tilespmem:s9+$0x10]  }
0x399: {  	v5 =	vadd.f32 v6, v5;
	v3 =	vld [tilespmem:s10+$0x10];
	[tilespmem:s9+$0x30] =	vst v2  }
0x39a: {  	v6 =	vadd.f32 v8, v7;
	[tilespmem:s9+$0xFFFFFFD0] =	vst v4;
	v2 =	vld [tilespmem:s9+$0x20]  }
0x39b: {  	[tilespmem:s9+$0xFFFFFFE0] =	vst v5;
	v5 =	vld [tilespmem:s10+$0x20]  }
0x39c: {  	s14 =	simm.s32 $0x0;
	s5 =	sadd.s32 $0x400, s9;
	v4 =	vld [tilespmem:s9+$0xFFFFFFC0];
	[tilespmem:s9+$0xFFFFFFF0] =	vst v6;
	v6 =	vadd.f32 v10, v9  }
.LBB2_64:
0x39d: {  	v7 =	vld [tilespmem:s5+$0x30];
	s10 =	sadd.s32 $0x400, s10  }
0x39e: {  	s14 =	sadd.s32 $0x80, s14;
	v8 =	vld [tilespmem:s10+$0x30];
	[tilespmem:s9+$0x0] =	vst v6;
	v1 =	vadd.f32 v3, v1  }
0x39f: {  	p1 =	slt.u32 s14, $0x280;
	v3 =	vld [tilespmem:s10+$0xFFFFFFC0]  }
0x3a0: {  	v6 =	vld [tilespmem:s5+$0xFFFFFFD0];
	[tilespmem:s9+$0x10] =	vst v1;
	v1 =	vadd.f32 v5, v2  }
0x3a1: {  	v2 =	vld [tilespmem:s10+$0xFFFFFFD0];
	v9 =	vadd.f32 v0, v4  }
0x3a2: {  	v4 =	vld [tilespmem:s5+$0xFFFFFFE0];
	[tilespmem:s9+$0x20] =	vst v1  }
0x3a3: {  	v1 =	vld [tilespmem:s10+$0xFFFFFFE0];
	v5 =	vadd.f32 v8, v7;
	[tilespmem:s9+$0xFFFFFFC0] =	vst v9;
	s9 =	smov.u32 s5  }
0x3a4: {  	v7 =	vld [tilespmem:s5+$0xFFFFFFF0];
	v0 =	vmov v3  }
0x3a5: {  	v8 =	vld [tilespmem:s10+$0xFFFFFFF0];
	[tilespmem:s5+$0x30] =	vst v5  }
0x3a6: {  	v2 =	vadd.f32 v2, v6;
	v6 =	vld [tilespmem:s5+$0x0]  }
0x3a7: {  	v9 =	vld [tilespmem:s10+$0x0]  }
.Ltmp30:
0x3a8: {  	[tilespmem:s5+$0xFFFFFFD0] =	vst v2;
	v2 =	vadd.f32 v1, v4;
	v1 =	vld [tilespmem:s5+$0x10];
	(pc) =	sbr.rel @p1 .LBB2_64-.Ltmp30, $4  }
0x3a9: {  	v3 =	vld [tilespmem:s10+$0x10]  }
0x3aa: {  	[tilespmem:s5+$0xFFFFFFE0] =	vst v2;
	v7 =	vadd.f32 v8, v7;
	v2 =	vld [tilespmem:s5+$0x20]  }
0x3ab: {  	v5 =	vld [tilespmem:s10+$0x20]  }
0x3ac: {  	s5 =	sadd.s32 $0x400, s5;
	v4 =	vld [tilespmem:s9+$0xFFFFFFC0];
	[tilespmem:s9+$0xFFFFFFF0] =	vst v7;
	v6 =	vadd.f32 v9, v6  }
0x3ad: {  	s0 =	sadd.s32 $0x1, s0  }
0x3ae: {  	p1 =	sne.s32 s0, $0x18  }
.Ltmp31:
0x3af: {  	v1 =	vadd.f32 v3, v1;
	(pc) =	sbr.rel @p1 .LBB2_63-.Ltmp31, $4  }
0x3b0: {  	[tilespmem:s9+$0x0] =	vst v6;
	v2 =	vadd.f32 v5, v2  }
0x3b1: {  	[tilespmem:s9+$0x10] =	vst v1;
	v0 =	vadd.f32 v0, v4  }
0x3b2: {  	[tilespmem:s9+$0x20] =	vst v2  }
0x3b3: {  	s1 =	sadd.s32 $0x1, s1;
	[tilespmem:s9+$0xFFFFFFC0] =	vst v0  }
0x3b4: {  	s0 =	sadd.s32 s3, s29;
	s29 =	simm.s32 $0x0  }
0x3b5: {  	[hbm4b:s0+s29] =	stream.linear.scatter [tilespmem:s17], [sflag:$0x8], $0x4800, $0x38;
	[tilespmem:$0x1F800] =	vst v63  }
0x3b6: {  	_ =	swait.ge [sflag:s11], $0x4800  }
0x3b7: {  	[sflag:s11] =	ssyncset.done $0x0  }
0x3b8: {  	s1 =	sadd.s32 $0xD8000, s26;
	[sflag:s11] =	ssyncadd.s32 $0xFFFFB800  }
0x3b9: {  	s24 =	sadd.s32 s4, s1;
	_ =	swait.ge [sflag:s22], $0x4800  }
0x3ba: {  	s31 =	sshrl.u32 s24, $0x3;
	[sflag:s22] =	ssyncset.done $0x0  }
0x3bb: {  	s0 =	sadd.s32 s2, s31;
	[sflag:s22] =	ssyncadd.s32 $0xFFFFB800  }
0x3bc: {  	[tilespmem:s15], [sflag:$0x3] =	stream.linear.gather [hbm4b:s0+s29], $0x4800, $0x38;
	[tilespmem:$0x1F800] =	vst v63  }
0x3bd: {  	s9 =	simm.s32 $0x0;
	s0 =	simm.s32 $0x18  }
.LBB2_67:
0x3be: {  	s5 =	sshrl.u32 s9, $0x3  }
0x3bf: {  	s10 =	sshll.u32 s29, $0x9;
	s14 =	sshrl.u32 s0, $0x3;
	s5 =	smul.u32 $0x6000, s5  }
0x3c0: {  	s10 =	sand.u32 $0xE00, s10;
	s14 =	smul.u32 $0x6000, s14  }
0x3c1: {  	s5 =	sor.u32 s10, s5  }
0x3c2: {  	s14 =	sor.u32 s10, s14;
	s5 =	sshra.s32 s5, $0x2  }
0x3c3: {  	s24 =	sshra.s32 s14, $0x2;
	s10 =	sor.u32 $0x40, s5  }
0x3c4: {  	s14 =	sadd.s32 $0x12040, s24;
	v1 =	vld [tilespmem:s10+$0x30]  }
0x3c5: {  	v2 =	vld [tilespmem:s14+$0x30]  }
0x3c6: {  	v0 =	vld [tilespmem:s14+$0xFFFFFFC0]  }
0x3c7: {  	v3 =	vld [tilespmem:s10+$0xFFFFFFD0]  }
0x3c8: {  	v4 =	vld [tilespmem:s14+$0xFFFFFFD0]  }
0x3c9: {  	v5 =	vld [tilespmem:s10+$0xFFFFFFE0]  }
0x3ca: {  	v6 =	vld [tilespmem:s14+$0xFFFFFFE0]  }
0x3cb: {  	v7 =	vld [tilespmem:s10+$0xFFFFFFF0]  }
0x3cc: {  	v8 =	vld [tilespmem:s14+$0xFFFFFFF0]  }
0x3cd: {  	v9 =	vld [tilespmem:s10+$0x0]  }
0x3ce: {  	v10 =	vld [tilespmem:s14+$0x0];
	v2 =	vadd.f32 v2, v1  }
0x3cf: {  	v4 =	vadd.f32 v4, v3;
	v1 =	vld [tilespmem:s10+$0x10]  }
0x3d0: {  	v5 =	vadd.f32 v6, v5;
	v3 =	vld [tilespmem:s14+$0x10];
	[tilespmem:s10+$0x30] =	vst v2  }
0x3d1: {  	v6 =	vadd.f32 v8, v7;
	[tilespmem:s10+$0xFFFFFFD0] =	vst v4;
	v2 =	vld [tilespmem:s10+$0x20]  }
0x3d2: {  	[tilespmem:s10+$0xFFFFFFE0] =	vst v5;
	v5 =	vld [tilespmem:s14+$0x20]  }
0x3d3: {  	s24 =	simm.s32 $0x0;
	s5 =	sadd.s32 $0x400, s10;
	v4 =	vld [tilespmem:s10+$0xFFFFFFC0];
	[tilespmem:s10+$0xFFFFFFF0] =	vst v6;
	v6 =	vadd.f32 v10, v9  }
.LBB2_68:
0x3d4: {  	v7 =	vld [tilespmem:s5+$0x30];
	s14 =	sadd.s32 $0x400, s14  }
0x3d5: {  	s24 =	sadd.s32 $0x80, s24;
	v8 =	vld [tilespmem:s14+$0x30];
	[tilespmem:s10+$0x0] =	vst v6;
	v1 =	vadd.f32 v3, v1  }
0x3d6: {  	p1 =	slt.u32 s24, $0x280;
	v3 =	vld [tilespmem:s14+$0xFFFFFFC0]  }
0x3d7: {  	v6 =	vld [tilespmem:s5+$0xFFFFFFD0];
	[tilespmem:s10+$0x10] =	vst v1;
	v1 =	vadd.f32 v5, v2  }
0x3d8: {  	v2 =	vld [tilespmem:s14+$0xFFFFFFD0];
	v9 =	vadd.f32 v0, v4  }
0x3d9: {  	v4 =	vld [tilespmem:s5+$0xFFFFFFE0];
	[tilespmem:s10+$0x20] =	vst v1  }
0x3da: {  	v1 =	vld [tilespmem:s14+$0xFFFFFFE0];
	v5 =	vadd.f32 v8, v7;
	[tilespmem:s10+$0xFFFFFFC0] =	vst v9;
	s10 =	smov.u32 s5  }
0x3db: {  	v7 =	vld [tilespmem:s5+$0xFFFFFFF0];
	v0 =	vmov v3  }
0x3dc: {  	v8 =	vld [tilespmem:s14+$0xFFFFFFF0];
	[tilespmem:s5+$0x30] =	vst v5  }
0x3dd: {  	v2 =	vadd.f32 v2, v6;
	v6 =	vld [tilespmem:s5+$0x0]  }
0x3de: {  	v9 =	vld [tilespmem:s14+$0x0]  }
.Ltmp32:
0x3df: {  	[tilespmem:s5+$0xFFFFFFD0] =	vst v2;
	v2 =	vadd.f32 v1, v4;
	v1 =	vld [tilespmem:s5+$0x10];
	(pc) =	sbr.rel @p1 .LBB2_68-.Ltmp32, $4  }
0x3e0: {  	v3 =	vld [tilespmem:s14+$0x10]  }
0x3e1: {  	[tilespmem:s5+$0xFFFFFFE0] =	vst v2;
	v7 =	vadd.f32 v8, v7;
	v2 =	vld [tilespmem:s5+$0x20]  }
0x3e2: {  	v5 =	vld [tilespmem:s14+$0x20]  }
0x3e3: {  	s5 =	sadd.s32 $0x400, s5;
	v4 =	vld [tilespmem:s10+$0xFFFFFFC0];
	[tilespmem:s10+$0xFFFFFFF0] =	vst v7;
	v6 =	vadd.f32 v9, v6  }
0x3e4: {  	s9 =	sadd.s32 $0x1, s9  }
0x3e5: {  	p1 =	sne.s32 s9, $0x18  }
.Ltmp33:
0x3e6: {  	v1 =	vadd.f32 v3, v1;
	(pc) =	sbr.rel @p1 .LBB2_67-.Ltmp33, $4  }
0x3e7: {  	[tilespmem:s10+$0x0] =	vst v6;
	v2 =	vadd.f32 v5, v2  }
0x3e8: {  	[tilespmem:s10+$0x10] =	vst v1;
	v0 =	vadd.f32 v0, v4  }
0x3e9: {  	[tilespmem:s10+$0x20] =	vst v2  }
0x3ea: {  	s29 =	sadd.s32 $0x1, s29;
	s0 =	sadd.s32 $0x1, s0;
	[tilespmem:s10+$0xFFFFFFC0] =	vst v0  }
0x3eb: {  	s0 =	sadd.s32 s3, s30;
	s30 =	simm.s32 $0x0  }
0x3ec: {  	[hbm4b:s0+s30] =	stream.linear.scatter [tilespmem:s30], [sflag:$0x5], $0x4800, $0x38;
	[tilespmem:$0x1F800] =	vst v63  }
0x3ed: {  	_ =	swait.ge [sflag:s16], $0x4800  }
0x3ee: {  	[sflag:s16] =	ssyncset.done $0x0  }
0x3ef: {  	[sflag:s16] =	ssyncadd.s32 $0xFFFFB800  }
0x3f0: {  	s24 =	sadd.s32 s6, s1;
	_ =	swait.ge [sflag:s23], $0x4800  }
0x3f1: {  	s29 =	sshrl.u32 s24, $0x3;
	[sflag:s23] =	ssyncset.done $0x0  }
0x3f2: {  	s0 =	sadd.s32 s2, s29;
	[sflag:s23] =	ssyncadd.s32 $0xFFFFB800  }
0x3f3: {  	[tilespmem:s17], [sflag:$0x4] =	stream.linear.gather [hbm4b:s0+s30], $0x4800, $0x38;
	[tilespmem:$0x1F800] =	vst v63  }
0x3f4: {  	s9 =	simm.s32 $0x0;
	s0 =	simm.s32 $0x30  }
.LBB2_71:
0x3f5: {  	s5 =	sshrl.u32 s9, $0x3  }
0x3f6: {  	s10 =	sshll.u32 s30, $0x9;
	s14 =	sshrl.u32 s0, $0x3;
	s5 =	smul.u32 $0x6000, s5  }
0x3f7: {  	s10 =	sand.u32 $0xE00, s10;
	s14 =	smul.u32 $0x6000, s14  }
0x3f8: {  	s5 =	sor.u32 s10, s5  }
0x3f9: {  	s14 =	sor.u32 s10, s14;
	s5 =	sshra.s32 s5, $0x2  }
0x3fa: {  	s24 =	sshra.s32 s14, $0x2;
	s10 =	sadd.s32 $0x4840, s5  }
0x3fb: {  	s14 =	sadd.s32 $0x12040, s24;
	v1 =	vld [tilespmem:s10+$0x30]  }
0x3fc: {  	v2 =	vld [tilespmem:s14+$0x30]  }
0x3fd: {  	v0 =	vld [tilespmem:s14+$0xFFFFFFC0]  }
0x3fe: {  	v3 =	vld [tilespmem:s10+$0xFFFFFFD0]  }
0x3ff: {  	v4 =	vld [tilespmem:s14+$0xFFFFFFD0]  }
0x400: {  	v5 =	vld [tilespmem:s10+$0xFFFFFFE0]  }
0x401: {  	v6 =	vld [tilespmem:s14+$0xFFFFFFE0]  }
0x402: {  	v7 =	vld [tilespmem:s10+$0xFFFFFFF0]  }
0x403: {  	v8 =	vld [tilespmem:s14+$0xFFFFFFF0]  }
0x404: {  	v9 =	vld [tilespmem:s10+$0x0]  }
0x405: {  	v10 =	vld [tilespmem:s14+$0x0];
	v2 =	vadd.f32 v2, v1  }
0x406: {  	v4 =	vadd.f32 v4, v3;
	v1 =	vld [tilespmem:s10+$0x10]  }
0x407: {  	v5 =	vadd.f32 v6, v5;
	v3 =	vld [tilespmem:s14+$0x10];
	[tilespmem:s10+$0x30] =	vst v2  }
0x408: {  	v6 =	vadd.f32 v8, v7;
	[tilespmem:s10+$0xFFFFFFD0] =	vst v4;
	v2 =	vld [tilespmem:s10+$0x20]  }
0x409: {  	[tilespmem:s10+$0xFFFFFFE0] =	vst v5;
	v5 =	vld [tilespmem:s14+$0x20]  }
0x40a: {  	s24 =	simm.s32 $0x0;
	s5 =	sadd.s32 $0x400, s10;
	v4 =	vld [tilespmem:s10+$0xFFFFFFC0];
	[tilespmem:s10+$0xFFFFFFF0] =	vst v6;
	v6 =	vadd.f32 v10, v9  }
.LBB2_72:
0x40b: {  	v7 =	vld [tilespmem:s5+$0x30];
	s14 =	sadd.s32 $0x400, s14  }
0x40c: {  	s24 =	sadd.s32 $0x80, s24;
	v8 =	vld [tilespmem:s14+$0x30];
	[tilespmem:s10+$0x0] =	vst v6;
	v1 =	vadd.f32 v3, v1  }
0x40d: {  	p1 =	slt.u32 s24, $0x280;
	v3 =	vld [tilespmem:s14+$0xFFFFFFC0]  }
0x40e: {  	v6 =	vld [tilespmem:s5+$0xFFFFFFD0];
	[tilespmem:s10+$0x10] =	vst v1;
	v1 =	vadd.f32 v5, v2  }
0x40f: {  	v2 =	vld [tilespmem:s14+$0xFFFFFFD0];
	v9 =	vadd.f32 v0, v4  }
0x410: {  	v4 =	vld [tilespmem:s5+$0xFFFFFFE0];
	[tilespmem:s10+$0x20] =	vst v1  }
0x411: {  	v1 =	vld [tilespmem:s14+$0xFFFFFFE0];
	v5 =	vadd.f32 v8, v7;
	[tilespmem:s10+$0xFFFFFFC0] =	vst v9;
	s10 =	smov.u32 s5  }
0x412: {  	v7 =	vld [tilespmem:s5+$0xFFFFFFF0];
	v0 =	vmov v3  }
0x413: {  	v8 =	vld [tilespmem:s14+$0xFFFFFFF0];
	[tilespmem:s5+$0x30] =	vst v5  }
0x414: {  	v2 =	vadd.f32 v2, v6;
	v6 =	vld [tilespmem:s5+$0x0]  }
0x415: {  	v9 =	vld [tilespmem:s14+$0x0]  }
.Ltmp34:
0x416: {  	[tilespmem:s5+$0xFFFFFFD0] =	vst v2;
	v2 =	vadd.f32 v1, v4;
	v1 =	vld [tilespmem:s5+$0x10];
	(pc) =	sbr.rel @p1 .LBB2_72-.Ltmp34, $4  }
0x417: {  	v3 =	vld [tilespmem:s14+$0x10]  }
0x418: {  	[tilespmem:s5+$0xFFFFFFE0] =	vst v2;
	v7 =	vadd.f32 v8, v7;
	v2 =	vld [tilespmem:s5+$0x20]  }
0x419: {  	v5 =	vld [tilespmem:s14+$0x20]  }
0x41a: {  	s5 =	sadd.s32 $0x400, s5;
	v4 =	vld [tilespmem:s10+$0xFFFFFFC0];
	[tilespmem:s10+$0xFFFFFFF0] =	vst v7;
	v6 =	vadd.f32 v9, v6  }
0x41b: {  	s9 =	sadd.s32 $0x1, s9  }
0x41c: {  	p1 =	sne.s32 s9, $0x18  }
.Ltmp35:
0x41d: {  	v1 =	vadd.f32 v3, v1;
	(pc) =	sbr.rel @p1 .LBB2_71-.Ltmp35, $4  }
0x41e: {  	[tilespmem:s10+$0x0] =	vst v6;
	v2 =	vadd.f32 v5, v2  }
0x41f: {  	[tilespmem:s10+$0x10] =	vst v1;
	v0 =	vadd.f32 v0, v4  }
0x420: {  	[tilespmem:s10+$0x20] =	vst v2  }
0x421: {  	s30 =	sadd.s32 $0x1, s30;
	s0 =	sadd.s32 $0x1, s0;
	[tilespmem:s10+$0xFFFFFFC0] =	vst v0  }
0x422: {  	s0 =	sadd.s32 s3, s28;
	s30 =	simm.s32 $0x0  }
0x423: {  	[hbm4b:s0+s30] =	stream.linear.scatter [tilespmem:s13], [sflag:$0x6], $0x4800, $0x38;
	[tilespmem:$0x1F800] =	vst v63  }
0x424: {  	_ =	swait.ge [sflag:s18], $0x4800  }
0x425: {  	[sflag:s18] =	ssyncset.done $0x0  }
0x426: {  	[sflag:s18] =	ssyncadd.s32 $0xFFFFB800  }
0x427: {  	s24 =	sadd.s32 s7, s1;
	_ =	swait.ge [sflag:s19], $0x4800  }
0x428: {  	s28 =	sshrl.u32 s24, $0x3;
	[sflag:s19] =	ssyncset.done $0x0  }
0x429: {  	s0 =	sadd.s32 s2, s28;
	[sflag:s19] =	ssyncadd.s32 $0xFFFFB800  }
0x42a: {  	[tilespmem:s30], [sflag:$0x1] =	stream.linear.gather [hbm4b:s0+s30], $0x4800, $0x38;
	[tilespmem:$0x1F800] =	vst v63  }
0x42b: {  	s0 =	simm.s32 $0x0  }
.LBB2_75:
0x42c: {  	s1 =	sshrl.u32 s0, $0x3  }
0x42d: {  	s5 =	sand.u32 $0x7, s30;
	s1 =	smul.u32 $0x6000, s1  }
0x42e: {  	s5 =	sshll.u32 s5, $0x9  }
0x42f: {  	s1 =	sor.u32 s5, s1  }
0x430: {  	s5 =	sshra.s32 s1, $0x2  }
0x431: {  	s1 =	sadd.s32 $0x9040, s5  }
0x432: {  	s9 =	sadd.s32 $0x12040, s5;
	v1 =	vld [tilespmem:s1+$0x30]  }
0x433: {  	v2 =	vld [tilespmem:s9+$0x30]  }
0x434: {  	v0 =	vld [tilespmem:s9+$0xFFFFFFC0]  }
0x435: {  	v3 =	vld [tilespmem:s1+$0xFFFFFFD0]  }
0x436: {  	v4 =	vld [tilespmem:s9+$0xFFFFFFD0]  }
0x437: {  	v5 =	vld [tilespmem:s1+$0xFFFFFFE0]  }
0x438: {  	v6 =	vld [tilespmem:s9+$0xFFFFFFE0]  }
0x439: {  	v7 =	vld [tilespmem:s1+$0xFFFFFFF0]  }
0x43a: {  	v8 =	vld [tilespmem:s9+$0xFFFFFFF0]  }
0x43b: {  	v9 =	vld [tilespmem:s1+$0x0]  }
0x43c: {  	v10 =	vld [tilespmem:s9+$0x0];
	v2 =	vadd.f32 v2, v1  }
0x43d: {  	v4 =	vadd.f32 v4, v3;
	v1 =	vld [tilespmem:s1+$0x10]  }
0x43e: {  	v5 =	vadd.f32 v6, v5;
	v3 =	vld [tilespmem:s9+$0x10];
	[tilespmem:s1+$0x30] =	vst v2  }
0x43f: {  	v6 =	vadd.f32 v8, v7;
	[tilespmem:s1+$0xFFFFFFD0] =	vst v4;
	v2 =	vld [tilespmem:s1+$0x20]  }
0x440: {  	[tilespmem:s1+$0xFFFFFFE0] =	vst v5;
	v5 =	vld [tilespmem:s9+$0x20]  }
0x441: {  	s10 =	simm.s32 $0x0;
	s5 =	sadd.s32 $0x400, s1;
	v4 =	vld [tilespmem:s1+$0xFFFFFFC0];
	[tilespmem:s1+$0xFFFFFFF0] =	vst v6;
	v6 =	vadd.f32 v10, v9  }
.LBB2_76:
0x442: {  	v7 =	vld [tilespmem:s5+$0x30];
	s9 =	sadd.s32 $0x400, s9  }
0x443: {  	s10 =	sadd.s32 $0x80, s10;
	v8 =	vld [tilespmem:s9+$0x30];
	[tilespmem:s1+$0x0] =	vst v6;
	v1 =	vadd.f32 v3, v1  }
0x444: {  	p1 =	slt.u32 s10, $0x280;
	v3 =	vld [tilespmem:s9+$0xFFFFFFC0]  }
0x445: {  	v6 =	vld [tilespmem:s5+$0xFFFFFFD0];
	[tilespmem:s1+$0x10] =	vst v1;
	v1 =	vadd.f32 v5, v2  }
0x446: {  	v2 =	vld [tilespmem:s9+$0xFFFFFFD0];
	v9 =	vadd.f32 v0, v4  }
0x447: {  	v4 =	vld [tilespmem:s5+$0xFFFFFFE0];
	[tilespmem:s1+$0x20] =	vst v1  }
0x448: {  	v1 =	vld [tilespmem:s9+$0xFFFFFFE0];
	v5 =	vadd.f32 v8, v7;
	[tilespmem:s1+$0xFFFFFFC0] =	vst v9;
	s1 =	smov.u32 s5  }
0x449: {  	v7 =	vld [tilespmem:s5+$0xFFFFFFF0];
	v0 =	vmov v3  }
0x44a: {  	v8 =	vld [tilespmem:s9+$0xFFFFFFF0];
	[tilespmem:s5+$0x30] =	vst v5  }
0x44b: {  	v2 =	vadd.f32 v2, v6;
	v6 =	vld [tilespmem:s5+$0x0]  }
0x44c: {  	v9 =	vld [tilespmem:s9+$0x0]  }
.Ltmp36:
0x44d: {  	[tilespmem:s5+$0xFFFFFFD0] =	vst v2;
	v2 =	vadd.f32 v1, v4;
	v1 =	vld [tilespmem:s5+$0x10];
	(pc) =	sbr.rel @p1 .LBB2_76-.Ltmp36, $4  }
0x44e: {  	v3 =	vld [tilespmem:s9+$0x10]  }
0x44f: {  	[tilespmem:s5+$0xFFFFFFE0] =	vst v2;
	v7 =	vadd.f32 v8, v7;
	v2 =	vld [tilespmem:s5+$0x20]  }
0x450: {  	v5 =	vld [tilespmem:s9+$0x20]  }
0x451: {  	s5 =	sadd.s32 $0x400, s5;
	v4 =	vld [tilespmem:s1+$0xFFFFFFC0];
	[tilespmem:s1+$0xFFFFFFF0] =	vst v7;
	v6 =	vadd.f32 v9, v6  }
0x452: {  	s0 =	sadd.s32 $0x1, s0  }
0x453: {  	p1 =	sne.s32 s0, $0x18  }
.Ltmp37:
0x454: {  	v1 =	vadd.f32 v3, v1;
	(pc) =	sbr.rel @p1 .LBB2_75-.Ltmp37, $4  }
0x455: {  	[tilespmem:s1+$0x0] =	vst v6;
	v2 =	vadd.f32 v5, v2  }
0x456: {  	[tilespmem:s1+$0x10] =	vst v1;
	v0 =	vadd.f32 v0, v4  }
0x457: {  	[tilespmem:s1+$0x20] =	vst v2  }
0x458: {  	s30 =	sadd.s32 $0x1, s30;
	[tilespmem:s1+$0xFFFFFFC0] =	vst v0  }
0x459: {  	s0 =	sadd.s32 s3, s31;
	s31 =	simm.s32 $0x0  }
0x45a: {  	[hbm4b:s0+s31] =	stream.linear.scatter [tilespmem:s15], [sflag:$0x7], $0x4800, $0x38;
	[tilespmem:$0x1F800] =	vst v63  }
0x45b: {  	_ =	swait.ge [sflag:s20], $0x4800  }
0x45c: {  	[sflag:s20] =	ssyncset.done $0x0  }
0x45d: {  	s1 =	sadd.s32 $0x144000, s26;
	[sflag:s20] =	ssyncadd.s32 $0xFFFFB800  }
0x45e: {  	s26 =	sadd.s32 s4, s1;
	_ =	swait.ge [sflag:s21], $0x4800  }
0x45f: {  	s30 =	sshrl.u32 s26, $0x3;
	[sflag:s21] =	ssyncset.done $0x0  }
0x460: {  	s0 =	sadd.s32 s2, s30;
	[sflag:s21] =	ssyncadd.s32 $0xFFFFB800  }
0x461: {  	[tilespmem:s13], [sflag:$0x2] =	stream.linear.gather [hbm4b:s0+s31], $0x4800, $0x38;
	[tilespmem:$0x1F800] =	vst v63  }
0x462: {  	s9 =	simm.s32 $0x0;
	s0 =	simm.s32 $0x18  }
.LBB2_79:
0x463: {  	s5 =	sshrl.u32 s9, $0x3  }
0x464: {  	s10 =	sshll.u32 s31, $0x9;
	s14 =	sshrl.u32 s0, $0x3;
	s5 =	smul.u32 $0x6000, s5  }
0x465: {  	s10 =	sand.u32 $0xE00, s10;
	s14 =	smul.u32 $0x6000, s14  }
0x466: {  	s5 =	sor.u32 s10, s5  }
0x467: {  	s14 =	sor.u32 s10, s14;
	s5 =	sshra.s32 s5, $0x2  }
0x468: {  	s26 =	sshra.s32 s14, $0x2;
	s10 =	sadd.s32 $0xD840, s5  }
0x469: {  	s14 =	sadd.s32 $0x12040, s26;
	v1 =	vld [tilespmem:s10+$0x30]  }
0x46a: {  	v2 =	vld [tilespmem:s14+$0x30]  }
0x46b: {  	v0 =	vld [tilespmem:s14+$0xFFFFFFC0]  }
0x46c: {  	v3 =	vld [tilespmem:s10+$0xFFFFFFD0]  }
0x46d: {  	v4 =	vld [tilespmem:s14+$0xFFFFFFD0]  }
0x46e: {  	v5 =	vld [tilespmem:s10+$0xFFFFFFE0]  }
0x46f: {  	v6 =	vld [tilespmem:s14+$0xFFFFFFE0]  }
0x470: {  	v7 =	vld [tilespmem:s10+$0xFFFFFFF0]  }
0x471: {  	v8 =	vld [tilespmem:s14+$0xFFFFFFF0]  }
0x472: {  	v9 =	vld [tilespmem:s10+$0x0]  }
0x473: {  	v10 =	vld [tilespmem:s14+$0x0];
	v2 =	vadd.f32 v2, v1  }
0x474: {  	v4 =	vadd.f32 v4, v3;
	v1 =	vld [tilespmem:s10+$0x10]  }
0x475: {  	v5 =	vadd.f32 v6, v5;
	v3 =	vld [tilespmem:s14+$0x10];
	[tilespmem:s10+$0x30] =	vst v2  }
0x476: {  	v6 =	vadd.f32 v8, v7;
	[tilespmem:s10+$0xFFFFFFD0] =	vst v4;
	v2 =	vld [tilespmem:s10+$0x20]  }
0x477: {  	[tilespmem:s10+$0xFFFFFFE0] =	vst v5;
	v5 =	vld [tilespmem:s14+$0x20]  }
0x478: {  	s24 =	simm.s32 $0x0;
	s5 =	sadd.s32 $0x400, s10;
	v4 =	vld [tilespmem:s10+$0xFFFFFFC0];
	[tilespmem:s10+$0xFFFFFFF0] =	vst v6;
	v6 =	vadd.f32 v10, v9  }
.LBB2_80:
0x479: {  	v7 =	vld [tilespmem:s5+$0x30];
	s14 =	sadd.s32 $0x400, s14  }
0x47a: {  	s24 =	sadd.s32 $0x80, s24;
	v8 =	vld [tilespmem:s14+$0x30];
	[tilespmem:s10+$0x0] =	vst v6;
	v1 =	vadd.f32 v3, v1  }
0x47b: {  	p1 =	slt.u32 s24, $0x280;
	v3 =	vld [tilespmem:s14+$0xFFFFFFC0]  }
0x47c: {  	v6 =	vld [tilespmem:s5+$0xFFFFFFD0];
	[tilespmem:s10+$0x10] =	vst v1;
	v1 =	vadd.f32 v5, v2  }
0x47d: {  	v2 =	vld [tilespmem:s14+$0xFFFFFFD0];
	v9 =	vadd.f32 v0, v4  }
0x47e: {  	v4 =	vld [tilespmem:s5+$0xFFFFFFE0];
	[tilespmem:s10+$0x20] =	vst v1  }
0x47f: {  	v1 =	vld [tilespmem:s14+$0xFFFFFFE0];
	v5 =	vadd.f32 v8, v7;
	[tilespmem:s10+$0xFFFFFFC0] =	vst v9;
	s10 =	smov.u32 s5  }
0x480: {  	v7 =	vld [tilespmem:s5+$0xFFFFFFF0];
	v0 =	vmov v3  }
0x481: {  	v8 =	vld [tilespmem:s14+$0xFFFFFFF0];
	[tilespmem:s5+$0x30] =	vst v5  }
0x482: {  	v2 =	vadd.f32 v2, v6;
	v6 =	vld [tilespmem:s5+$0x0]  }
0x483: {  	v9 =	vld [tilespmem:s14+$0x0]  }
.Ltmp38:
0x484: {  	[tilespmem:s5+$0xFFFFFFD0] =	vst v2;
	v2 =	vadd.f32 v1, v4;
	v1 =	vld [tilespmem:s5+$0x10];
	(pc) =	sbr.rel @p1 .LBB2_80-.Ltmp38, $4  }
0x485: {  	v3 =	vld [tilespmem:s14+$0x10]  }
0x486: {  	[tilespmem:s5+$0xFFFFFFE0] =	vst v2;
	v7 =	vadd.f32 v8, v7;
	v2 =	vld [tilespmem:s5+$0x20]  }
0x487: {  	v5 =	vld [tilespmem:s14+$0x20]  }
0x488: {  	s5 =	sadd.s32 $0x400, s5;
	v4 =	vld [tilespmem:s10+$0xFFFFFFC0];
	[tilespmem:s10+$0xFFFFFFF0] =	vst v7;
	v6 =	vadd.f32 v9, v6  }
0x489: {  	s9 =	sadd.s32 $0x1, s9  }
0x48a: {  	p1 =	sne.s32 s9, $0x18  }
.Ltmp39:
0x48b: {  	v1 =	vadd.f32 v3, v1;
	(pc) =	sbr.rel @p1 .LBB2_79-.Ltmp39, $4  }
0x48c: {  	[tilespmem:s10+$0x0] =	vst v6;
	v2 =	vadd.f32 v5, v2  }
0x48d: {  	[tilespmem:s10+$0x10] =	vst v1;
	v0 =	vadd.f32 v0, v4  }
0x48e: {  	[tilespmem:s10+$0x20] =	vst v2  }
0x48f: {  	s31 =	sadd.s32 $0x1, s31;
	s0 =	sadd.s32 $0x1, s0;
	[tilespmem:s10+$0xFFFFFFC0] =	vst v0  }
0x490: {  	s0 =	sadd.s32 s3, s29;
	s29 =	simm.s32 $0x0  }
0x491: {  	[hbm4b:s0+s29] =	stream.linear.scatter [tilespmem:s17], [sflag:$0x8], $0x4800, $0x38;
	[tilespmem:$0x1F800] =	vst v63  }
0x492: {  	_ =	swait.ge [sflag:s11], $0x4800  }
0x493: {  	[sflag:s11] =	ssyncset.done $0x0  }
0x494: {  	[sflag:s11] =	ssyncadd.s32 $0xFFFFB800  }
0x495: {  	s31 =	sadd.s32 s6, s1;
	_ =	swait.ge [sflag:s22], $0x4800  }
0x496: {  	s26 =	sshrl.u32 s31, $0x3;
	[sflag:s22] =	ssyncset.done $0x0  }
0x497: {  	s0 =	sadd.s32 s2, s26;
	[sflag:s22] =	ssyncadd.s32 $0xFFFFB800  }
0x498: {  	[tilespmem:s15], [sflag:$0x3] =	stream.linear.gather [hbm4b:s0+s29], $0x4800, $0x38;
	[tilespmem:$0x1F800] =	vst v63  }
0x499: {  	s9 =	simm.s32 $0x0;
	s0 =	simm.s32 $0x30  }
.LBB2_83:
0x49a: {  	s5 =	sshrl.u32 s9, $0x3  }
0x49b: {  	s10 =	sshll.u32 s29, $0x9;
	s14 =	sshrl.u32 s0, $0x3;
	s5 =	smul.u32 $0x6000, s5  }
0x49c: {  	s10 =	sand.u32 $0xE00, s10;
	s14 =	smul.u32 $0x6000, s14  }
0x49d: {  	s5 =	sor.u32 s10, s5  }
0x49e: {  	s14 =	sor.u32 s10, s14;
	s5 =	sshra.s32 s5, $0x2  }
0x49f: {  	s31 =	sshra.s32 s14, $0x2;
	s10 =	sor.u32 $0x40, s5  }
0x4a0: {  	s14 =	sadd.s32 $0x12040, s31;
	v1 =	vld [tilespmem:s10+$0x30]  }
0x4a1: {  	v2 =	vld [tilespmem:s14+$0x30]  }
0x4a2: {  	v0 =	vld [tilespmem:s14+$0xFFFFFFC0]  }
0x4a3: {  	v3 =	vld [tilespmem:s10+$0xFFFFFFD0]  }
0x4a4: {  	v4 =	vld [tilespmem:s14+$0xFFFFFFD0]  }
0x4a5: {  	v5 =	vld [tilespmem:s10+$0xFFFFFFE0]  }
0x4a6: {  	v6 =	vld [tilespmem:s14+$0xFFFFFFE0]  }
0x4a7: {  	v7 =	vld [tilespmem:s10+$0xFFFFFFF0]  }
0x4a8: {  	v8 =	vld [tilespmem:s14+$0xFFFFFFF0]  }
0x4a9: {  	v9 =	vld [tilespmem:s10+$0x0]  }
0x4aa: {  	v10 =	vld [tilespmem:s14+$0x0];
	v2 =	vadd.f32 v2, v1  }
0x4ab: {  	v4 =	vadd.f32 v4, v3;
	v1 =	vld [tilespmem:s10+$0x10]  }
0x4ac: {  	v5 =	vadd.f32 v6, v5;
	v3 =	vld [tilespmem:s14+$0x10];
	[tilespmem:s10+$0x30] =	vst v2  }
0x4ad: {  	v6 =	vadd.f32 v8, v7;
	[tilespmem:s10+$0xFFFFFFD0] =	vst v4;
	v2 =	vld [tilespmem:s10+$0x20]  }
0x4ae: {  	[tilespmem:s10+$0xFFFFFFE0] =	vst v5;
	v5 =	vld [tilespmem:s14+$0x20]  }
0x4af: {  	s24 =	simm.s32 $0x0;
	s5 =	sadd.s32 $0x400, s10;
	v4 =	vld [tilespmem:s10+$0xFFFFFFC0];
	[tilespmem:s10+$0xFFFFFFF0] =	vst v6;
	v6 =	vadd.f32 v10, v9  }
.LBB2_84:
0x4b0: {  	v7 =	vld [tilespmem:s5+$0x30];
	s14 =	sadd.s32 $0x400, s14  }
0x4b1: {  	s24 =	sadd.s32 $0x80, s24;
	v8 =	vld [tilespmem:s14+$0x30];
	[tilespmem:s10+$0x0] =	vst v6;
	v1 =	vadd.f32 v3, v1  }
0x4b2: {  	p1 =	slt.u32 s24, $0x280;
	v3 =	vld [tilespmem:s14+$0xFFFFFFC0]  }
0x4b3: {  	v6 =	vld [tilespmem:s5+$0xFFFFFFD0];
	[tilespmem:s10+$0x10] =	vst v1;
	v1 =	vadd.f32 v5, v2  }
0x4b4: {  	v2 =	vld [tilespmem:s14+$0xFFFFFFD0];
	v9 =	vadd.f32 v0, v4  }
0x4b5: {  	v4 =	vld [tilespmem:s5+$0xFFFFFFE0];
	[tilespmem:s10+$0x20] =	vst v1  }
0x4b6: {  	v1 =	vld [tilespmem:s14+$0xFFFFFFE0];
	v5 =	vadd.f32 v8, v7;
	[tilespmem:s10+$0xFFFFFFC0] =	vst v9;
	s10 =	smov.u32 s5  }
0x4b7: {  	v7 =	vld [tilespmem:s5+$0xFFFFFFF0];
	v0 =	vmov v3  }
0x4b8: {  	v8 =	vld [tilespmem:s14+$0xFFFFFFF0];
	[tilespmem:s5+$0x30] =	vst v5  }
0x4b9: {  	v2 =	vadd.f32 v2, v6;
	v6 =	vld [tilespmem:s5+$0x0]  }
0x4ba: {  	v9 =	vld [tilespmem:s14+$0x0]  }
.Ltmp40:
0x4bb: {  	[tilespmem:s5+$0xFFFFFFD0] =	vst v2;
	v2 =	vadd.f32 v1, v4;
	v1 =	vld [tilespmem:s5+$0x10];
	(pc) =	sbr.rel @p1 .LBB2_84-.Ltmp40, $4  }
0x4bc: {  	v3 =	vld [tilespmem:s14+$0x10]  }
0x4bd: {  	[tilespmem:s5+$0xFFFFFFE0] =	vst v2;
	v7 =	vadd.f32 v8, v7;
	v2 =	vld [tilespmem:s5+$0x20]  }
0x4be: {  	v5 =	vld [tilespmem:s14+$0x20]  }
0x4bf: {  	s5 =	sadd.s32 $0x400, s5;
	v4 =	vld [tilespmem:s10+$0xFFFFFFC0];
	[tilespmem:s10+$0xFFFFFFF0] =	vst v7;
	v6 =	vadd.f32 v9, v6  }
0x4c0: {  	s9 =	sadd.s32 $0x1, s9  }
0x4c1: {  	p1 =	sne.s32 s9, $0x18  }
.Ltmp41:
0x4c2: {  	v1 =	vadd.f32 v3, v1;
	(pc) =	sbr.rel @p1 .LBB2_83-.Ltmp41, $4  }
0x4c3: {  	[tilespmem:s10+$0x0] =	vst v6;
	v2 =	vadd.f32 v5, v2  }
0x4c4: {  	[tilespmem:s10+$0x10] =	vst v1;
	v0 =	vadd.f32 v0, v4  }
0x4c5: {  	[tilespmem:s10+$0x20] =	vst v2  }
0x4c6: {  	s29 =	sadd.s32 $0x1, s29;
	s0 =	sadd.s32 $0x1, s0;
	[tilespmem:s10+$0xFFFFFFC0] =	vst v0  }
0x4c7: {  	s0 =	sadd.s32 s3, s28;
	s29 =	simm.s32 $0x0  }
0x4c8: {  	[hbm4b:s0+s29] =	stream.linear.scatter [tilespmem:s29], [sflag:$0x5], $0x4800, $0x38;
	[tilespmem:$0x1F800] =	vst v63  }
0x4c9: {  	_ =	swait.ge [sflag:s16], $0x4800  }
0x4ca: {  	[sflag:s16] =	ssyncset.done $0x0  }
0x4cb: {  	[sflag:s16] =	ssyncadd.s32 $0xFFFFB800  }
0x4cc: {  	s31 =	sadd.s32 s7, s1;
	_ =	swait.ge [sflag:s23], $0x4800  }
0x4cd: {  	s28 =	sshrl.u32 s31, $0x3;
	[sflag:s23] =	ssyncset.done $0x0  }
0x4ce: {  	s0 =	sadd.s32 s2, s28;
	[sflag:s23] =	ssyncadd.s32 $0xFFFFB800  }
0x4cf: {  	[tilespmem:s17], [sflag:$0x4] =	stream.linear.gather [hbm4b:s0+s29], $0x4800, $0x38;
	[tilespmem:$0x1F800] =	vst v63  }
0x4d0: {  	s0 =	simm.s32 $0x0  }
.LBB2_87:
0x4d1: {  	s1 =	sshrl.u32 s0, $0x3  }
0x4d2: {  	s5 =	sand.u32 $0x7, s29;
	s1 =	smul.u32 $0x6000, s1  }
0x4d3: {  	s5 =	sshll.u32 s5, $0x9  }
0x4d4: {  	s1 =	sor.u32 s5, s1  }
0x4d5: {  	s5 =	sshra.s32 s1, $0x2  }
0x4d6: {  	s1 =	sadd.s32 $0x4840, s5  }
0x4d7: {  	s9 =	sadd.s32 $0x12040, s5;
	v1 =	vld [tilespmem:s1+$0x30]  }
0x4d8: {  	v2 =	vld [tilespmem:s9+$0x30]  }
0x4d9: {  	v0 =	vld [tilespmem:s9+$0xFFFFFFC0]  }
0x4da: {  	v3 =	vld [tilespmem:s1+$0xFFFFFFD0]  }
0x4db: {  	v4 =	vld [tilespmem:s9+$0xFFFFFFD0]  }
0x4dc: {  	v5 =	vld [tilespmem:s1+$0xFFFFFFE0]  }
0x4dd: {  	v6 =	vld [tilespmem:s9+$0xFFFFFFE0]  }
0x4de: {  	v7 =	vld [tilespmem:s1+$0xFFFFFFF0]  }
0x4df: {  	v8 =	vld [tilespmem:s9+$0xFFFFFFF0]  }
0x4e0: {  	v9 =	vld [tilespmem:s1+$0x0]  }
0x4e1: {  	v10 =	vld [tilespmem:s9+$0x0];
	v2 =	vadd.f32 v2, v1  }
0x4e2: {  	v4 =	vadd.f32 v4, v3;
	v1 =	vld [tilespmem:s1+$0x10]  }
0x4e3: {  	v5 =	vadd.f32 v6, v5;
	v3 =	vld [tilespmem:s9+$0x10];
	[tilespmem:s1+$0x30] =	vst v2  }
0x4e4: {  	v6 =	vadd.f32 v8, v7;
	[tilespmem:s1+$0xFFFFFFD0] =	vst v4;
	v2 =	vld [tilespmem:s1+$0x20]  }
0x4e5: {  	[tilespmem:s1+$0xFFFFFFE0] =	vst v5;
	v5 =	vld [tilespmem:s9+$0x20]  }
0x4e6: {  	s10 =	simm.s32 $0x0;
	s5 =	sadd.s32 $0x400, s1;
	v4 =	vld [tilespmem:s1+$0xFFFFFFC0];
	[tilespmem:s1+$0xFFFFFFF0] =	vst v6;
	v6 =	vadd.f32 v10, v9  }
.LBB2_88:
0x4e7: {  	v7 =	vld [tilespmem:s5+$0x30];
	s9 =	sadd.s32 $0x400, s9  }
0x4e8: {  	s10 =	sadd.s32 $0x80, s10;
	v8 =	vld [tilespmem:s9+$0x30];
	[tilespmem:s1+$0x0] =	vst v6;
	v1 =	vadd.f32 v3, v1  }
0x4e9: {  	p1 =	slt.u32 s10, $0x280;
	v3 =	vld [tilespmem:s9+$0xFFFFFFC0]  }
0x4ea: {  	v6 =	vld [tilespmem:s5+$0xFFFFFFD0];
	[tilespmem:s1+$0x10] =	vst v1;
	v1 =	vadd.f32 v5, v2  }
0x4eb: {  	v2 =	vld [tilespmem:s9+$0xFFFFFFD0];
	v9 =	vadd.f32 v0, v4  }
0x4ec: {  	v4 =	vld [tilespmem:s5+$0xFFFFFFE0];
	[tilespmem:s1+$0x20] =	vst v1  }
0x4ed: {  	v1 =	vld [tilespmem:s9+$0xFFFFFFE0];
	v5 =	vadd.f32 v8, v7;
	[tilespmem:s1+$0xFFFFFFC0] =	vst v9;
	s1 =	smov.u32 s5  }
0x4ee: {  	v7 =	vld [tilespmem:s5+$0xFFFFFFF0];
	v0 =	vmov v3  }
0x4ef: {  	v8 =	vld [tilespmem:s9+$0xFFFFFFF0];
	[tilespmem:s5+$0x30] =	vst v5  }
0x4f0: {  	v2 =	vadd.f32 v2, v6;
	v6 =	vld [tilespmem:s5+$0x0]  }
0x4f1: {  	v9 =	vld [tilespmem:s9+$0x0]  }
.Ltmp42:
0x4f2: {  	[tilespmem:s5+$0xFFFFFFD0] =	vst v2;
	v2 =	vadd.f32 v1, v4;
	v1 =	vld [tilespmem:s5+$0x10];
	(pc) =	sbr.rel @p1 .LBB2_88-.Ltmp42, $4  }
0x4f3: {  	v3 =	vld [tilespmem:s9+$0x10]  }
0x4f4: {  	[tilespmem:s5+$0xFFFFFFE0] =	vst v2;
	v7 =	vadd.f32 v8, v7;
	v2 =	vld [tilespmem:s5+$0x20]  }
0x4f5: {  	v5 =	vld [tilespmem:s9+$0x20]  }
0x4f6: {  	s5 =	sadd.s32 $0x400, s5;
	v4 =	vld [tilespmem:s1+$0xFFFFFFC0];
	[tilespmem:s1+$0xFFFFFFF0] =	vst v7;
	v6 =	vadd.f32 v9, v6  }
0x4f7: {  	s0 =	sadd.s32 $0x1, s0  }
0x4f8: {  	p1 =	sne.s32 s0, $0x18  }
.Ltmp43:
0x4f9: {  	v1 =	vadd.f32 v3, v1;
	(pc) =	sbr.rel @p1 .LBB2_87-.Ltmp43, $4  }
0x4fa: {  	[tilespmem:s1+$0x0] =	vst v6;
	v2 =	vadd.f32 v5, v2  }
0x4fb: {  	[tilespmem:s1+$0x10] =	vst v1;
	v0 =	vadd.f32 v0, v4  }
0x4fc: {  	[tilespmem:s1+$0x20] =	vst v2  }
0x4fd: {  	s29 =	sadd.s32 $0x1, s29;
	[tilespmem:s1+$0xFFFFFFC0] =	vst v0  }
0x4fe: {  	s0 =	sadd.s32 s3, s30;
	s29 =	simm.s32 $0x0  }
0x4ff: {  	[hbm4b:s0+s29] =	stream.linear.scatter [tilespmem:s13], [sflag:$0x6], $0x4800, $0x38;
	[tilespmem:$0x1F800] =	vst v63  }
0x500: {  	s31 =	sadd.s32 s25, s12;
	_ =	swait.ge [sflag:s18], $0x4800  }
0x501: {  	s1 =	smul.u32 $0x6C000, s31;
	[sflag:s18] =	ssyncset.done $0x0  }
0x502: {  	[sflag:s18] =	ssyncadd.s32 $0xFFFFB800  }
0x503: {  	s0 =	sadd.s32 s4, s1;
	_ =	swait.ge [sflag:s19], $0x4800  }
0x504: {  	s0 =	sshrl.u32 s0, $0x3;
	[sflag:s19] =	ssyncset.done $0x0  }
0x505: {  	s0 =	sadd.s32 s2, s0;
	[sflag:s19] =	ssyncadd.s32 $0xFFFFB800  }
0x506: {  	[tilespmem:s29], [sflag:$0x1] =	stream.linear.gather [hbm4b:s0+s29], $0x4800, $0x38;
	[tilespmem:$0x1F800] =	vst v63  }
0x507: {  	s9 =	simm.s32 $0x0;
	s0 =	simm.s32 $0x18  }
.LBB2_91:
0x508: {  	s5 =	sshrl.u32 s9, $0x3  }
0x509: {  	s10 =	sshll.u32 s29, $0x9;
	s14 =	sshrl.u32 s0, $0x3;
	s5 =	smul.u32 $0x6000, s5  }
0x50a: {  	s10 =	sand.u32 $0xE00, s10;
	s14 =	smul.u32 $0x6000, s14  }
0x50b: {  	s5 =	sor.u32 s10, s5  }
0x50c: {  	s14 =	sor.u32 s10, s14;
	s5 =	sshra.s32 s5, $0x2  }
0x50d: {  	s31 =	sshra.s32 s14, $0x2;
	s10 =	sadd.s32 $0x9040, s5  }
0x50e: {  	s14 =	sadd.s32 $0x12040, s31;
	v1 =	vld [tilespmem:s10+$0x30]  }
0x50f: {  	v2 =	vld [tilespmem:s14+$0x30]  }
0x510: {  	v0 =	vld [tilespmem:s14+$0xFFFFFFC0]  }
0x511: {  	v3 =	vld [tilespmem:s10+$0xFFFFFFD0]  }
0x512: {  	v4 =	vld [tilespmem:s14+$0xFFFFFFD0]  }
0x513: {  	v5 =	vld [tilespmem:s10+$0xFFFFFFE0]  }
0x514: {  	v6 =	vld [tilespmem:s14+$0xFFFFFFE0]  }
0x515: {  	v7 =	vld [tilespmem:s10+$0xFFFFFFF0]  }
0x516: {  	v8 =	vld [tilespmem:s14+$0xFFFFFFF0]  }
0x517: {  	v9 =	vld [tilespmem:s10+$0x0]  }
0x518: {  	v10 =	vld [tilespmem:s14+$0x0];
	v2 =	vadd.f32 v2, v1  }
0x519: {  	v4 =	vadd.f32 v4, v3;
	v1 =	vld [tilespmem:s10+$0x10]  }
0x51a: {  	v5 =	vadd.f32 v6, v5;
	v3 =	vld [tilespmem:s14+$0x10];
	[tilespmem:s10+$0x30] =	vst v2  }
0x51b: {  	v6 =	vadd.f32 v8, v7;
	[tilespmem:s10+$0xFFFFFFD0] =	vst v4;
	v2 =	vld [tilespmem:s10+$0x20]  }
0x51c: {  	[tilespmem:s10+$0xFFFFFFE0] =	vst v5;
	v5 =	vld [tilespmem:s14+$0x20]  }
0x51d: {  	s24 =	simm.s32 $0x0;
	s5 =	sadd.s32 $0x400, s10;
	v4 =	vld [tilespmem:s10+$0xFFFFFFC0];
	[tilespmem:s10+$0xFFFFFFF0] =	vst v6;
	v6 =	vadd.f32 v10, v9  }
.LBB2_92:
0x51e: {  	v7 =	vld [tilespmem:s5+$0x30];
	s14 =	sadd.s32 $0x400, s14  }
0x51f: {  	s24 =	sadd.s32 $0x80, s24;
	v8 =	vld [tilespmem:s14+$0x30];
	[tilespmem:s10+$0x0] =	vst v6;
	v1 =	vadd.f32 v3, v1  }
0x520: {  	p1 =	slt.u32 s24, $0x280;
	v3 =	vld [tilespmem:s14+$0xFFFFFFC0]  }
0x521: {  	v6 =	vld [tilespmem:s5+$0xFFFFFFD0];
	[tilespmem:s10+$0x10] =	vst v1;
	v1 =	vadd.f32 v5, v2  }
0x522: {  	v2 =	vld [tilespmem:s14+$0xFFFFFFD0];
	v9 =	vadd.f32 v0, v4  }
0x523: {  	v4 =	vld [tilespmem:s5+$0xFFFFFFE0];
	[tilespmem:s10+$0x20] =	vst v1  }
0x524: {  	v1 =	vld [tilespmem:s14+$0xFFFFFFE0];
	v5 =	vadd.f32 v8, v7;
	[tilespmem:s10+$0xFFFFFFC0] =	vst v9;
	s10 =	smov.u32 s5  }
0x525: {  	v7 =	vld [tilespmem:s5+$0xFFFFFFF0];
	v0 =	vmov v3  }
0x526: {  	v8 =	vld [tilespmem:s14+$0xFFFFFFF0];
	[tilespmem:s5+$0x30] =	vst v5  }
0x527: {  	v2 =	vadd.f32 v2, v6;
	v6 =	vld [tilespmem:s5+$0x0]  }
0x528: {  	v9 =	vld [tilespmem:s14+$0x0]  }
.Ltmp44:
0x529: {  	[tilespmem:s5+$0xFFFFFFD0] =	vst v2;
	v2 =	vadd.f32 v1, v4;
	v1 =	vld [tilespmem:s5+$0x10];
	(pc) =	sbr.rel @p1 .LBB2_92-.Ltmp44, $4  }
0x52a: {  	v3 =	vld [tilespmem:s14+$0x10]  }
0x52b: {  	[tilespmem:s5+$0xFFFFFFE0] =	vst v2;
	v7 =	vadd.f32 v8, v7;
	v2 =	vld [tilespmem:s5+$0x20]  }
0x52c: {  	v5 =	vld [tilespmem:s14+$0x20]  }
0x52d: {  	s5 =	sadd.s32 $0x400, s5;
	v4 =	vld [tilespmem:s10+$0xFFFFFFC0];
	[tilespmem:s10+$0xFFFFFFF0] =	vst v7;
	v6 =	vadd.f32 v9, v6  }
0x52e: {  	s9 =	sadd.s32 $0x1, s9  }
0x52f: {  	p1 =	sne.s32 s9, $0x18  }
.Ltmp45:
0x530: {  	v1 =	vadd.f32 v3, v1;
	(pc) =	sbr.rel @p1 .LBB2_91-.Ltmp45, $4  }
0x531: {  	[tilespmem:s10+$0x0] =	vst v6;
	v2 =	vadd.f32 v5, v2  }
0x532: {  	[tilespmem:s10+$0x10] =	vst v1;
	v0 =	vadd.f32 v0, v4  }
0x533: {  	[tilespmem:s10+$0x20] =	vst v2  }
0x534: {  	s29 =	sadd.s32 $0x1, s29;
	s0 =	sadd.s32 $0x1, s0;
	[tilespmem:s10+$0xFFFFFFC0] =	vst v0  }
0x535: {  	s0 =	sadd.s32 s3, s26;
	s25 =	simm.s32 $0x0  }
0x536: {  	[hbm4b:s0+s25] =	stream.linear.scatter [tilespmem:s15], [sflag:$0x7], $0x4800, $0x38;
	[tilespmem:$0x1F800] =	vst v63  }
0x537: {  	_ =	swait.ge [sflag:s20], $0x4800  }
0x538: {  	[sflag:s20] =	ssyncset.done $0x0  }
0x539: {  	[sflag:s20] =	ssyncadd.s32 $0xFFFFB800  }
0x53a: {  	s31 =	sadd.s32 s6, s1;
	_ =	swait.ge [sflag:s21], $0x4800  }
0x53b: {  	s0 =	sshrl.u32 s31, $0x3;
	[sflag:s21] =	ssyncset.done $0x0  }
0x53c: {  	s0 =	sadd.s32 s2, s0;
	[sflag:s21] =	ssyncadd.s32 $0xFFFFB800  }
0x53d: {  	[tilespmem:s13], [sflag:$0x2] =	stream.linear.gather [hbm4b:s0+s25], $0x4800, $0x38;
	[tilespmem:$0x1F800] =	vst v63  }
0x53e: {  	s1 =	simm.s32 $0x0;
	s26 =	simm.s32 $0x0;
	s0 =	simm.s32 $0x30  }
.LBB2_95:
0x53f: {  	s5 =	sshrl.u32 s1, $0x3  }
0x540: {  	s9 =	sshll.u32 s25, $0x9;
	s10 =	sshrl.u32 s0, $0x3;
	s5 =	smul.u32 $0x6000, s5  }
0x541: {  	s9 =	sand.u32 $0xE00, s9;
	s10 =	smul.u32 $0x6000, s10  }
0x542: {  	s5 =	sor.u32 s9, s5  }
0x543: {  	s10 =	sor.u32 s9, s10;
	s5 =	sshra.s32 s5, $0x2  }
0x544: {  	s31 =	sshra.s32 s10, $0x2;
	s9 =	sadd.s32 $0xD840, s5  }
0x545: {  	s10 =	sadd.s32 $0x12040, s31;
	v1 =	vld [tilespmem:s9+$0x30]  }
0x546: {  	v2 =	vld [tilespmem:s10+$0x30]  }
0x547: {  	v0 =	vld [tilespmem:s10+$0xFFFFFFC0]  }
0x548: {  	v3 =	vld [tilespmem:s9+$0xFFFFFFD0]  }
0x549: {  	v4 =	vld [tilespmem:s10+$0xFFFFFFD0]  }
0x54a: {  	v5 =	vld [tilespmem:s9+$0xFFFFFFE0]  }
0x54b: {  	v6 =	vld [tilespmem:s10+$0xFFFFFFE0]  }
0x54c: {  	v7 =	vld [tilespmem:s9+$0xFFFFFFF0]  }
0x54d: {  	v8 =	vld [tilespmem:s10+$0xFFFFFFF0]  }
0x54e: {  	v9 =	vld [tilespmem:s9+$0x0]  }
0x54f: {  	v10 =	vld [tilespmem:s10+$0x0];
	v2 =	vadd.f32 v2, v1  }
0x550: {  	v4 =	vadd.f32 v4, v3;
	v1 =	vld [tilespmem:s9+$0x10]  }
0x551: {  	v5 =	vadd.f32 v6, v5;
	v3 =	vld [tilespmem:s10+$0x10];
	[tilespmem:s9+$0x30] =	vst v2  }
0x552: {  	v6 =	vadd.f32 v8, v7;
	[tilespmem:s9+$0xFFFFFFD0] =	vst v4;
	v2 =	vld [tilespmem:s9+$0x20]  }
0x553: {  	[tilespmem:s9+$0xFFFFFFE0] =	vst v5;
	v5 =	vld [tilespmem:s10+$0x20]  }
0x554: {  	s14 =	simm.s32 $0x0;
	s5 =	sadd.s32 $0x400, s9;
	v4 =	vld [tilespmem:s9+$0xFFFFFFC0];
	[tilespmem:s9+$0xFFFFFFF0] =	vst v6;
	v6 =	vadd.f32 v10, v9  }
.LBB2_96:
0x555: {  	v7 =	vld [tilespmem:s5+$0x30];
	s10 =	sadd.s32 $0x400, s10  }
0x556: {  	s14 =	sadd.s32 $0x80, s14;
	v8 =	vld [tilespmem:s10+$0x30];
	[tilespmem:s9+$0x0] =	vst v6;
	v1 =	vadd.f32 v3, v1  }
0x557: {  	p1 =	slt.u32 s14, $0x280;
	v3 =	vld [tilespmem:s10+$0xFFFFFFC0]  }
0x558: {  	v6 =	vld [tilespmem:s5+$0xFFFFFFD0];
	[tilespmem:s9+$0x10] =	vst v1;
	v1 =	vadd.f32 v5, v2  }
0x559: {  	v2 =	vld [tilespmem:s10+$0xFFFFFFD0];
	v9 =	vadd.f32 v0, v4  }
0x55a: {  	v4 =	vld [tilespmem:s5+$0xFFFFFFE0];
	[tilespmem:s9+$0x20] =	vst v1  }
0x55b: {  	v1 =	vld [tilespmem:s10+$0xFFFFFFE0];
	v5 =	vadd.f32 v8, v7;
	[tilespmem:s9+$0xFFFFFFC0] =	vst v9;
	s9 =	smov.u32 s5  }
0x55c: {  	v7 =	vld [tilespmem:s5+$0xFFFFFFF0];
	v0 =	vmov v3  }
0x55d: {  	v8 =	vld [tilespmem:s10+$0xFFFFFFF0];
	[tilespmem:s5+$0x30] =	vst v5  }
0x55e: {  	v2 =	vadd.f32 v2, v6;
	v6 =	vld [tilespmem:s5+$0x0]  }
0x55f: {  	v9 =	vld [tilespmem:s10+$0x0]  }
.Ltmp46:
0x560: {  	[tilespmem:s5+$0xFFFFFFD0] =	vst v2;
	v2 =	vadd.f32 v1, v4;
	v1 =	vld [tilespmem:s5+$0x10];
	(pc) =	sbr.rel @p1 .LBB2_96-.Ltmp46, $4  }
0x561: {  	v3 =	vld [tilespmem:s10+$0x10]  }
0x562: {  	[tilespmem:s5+$0xFFFFFFE0] =	vst v2;
	v7 =	vadd.f32 v8, v7;
	v2 =	vld [tilespmem:s5+$0x20]  }
0x563: {  	v5 =	vld [tilespmem:s10+$0x20]  }
0x564: {  	s5 =	sadd.s32 $0x400, s5;
	v4 =	vld [tilespmem:s9+$0xFFFFFFC0];
	[tilespmem:s9+$0xFFFFFFF0] =	vst v7;
	v6 =	vadd.f32 v9, v6  }
0x565: {  	s1 =	sadd.s32 $0x1, s1  }
0x566: {  	p1 =	sne.s32 s1, $0x18  }
.Ltmp47:
0x567: {  	v1 =	vadd.f32 v3, v1;
	(pc) =	sbr.rel @p1 .LBB2_95-.Ltmp47, $4  }
0x568: {  	[tilespmem:s9+$0x0] =	vst v6;
	v2 =	vadd.f32 v5, v2  }
0x569: {  	[tilespmem:s9+$0x10] =	vst v1;
	v0 =	vadd.f32 v0, v4  }
0x56a: {  	[tilespmem:s9+$0x20] =	vst v2  }
0x56b: {  	s25 =	sadd.s32 $0x1, s25;
	s0 =	sadd.s32 $0x1, s0;
	[tilespmem:s9+$0xFFFFFFC0] =	vst v0  }
.Ltmp48:
0x56c: {  	(pc) =	sbr.rel @p0 .LBB2_50-.Ltmp48, $3  }
0x56d: {  	_ =	sdelay $0x1  }
0x56e: {  	s0 =	sadd.s32 s3, s28;
	s25 =	simm.s32 $0x8;
	p1 =	por $0x0, $0x0  }
0x56f: {  	[hbm4b:s0+s26] =	stream.linear.scatter [tilespmem:s17], [sflag:$0x8], $0x4800, $0x38;
	[tilespmem:$0x1F800] =	vst v63  }
0x570: {  	_ =	swait.ge [sflag:s11], $0x4800  }
0x571: {  	[sflag:s11] =	ssyncset.done $0x0  }
0x572: {  	[sflag:s11] =	ssyncadd.s32 $0xFFFFB800  }
0x573: {  	_ =	swait.ge [sflag:s22], $0x4800  }
0x574: {  	s1 =	sld [smem:$0x7E9]  }
0x575: {  	[sflag:s22] =	ssyncset.done $0x0  }
0x576: {  	s0 =	simm.s32 $0x0;
	[sflag:s22] =	ssyncadd.s32 $0xFFFFB800  }
0x577: {  	[tilespmem:s15], [sflag:$0x3] =	stream.linear.gather [hbm4b:s1+s0], $0x4800, $0x38;
	[tilespmem:$0x1F800] =	vst v63  }
0x578: {  	s1 =	simm.s32 $0x0  }
.LBB2_100:
0x579: {  	s5 =	sshrl.u32 s1, $0x3  }
0x57a: {  	s9 =	sand.u32 $0x7, s0;
	s5 =	smul.u32 $0x6000, s5  }
0x57b: {  	s9 =	sshll.u32 s9, $0x9  }
0x57c: {  	s5 =	sor.u32 s9, s5  }
0x57d: {  	s5 =	sshra.s32 s5, $0x2  }
0x57e: {  	s9 =	sor.u32 $0x40, s5  }
0x57f: {  	s10 =	sadd.s32 $0x12040, s5;
	v1 =	vld [tilespmem:s9+$0x30]  }
0x580: {  	v2 =	vld [tilespmem:s10+$0x30]  }
0x581: {  	v0 =	vld [tilespmem:s10+$0xFFFFFFC0]  }
0x582: {  	v3 =	vld [tilespmem:s9+$0xFFFFFFD0]  }
0x583: {  	v4 =	vld [tilespmem:s10+$0xFFFFFFD0]  }
0x584: {  	v5 =	vld [tilespmem:s9+$0xFFFFFFE0]  }
0x585: {  	v6 =	vld [tilespmem:s10+$0xFFFFFFE0]  }
0x586: {  	v7 =	vld [tilespmem:s9+$0xFFFFFFF0]  }
0x587: {  	v8 =	vld [tilespmem:s10+$0xFFFFFFF0]  }
0x588: {  	v9 =	vld [tilespmem:s9+$0x0]  }
0x589: {  	v10 =	vld [tilespmem:s10+$0x0];
	v2 =	vadd.f32 v2, v1  }
0x58a: {  	v4 =	vadd.f32 v4, v3;
	v1 =	vld [tilespmem:s9+$0x10]  }
0x58b: {  	v5 =	vadd.f32 v6, v5;
	v3 =	vld [tilespmem:s10+$0x10];
	[tilespmem:s9+$0x30] =	vst v2  }
0x58c: {  	v6 =	vadd.f32 v8, v7;
	[tilespmem:s9+$0xFFFFFFD0] =	vst v4;
	v2 =	vld [tilespmem:s9+$0x20]  }
0x58d: {  	[tilespmem:s9+$0xFFFFFFE0] =	vst v5;
	v5 =	vld [tilespmem:s10+$0x20]  }
0x58e: {  	s14 =	simm.s32 $0x0;
	s5 =	sadd.s32 $0x400, s9;
	v4 =	vld [tilespmem:s9+$0xFFFFFFC0];
	[tilespmem:s9+$0xFFFFFFF0] =	vst v6;
	v6 =	vadd.f32 v10, v9  }
.LBB2_101:
0x58f: {  	v7 =	vld [tilespmem:s5+$0x30];
	s10 =	sadd.s32 $0x400, s10  }
0x590: {  	s14 =	sadd.s32 $0x80, s14;
	v8 =	vld [tilespmem:s10+$0x30];
	[tilespmem:s9+$0x0] =	vst v6;
	v1 =	vadd.f32 v3, v1  }
0x591: {  	p0 =	slt.u32 s14, $0x280;
	v3 =	vld [tilespmem:s10+$0xFFFFFFC0]  }
0x592: {  	v6 =	vld [tilespmem:s5+$0xFFFFFFD0];
	[tilespmem:s9+$0x10] =	vst v1;
	v1 =	vadd.f32 v5, v2  }
0x593: {  	v2 =	vld [tilespmem:s10+$0xFFFFFFD0];
	v9 =	vadd.f32 v0, v4  }
0x594: {  	v4 =	vld [tilespmem:s5+$0xFFFFFFE0];
	[tilespmem:s9+$0x20] =	vst v1  }
0x595: {  	v1 =	vld [tilespmem:s10+$0xFFFFFFE0];
	v5 =	vadd.f32 v8, v7;
	[tilespmem:s9+$0xFFFFFFC0] =	vst v9;
	s9 =	smov.u32 s5  }
0x596: {  	v7 =	vld [tilespmem:s5+$0xFFFFFFF0];
	v0 =	vmov v3  }
0x597: {  	v8 =	vld [tilespmem:s10+$0xFFFFFFF0];
	[tilespmem:s5+$0x30] =	vst v5  }
0x598: {  	v2 =	vadd.f32 v2, v6;
	v6 =	vld [tilespmem:s5+$0x0]  }
0x599: {  	v9 =	vld [tilespmem:s10+$0x0]  }
.Ltmp49:
0x59a: {  	[tilespmem:s5+$0xFFFFFFD0] =	vst v2;
	v2 =	vadd.f32 v1, v4;
	v1 =	vld [tilespmem:s5+$0x10];
	(pc) =	sbr.rel @p0 .LBB2_101-.Ltmp49, $4  }
0x59b: {  	v3 =	vld [tilespmem:s10+$0x10]  }
0x59c: {  	[tilespmem:s5+$0xFFFFFFE0] =	vst v2;
	v7 =	vadd.f32 v8, v7;
	v2 =	vld [tilespmem:s5+$0x20]  }
0x59d: {  	v5 =	vld [tilespmem:s10+$0x20]  }
0x59e: {  	s5 =	sadd.s32 $0x400, s5;
	v4 =	vld [tilespmem:s9+$0xFFFFFFC0];
	[tilespmem:s9+$0xFFFFFFF0] =	vst v7;
	v6 =	vadd.f32 v9, v6  }
0x59f: {  	s1 =	sadd.s32 $0x1, s1  }
0x5a0: {  	p0 =	sne.s32 s1, $0x18  }
.Ltmp50:
0x5a1: {  	v1 =	vadd.f32 v3, v1;
	(pc) =	sbr.rel @p0 .LBB2_100-.Ltmp50, $4  }
0x5a2: {  	[tilespmem:s9+$0x0] =	vst v6;
	v2 =	vadd.f32 v5, v2  }
0x5a3: {  	[tilespmem:s9+$0x10] =	vst v1;
	v0 =	vadd.f32 v0, v4  }
0x5a4: {  	[tilespmem:s9+$0x20] =	vst v2  }
0x5a5: {  	s0 =	sadd.s32 $0x1, s0;
	[tilespmem:s9+$0xFFFFFFC0] =	vst v0  }
0x5a6: {  	s1 =	simm.s32 $0x0;
	s0 =	rddreg [dreg:$0x1f]  }
0x5a7: {  	[hbm4b:s0+s1] =	stream.linear.scatter [tilespmem:s1], [sflag:$0x5], $0x4800, $0x38;
	[tilespmem:$0x1F800] =	vst v63  }
0x5a8: {  	_ =	swait.ge [sflag:s16], $0x4800  }
0x5a9: {  	[sflag:s16] =	ssyncset.done $0x0  }
0x5aa: {  	[sflag:s16] =	ssyncadd.s32 $0xFFFFB800  }
0x5ab: {  	_ =	swait.ge [sflag:s23], $0x4800  }
0x5ac: {  	s31 =	sld [smem:$0x7EB]  }
0x5ad: {  	[sflag:s23] =	ssyncset.done $0x0  }
0x5ae: {  	s9 =	simm.s32 $0x0;
	s0 =	simm.s32 $0x18;
	[sflag:s23] =	ssyncadd.s32 $0xFFFFB800  }
0x5af: {  	[tilespmem:s17], [sflag:$0x4] =	stream.linear.gather [hbm4b:s31+s1], $0x4800, $0x38;
	[tilespmem:$0x1F800] =	vst v63  }
.LBB2_104:
0x5b0: {  	s5 =	sshrl.u32 s9, $0x3  }
0x5b1: {  	s10 =	sshll.u32 s1, $0x9;
	s14 =	sshrl.u32 s0, $0x3;
	s5 =	smul.u32 $0x6000, s5  }
0x5b2: {  	s10 =	sand.u32 $0xE00, s10;
	s14 =	smul.u32 $0x6000, s14  }
0x5b3: {  	s5 =	sor.u32 s10, s5  }
0x5b4: {  	s14 =	sor.u32 s10, s14;
	s5 =	sshra.s32 s5, $0x2  }
0x5b5: {  	s31 =	sshra.s32 s14, $0x2;
	s10 =	sadd.s32 $0x4840, s5  }
0x5b6: {  	s14 =	sadd.s32 $0x12040, s31;
	v1 =	vld [tilespmem:s10+$0x30]  }
0x5b7: {  	v2 =	vld [tilespmem:s14+$0x30]  }
0x5b8: {  	v0 =	vld [tilespmem:s14+$0xFFFFFFC0]  }
0x5b9: {  	v3 =	vld [tilespmem:s10+$0xFFFFFFD0]  }
0x5ba: {  	v4 =	vld [tilespmem:s14+$0xFFFFFFD0]  }
0x5bb: {  	v5 =	vld [tilespmem:s10+$0xFFFFFFE0]  }
0x5bc: {  	v6 =	vld [tilespmem:s14+$0xFFFFFFE0]  }
0x5bd: {  	v7 =	vld [tilespmem:s10+$0xFFFFFFF0]  }
0x5be: {  	v8 =	vld [tilespmem:s14+$0xFFFFFFF0]  }
0x5bf: {  	v9 =	vld [tilespmem:s10+$0x0]  }
0x5c0: {  	v10 =	vld [tilespmem:s14+$0x0];
	v2 =	vadd.f32 v2, v1  }
0x5c1: {  	v4 =	vadd.f32 v4, v3;
	v1 =	vld [tilespmem:s10+$0x10]  }
0x5c2: {  	v5 =	vadd.f32 v6, v5;
	v3 =	vld [tilespmem:s14+$0x10];
	[tilespmem:s10+$0x30] =	vst v2  }
0x5c3: {  	v6 =	vadd.f32 v8, v7;
	[tilespmem:s10+$0xFFFFFFD0] =	vst v4;
	v2 =	vld [tilespmem:s10+$0x20]  }
0x5c4: {  	[tilespmem:s10+$0xFFFFFFE0] =	vst v5;
	v5 =	vld [tilespmem:s14+$0x20]  }
0x5c5: {  	s24 =	simm.s32 $0x0;
	s5 =	sadd.s32 $0x400, s10;
	v4 =	vld [tilespmem:s10+$0xFFFFFFC0];
	[tilespmem:s10+$0xFFFFFFF0] =	vst v6;
	v6 =	vadd.f32 v10, v9  }
.LBB2_105:
0x5c6: {  	v7 =	vld [tilespmem:s5+$0x30];
	s14 =	sadd.s32 $0x400, s14  }
0x5c7: {  	s24 =	sadd.s32 $0x80, s24;
	v8 =	vld [tilespmem:s14+$0x30];
	[tilespmem:s10+$0x0] =	vst v6;
	v1 =	vadd.f32 v3, v1  }
0x5c8: {  	p0 =	slt.u32 s24, $0x280;
	v3 =	vld [tilespmem:s14+$0xFFFFFFC0]  }
0x5c9: {  	v6 =	vld [tilespmem:s5+$0xFFFFFFD0];
	[tilespmem:s10+$0x10] =	vst v1;
	v1 =	vadd.f32 v5, v2  }
0x5ca: {  	v2 =	vld [tilespmem:s14+$0xFFFFFFD0];
	v9 =	vadd.f32 v0, v4  }
0x5cb: {  	v4 =	vld [tilespmem:s5+$0xFFFFFFE0];
	[tilespmem:s10+$0x20] =	vst v1  }
0x5cc: {  	v1 =	vld [tilespmem:s14+$0xFFFFFFE0];
	v5 =	vadd.f32 v8, v7;
	[tilespmem:s10+$0xFFFFFFC0] =	vst v9;
	s10 =	smov.u32 s5  }
0x5cd: {  	v7 =	vld [tilespmem:s5+$0xFFFFFFF0];
	v0 =	vmov v3  }
0x5ce: {  	v8 =	vld [tilespmem:s14+$0xFFFFFFF0];
	[tilespmem:s5+$0x30] =	vst v5  }
0x5cf: {  	v2 =	vadd.f32 v2, v6;
	v6 =	vld [tilespmem:s5+$0x0]  }
0x5d0: {  	v9 =	vld [tilespmem:s14+$0x0]  }
.Ltmp51:
0x5d1: {  	[tilespmem:s5+$0xFFFFFFD0] =	vst v2;
	v2 =	vadd.f32 v1, v4;
	v1 =	vld [tilespmem:s5+$0x10];
	(pc) =	sbr.rel @p0 .LBB2_105-.Ltmp51, $4  }
0x5d2: {  	v3 =	vld [tilespmem:s14+$0x10]  }
0x5d3: {  	[tilespmem:s5+$0xFFFFFFE0] =	vst v2;
	v7 =	vadd.f32 v8, v7;
	v2 =	vld [tilespmem:s5+$0x20]  }
0x5d4: {  	v5 =	vld [tilespmem:s14+$0x20]  }
0x5d5: {  	s5 =	sadd.s32 $0x400, s5;
	v4 =	vld [tilespmem:s10+$0xFFFFFFC0];
	[tilespmem:s10+$0xFFFFFFF0] =	vst v7;
	v6 =	vadd.f32 v9, v6  }
0x5d6: {  	s9 =	sadd.s32 $0x1, s9  }
0x5d7: {  	p0 =	sne.s32 s9, $0x18  }
.Ltmp52:
0x5d8: {  	v1 =	vadd.f32 v3, v1;
	(pc) =	sbr.rel @p0 .LBB2_104-.Ltmp52, $4  }
0x5d9: {  	[tilespmem:s10+$0x0] =	vst v6;
	v2 =	vadd.f32 v5, v2  }
0x5da: {  	[tilespmem:s10+$0x10] =	vst v1;
	v0 =	vadd.f32 v0, v4  }
0x5db: {  	[tilespmem:s10+$0x20] =	vst v2  }
0x5dc: {  	s1 =	sadd.s32 $0x1, s1;
	s0 =	sadd.s32 $0x1, s0;
	[tilespmem:s10+$0xFFFFFFC0] =	vst v0  }
0x5dd: {  	s0 =	sld [smem:$0x7E8];
	_ =	sdelay $0x1  }
0x5de: {  	s1 =	simm.s32 $0x0  }
0x5df: {  	[hbm4b:s0+s1] =	stream.linear.scatter [tilespmem:s13], [sflag:$0x6], $0x4800, $0x38;
	[tilespmem:$0x1F800] =	vst v63  }
0x5e0: {  	_ =	swait.ge [sflag:s18], $0x4800  }
0x5e1: {  	[sflag:s18] =	ssyncset.done $0x0  }
0x5e2: {  	[sflag:s18] =	ssyncadd.s32 $0xFFFFB800  }
0x5e3: {  	_ =	swait.ge [sflag:s19], $0x4800  }
0x5e4: {  	s31 =	sld [smem:$0x7ED]  }
0x5e5: {  	[sflag:s19] =	ssyncset.done $0x0  }
0x5e6: {  	s9 =	simm.s32 $0x0;
	s0 =	simm.s32 $0x30;
	[sflag:s19] =	ssyncadd.s32 $0xFFFFB800  }
0x5e7: {  	[tilespmem:s1], [sflag:$0x1] =	stream.linear.gather [hbm4b:s31+s1], $0x4800, $0x38;
	[tilespmem:$0x1F800] =	vst v63  }
.LBB2_108:
0x5e8: {  	s5 =	sshrl.u32 s9, $0x3  }
0x5e9: {  	s10 =	sshll.u32 s1, $0x9;
	s14 =	sshrl.u32 s0, $0x3;
	s5 =	smul.u32 $0x6000, s5  }
0x5ea: {  	s10 =	sand.u32 $0xE00, s10;
	s14 =	smul.u32 $0x6000, s14  }
0x5eb: {  	s5 =	sor.u32 s10, s5  }
0x5ec: {  	s14 =	sor.u32 s10, s14;
	s5 =	sshra.s32 s5, $0x2  }
0x5ed: {  	s31 =	sshra.s32 s14, $0x2;
	s10 =	sadd.s32 $0x9040, s5  }
0x5ee: {  	s14 =	sadd.s32 $0x12040, s31;
	v1 =	vld [tilespmem:s10+$0x30]  }
0x5ef: {  	v2 =	vld [tilespmem:s14+$0x30]  }
0x5f0: {  	v0 =	vld [tilespmem:s14+$0xFFFFFFC0]  }
0x5f1: {  	v3 =	vld [tilespmem:s10+$0xFFFFFFD0]  }
0x5f2: {  	v4 =	vld [tilespmem:s14+$0xFFFFFFD0]  }
0x5f3: {  	v5 =	vld [tilespmem:s10+$0xFFFFFFE0]  }
0x5f4: {  	v6 =	vld [tilespmem:s14+$0xFFFFFFE0]  }
0x5f5: {  	v7 =	vld [tilespmem:s10+$0xFFFFFFF0]  }
0x5f6: {  	v8 =	vld [tilespmem:s14+$0xFFFFFFF0]  }
0x5f7: {  	v9 =	vld [tilespmem:s10+$0x0]  }
0x5f8: {  	v10 =	vld [tilespmem:s14+$0x0];
	v2 =	vadd.f32 v2, v1  }
0x5f9: {  	v4 =	vadd.f32 v4, v3;
	v1 =	vld [tilespmem:s10+$0x10]  }
0x5fa: {  	v5 =	vadd.f32 v6, v5;
	v3 =	vld [tilespmem:s14+$0x10];
	[tilespmem:s10+$0x30] =	vst v2  }
0x5fb: {  	v6 =	vadd.f32 v8, v7;
	[tilespmem:s10+$0xFFFFFFD0] =	vst v4;
	v2 =	vld [tilespmem:s10+$0x20]  }
0x5fc: {  	[tilespmem:s10+$0xFFFFFFE0] =	vst v5;
	v5 =	vld [tilespmem:s14+$0x20]  }
0x5fd: {  	s24 =	simm.s32 $0x0;
	s5 =	sadd.s32 $0x400, s10;
	v4 =	vld [tilespmem:s10+$0xFFFFFFC0];
	[tilespmem:s10+$0xFFFFFFF0] =	vst v6;
	v6 =	vadd.f32 v10, v9  }
.LBB2_109:
0x5fe: {  	v7 =	vld [tilespmem:s5+$0x30];
	s14 =	sadd.s32 $0x400, s14  }
0x5ff: {  	s24 =	sadd.s32 $0x80, s24;
	v8 =	vld [tilespmem:s14+$0x30];
	[tilespmem:s10+$0x0] =	vst v6;
	v1 =	vadd.f32 v3, v1  }
0x600: {  	p0 =	slt.u32 s24, $0x280;
	v3 =	vld [tilespmem:s14+$0xFFFFFFC0]  }
0x601: {  	v6 =	vld [tilespmem:s5+$0xFFFFFFD0];
	[tilespmem:s10+$0x10] =	vst v1;
	v1 =	vadd.f32 v5, v2  }
0x602: {  	v2 =	vld [tilespmem:s14+$0xFFFFFFD0];
	v9 =	vadd.f32 v0, v4  }
0x603: {  	v4 =	vld [tilespmem:s5+$0xFFFFFFE0];
	[tilespmem:s10+$0x20] =	vst v1  }
0x604: {  	v1 =	vld [tilespmem:s14+$0xFFFFFFE0];
	v5 =	vadd.f32 v8, v7;
	[tilespmem:s10+$0xFFFFFFC0] =	vst v9;
	s10 =	smov.u32 s5  }
0x605: {  	v7 =	vld [tilespmem:s5+$0xFFFFFFF0];
	v0 =	vmov v3  }
0x606: {  	v8 =	vld [tilespmem:s14+$0xFFFFFFF0];
	[tilespmem:s5+$0x30] =	vst v5  }
0x607: {  	v2 =	vadd.f32 v2, v6;
	v6 =	vld [tilespmem:s5+$0x0]  }
0x608: {  	v9 =	vld [tilespmem:s14+$0x0]  }
.Ltmp53:
0x609: {  	[tilespmem:s5+$0xFFFFFFD0] =	vst v2;
	v2 =	vadd.f32 v1, v4;
	v1 =	vld [tilespmem:s5+$0x10];
	(pc) =	sbr.rel @p0 .LBB2_109-.Ltmp53, $4  }
0x60a: {  	v3 =	vld [tilespmem:s14+$0x10]  }
0x60b: {  	[tilespmem:s5+$0xFFFFFFE0] =	vst v2;
	v7 =	vadd.f32 v8, v7;
	v2 =	vld [tilespmem:s5+$0x20]  }
0x60c: {  	v5 =	vld [tilespmem:s14+$0x20]  }
0x60d: {  	s5 =	sadd.s32 $0x400, s5;
	v4 =	vld [tilespmem:s10+$0xFFFFFFC0];
	[tilespmem:s10+$0xFFFFFFF0] =	vst v7;
	v6 =	vadd.f32 v9, v6  }
0x60e: {  	s9 =	sadd.s32 $0x1, s9  }
0x60f: {  	p0 =	sne.s32 s9, $0x18  }
.Ltmp54:
0x610: {  	v1 =	vadd.f32 v3, v1;
	(pc) =	sbr.rel @p0 .LBB2_108-.Ltmp54, $4  }
0x611: {  	[tilespmem:s10+$0x0] =	vst v6;
	v2 =	vadd.f32 v5, v2  }
0x612: {  	[tilespmem:s10+$0x10] =	vst v1;
	v0 =	vadd.f32 v0, v4  }
0x613: {  	[tilespmem:s10+$0x20] =	vst v2  }
0x614: {  	s1 =	sadd.s32 $0x1, s1;
	s0 =	sadd.s32 $0x1, s0;
	[tilespmem:s10+$0xFFFFFFC0] =	vst v0  }
0x615: {  	s0 =	sld [smem:$0x7EA];
	_ =	sdelay $0x1  }
0x616: {  	s1 =	simm.s32 $0x0  }
0x617: {  	[hbm4b:s0+s1] =	stream.linear.scatter [tilespmem:s15], [sflag:$0x7], $0x4800, $0x38;
	[tilespmem:$0x1F800] =	vst v63  }
0x618: {  	_ =	swait.ge [sflag:s20], $0x4800  }
0x619: {  	[sflag:s20] =	ssyncset.done $0x0  }
0x61a: {  	[sflag:s20] =	ssyncadd.s32 $0xFFFFB800  }
0x61b: {  	_ =	swait.ge [sflag:s21], $0x4800  }
0x61c: {  	s31 =	sld [smem:$0x7EF]  }
0x61d: {  	[sflag:s21] =	ssyncset.done $0x0  }
0x61e: {  	s0 =	simm.s32 $0x0;
	[sflag:s21] =	ssyncadd.s32 $0xFFFFB800  }
0x61f: {  	[tilespmem:s13], [sflag:$0x2] =	stream.linear.gather [hbm4b:s31+s1], $0x4800, $0x38;
	[tilespmem:$0x1F800] =	vst v63  }
.LBB2_112:
0x620: {  	s5 =	sshrl.u32 s0, $0x3  }
0x621: {  	s9 =	sand.u32 $0x7, s1;
	s5 =	smul.u32 $0x6000, s5  }
0x622: {  	s9 =	sshll.u32 s9, $0x9  }
0x623: {  	s5 =	sor.u32 s9, s5  }
0x624: {  	s5 =	sshra.s32 s5, $0x2  }
0x625: {  	s9 =	sadd.s32 $0xD840, s5  }
0x626: {  	s10 =	sadd.s32 $0x12040, s5;
	v1 =	vld [tilespmem:s9+$0x30]  }
0x627: {  	v2 =	vld [tilespmem:s10+$0x30]  }
0x628: {  	v0 =	vld [tilespmem:s10+$0xFFFFFFC0]  }
0x629: {  	v3 =	vld [tilespmem:s9+$0xFFFFFFD0]  }
0x62a: {  	v4 =	vld [tilespmem:s10+$0xFFFFFFD0]  }
0x62b: {  	v5 =	vld [tilespmem:s9+$0xFFFFFFE0]  }
0x62c: {  	v6 =	vld [tilespmem:s10+$0xFFFFFFE0]  }
0x62d: {  	v7 =	vld [tilespmem:s9+$0xFFFFFFF0]  }
0x62e: {  	v8 =	vld [tilespmem:s10+$0xFFFFFFF0]  }
0x62f: {  	v9 =	vld [tilespmem:s9+$0x0]  }
0x630: {  	v10 =	vld [tilespmem:s10+$0x0];
	v2 =	vadd.f32 v2, v1  }
0x631: {  	v4 =	vadd.f32 v4, v3;
	v1 =	vld [tilespmem:s9+$0x10]  }
0x632: {  	v5 =	vadd.f32 v6, v5;
	v3 =	vld [tilespmem:s10+$0x10];
	[tilespmem:s9+$0x30] =	vst v2  }
0x633: {  	v6 =	vadd.f32 v8, v7;
	[tilespmem:s9+$0xFFFFFFD0] =	vst v4;
	v2 =	vld [tilespmem:s9+$0x20]  }
0x634: {  	[tilespmem:s9+$0xFFFFFFE0] =	vst v5;
	v5 =	vld [tilespmem:s10+$0x20]  }
0x635: {  	s14 =	simm.s32 $0x0;
	s5 =	sadd.s32 $0x400, s9;
	v4 =	vld [tilespmem:s9+$0xFFFFFFC0];
	[tilespmem:s9+$0xFFFFFFF0] =	vst v6;
	v6 =	vadd.f32 v10, v9  }
.LBB2_113:
0x636: {  	v7 =	vld [tilespmem:s5+$0x30];
	s10 =	sadd.s32 $0x400, s10  }
0x637: {  	s14 =	sadd.s32 $0x80, s14;
	v8 =	vld [tilespmem:s10+$0x30];
	[tilespmem:s9+$0x0] =	vst v6;
	v1 =	vadd.f32 v3, v1  }
0x638: {  	p0 =	slt.u32 s14, $0x280;
	v3 =	vld [tilespmem:s10+$0xFFFFFFC0]  }
0x639: {  	v6 =	vld [tilespmem:s5+$0xFFFFFFD0];
	[tilespmem:s9+$0x10] =	vst v1;
	v1 =	vadd.f32 v5, v2  }
0x63a: {  	v2 =	vld [tilespmem:s10+$0xFFFFFFD0];
	v9 =	vadd.f32 v0, v4  }
0x63b: {  	v4 =	vld [tilespmem:s5+$0xFFFFFFE0];
	[tilespmem:s9+$0x20] =	vst v1  }
0x63c: {  	v1 =	vld [tilespmem:s10+$0xFFFFFFE0];
	v5 =	vadd.f32 v8, v7;
	[tilespmem:s9+$0xFFFFFFC0] =	vst v9;
	s9 =	smov.u32 s5  }
0x63d: {  	v7 =	vld [tilespmem:s5+$0xFFFFFFF0];
	v0 =	vmov v3  }
0x63e: {  	v8 =	vld [tilespmem:s10+$0xFFFFFFF0];
	[tilespmem:s5+$0x30] =	vst v5  }
0x63f: {  	v2 =	vadd.f32 v2, v6;
	v6 =	vld [tilespmem:s5+$0x0]  }
0x640: {  	v9 =	vld [tilespmem:s10+$0x0]  }
.Ltmp55:
0x641: {  	[tilespmem:s5+$0xFFFFFFD0] =	vst v2;
	v2 =	vadd.f32 v1, v4;
	v1 =	vld [tilespmem:s5+$0x10];
	(pc) =	sbr.rel @p0 .LBB2_113-.Ltmp55, $4  }
0x642: {  	v3 =	vld [tilespmem:s10+$0x10]  }
0x643: {  	[tilespmem:s5+$0xFFFFFFE0] =	vst v2;
	v7 =	vadd.f32 v8, v7;
	v2 =	vld [tilespmem:s5+$0x20]  }
0x644: {  	v5 =	vld [tilespmem:s10+$0x20]  }
0x645: {  	s5 =	sadd.s32 $0x400, s5;
	v4 =	vld [tilespmem:s9+$0xFFFFFFC0];
	[tilespmem:s9+$0xFFFFFFF0] =	vst v7;
	v6 =	vadd.f32 v9, v6  }
0x646: {  	s0 =	sadd.s32 $0x1, s0  }
0x647: {  	p0 =	sne.s32 s0, $0x18  }
.Ltmp56:
0x648: {  	v1 =	vadd.f32 v3, v1;
	(pc) =	sbr.rel @p0 .LBB2_112-.Ltmp56, $4  }
0x649: {  	[tilespmem:s9+$0x0] =	vst v6;
	v2 =	vadd.f32 v5, v2  }
0x64a: {  	[tilespmem:s9+$0x10] =	vst v1;
	v0 =	vadd.f32 v0, v4  }
0x64b: {  	[tilespmem:s9+$0x20] =	vst v2  }
0x64c: {  	s1 =	sadd.s32 $0x1, s1;
	[tilespmem:s9+$0xFFFFFFC0] =	vst v0  }
0x64d: {  	s0 =	sld [smem:$0x7EC];
	_ =	sdelay $0x1  }
0x64e: {  	s1 =	simm.s32 $0x0  }
0x64f: {  	[hbm4b:s0+s1] =	stream.linear.scatter [tilespmem:s17], [sflag:$0x8], $0x4800, $0x38;
	[tilespmem:$0x1F800] =	vst v63  }
0x650: {  	_ =	swait.ge [sflag:s11], $0x4800  }
0x651: {  	[sflag:s11] =	ssyncset.done $0x0  }
0x652: {  	[sflag:s11] =	ssyncadd.s32 $0xFFFFB800  }
0x653: {  	_ =	swait.ge [sflag:s22], $0x4800  }
0x654: {  	s31 =	sld [smem:$0x7F1]  }
0x655: {  	[sflag:s22] =	ssyncset.done $0x0  }
0x656: {  	s9 =	simm.s32 $0x0;
	s0 =	simm.s32 $0x18;
	[sflag:s22] =	ssyncadd.s32 $0xFFFFB800  }
0x657: {  	[tilespmem:s15], [sflag:$0x3] =	stream.linear.gather [hbm4b:s31+s1], $0x4800, $0x38;
	[tilespmem:$0x1F800] =	vst v63  }
.LBB2_116:
0x658: {  	s5 =	sshrl.u32 s9, $0x3  }
0x659: {  	s10 =	sshll.u32 s1, $0x9;
	s14 =	sshrl.u32 s0, $0x3;
	s5 =	smul.u32 $0x6000, s5  }
0x65a: {  	s10 =	sand.u32 $0xE00, s10;
	s14 =	smul.u32 $0x6000, s14  }
0x65b: {  	s5 =	sor.u32 s10, s5  }
0x65c: {  	s14 =	sor.u32 s10, s14;
	s5 =	sshra.s32 s5, $0x2  }
0x65d: {  	s31 =	sshra.s32 s14, $0x2;
	s10 =	sor.u32 $0x40, s5  }
0x65e: {  	s14 =	sadd.s32 $0x12040, s31;
	v1 =	vld [tilespmem:s10+$0x30]  }
0x65f: {  	v2 =	vld [tilespmem:s14+$0x30]  }
0x660: {  	v0 =	vld [tilespmem:s14+$0xFFFFFFC0]  }
0x661: {  	v3 =	vld [tilespmem:s10+$0xFFFFFFD0]  }
0x662: {  	v4 =	vld [tilespmem:s14+$0xFFFFFFD0]  }
0x663: {  	v5 =	vld [tilespmem:s10+$0xFFFFFFE0]  }
0x664: {  	v6 =	vld [tilespmem:s14+$0xFFFFFFE0]  }
0x665: {  	v7 =	vld [tilespmem:s10+$0xFFFFFFF0]  }
0x666: {  	v8 =	vld [tilespmem:s14+$0xFFFFFFF0]  }
0x667: {  	v9 =	vld [tilespmem:s10+$0x0]  }
0x668: {  	v10 =	vld [tilespmem:s14+$0x0];
	v2 =	vadd.f32 v2, v1  }
0x669: {  	v4 =	vadd.f32 v4, v3;
	v1 =	vld [tilespmem:s10+$0x10]  }
0x66a: {  	v5 =	vadd.f32 v6, v5;
	v3 =	vld [tilespmem:s14+$0x10];
	[tilespmem:s10+$0x30] =	vst v2  }
0x66b: {  	v6 =	vadd.f32 v8, v7;
	[tilespmem:s10+$0xFFFFFFD0] =	vst v4;
	v2 =	vld [tilespmem:s10+$0x20]  }
0x66c: {  	[tilespmem:s10+$0xFFFFFFE0] =	vst v5;
	v5 =	vld [tilespmem:s14+$0x20]  }
0x66d: {  	s24 =	simm.s32 $0x0;
	s5 =	sadd.s32 $0x400, s10;
	v4 =	vld [tilespmem:s10+$0xFFFFFFC0];
	[tilespmem:s10+$0xFFFFFFF0] =	vst v6;
	v6 =	vadd.f32 v10, v9  }
.LBB2_117:
0x66e: {  	v7 =	vld [tilespmem:s5+$0x30];
	s14 =	sadd.s32 $0x400, s14  }
0x66f: {  	s24 =	sadd.s32 $0x80, s24;
	v8 =	vld [tilespmem:s14+$0x30];
	[tilespmem:s10+$0x0] =	vst v6;
	v1 =	vadd.f32 v3, v1  }
0x670: {  	p0 =	slt.u32 s24, $0x280;
	v3 =	vld [tilespmem:s14+$0xFFFFFFC0]  }
0x671: {  	v6 =	vld [tilespmem:s5+$0xFFFFFFD0];
	[tilespmem:s10+$0x10] =	vst v1;
	v1 =	vadd.f32 v5, v2  }
0x672: {  	v2 =	vld [tilespmem:s14+$0xFFFFFFD0];
	v9 =	vadd.f32 v0, v4  }
0x673: {  	v4 =	vld [tilespmem:s5+$0xFFFFFFE0];
	[tilespmem:s10+$0x20] =	vst v1  }
0x674: {  	v1 =	vld [tilespmem:s14+$0xFFFFFFE0];
	v5 =	vadd.f32 v8, v7;
	[tilespmem:s10+$0xFFFFFFC0] =	vst v9;
	s10 =	smov.u32 s5  }
0x675: {  	v7 =	vld [tilespmem:s5+$0xFFFFFFF0];
	v0 =	vmov v3  }
0x676: {  	v8 =	vld [tilespmem:s14+$0xFFFFFFF0];
	[tilespmem:s5+$0x30] =	vst v5  }
0x677: {  	v2 =	vadd.f32 v2, v6;
	v6 =	vld [tilespmem:s5+$0x0]  }
0x678: {  	v9 =	vld [tilespmem:s14+$0x0]  }
.Ltmp57:
0x679: {  	[tilespmem:s5+$0xFFFFFFD0] =	vst v2;
	v2 =	vadd.f32 v1, v4;
	v1 =	vld [tilespmem:s5+$0x10];
	(pc) =	sbr.rel @p0 .LBB2_117-.Ltmp57, $4  }
0x67a: {  	v3 =	vld [tilespmem:s14+$0x10]  }
0x67b: {  	[tilespmem:s5+$0xFFFFFFE0] =	vst v2;
	v7 =	vadd.f32 v8, v7;
	v2 =	vld [tilespmem:s5+$0x20]  }
0x67c: {  	v5 =	vld [tilespmem:s14+$0x20]  }
0x67d: {  	s5 =	sadd.s32 $0x400, s5;
	v4 =	vld [tilespmem:s10+$0xFFFFFFC0];
	[tilespmem:s10+$0xFFFFFFF0] =	vst v7;
	v6 =	vadd.f32 v9, v6  }
0x67e: {  	s9 =	sadd.s32 $0x1, s9  }
0x67f: {  	p0 =	sne.s32 s9, $0x18  }
.Ltmp58:
0x680: {  	v1 =	vadd.f32 v3, v1;
	(pc) =	sbr.rel @p0 .LBB2_116-.Ltmp58, $4  }
0x681: {  	[tilespmem:s10+$0x0] =	vst v6;
	v2 =	vadd.f32 v5, v2  }
0x682: {  	[tilespmem:s10+$0x10] =	vst v1;
	v0 =	vadd.f32 v0, v4  }
0x683: {  	[tilespmem:s10+$0x20] =	vst v2  }
0x684: {  	s1 =	sadd.s32 $0x1, s1;
	s0 =	sadd.s32 $0x1, s0;
	[tilespmem:s10+$0xFFFFFFC0] =	vst v0  }
0x685: {  	s0 =	sld [smem:$0x7EE];
	_ =	sdelay $0x1  }
0x686: {  	s1 =	simm.s32 $0x0  }
0x687: {  	[hbm4b:s0+s1] =	stream.linear.scatter [tilespmem:s1], [sflag:$0x5], $0x4800, $0x38;
	[tilespmem:$0x1F800] =	vst v63  }
0x688: {  	_ =	swait.ge [sflag:s16], $0x4800  }
0x689: {  	[sflag:s16] =	ssyncset.done $0x0  }
0x68a: {  	[sflag:s16] =	ssyncadd.s32 $0xFFFFB800  }
0x68b: {  	_ =	swait.ge [sflag:s23], $0x4800  }
0x68c: {  	s31 =	sld [smem:$0x7F3]  }
0x68d: {  	[sflag:s23] =	ssyncset.done $0x0  }
0x68e: {  	s9 =	simm.s32 $0x0;
	s0 =	simm.s32 $0x30;
	[sflag:s23] =	ssyncadd.s32 $0xFFFFB800  }
0x68f: {  	[tilespmem:s17], [sflag:$0x4] =	stream.linear.gather [hbm4b:s31+s1], $0x4800, $0x38;
	[tilespmem:$0x1F800] =	vst v63  }
.LBB2_120:
0x690: {  	s5 =	sshrl.u32 s9, $0x3  }
0x691: {  	s10 =	sshll.u32 s1, $0x9;
	s14 =	sshrl.u32 s0, $0x3;
	s5 =	smul.u32 $0x6000, s5  }
0x692: {  	s10 =	sand.u32 $0xE00, s10;
	s14 =	smul.u32 $0x6000, s14  }
0x693: {  	s5 =	sor.u32 s10, s5  }
0x694: {  	s14 =	sor.u32 s10, s14;
	s5 =	sshra.s32 s5, $0x2  }
0x695: {  	s31 =	sshra.s32 s14, $0x2;
	s10 =	sadd.s32 $0x4840, s5  }
0x696: {  	s14 =	sadd.s32 $0x12040, s31;
	v1 =	vld [tilespmem:s10+$0x30]  }
0x697: {  	v2 =	vld [tilespmem:s14+$0x30]  }
0x698: {  	v0 =	vld [tilespmem:s14+$0xFFFFFFC0]  }
0x699: {  	v3 =	vld [tilespmem:s10+$0xFFFFFFD0]  }
0x69a: {  	v4 =	vld [tilespmem:s14+$0xFFFFFFD0]  }
0x69b: {  	v5 =	vld [tilespmem:s10+$0xFFFFFFE0]  }
0x69c: {  	v6 =	vld [tilespmem:s14+$0xFFFFFFE0]  }
0x69d: {  	v7 =	vld [tilespmem:s10+$0xFFFFFFF0]  }
0x69e: {  	v8 =	vld [tilespmem:s14+$0xFFFFFFF0]  }
0x69f: {  	v9 =	vld [tilespmem:s10+$0x0]  }
0x6a0: {  	v10 =	vld [tilespmem:s14+$0x0];
	v2 =	vadd.f32 v2, v1  }
0x6a1: {  	v4 =	vadd.f32 v4, v3;
	v1 =	vld [tilespmem:s10+$0x10]  }
0x6a2: {  	v5 =	vadd.f32 v6, v5;
	v3 =	vld [tilespmem:s14+$0x10];
	[tilespmem:s10+$0x30] =	vst v2  }
0x6a3: {  	v6 =	vadd.f32 v8, v7;
	[tilespmem:s10+$0xFFFFFFD0] =	vst v4;
	v2 =	vld [tilespmem:s10+$0x20]  }
0x6a4: {  	[tilespmem:s10+$0xFFFFFFE0] =	vst v5;
	v5 =	vld [tilespmem:s14+$0x20]  }
0x6a5: {  	s24 =	simm.s32 $0x0;
	s5 =	sadd.s32 $0x400, s10;
	v4 =	vld [tilespmem:s10+$0xFFFFFFC0];
	[tilespmem:s10+$0xFFFFFFF0] =	vst v6;
	v6 =	vadd.f32 v10, v9  }
.LBB2_121:
0x6a6: {  	v7 =	vld [tilespmem:s5+$0x30];
	s14 =	sadd.s32 $0x400, s14  }
0x6a7: {  	s24 =	sadd.s32 $0x80, s24;
	v8 =	vld [tilespmem:s14+$0x30];
	[tilespmem:s10+$0x0] =	vst v6;
	v1 =	vadd.f32 v3, v1  }
0x6a8: {  	p0 =	slt.u32 s24, $0x280;
	v3 =	vld [tilespmem:s14+$0xFFFFFFC0]  }
0x6a9: {  	v6 =	vld [tilespmem:s5+$0xFFFFFFD0];
	[tilespmem:s10+$0x10] =	vst v1;
	v1 =	vadd.f32 v5, v2  }
0x6aa: {  	v2 =	vld [tilespmem:s14+$0xFFFFFFD0];
	v9 =	vadd.f32 v0, v4  }
0x6ab: {  	v4 =	vld [tilespmem:s5+$0xFFFFFFE0];
	[tilespmem:s10+$0x20] =	vst v1  }
0x6ac: {  	v1 =	vld [tilespmem:s14+$0xFFFFFFE0];
	v5 =	vadd.f32 v8, v7;
	[tilespmem:s10+$0xFFFFFFC0] =	vst v9;
	s10 =	smov.u32 s5  }
0x6ad: {  	v7 =	vld [tilespmem:s5+$0xFFFFFFF0];
	v0 =	vmov v3  }
0x6ae: {  	v8 =	vld [tilespmem:s14+$0xFFFFFFF0];
	[tilespmem:s5+$0x30] =	vst v5  }
0x6af: {  	v2 =	vadd.f32 v2, v6;
	v6 =	vld [tilespmem:s5+$0x0]  }
0x6b0: {  	v9 =	vld [tilespmem:s14+$0x0]  }
.Ltmp59:
0x6b1: {  	[tilespmem:s5+$0xFFFFFFD0] =	vst v2;
	v2 =	vadd.f32 v1, v4;
	v1 =	vld [tilespmem:s5+$0x10];
	(pc) =	sbr.rel @p0 .LBB2_121-.Ltmp59, $4  }
0x6b2: {  	v3 =	vld [tilespmem:s14+$0x10]  }
0x6b3: {  	[tilespmem:s5+$0xFFFFFFE0] =	vst v2;
	v7 =	vadd.f32 v8, v7;
	v2 =	vld [tilespmem:s5+$0x20]  }
0x6b4: {  	v5 =	vld [tilespmem:s14+$0x20]  }
0x6b5: {  	s5 =	sadd.s32 $0x400, s5;
	v4 =	vld [tilespmem:s10+$0xFFFFFFC0];
	[tilespmem:s10+$0xFFFFFFF0] =	vst v7;
	v6 =	vadd.f32 v9, v6  }
0x6b6: {  	s9 =	sadd.s32 $0x1, s9  }
0x6b7: {  	p0 =	sne.s32 s9, $0x18  }
.Ltmp60:
0x6b8: {  	v1 =	vadd.f32 v3, v1;
	(pc) =	sbr.rel @p0 .LBB2_120-.Ltmp60, $4  }
0x6b9: {  	[tilespmem:s10+$0x0] =	vst v6;
	v2 =	vadd.f32 v5, v2  }
0x6ba: {  	[tilespmem:s10+$0x10] =	vst v1;
	v0 =	vadd.f32 v0, v4  }
0x6bb: {  	[tilespmem:s10+$0x20] =	vst v2  }
0x6bc: {  	s1 =	sadd.s32 $0x1, s1;
	s0 =	sadd.s32 $0x1, s0;
	[tilespmem:s10+$0xFFFFFFC0] =	vst v0  }
0x6bd: {  	s0 =	sld [smem:$0x7F0];
	_ =	sdelay $0x1  }
0x6be: {  	s1 =	simm.s32 $0x0  }
0x6bf: {  	[hbm4b:s0+s1] =	stream.linear.scatter [tilespmem:s13], [sflag:$0x6], $0x4800, $0x38;
	[tilespmem:$0x1F800] =	vst v63  }
0x6c0: {  	_ =	swait.ge [sflag:s18], $0x4800  }
0x6c1: {  	[sflag:s18] =	ssyncset.done $0x0  }
0x6c2: {  	[sflag:s18] =	ssyncadd.s32 $0xFFFFB800  }
0x6c3: {  	_ =	swait.ge [sflag:s19], $0x4800  }
0x6c4: {  	s31 =	sld [smem:$0x7F5]  }
0x6c5: {  	[sflag:s19] =	ssyncset.done $0x0  }
0x6c6: {  	s0 =	simm.s32 $0x0;
	[sflag:s19] =	ssyncadd.s32 $0xFFFFB800  }
0x6c7: {  	[tilespmem:s1], [sflag:$0x1] =	stream.linear.gather [hbm4b:s31+s1], $0x4800, $0x38;
	[tilespmem:$0x1F800] =	vst v63  }
.LBB2_124:
0x6c8: {  	s5 =	sshrl.u32 s0, $0x3  }
0x6c9: {  	s9 =	sand.u32 $0x7, s1;
	s5 =	smul.u32 $0x6000, s5  }
0x6ca: {  	s9 =	sshll.u32 s9, $0x9  }
0x6cb: {  	s5 =	sor.u32 s9, s5  }
0x6cc: {  	s5 =	sshra.s32 s5, $0x2  }
0x6cd: {  	s9 =	sadd.s32 $0x9040, s5  }
0x6ce: {  	s10 =	sadd.s32 $0x12040, s5;
	v1 =	vld [tilespmem:s9+$0x30]  }
0x6cf: {  	v2 =	vld [tilespmem:s10+$0x30]  }
0x6d0: {  	v0 =	vld [tilespmem:s10+$0xFFFFFFC0]  }
0x6d1: {  	v3 =	vld [tilespmem:s9+$0xFFFFFFD0]  }
0x6d2: {  	v4 =	vld [tilespmem:s10+$0xFFFFFFD0]  }
0x6d3: {  	v5 =	vld [tilespmem:s9+$0xFFFFFFE0]  }
0x6d4: {  	v6 =	vld [tilespmem:s10+$0xFFFFFFE0]  }
0x6d5: {  	v7 =	vld [tilespmem:s9+$0xFFFFFFF0]  }
0x6d6: {  	v8 =	vld [tilespmem:s10+$0xFFFFFFF0]  }
0x6d7: {  	v9 =	vld [tilespmem:s9+$0x0]  }
0x6d8: {  	v10 =	vld [tilespmem:s10+$0x0];
	v2 =	vadd.f32 v2, v1  }
0x6d9: {  	v4 =	vadd.f32 v4, v3;
	v1 =	vld [tilespmem:s9+$0x10]  }
0x6da: {  	v5 =	vadd.f32 v6, v5;
	v3 =	vld [tilespmem:s10+$0x10];
	[tilespmem:s9+$0x30] =	vst v2  }
0x6db: {  	v6 =	vadd.f32 v8, v7;
	[tilespmem:s9+$0xFFFFFFD0] =	vst v4;
	v2 =	vld [tilespmem:s9+$0x20]  }
0x6dc: {  	[tilespmem:s9+$0xFFFFFFE0] =	vst v5;
	v5 =	vld [tilespmem:s10+$0x20]  }
0x6dd: {  	s14 =	simm.s32 $0x0;
	s5 =	sadd.s32 $0x400, s9;
	v4 =	vld [tilespmem:s9+$0xFFFFFFC0];
	[tilespmem:s9+$0xFFFFFFF0] =	vst v6;
	v6 =	vadd.f32 v10, v9  }
.LBB2_125:
0x6de: {  	v7 =	vld [tilespmem:s5+$0x30];
	s10 =	sadd.s32 $0x400, s10  }
0x6df: {  	s14 =	sadd.s32 $0x80, s14;
	v8 =	vld [tilespmem:s10+$0x30];
	[tilespmem:s9+$0x0] =	vst v6;
	v1 =	vadd.f32 v3, v1  }
0x6e0: {  	p0 =	slt.u32 s14, $0x280;
	v3 =	vld [tilespmem:s10+$0xFFFFFFC0]  }
0x6e1: {  	v6 =	vld [tilespmem:s5+$0xFFFFFFD0];
	[tilespmem:s9+$0x10] =	vst v1;
	v1 =	vadd.f32 v5, v2  }
0x6e2: {  	v2 =	vld [tilespmem:s10+$0xFFFFFFD0];
	v9 =	vadd.f32 v0, v4  }
0x6e3: {  	v4 =	vld [tilespmem:s5+$0xFFFFFFE0];
	[tilespmem:s9+$0x20] =	vst v1  }
0x6e4: {  	v1 =	vld [tilespmem:s10+$0xFFFFFFE0];
	v5 =	vadd.f32 v8, v7;
	[tilespmem:s9+$0xFFFFFFC0] =	vst v9;
	s9 =	smov.u32 s5  }
0x6e5: {  	v7 =	vld [tilespmem:s5+$0xFFFFFFF0];
	v0 =	vmov v3  }
0x6e6: {  	v8 =	vld [tilespmem:s10+$0xFFFFFFF0];
	[tilespmem:s5+$0x30] =	vst v5  }
0x6e7: {  	v2 =	vadd.f32 v2, v6;
	v6 =	vld [tilespmem:s5+$0x0]  }
0x6e8: {  	v9 =	vld [tilespmem:s10+$0x0]  }
.Ltmp61:
0x6e9: {  	[tilespmem:s5+$0xFFFFFFD0] =	vst v2;
	v2 =	vadd.f32 v1, v4;
	v1 =	vld [tilespmem:s5+$0x10];
	(pc) =	sbr.rel @p0 .LBB2_125-.Ltmp61, $4  }
0x6ea: {  	v3 =	vld [tilespmem:s10+$0x10]  }
0x6eb: {  	[tilespmem:s5+$0xFFFFFFE0] =	vst v2;
	v7 =	vadd.f32 v8, v7;
	v2 =	vld [tilespmem:s5+$0x20]  }
0x6ec: {  	v5 =	vld [tilespmem:s10+$0x20]  }
0x6ed: {  	s5 =	sadd.s32 $0x400, s5;
	v4 =	vld [tilespmem:s9+$0xFFFFFFC0];
	[tilespmem:s9+$0xFFFFFFF0] =	vst v7;
	v6 =	vadd.f32 v9, v6  }
0x6ee: {  	s0 =	sadd.s32 $0x1, s0  }
0x6ef: {  	p0 =	sne.s32 s0, $0x18  }
.Ltmp62:
0x6f0: {  	v1 =	vadd.f32 v3, v1;
	(pc) =	sbr.rel @p0 .LBB2_124-.Ltmp62, $4  }
0x6f1: {  	[tilespmem:s9+$0x0] =	vst v6;
	v2 =	vadd.f32 v5, v2  }
0x6f2: {  	[tilespmem:s9+$0x10] =	vst v1;
	v0 =	vadd.f32 v0, v4  }
0x6f3: {  	[tilespmem:s9+$0x20] =	vst v2  }
0x6f4: {  	s1 =	sadd.s32 $0x1, s1;
	[tilespmem:s9+$0xFFFFFFC0] =	vst v0  }
0x6f5: {  	s0 =	sld [smem:$0x7F2];
	_ =	sdelay $0x1  }
0x6f6: {  	s1 =	simm.s32 $0x0  }
0x6f7: {  	[hbm4b:s0+s1] =	stream.linear.scatter [tilespmem:s15], [sflag:$0x7], $0x4800, $0x38;
	[tilespmem:$0x1F800] =	vst v63  }
0x6f8: {  	_ =	swait.ge [sflag:s20], $0x4800  }
0x6f9: {  	[sflag:s20] =	ssyncset.done $0x0  }
0x6fa: {  	[sflag:s20] =	ssyncadd.s32 $0xFFFFB800  }
0x6fb: {  	_ =	swait.ge [sflag:s21], $0x4800  }
0x6fc: {  	s31 =	sld [smem:$0x7F7]  }
0x6fd: {  	[sflag:s21] =	ssyncset.done $0x0  }
0x6fe: {  	s9 =	simm.s32 $0x0;
	s0 =	simm.s32 $0x18;
	[sflag:s21] =	ssyncadd.s32 $0xFFFFB800  }
0x6ff: {  	[tilespmem:s13], [sflag:$0x2] =	stream.linear.gather [hbm4b:s31+s1], $0x4800, $0x38;
	[tilespmem:$0x1F800] =	vst v63  }
.LBB2_128:
0x700: {  	s5 =	sshrl.u32 s9, $0x3  }
0x701: {  	s10 =	sshll.u32 s1, $0x9;
	s14 =	sshrl.u32 s0, $0x3;
	s5 =	smul.u32 $0x6000, s5  }
0x702: {  	s10 =	sand.u32 $0xE00, s10;
	s14 =	smul.u32 $0x6000, s14  }
0x703: {  	s5 =	sor.u32 s10, s5  }
0x704: {  	s14 =	sor.u32 s10, s14;
	s5 =	sshra.s32 s5, $0x2  }
0x705: {  	s31 =	sshra.s32 s14, $0x2;
	s10 =	sadd.s32 $0xD840, s5  }
0x706: {  	s14 =	sadd.s32 $0x12040, s31;
	v1 =	vld [tilespmem:s10+$0x30]  }
0x707: {  	v2 =	vld [tilespmem:s14+$0x30]  }
0x708: {  	v0 =	vld [tilespmem:s14+$0xFFFFFFC0]  }
0x709: {  	v3 =	vld [tilespmem:s10+$0xFFFFFFD0]  }
0x70a: {  	v4 =	vld [tilespmem:s14+$0xFFFFFFD0]  }
0x70b: {  	v5 =	vld [tilespmem:s10+$0xFFFFFFE0]  }
0x70c: {  	v6 =	vld [tilespmem:s14+$0xFFFFFFE0]  }
0x70d: {  	v7 =	vld [tilespmem:s10+$0xFFFFFFF0]  }
0x70e: {  	v8 =	vld [tilespmem:s14+$0xFFFFFFF0]  }
0x70f: {  	v9 =	vld [tilespmem:s10+$0x0]  }
0x710: {  	v10 =	vld [tilespmem:s14+$0x0];
	v2 =	vadd.f32 v2, v1  }
0x711: {  	v4 =	vadd.f32 v4, v3;
	v1 =	vld [tilespmem:s10+$0x10]  }
0x712: {  	v5 =	vadd.f32 v6, v5;
	v3 =	vld [tilespmem:s14+$0x10];
	[tilespmem:s10+$0x30] =	vst v2  }
0x713: {  	v6 =	vadd.f32 v8, v7;
	[tilespmem:s10+$0xFFFFFFD0] =	vst v4;
	v2 =	vld [tilespmem:s10+$0x20]  }
0x714: {  	[tilespmem:s10+$0xFFFFFFE0] =	vst v5;
	v5 =	vld [tilespmem:s14+$0x20]  }
0x715: {  	s24 =	simm.s32 $0x0;
	s5 =	sadd.s32 $0x400, s10;
	v4 =	vld [tilespmem:s10+$0xFFFFFFC0];
	[tilespmem:s10+$0xFFFFFFF0] =	vst v6;
	v6 =	vadd.f32 v10, v9  }
.LBB2_129:
0x716: {  	v7 =	vld [tilespmem:s5+$0x30];
	s14 =	sadd.s32 $0x400, s14  }
0x717: {  	s24 =	sadd.s32 $0x80, s24;
	v8 =	vld [tilespmem:s14+$0x30];
	[tilespmem:s10+$0x0] =	vst v6;
	v1 =	vadd.f32 v3, v1  }
0x718: {  	p0 =	slt.u32 s24, $0x280;
	v3 =	vld [tilespmem:s14+$0xFFFFFFC0]  }
0x719: {  	v6 =	vld [tilespmem:s5+$0xFFFFFFD0];
	[tilespmem:s10+$0x10] =	vst v1;
	v1 =	vadd.f32 v5, v2  }
0x71a: {  	v2 =	vld [tilespmem:s14+$0xFFFFFFD0];
	v9 =	vadd.f32 v0, v4  }
0x71b: {  	v4 =	vld [tilespmem:s5+$0xFFFFFFE0];
	[tilespmem:s10+$0x20] =	vst v1  }
0x71c: {  	v1 =	vld [tilespmem:s14+$0xFFFFFFE0];
	v5 =	vadd.f32 v8, v7;
	[tilespmem:s10+$0xFFFFFFC0] =	vst v9;
	s10 =	smov.u32 s5  }
0x71d: {  	v7 =	vld [tilespmem:s5+$0xFFFFFFF0];
	v0 =	vmov v3  }
0x71e: {  	v8 =	vld [tilespmem:s14+$0xFFFFFFF0];
	[tilespmem:s5+$0x30] =	vst v5  }
0x71f: {  	v2 =	vadd.f32 v2, v6;
	v6 =	vld [tilespmem:s5+$0x0]  }
0x720: {  	v9 =	vld [tilespmem:s14+$0x0]  }
.Ltmp63:
0x721: {  	[tilespmem:s5+$0xFFFFFFD0] =	vst v2;
	v2 =	vadd.f32 v1, v4;
	v1 =	vld [tilespmem:s5+$0x10];
	(pc) =	sbr.rel @p0 .LBB2_129-.Ltmp63, $4  }
0x722: {  	v3 =	vld [tilespmem:s14+$0x10]  }
0x723: {  	[tilespmem:s5+$0xFFFFFFE0] =	vst v2;
	v7 =	vadd.f32 v8, v7;
	v2 =	vld [tilespmem:s5+$0x20]  }
0x724: {  	v5 =	vld [tilespmem:s14+$0x20]  }
0x725: {  	s5 =	sadd.s32 $0x400, s5;
	v4 =	vld [tilespmem:s10+$0xFFFFFFC0];
	[tilespmem:s10+$0xFFFFFFF0] =	vst v7;
	v6 =	vadd.f32 v9, v6  }
0x726: {  	s9 =	sadd.s32 $0x1, s9  }
0x727: {  	p0 =	sne.s32 s9, $0x18  }
.Ltmp64:
0x728: {  	v1 =	vadd.f32 v3, v1;
	(pc) =	sbr.rel @p0 .LBB2_128-.Ltmp64, $4  }
0x729: {  	[tilespmem:s10+$0x0] =	vst v6;
	v2 =	vadd.f32 v5, v2  }
0x72a: {  	[tilespmem:s10+$0x10] =	vst v1;
	v0 =	vadd.f32 v0, v4  }
0x72b: {  	[tilespmem:s10+$0x20] =	vst v2  }
0x72c: {  	s1 =	sadd.s32 $0x1, s1;
	s0 =	sadd.s32 $0x1, s0;
	[tilespmem:s10+$0xFFFFFFC0] =	vst v0  }
0x72d: {  	s0 =	sld [smem:$0x7F4];
	_ =	sdelay $0x1  }
0x72e: {  	s1 =	simm.s32 $0x0  }
0x72f: {  	[hbm4b:s0+s1] =	stream.linear.scatter [tilespmem:s17], [sflag:$0x8], $0x4800, $0x38;
	[tilespmem:$0x1F800] =	vst v63  }
0x730: {  	_ =	swait.ge [sflag:s11], $0x4800  }
0x731: {  	[sflag:s11] =	ssyncset.done $0x0  }
0x732: {  	[sflag:s11] =	ssyncadd.s32 $0xFFFFB800  }
0x733: {  	_ =	swait.ge [sflag:s22], $0x4800  }
0x734: {  	s31 =	sld [smem:$0x7F9]  }
0x735: {  	[sflag:s22] =	ssyncset.done $0x0  }
0x736: {  	s9 =	simm.s32 $0x0;
	s0 =	simm.s32 $0x30;
	[sflag:s22] =	ssyncadd.s32 $0xFFFFB800  }
0x737: {  	[tilespmem:s15], [sflag:$0x3] =	stream.linear.gather [hbm4b:s31+s1], $0x4800, $0x38;
	[tilespmem:$0x1F800] =	vst v63  }
.LBB2_132:
0x738: {  	s5 =	sshrl.u32 s9, $0x3  }
0x739: {  	s10 =	sshll.u32 s1, $0x9;
	s14 =	sshrl.u32 s0, $0x3;
	s5 =	smul.u32 $0x6000, s5  }
0x73a: {  	s10 =	sand.u32 $0xE00, s10;
	s14 =	smul.u32 $0x6000, s14  }
0x73b: {  	s5 =	sor.u32 s10, s5  }
0x73c: {  	s14 =	sor.u32 s10, s14;
	s5 =	sshra.s32 s5, $0x2  }
0x73d: {  	s31 =	sshra.s32 s14, $0x2;
	s10 =	sor.u32 $0x40, s5  }
0x73e: {  	s14 =	sadd.s32 $0x12040, s31;
	v1 =	vld [tilespmem:s10+$0x30]  }
0x73f: {  	v2 =	vld [tilespmem:s14+$0x30]  }
0x740: {  	v0 =	vld [tilespmem:s14+$0xFFFFFFC0]  }
0x741: {  	v3 =	vld [tilespmem:s10+$0xFFFFFFD0]  }
0x742: {  	v4 =	vld [tilespmem:s14+$0xFFFFFFD0]  }
0x743: {  	v5 =	vld [tilespmem:s10+$0xFFFFFFE0]  }
0x744: {  	v6 =	vld [tilespmem:s14+$0xFFFFFFE0]  }
0x745: {  	v7 =	vld [tilespmem:s10+$0xFFFFFFF0]  }
0x746: {  	v8 =	vld [tilespmem:s14+$0xFFFFFFF0]  }
0x747: {  	v9 =	vld [tilespmem:s10+$0x0]  }
0x748: {  	v10 =	vld [tilespmem:s14+$0x0];
	v2 =	vadd.f32 v2, v1  }
0x749: {  	v4 =	vadd.f32 v4, v3;
	v1 =	vld [tilespmem:s10+$0x10]  }
0x74a: {  	v5 =	vadd.f32 v6, v5;
	v3 =	vld [tilespmem:s14+$0x10];
	[tilespmem:s10+$0x30] =	vst v2  }
0x74b: {  	v6 =	vadd.f32 v8, v7;
	[tilespmem:s10+$0xFFFFFFD0] =	vst v4;
	v2 =	vld [tilespmem:s10+$0x20]  }
0x74c: {  	[tilespmem:s10+$0xFFFFFFE0] =	vst v5;
	v5 =	vld [tilespmem:s14+$0x20]  }
0x74d: {  	s24 =	simm.s32 $0x0;
	s5 =	sadd.s32 $0x400, s10;
	v4 =	vld [tilespmem:s10+$0xFFFFFFC0];
	[tilespmem:s10+$0xFFFFFFF0] =	vst v6;
	v6 =	vadd.f32 v10, v9  }
.LBB2_133:
0x74e: {  	v7 =	vld [tilespmem:s5+$0x30];
	s14 =	sadd.s32 $0x400, s14  }
0x74f: {  	s24 =	sadd.s32 $0x80, s24;
	v8 =	vld [tilespmem:s14+$0x30];
	[tilespmem:s10+$0x0] =	vst v6;
	v1 =	vadd.f32 v3, v1  }
0x750: {  	p0 =	slt.u32 s24, $0x280;
	v3 =	vld [tilespmem:s14+$0xFFFFFFC0]  }
0x751: {  	v6 =	vld [tilespmem:s5+$0xFFFFFFD0];
	[tilespmem:s10+$0x10] =	vst v1;
	v1 =	vadd.f32 v5, v2  }
0x752: {  	v2 =	vld [tilespmem:s14+$0xFFFFFFD0];
	v9 =	vadd.f32 v0, v4  }
0x753: {  	v4 =	vld [tilespmem:s5+$0xFFFFFFE0];
	[tilespmem:s10+$0x20] =	vst v1  }
0x754: {  	v1 =	vld [tilespmem:s14+$0xFFFFFFE0];
	v5 =	vadd.f32 v8, v7;
	[tilespmem:s10+$0xFFFFFFC0] =	vst v9;
	s10 =	smov.u32 s5  }
0x755: {  	v7 =	vld [tilespmem:s5+$0xFFFFFFF0];
	v0 =	vmov v3  }
0x756: {  	v8 =	vld [tilespmem:s14+$0xFFFFFFF0];
	[tilespmem:s5+$0x30] =	vst v5  }
0x757: {  	v2 =	vadd.f32 v2, v6;
	v6 =	vld [tilespmem:s5+$0x0]  }
0x758: {  	v9 =	vld [tilespmem:s14+$0x0]  }
.Ltmp65:
0x759: {  	[tilespmem:s5+$0xFFFFFFD0] =	vst v2;
	v2 =	vadd.f32 v1, v4;
	v1 =	vld [tilespmem:s5+$0x10];
	(pc) =	sbr.rel @p0 .LBB2_133-.Ltmp65, $4  }
0x75a: {  	v3 =	vld [tilespmem:s14+$0x10]  }
0x75b: {  	[tilespmem:s5+$0xFFFFFFE0] =	vst v2;
	v7 =	vadd.f32 v8, v7;
	v2 =	vld [tilespmem:s5+$0x20]  }
0x75c: {  	v5 =	vld [tilespmem:s14+$0x20]  }
0x75d: {  	s5 =	sadd.s32 $0x400, s5;
	v4 =	vld [tilespmem:s10+$0xFFFFFFC0];
	[tilespmem:s10+$0xFFFFFFF0] =	vst v7;
	v6 =	vadd.f32 v9, v6  }
0x75e: {  	s9 =	sadd.s32 $0x1, s9  }
0x75f: {  	p0 =	sne.s32 s9, $0x18  }
.Ltmp66:
0x760: {  	v1 =	vadd.f32 v3, v1;
	(pc) =	sbr.rel @p0 .LBB2_132-.Ltmp66, $4  }
0x761: {  	[tilespmem:s10+$0x0] =	vst v6;
	v2 =	vadd.f32 v5, v2  }
0x762: {  	[tilespmem:s10+$0x10] =	vst v1;
	v0 =	vadd.f32 v0, v4  }
0x763: {  	[tilespmem:s10+$0x20] =	vst v2  }
0x764: {  	s1 =	sadd.s32 $0x1, s1;
	s0 =	sadd.s32 $0x1, s0;
	[tilespmem:s10+$0xFFFFFFC0] =	vst v0  }
0x765: {  	s0 =	sld [smem:$0x7F6];
	_ =	sdelay $0x1  }
0x766: {  	s1 =	simm.s32 $0x0  }
0x767: {  	[hbm4b:s0+s1] =	stream.linear.scatter [tilespmem:s1], [sflag:$0x5], $0x4800, $0x38;
	[tilespmem:$0x1F800] =	vst v63  }
0x768: {  	_ =	swait.ge [sflag:s16], $0x4800  }
0x769: {  	[sflag:s16] =	ssyncset.done $0x0  }
0x76a: {  	[sflag:s16] =	ssyncadd.s32 $0xFFFFB800  }
0x76b: {  	_ =	swait.ge [sflag:s23], $0x4800  }
0x76c: {  	s31 =	sld [smem:$0x7FB]  }
0x76d: {  	[sflag:s23] =	ssyncset.done $0x0  }
0x76e: {  	s0 =	simm.s32 $0x0;
	[sflag:s23] =	ssyncadd.s32 $0xFFFFB800  }
0x76f: {  	[tilespmem:s17], [sflag:$0x4] =	stream.linear.gather [hbm4b:s31+s1], $0x4800, $0x38;
	[tilespmem:$0x1F800] =	vst v63  }
.LBB2_136:
0x770: {  	s5 =	sshrl.u32 s0, $0x3  }
0x771: {  	s9 =	sand.u32 $0x7, s1;
	s5 =	smul.u32 $0x6000, s5  }
0x772: {  	s9 =	sshll.u32 s9, $0x9  }
0x773: {  	s5 =	sor.u32 s9, s5  }
0x774: {  	s5 =	sshra.s32 s5, $0x2  }
0x775: {  	s9 =	sadd.s32 $0x4840, s5  }
0x776: {  	s10 =	sadd.s32 $0x12040, s5;
	v1 =	vld [tilespmem:s9+$0x30]  }
0x777: {  	v2 =	vld [tilespmem:s10+$0x30]  }
0x778: {  	v0 =	vld [tilespmem:s10+$0xFFFFFFC0]  }
0x779: {  	v3 =	vld [tilespmem:s9+$0xFFFFFFD0]  }
0x77a: {  	v4 =	vld [tilespmem:s10+$0xFFFFFFD0]  }
0x77b: {  	v5 =	vld [tilespmem:s9+$0xFFFFFFE0]  }
0x77c: {  	v6 =	vld [tilespmem:s10+$0xFFFFFFE0]  }
0x77d: {  	v7 =	vld [tilespmem:s9+$0xFFFFFFF0]  }
0x77e: {  	v8 =	vld [tilespmem:s10+$0xFFFFFFF0]  }
0x77f: {  	v9 =	vld [tilespmem:s9+$0x0]  }
0x780: {  	v10 =	vld [tilespmem:s10+$0x0];
	v2 =	vadd.f32 v2, v1  }
0x781: {  	v4 =	vadd.f32 v4, v3;
	v1 =	vld [tilespmem:s9+$0x10]  }
0x782: {  	v5 =	vadd.f32 v6, v5;
	v3 =	vld [tilespmem:s10+$0x10];
	[tilespmem:s9+$0x30] =	vst v2  }
0x783: {  	v6 =	vadd.f32 v8, v7;
	[tilespmem:s9+$0xFFFFFFD0] =	vst v4;
	v2 =	vld [tilespmem:s9+$0x20]  }
0x784: {  	[tilespmem:s9+$0xFFFFFFE0] =	vst v5;
	v5 =	vld [tilespmem:s10+$0x20]  }
0x785: {  	s14 =	simm.s32 $0x0;
	s5 =	sadd.s32 $0x400, s9;
	v4 =	vld [tilespmem:s9+$0xFFFFFFC0];
	[tilespmem:s9+$0xFFFFFFF0] =	vst v6;
	v6 =	vadd.f32 v10, v9  }
.LBB2_137:
0x786: {  	v7 =	vld [tilespmem:s5+$0x30];
	s10 =	sadd.s32 $0x400, s10  }
0x787: {  	s14 =	sadd.s32 $0x80, s14;
	v8 =	vld [tilespmem:s10+$0x30];
	[tilespmem:s9+$0x0] =	vst v6;
	v1 =	vadd.f32 v3, v1  }
0x788: {  	p0 =	slt.u32 s14, $0x280;
	v3 =	vld [tilespmem:s10+$0xFFFFFFC0]  }
0x789: {  	v6 =	vld [tilespmem:s5+$0xFFFFFFD0];
	[tilespmem:s9+$0x10] =	vst v1;
	v1 =	vadd.f32 v5, v2  }
0x78a: {  	v2 =	vld [tilespmem:s10+$0xFFFFFFD0];
	v9 =	vadd.f32 v0, v4  }
0x78b: {  	v4 =	vld [tilespmem:s5+$0xFFFFFFE0];
	[tilespmem:s9+$0x20] =	vst v1  }
0x78c: {  	v1 =	vld [tilespmem:s10+$0xFFFFFFE0];
	v5 =	vadd.f32 v8, v7;
	[tilespmem:s9+$0xFFFFFFC0] =	vst v9;
	s9 =	smov.u32 s5  }
0x78d: {  	v7 =	vld [tilespmem:s5+$0xFFFFFFF0];
	v0 =	vmov v3  }
0x78e: {  	v8 =	vld [tilespmem:s10+$0xFFFFFFF0];
	[tilespmem:s5+$0x30] =	vst v5  }
0x78f: {  	v2 =	vadd.f32 v2, v6;
	v6 =	vld [tilespmem:s5+$0x0]  }
0x790: {  	v9 =	vld [tilespmem:s10+$0x0]  }
.Ltmp67:
0x791: {  	[tilespmem:s5+$0xFFFFFFD0] =	vst v2;
	v2 =	vadd.f32 v1, v4;
	v1 =	vld [tilespmem:s5+$0x10];
	(pc) =	sbr.rel @p0 .LBB2_137-.Ltmp67, $4  }
0x792: {  	v3 =	vld [tilespmem:s10+$0x10]  }
0x793: {  	[tilespmem:s5+$0xFFFFFFE0] =	vst v2;
	v7 =	vadd.f32 v8, v7;
	v2 =	vld [tilespmem:s5+$0x20]  }
0x794: {  	v5 =	vld [tilespmem:s10+$0x20]  }
0x795: {  	s5 =	sadd.s32 $0x400, s5;
	v4 =	vld [tilespmem:s9+$0xFFFFFFC0];
	[tilespmem:s9+$0xFFFFFFF0] =	vst v7;
	v6 =	vadd.f32 v9, v6  }
0x796: {  	s0 =	sadd.s32 $0x1, s0  }
0x797: {  	p0 =	sne.s32 s0, $0x18  }
.Ltmp68:
0x798: {  	v1 =	vadd.f32 v3, v1;
	(pc) =	sbr.rel @p0 .LBB2_136-.Ltmp68, $4  }
0x799: {  	[tilespmem:s9+$0x0] =	vst v6;
	v2 =	vadd.f32 v5, v2  }
0x79a: {  	[tilespmem:s9+$0x10] =	vst v1;
	v0 =	vadd.f32 v0, v4  }
0x79b: {  	[tilespmem:s9+$0x20] =	vst v2  }
0x79c: {  	s1 =	sadd.s32 $0x1, s1;
	[tilespmem:s9+$0xFFFFFFC0] =	vst v0  }
0x79d: {  	s0 =	sld [smem:$0x7F8];
	_ =	sdelay $0x1  }
0x79e: {  	s1 =	simm.s32 $0x0  }
0x79f: {  	[hbm4b:s0+s1] =	stream.linear.scatter [tilespmem:s13], [sflag:$0x6], $0x4800, $0x38;
	[tilespmem:$0x1F800] =	vst v63  }
0x7a0: {  	_ =	swait.ge [sflag:s18], $0x4800  }
0x7a1: {  	[sflag:s18] =	ssyncset.done $0x0  }
0x7a2: {  	s9 =	simm.s32 $0x0;
	s0 =	simm.s32 $0x18;
	[sflag:s18] =	ssyncadd.s32 $0xFFFFB800  }
.LBB2_140:
0x7a3: {  	s5 =	sshrl.u32 s9, $0x3  }
0x7a4: {  	s10 =	sshll.u32 s1, $0x9;
	s14 =	sshrl.u32 s0, $0x3;
	s5 =	smul.u32 $0x6000, s5  }
0x7a5: {  	s10 =	sand.u32 $0xE00, s10;
	s14 =	smul.u32 $0x6000, s14  }
0x7a6: {  	s5 =	sor.u32 s10, s5  }
0x7a7: {  	s14 =	sor.u32 s10, s14;
	s5 =	sshra.s32 s5, $0x2  }
0x7a8: {  	s31 =	sshra.s32 s14, $0x2;
	s10 =	sadd.s32 $0x9040, s5  }
0x7a9: {  	s14 =	sadd.s32 $0x12040, s31;
	v1 =	vld [tilespmem:s10+$0x30]  }
0x7aa: {  	v2 =	vld [tilespmem:s14+$0x30]  }
0x7ab: {  	v0 =	vld [tilespmem:s14+$0xFFFFFFC0]  }
0x7ac: {  	v3 =	vld [tilespmem:s10+$0xFFFFFFD0]  }
0x7ad: {  	v4 =	vld [tilespmem:s14+$0xFFFFFFD0]  }
0x7ae: {  	v5 =	vld [tilespmem:s10+$0xFFFFFFE0]  }
0x7af: {  	v6 =	vld [tilespmem:s14+$0xFFFFFFE0]  }
0x7b0: {  	v7 =	vld [tilespmem:s10+$0xFFFFFFF0]  }
0x7b1: {  	v8 =	vld [tilespmem:s14+$0xFFFFFFF0]  }
0x7b2: {  	v9 =	vld [tilespmem:s10+$0x0]  }
0x7b3: {  	v10 =	vld [tilespmem:s14+$0x0];
	v2 =	vadd.f32 v2, v1  }
0x7b4: {  	v4 =	vadd.f32 v4, v3;
	v1 =	vld [tilespmem:s10+$0x10]  }
0x7b5: {  	v5 =	vadd.f32 v6, v5;
	v3 =	vld [tilespmem:s14+$0x10];
	[tilespmem:s10+$0x30] =	vst v2  }
0x7b6: {  	v6 =	vadd.f32 v8, v7;
	[tilespmem:s10+$0xFFFFFFD0] =	vst v4;
	v2 =	vld [tilespmem:s10+$0x20]  }
0x7b7: {  	[tilespmem:s10+$0xFFFFFFE0] =	vst v5;
	v5 =	vld [tilespmem:s14+$0x20]  }
0x7b8: {  	s24 =	simm.s32 $0x0;
	s5 =	sadd.s32 $0x400, s10;
	v4 =	vld [tilespmem:s10+$0xFFFFFFC0];
	[tilespmem:s10+$0xFFFFFFF0] =	vst v6;
	v6 =	vadd.f32 v10, v9  }
.LBB2_141:
0x7b9: {  	v7 =	vld [tilespmem:s5+$0x30];
	s14 =	sadd.s32 $0x400, s14  }
0x7ba: {  	s24 =	sadd.s32 $0x80, s24;
	v8 =	vld [tilespmem:s14+$0x30];
	[tilespmem:s10+$0x0] =	vst v6;
	v1 =	vadd.f32 v3, v1  }
0x7bb: {  	p0 =	slt.u32 s24, $0x280;
	v3 =	vld [tilespmem:s14+$0xFFFFFFC0]  }
0x7bc: {  	v6 =	vld [tilespmem:s5+$0xFFFFFFD0];
	[tilespmem:s10+$0x10] =	vst v1;
	v1 =	vadd.f32 v5, v2  }
0x7bd: {  	v2 =	vld [tilespmem:s14+$0xFFFFFFD0];
	v9 =	vadd.f32 v0, v4  }
0x7be: {  	v4 =	vld [tilespmem:s5+$0xFFFFFFE0];
	[tilespmem:s10+$0x20] =	vst v1  }
0x7bf: {  	v1 =	vld [tilespmem:s14+$0xFFFFFFE0];
	v5 =	vadd.f32 v8, v7;
	[tilespmem:s10+$0xFFFFFFC0] =	vst v9;
	s10 =	smov.u32 s5  }
0x7c0: {  	v7 =	vld [tilespmem:s5+$0xFFFFFFF0];
	v0 =	vmov v3  }
0x7c1: {  	v8 =	vld [tilespmem:s14+$0xFFFFFFF0];
	[tilespmem:s5+$0x30] =	vst v5  }
0x7c2: {  	v2 =	vadd.f32 v2, v6;
	v6 =	vld [tilespmem:s5+$0x0]  }
0x7c3: {  	v9 =	vld [tilespmem:s14+$0x0]  }
.Ltmp69:
0x7c4: {  	[tilespmem:s5+$0xFFFFFFD0] =	vst v2;
	v2 =	vadd.f32 v1, v4;
	v1 =	vld [tilespmem:s5+$0x10];
	(pc) =	sbr.rel @p0 .LBB2_141-.Ltmp69, $4  }
0x7c5: {  	v3 =	vld [tilespmem:s14+$0x10]  }
0x7c6: {  	[tilespmem:s5+$0xFFFFFFE0] =	vst v2;
	v7 =	vadd.f32 v8, v7;
	v2 =	vld [tilespmem:s5+$0x20]  }
0x7c7: {  	v5 =	vld [tilespmem:s14+$0x20]  }
0x7c8: {  	s5 =	sadd.s32 $0x400, s5;
	v4 =	vld [tilespmem:s10+$0xFFFFFFC0];
	[tilespmem:s10+$0xFFFFFFF0] =	vst v7;
	v6 =	vadd.f32 v9, v6  }
0x7c9: {  	s9 =	sadd.s32 $0x1, s9  }
0x7ca: {  	p0 =	sne.s32 s9, $0x18  }
.Ltmp70:
0x7cb: {  	v1 =	vadd.f32 v3, v1;
	(pc) =	sbr.rel @p0 .LBB2_140-.Ltmp70, $4  }
0x7cc: {  	[tilespmem:s10+$0x0] =	vst v6;
	v2 =	vadd.f32 v5, v2  }
0x7cd: {  	[tilespmem:s10+$0x10] =	vst v1;
	v0 =	vadd.f32 v0, v4  }
0x7ce: {  	[tilespmem:s10+$0x20] =	vst v2  }
0x7cf: {  	s1 =	sadd.s32 $0x1, s1;
	s0 =	sadd.s32 $0x1, s0;
	[tilespmem:s10+$0xFFFFFFC0] =	vst v0  }
0x7d0: {  	s0 =	sld [smem:$0x7FA];
	_ =	sdelay $0x1  }
0x7d1: {  	s1 =	simm.s32 $0x0  }
0x7d2: {  	[hbm4b:s0+s1] =	stream.linear.scatter [tilespmem:s15], [sflag:$0x7], $0x4800, $0x38;
	[tilespmem:$0x1F800] =	vst v63  }
0x7d3: {  	_ =	swait.ge [sflag:s20], $0x4800  }
0x7d4: {  	[sflag:s20] =	ssyncset.done $0x0  }
0x7d5: {  	s9 =	simm.s32 $0x0;
	s0 =	simm.s32 $0x30;
	[sflag:s20] =	ssyncadd.s32 $0xFFFFB800  }
.LBB2_144:
0x7d6: {  	s5 =	sshrl.u32 s9, $0x3  }
0x7d7: {  	s10 =	sshll.u32 s1, $0x9;
	s14 =	sshrl.u32 s0, $0x3;
	s5 =	smul.u32 $0x6000, s5  }
0x7d8: {  	s10 =	sand.u32 $0xE00, s10;
	s14 =	smul.u32 $0x6000, s14  }
0x7d9: {  	s5 =	sor.u32 s10, s5  }
0x7da: {  	s14 =	sor.u32 s10, s14;
	s5 =	sshra.s32 s5, $0x2  }
0x7db: {  	s31 =	sshra.s32 s14, $0x2;
	s10 =	sadd.s32 $0xD840, s5  }
0x7dc: {  	s14 =	sadd.s32 $0x12040, s31;
	v1 =	vld [tilespmem:s10+$0x30]  }
0x7dd: {  	v2 =	vld [tilespmem:s14+$0x30]  }
0x7de: {  	v0 =	vld [tilespmem:s14+$0xFFFFFFC0]  }
0x7df: {  	v3 =	vld [tilespmem:s10+$0xFFFFFFD0]  }
0x7e0: {  	v4 =	vld [tilespmem:s14+$0xFFFFFFD0]  }
0x7e1: {  	v5 =	vld [tilespmem:s10+$0xFFFFFFE0]  }
0x7e2: {  	v6 =	vld [tilespmem:s14+$0xFFFFFFE0]  }
0x7e3: {  	v7 =	vld [tilespmem:s10+$0xFFFFFFF0]  }
0x7e4: {  	v8 =	vld [tilespmem:s14+$0xFFFFFFF0]  }
0x7e5: {  	v9 =	vld [tilespmem:s10+$0x0]  }
0x7e6: {  	v10 =	vld [tilespmem:s14+$0x0];
	v2 =	vadd.f32 v2, v1  }
0x7e7: {  	v4 =	vadd.f32 v4, v3;
	v1 =	vld [tilespmem:s10+$0x10]  }
0x7e8: {  	v5 =	vadd.f32 v6, v5;
	v3 =	vld [tilespmem:s14+$0x10];
	[tilespmem:s10+$0x30] =	vst v2  }
0x7e9: {  	v6 =	vadd.f32 v8, v7;
	[tilespmem:s10+$0xFFFFFFD0] =	vst v4;
	v2 =	vld [tilespmem:s10+$0x20]  }
0x7ea: {  	[tilespmem:s10+$0xFFFFFFE0] =	vst v5;
	v5 =	vld [tilespmem:s14+$0x20]  }
0x7eb: {  	s24 =	simm.s32 $0x0;
	s5 =	sadd.s32 $0x400, s10;
	v4 =	vld [tilespmem:s10+$0xFFFFFFC0];
	[tilespmem:s10+$0xFFFFFFF0] =	vst v6;
	v6 =	vadd.f32 v10, v9  }
.LBB2_145:
0x7ec: {  	v7 =	vld [tilespmem:s5+$0x30];
	s14 =	sadd.s32 $0x400, s14  }
0x7ed: {  	s24 =	sadd.s32 $0x80, s24;
	v8 =	vld [tilespmem:s14+$0x30];
	[tilespmem:s10+$0x0] =	vst v6;
	v1 =	vadd.f32 v3, v1  }
0x7ee: {  	p0 =	slt.u32 s24, $0x280;
	v3 =	vld [tilespmem:s14+$0xFFFFFFC0]  }
0x7ef: {  	v6 =	vld [tilespmem:s5+$0xFFFFFFD0];
	[tilespmem:s10+$0x10] =	vst v1;
	v1 =	vadd.f32 v5, v2  }
0x7f0: {  	v2 =	vld [tilespmem:s14+$0xFFFFFFD0];
	v9 =	vadd.f32 v0, v4  }
0x7f1: {  	v4 =	vld [tilespmem:s5+$0xFFFFFFE0];
	[tilespmem:s10+$0x20] =	vst v1  }
0x7f2: {  	v1 =	vld [tilespmem:s14+$0xFFFFFFE0];
	v5 =	vadd.f32 v8, v7;
	[tilespmem:s10+$0xFFFFFFC0] =	vst v9;
	s10 =	smov.u32 s5  }
0x7f3: {  	v7 =	vld [tilespmem:s5+$0xFFFFFFF0];
	v0 =	vmov v3  }
0x7f4: {  	v8 =	vld [tilespmem:s14+$0xFFFFFFF0];
	[tilespmem:s5+$0x30] =	vst v5  }
0x7f5: {  	v2 =	vadd.f32 v2, v6;
	v6 =	vld [tilespmem:s5+$0x0]  }
0x7f6: {  	v9 =	vld [tilespmem:s14+$0x0]  }
.Ltmp71:
0x7f7: {  	[tilespmem:s5+$0xFFFFFFD0] =	vst v2;
	v2 =	vadd.f32 v1, v4;
	v1 =	vld [tilespmem:s5+$0x10];
	(pc) =	sbr.rel @p0 .LBB2_145-.Ltmp71, $4  }
0x7f8: {  	v3 =	vld [tilespmem:s14+$0x10]  }
0x7f9: {  	[tilespmem:s5+$0xFFFFFFE0] =	vst v2;
	v7 =	vadd.f32 v8, v7;
	v2 =	vld [tilespmem:s5+$0x20]  }
0x7fa: {  	v5 =	vld [tilespmem:s14+$0x20]  }
0x7fb: {  	s5 =	sadd.s32 $0x400, s5;
	v4 =	vld [tilespmem:s10+$0xFFFFFFC0];
	[tilespmem:s10+$0xFFFFFFF0] =	vst v7;
	v6 =	vadd.f32 v9, v6  }
0x7fc: {  	s9 =	sadd.s32 $0x1, s9  }
0x7fd: {  	p0 =	sne.s32 s9, $0x18  }
.Ltmp72:
0x7fe: {  	v1 =	vadd.f32 v3, v1;
	(pc) =	sbr.rel @p0 .LBB2_144-.Ltmp72, $4  }
0x7ff: {  	[tilespmem:s10+$0x0] =	vst v6;
	v2 =	vadd.f32 v5, v2  }
0x800: {  	[tilespmem:s10+$0x10] =	vst v1;
	v0 =	vadd.f32 v0, v4  }
0x801: {  	[tilespmem:s10+$0x20] =	vst v2  }
0x802: {  	s1 =	sadd.s32 $0x1, s1;
	s0 =	sadd.s32 $0x1, s0;
	[tilespmem:s10+$0xFFFFFFC0] =	vst v0  }
0x803: {  	s0 =	sld [smem:$0x7FC];
	_ =	sdelay $0x2  }
0x804: {  	[hbm4b:s0+s26] =	stream.linear.scatter [tilespmem:s17], [sflag:$0x8], $0x4800, $0x38;
	[tilespmem:$0x1F800] =	vst v63  }
0x805: {  	_ =	swait.ge [sflag:s19], $0x4800  }
0x806: {  	[sflag:s19] =	ssyncset.done $0x0  }
0x807: {  	[sflag:s19] =	ssyncadd.s32 $0xFFFFB800  }
0x808: {  	_ =	swait.ge [sflag:s21], $0x4800  }
0x809: {  	[sflag:s21] =	ssyncset.done $0x0  }
0x80a: {  	[sflag:s21] =	ssyncadd.s32 $0xFFFFB800  }
0x80b: {  	_ =	swait.ge [sflag:s22], $0x4800  }
0x80c: {  	[sflag:s22] =	ssyncset.done $0x0  }
0x80d: {  	[sflag:s22] =	ssyncadd.s32 $0xFFFFB800  }
0x80e: {  	_ =	swait.ge [sflag:s23], $0x4800  }
0x80f: {  	s1 =	sld [smem:$0x7E7]  }
0x810: {  	s31 =	sld [smem:$0x7FD];
	_ =	sdelay $0x1  }
0x811: {  	s1 =	sadd.s32 $0x1, s1  }
0x812: {  	p0 =	sne.s32 s1, s31  }
.Ltmp73:
0x813: {  	_ = 	snop;
	(pc) =	sbr.rel @p0 .LBB2_1-.Ltmp73, $3  }
0x814: {  	_ =	sdelay $0x1  }
0x815: {  	[sflag:s23] =	ssyncset.done $0x0  }
0x816: {  	[sflag:s23] =	ssyncadd.s32 $0xFFFFB800  }
0x817: {  	_ =	sfence.sel $0x180000  }
0x818: {  	[bflag:$0x0] =	sbarrier.arrive $0xFFFF  }
0x819: {  	_ =	strace $0x90000047  }
0x81a: {  	s0 =	stileid.u32;
	[bflag:$0x2] =	sbarrier.arrive $0xFFFF  }
0x81b: {  	p0 =	sne.s32 s0, $0x0;
	s0 =	rddreg [dreg:$0x3]  }
0x81c: {  	s0 =	sadd.s32 @!p0 $0x100000, s0  }
0x81d: {  	[sflag:s0] =	ssyncadd.tile.s32 @!p0 $0x1;
	_ =	shalt  }
.Lfunc_end2:
_tile_overlayer_lowered:
.L_overlay_start_2:
0x81e: {  	(tag) =	ssettag $0x2  }
0x81f: {  	s0 =	rddreg [dreg:$0x0];
	s2 =	stileid.u32  }
0x820: {  	s1 =	rddreg [dreg:$0x1];
	p0 =	sne.s32 s2, $0x0  }
0x821: {  	s3 =	rddreg [dreg:$0x2];
	[bflag:$0x3] =	sbarrier.arrive $0xFFFF;
	s2 =	simm.s32 @!p0 $0x1C09  }
0x822: {  	[timem:s3], [sflag:s2] =	dma.local @!p0 [hbm:s0], s1  }
0x823: {  	s0 =	simm.s32 @!p0 $0x9  }
0x824: {  	_ =	swait.ge @!p0 [sflag:s0], s1  }
0x825: {  	s1 =	ssub.s32 @!p0 $0x0, s1;
	[sflag:s0] =	ssyncset.done @!p0 $0x0  }
0x826: {  	[sflag:s0] =	ssyncadd.s32 @!p0 s1  }
0x827: {  	[bflag:$0x3] =	sbarrier.arrive $0xFFFF  }
0x828: {  	_ =	shalt  }

</sc_bundles>
